<compile_context>
chip_gen: v7x
topology: tpu7x:2x2x1
jax: 0.10.2.dev20260603
libtpu: 0.0.44.dev20260713+nightly
codegen_flags: <defaults>
</compile_context>

<pallas_src>
import functools
import numpy as np
import jax
import jax.numpy as jnp
from jax import lax
from jax.experimental import pallas as pl
from jax.experimental.pallas import tpu as pltpu
from jax._src.pallas.mosaic import sc_core as plsc



def _np_threefry2x32(k0, k1, x0, x1):
    def rotl(x, d):
        return ((x << np.uint32(d)) | (x >> np.uint32(32 - d))).astype(np.uint32)
    ks = [np.uint32(k0), np.uint32(k1),
          np.uint32(np.uint32(k0) ^ np.uint32(k1) ^ np.uint32(0x1BD11BDA))]
    x0 = (x0 + ks[0]).astype(np.uint32)
    x1 = (x1 + ks[1]).astype(np.uint32)
    rots = [[13, 15, 26, 6], [17, 29, 16, 24]]
    for i in range(5):
        for r in rots[i % 2]:
            x0 = (x0 + x1).astype(np.uint32)
            x1 = rotl(x1, r)
            x1 = (x0 ^ x1).astype(np.uint32)
        x0 = (x0 + ks[(i + 1) % 3]).astype(np.uint32)
        x1 = (x1 + ks[(i + 2) % 3] + np.uint32(i + 1)).astype(np.uint32)
    return x0, x1


def _child_key(seed_hi, seed_lo, i):
    a, b = _np_threefry2x32(seed_hi, seed_lo,
                            np.array([0], np.uint32), np.array([i], np.uint32))
    return int(a[0]), int(b[0])


_K1 = _child_key(0, 42, 0)
_K2 = _child_key(0, 42, 1)

_TINY = float(np.finfo(np.float32).tiny)
_U2_MIN = np.float32(1e-5)
_U2_SPAN = np.float32(np.float32(1.0 - 1e-5) - np.float32(1e-5))

_ROT = ((13, 15, 26, 6), (17, 29, 16, 24))


def _wrap_i32(v):
    v &= 0xFFFFFFFF
    return v - (1 << 32) if v >= (1 << 31) else v


def _rotl(x, r):
    return lax.shift_left(x, jnp.int32(r)) | lax.shift_right_logical(x, jnp.int32(32 - r))


def _key_sched(kpair):
    k0, k1 = kpair
    ks = (_wrap_i32(k0), _wrap_i32(k1), _wrap_i32(k0 ^ k1 ^ 0x1BD11BDA))
    inj = [(ks[(i + 1) % 3], _wrap_i32(ks[(i + 2) % 3] + i + 1)) for i in range(5)]
    return ks[0], ks[1], inj


_SCHED1 = _key_sched(_K1)
_SCHED2 = _key_sched(_K2)


def _threefry_bits(sched, x1):
    ks0, _ks1, inj = sched
    x0 = jnp.full_like(x1, jnp.int32(ks0))
    for i in range(5):
        for r in _ROT[i % 2]:
            x0 = x0 + x1
            x1 = _rotl(x1, r)
            x1 = x0 ^ x1
        x0 = x0 + jnp.int32(inj[i][0])
        x1 = x1 + jnp.int32(inj[i][1])
    return x0 ^ x1


def _bits_to_unit(bits):
    fb = lax.shift_right_logical(bits, jnp.int32(9)) | jnp.int32(0x3F800000)
    return lax.bitcast_convert_type(fb, jnp.float32) - jnp.float32(1.0)


def _body(l_ref, cnt1_ref, cnt2_ref, out_ref, *, n, T, BW, TW):
    i = pl.program_id(0)
    j = pl.program_id(1)
    lb = l_ref[...]

    base1 = (i * BW * n) * T + j * TW
    x1 = cnt1_ref[...] + base1
    bits = _threefry_bits(_SCHED1, x1)
    ug = jnp.maximum(_bits_to_unit(bits), jnp.float32(_TINY))
    gum = -jnp.log(-jnp.log(ug))

    bv = lb[0] + gum[0]
    bm = lb[n]
    bl = lb[2 * n]
    for g in range(1, n):
        vg = lb[g] + gum[g]
        upd = vg > bv
        bv = jnp.where(upd, vg, bv)
        bm = jnp.where(upd, lb[n + g], bm)
        bl = jnp.where(upd, lb[2 * n + g], bl)

    sel_mean = jnp.tanh(bm)
    sel_lv = jnp.float32(-7.0) * jax.nn.sigmoid(bl)

    bits2 = cnt2_ref[...]
    u2 = jnp.maximum(_U2_MIN, _bits_to_unit(bits2) * _U2_SPAN + _U2_MIN)

    noise = jnp.exp(sel_lv) * (jnp.log(u2) - jnp.log(jnp.float32(1.0) - u2))
    x = jnp.clip(sel_mean + noise, -1.0, 1.0)
    y = jnp.round((x + jnp.float32(1.0)) * jnp.float32(127.5))
    out_ref[...] = y.astype(jnp.int32)


def _counter_consts(n, T, BW, TW):
    g = np.arange(n, dtype=np.int64)[:, None, None]
    b = np.arange(BW, dtype=np.int64)[None, :, None]
    c = np.arange(TW, dtype=np.int64)[None, None, :]
    cnt1 = (b * n + g) * T + c + _SCHED1[1]
    wrap = lambda a: ((a & 0xFFFFFFFF) ^ (1 << 31)) - (1 << 31)
    return jnp.asarray(wrap(cnt1), jnp.int32)


def _sc_u2_body(out_ref, scratch_ref, *, B, T):
    c_id = lax.axis_index("c")
    s_id = lax.axis_index("s")
    sub = c_id * 16 + s_id
    tb = sub // 8
    tcg = (sub % 8) * 8
    iota = lax.iota(jnp.int32, 16)
    ks1 = jnp.int32(_SCHED2[1])
    for s8 in range(8):
        b = tb * 8 + s8

        def chunk(q, carry):
            kt = q // 8
            c16 = q % 8
            t0 = (tcg + kt) * 128 + c16 * 16
            x1 = (b * T + t0) + ks1 + iota
            bits = _threefry_bits(_SCHED2, x1)
            scratch_ref[s8, pl.ds(kt * 128 + c16 * 16, 16)] = bits
            return carry

        jax.lax.fori_loop(0, 64, chunk, 0)
    pltpu.sync_copy(scratch_ref,
                    out_ref.at[pl.ds(tb * 8, 8), pl.ds(tcg * 128, 1024)])


def kernel(l):
    B, C, T = l.shape
    n = C // 3
    BW, TW = 8, 1024
    lt = jnp.transpose(l, (1, 0, 2))
    cnt1 = _counter_consts(n, T, BW, TW)
    u2bits = pl.kernel(
        functools.partial(_sc_u2_body, B=B, T=T),
        out_type=jax.ShapeDtypeStruct((B, T), jnp.int32),
        mesh=plsc.VectorSubcoreMesh(core_axis_name="c", subcore_axis_name="s"),
        scratch_types=[pltpu.VMEM((8, 1024), jnp.int32)],
    )()
    out = pl.pallas_call(
        functools.partial(_body, n=n, T=T, BW=BW, TW=TW),
        grid=(B // BW, T // TW),
        in_specs=[
            pl.BlockSpec((C, BW, TW), lambda i, j: (0, i, j)),
            pl.BlockSpec((n, BW, TW), lambda i, j: (0, 0, 0)),
            pl.BlockSpec((BW, TW), lambda i, j: (i, j)),
        ],
        out_specs=pl.BlockSpec((BW, TW), lambda i, j: (i, j)),
        out_shape=jax.ShapeDtypeStruct((B, T), jnp.int32),
    )(lt, cnt1, u2bits)
    return out

# --- scband reference (transcript-rebuilt; emitter-appended) ---
"""Pipeline reference for scband-sample-discretized-mix-logistics-19464791785964 (READ-ONLY COPY).

The authoritative reference and input builder live on the scoring server;
editing this copy changes nothing except your own understanding.
"""

import jax, jax.numpy as jnp
import numpy as np


def setup_inputs(seed: int = 0) -> dict:
    key = jax.random.key(seed)
    l = jax.random.normal(key, (32, 90, 8192), dtype=jnp.float32)
    return {"l": l}


def reference(l):
    # Expects (B x 3*n_mix x T)
    assert l.shape[1] % 3 == 0
    n_gaus = l.shape[1] // 3
    B = l.shape[0]
    T = l.shape[-1]
    mix_logits = l[:, :n_gaus, :]
    means = jnp.tanh(l[:, n_gaus:2 * n_gaus, :])
    log_var = -7.0 * jax.nn.sigmoid(l[:, 2 * n_gaus:, :])
    k1, k2 = jax.random.split(jax.random.key(42))
    # CategoricalSampler: Gumbel-max sample over the mixture-component axis (dim 1)
    gumbel = jax.random.gumbel(k1, mix_logits.shape, dtype=l.dtype)
    sel = jnp.argmax(mix_logits + gumbel, axis=1)  # [B, T] int
    # gather selected mixture component per (batch, time)
    sel_means = jnp.take_along_axis(means, sel[:, None, :], axis=1)[:, 0, :]
    sel_log_var = jnp.take_along_axis(log_var, sel[:, None, :], axis=1)[:, 0, :]
    # UniformSampler: uniform(0,1), clamped away from {0,1} for numerical safety
    u = jax.random.uniform(k2, sel_means.shape, dtype=l.dtype, minval=1e-5, maxval=1.0 - 1e-5)
    logit_fcn_sampls = jnp.exp(sel_log_var) * (jnp.log(u) - jnp.log(1.0 - u))
    x = sel_means + logit_fcn_sampls
    x = jnp.clip(x, -1.0, 1.0)
    x = (x + 1.0) * 127.5
    # quantize_output=True
    x = jnp.round(x).astype(jnp.int64)
    return x

if __name__ == "__main__":
    import jax
    _d = setup_inputs()
    print(jax.jit(kernel)(*tuple(_d.values())))

</pallas_src>

<mosaic_0001>
#map = affine_map<(d0, d1) -> (0, 0)>
module attributes {stable_mosaic.version = 14 : i64} {
  func.func @_sc_u2_body(%arg0: i32, %arg1: i32, %arg2: memref<32x8192xi32, #tpu.memory_space<hbm>>, %arg3: memref<8x1024xi32, #tpu.memory_space<vmem>>) attributes {dimension_semantics = [#tpu.dimension_semantics<core_parallel>, #tpu.dimension_semantics<subcore_parallel>], iteration_bounds = array<i64: 2, 16>, scalar_prefetch = 0 : i64, scratch_operands = 1 : i64, tpu.core_type = #tpu.core_type<sc_vector_subcore>, window_params = [{transform_indices = #map}]} {
    %mul3A = arith.constant 16 : i32
    %mul3A_0 = arith.muli %arg0, %mul3A : i32
    %add3A = arith.addi %mul3A_0, %arg1 : i32
    %jit3A = arith.constant 8 : i32
    %div3A = arith.divsi %add3A, %jit3A : i32
    %sign3A = arith.constant 0 : i32
    %sign3A_1 = arith.cmpi sgt, %add3A, %sign3A : i32
    %sign3A_2 = arith.extui %sign3A_1 : i1 to i32
    %sign3A_3 = arith.constant 0 : i32
    %sign3A_4 = arith.cmpi slt, %add3A, %sign3A_3 : i32
    %sign3A_5 = arith.extui %sign3A_4 : i1 to i32
    %sign3A_6 = arith.subi %sign3A_2, %sign3A_5 : i32
    %sign3A_7 = arith.constant 0 : i32
    %sign3A_8 = arith.cmpi sgt, %jit3A, %sign3A_7 : i32
    %sign3A_9 = arith.extui %sign3A_8 : i1 to i32
    %sign3A_10 = arith.constant 0 : i32
    %sign3A_11 = arith.cmpi slt, %jit3A, %sign3A_10 : i32
    %sign3A_12 = arith.extui %sign3A_11 : i1 to i32
    %sign3A_13 = arith.subi %sign3A_9, %sign3A_12 : i32
    %ne3A = arith.cmpi ne, %sign3A_6, %sign3A_13 : i32
    %rem3A = arith.remsi %add3A, %jit3A : i32
    %ne3A_14 = arith.constant 0 : i32
    %ne3A_15 = arith.cmpi ne, %rem3A, %ne3A_14 : i32
    %and3A = arith.andi %ne3A, %ne3A_15 : i1
    %sub3A = arith.constant 1 : i32
    %sub3A_16 = arith.subi %div3A, %sub3A : i32
    %select_n3A = arith.select %and3A, %sub3A_16, %div3A : i32
    %jit3A_17 = arith.constant 8 : i32
    %eq3A = arith.constant 0 : i32
    %eq3A_18 = arith.cmpi eq, %jit3A_17, %eq3A : i32
    %jit3A_19 = arith.constant 1 : i32
    %select_n3A_20 = arith.select %eq3A_18, %jit3A_19, %jit3A_17 : i32
    %rem3A_21 = arith.remsi %add3A, %select_n3A_20 : i32
    %ne3A_22 = arith.constant 0 : i32
    %ne3A_23 = arith.cmpi ne, %rem3A_21, %ne3A_22 : i32
    %lt3A = arith.constant 0 : i32
    %lt3A_24 = arith.cmpi slt, %rem3A_21, %lt3A : i32
    %lt3A_25 = arith.constant 0 : i32
    %lt3A_26 = arith.cmpi slt, %select_n3A_20, %lt3A_25 : i32
    %ne3A_27 = arith.xori %lt3A_24, %lt3A_26 : i1
    %and3A_28 = arith.andi %ne3A_27, %ne3A_23 : i1
    %add3A_29 = arith.addi %rem3A_21, %select_n3A_20 : i32
    %select_n3A_30 = arith.select %and3A_28, %add3A_29, %rem3A_21 : i32
    %mul3A_31 = arith.constant 8 : i32
    %mul3A_32 = arith.muli %select_n3A_30, %mul3A_31 : i32
    %iota3A = tpu.iota {dimensions = array<i32: 0>} : vector<16xi32>
    %mul3A_33 = arith.constant 8 : i32
    %mul3A_34 = arith.muli %select_n3A, %mul3A_33 : i32
    %add3A_35 = arith.constant 0 : i32
    %add3A_36 = arith.addi %mul3A_34, %add3A_35 : i32
    %scan3A = arith.constant 0 : i32
    %scan3A_37 = arith.constant -1378843660 : i32
    %scan3A_38 = arith.constant 0 : i32
    %scan3A_39 = arith.constant 64 : i32
    %scan3A_40 = arith.addi %scan3A_38, %scan3A_39 : i32
    %scan3A_41 = arith.constant 1 : i32
    scf.for %scan3A_124 = %scan3A_38 to %scan3A_40 step %scan3A_41  : i32 {
      %jit3A_125 = arith.constant 8 : i32
      %div3A_126 = arith.divsi %scan3A_124, %jit3A_125 : i32
      %sign3A_127 = arith.constant 0 : i32
      %sign3A_128 = arith.cmpi sgt, %scan3A_124, %sign3A_127 : i32
      %sign3A_129 = arith.extui %sign3A_128 : i1 to i32
      %sign3A_130 = arith.constant 0 : i32
      %sign3A_131 = arith.cmpi slt, %scan3A_124, %sign3A_130 : i32
      %sign3A_132 = arith.extui %sign3A_131 : i1 to i32
      %sign3A_133 = arith.subi %sign3A_129, %sign3A_132 : i32
      %sign3A_134 = arith.constant 0 : i32
      %sign3A_135 = arith.cmpi sgt, %jit3A_125, %sign3A_134 : i32
      %sign3A_136 = arith.extui %sign3A_135 : i1 to i32
      %sign3A_137 = arith.constant 0 : i32
      %sign3A_138 = arith.cmpi slt, %jit3A_125, %sign3A_137 : i32
      %sign3A_139 = arith.extui %sign3A_138 : i1 to i32
      %sign3A_140 = arith.subi %sign3A_136, %sign3A_139 : i32
      %ne3A_141 = arith.cmpi ne, %sign3A_133, %sign3A_140 : i32
      %rem3A_142 = arith.remsi %scan3A_124, %jit3A_125 : i32
      %ne3A_143 = arith.constant 0 : i32
      %ne3A_144 = arith.cmpi ne, %rem3A_142, %ne3A_143 : i32
      %and3A_145 = arith.andi %ne3A_141, %ne3A_144 : i1
      %sub3A_146 = arith.constant 1 : i32
      %sub3A_147 = arith.subi %div3A_126, %sub3A_146 : i32
      %select_n3A_148 = arith.select %and3A_145, %sub3A_147, %div3A_126 : i32
      %jit3A_149 = arith.constant 8 : i32
      %eq3A_150 = arith.constant 0 : i32
      %eq3A_151 = arith.cmpi eq, %jit3A_149, %eq3A_150 : i32
      %jit3A_152 = arith.constant 1 : i32
      %select_n3A_153 = arith.select %eq3A_151, %jit3A_152, %jit3A_149 : i32
      %rem3A_154 = arith.remsi %scan3A_124, %select_n3A_153 : i32
      %ne3A_155 = arith.constant 0 : i32
      %ne3A_156 = arith.cmpi ne, %rem3A_154, %ne3A_155 : i32
      %lt3A_157 = arith.constant 0 : i32
      %lt3A_158 = arith.cmpi slt, %rem3A_154, %lt3A_157 : i32
      %lt3A_159 = arith.constant 0 : i32
      %lt3A_160 = arith.cmpi slt, %select_n3A_153, %lt3A_159 : i32
      %ne3A_161 = arith.xori %lt3A_158, %lt3A_160 : i1
      %and3A_162 = arith.andi %ne3A_161, %ne3A_156 : i1
      %add3A_163 = arith.addi %rem3A_154, %select_n3A_153 : i32
      %select_n3A_164 = arith.select %and3A_162, %add3A_163, %rem3A_154 : i32
      %add3A_165 = arith.addi %mul3A_32, %select_n3A_148 : i32
      %mul3A_166 = arith.constant 128 : i32
      %mul3A_167 = arith.muli %add3A_165, %mul3A_166 : i32
      %mul3A_168 = arith.constant 16 : i32
      %mul3A_169 = arith.muli %select_n3A_164, %mul3A_168 : i32
      %add3A_170 = arith.addi %mul3A_167, %mul3A_169 : i32
      %mul3A_171 = arith.constant 8192 : i32
      %mul3A_172 = arith.muli %add3A_36, %mul3A_171 : i32
      %add3A_173 = arith.addi %mul3A_172, %add3A_170 : i32
      %add3A_174 = arith.addi %add3A_173, %scan3A_37 : i32
      %add3A_175 = vector.broadcast %add3A_174 : i32 to vector<16xi32>
      %add3A_176 = arith.addi %add3A_175, %iota3A : vector<16xi32>
      %broadcast_in_dim3A = arith.constant 64467757 : i32
      %broadcast_in_dim3A_177 = vector.broadcast %broadcast_in_dim3A : i32 to vector<16xi32>
      %add3A_178 = arith.addi %broadcast_in_dim3A_177, %add3A_176 : vector<16xi32>
      %shift_left3A = arith.constant 13 : i32
      %shift_left3A_179 = vector.broadcast %shift_left3A : i32 to vector<16xi32>
      %shift_left3A_180 = arith.shli %add3A_176, %shift_left3A_179 : vector<16xi32>
      %shift_right_logical3A = arith.constant 19 : i32
      %shift_right_logical3A_181 = vector.broadcast %shift_right_logical3A : i32 to vector<16xi32>
      %shift_right_logical3A_182 = arith.shrui %add3A_176, %shift_right_logical3A_181 : vector<16xi32>
      %or3A = arith.ori %shift_left3A_180, %shift_right_logical3A_182 : vector<16xi32>
      %xor3A = arith.xori %add3A_178, %or3A : vector<16xi32>
      %add3A_183 = arith.addi %add3A_178, %xor3A : vector<16xi32>
      %shift_left3A_184 = arith.constant 15 : i32
      %shift_left3A_185 = vector.broadcast %shift_left3A_184 : i32 to vector<16xi32>
      %shift_left3A_186 = arith.shli %xor3A, %shift_left3A_185 : vector<16xi32>
      %shift_right_logical3A_187 = arith.constant 17 : i32
      %shift_right_logical3A_188 = vector.broadcast %shift_right_logical3A_187 : i32 to vector<16xi32>
      %shift_right_logical3A_189 = arith.shrui %xor3A, %shift_right_logical3A_188 : vector<16xi32>
      %or3A_190 = arith.ori %shift_left3A_186, %shift_right_logical3A_189 : vector<16xi32>
      %xor3A_191 = arith.xori %add3A_183, %or3A_190 : vector<16xi32>
      %add3A_192 = arith.addi %add3A_183, %xor3A_191 : vector<16xi32>
      %shift_left3A_193 = arith.constant 26 : i32
      %shift_left3A_194 = vector.broadcast %shift_left3A_193 : i32 to vector<16xi32>
      %shift_left3A_195 = arith.shli %xor3A_191, %shift_left3A_194 : vector<16xi32>
      %shift_right_logical3A_196 = arith.constant 6 : i32
      %shift_right_logical3A_197 = vector.broadcast %shift_right_logical3A_196 : i32 to vector<16xi32>
      %shift_right_logical3A_198 = arith.shrui %xor3A_191, %shift_right_logical3A_197 : vector<16xi32>
      %or3A_199 = arith.ori %shift_left3A_195, %shift_right_logical3A_198 : vector<16xi32>
      %xor3A_200 = arith.xori %add3A_192, %or3A_199 : vector<16xi32>
      %add3A_201 = arith.addi %add3A_192, %xor3A_200 : vector<16xi32>
      %shift_left3A_202 = arith.constant 6 : i32
      %shift_left3A_203 = vector.broadcast %shift_left3A_202 : i32 to vector<16xi32>
      %shift_left3A_204 = arith.shli %xor3A_200, %shift_left3A_203 : vector<16xi32>
      %shift_right_logical3A_205 = arith.constant 26 : i32
      %shift_right_logical3A_206 = vector.broadcast %shift_right_logical3A_205 : i32 to vector<16xi32>
      %shift_right_logical3A_207 = arith.shrui %xor3A_200, %shift_right_logical3A_206 : vector<16xi32>
      %or3A_208 = arith.ori %shift_left3A_204, %shift_right_logical3A_207 : vector<16xi32>
      %xor3A_209 = arith.xori %add3A_201, %or3A_208 : vector<16xi32>
      %add3A_210 = arith.constant -1378843660 : i32
      %add3A_211 = vector.broadcast %add3A_210 : i32 to vector<16xi32>
      %add3A_212 = arith.addi %add3A_201, %add3A_211 : vector<16xi32>
      %add3A_213 = arith.constant -1244255484 : i32
      %add3A_214 = vector.broadcast %add3A_213 : i32 to vector<16xi32>
      %add3A_215 = arith.addi %xor3A_209, %add3A_214 : vector<16xi32>
      %add3A_216 = arith.addi %add3A_212, %add3A_215 : vector<16xi32>
      %shift_left3A_217 = arith.constant 17 : i32
      %shift_left3A_218 = vector.broadcast %shift_left3A_217 : i32 to vector<16xi32>
      %shift_left3A_219 = arith.shli %add3A_215, %shift_left3A_218 : vector<16xi32>
      %shift_right_logical3A_220 = arith.constant 15 : i32
      %shift_right_logical3A_221 = vector.broadcast %shift_right_logical3A_220 : i32 to vector<16xi32>
      %shift_right_logical3A_222 = arith.shrui %add3A_215, %shift_right_logical3A_221 : vector<16xi32>
      %or3A_223 = arith.ori %shift_left3A_219, %shift_right_logical3A_222 : vector<16xi32>
      %xor3A_224 = arith.xori %add3A_216, %or3A_223 : vector<16xi32>
      %add3A_225 = arith.addi %add3A_216, %xor3A_224 : vector<16xi32>
      %shift_left3A_226 = arith.constant 29 : i32
      %shift_left3A_227 = vector.broadcast %shift_left3A_226 : i32 to vector<16xi32>
      %shift_left3A_228 = arith.shli %xor3A_224, %shift_left3A_227 : vector<16xi32>
      %shift_right_logical3A_229 = arith.constant 3 : i32
      %shift_right_logical3A_230 = vector.broadcast %shift_right_logical3A_229 : i32 to vector<16xi32>
      %shift_right_logical3A_231 = arith.shrui %xor3A_224, %shift_right_logical3A_230 : vector<16xi32>
      %or3A_232 = arith.ori %shift_left3A_228, %shift_right_logical3A_231 : vector<16xi32>
      %xor3A_233 = arith.xori %add3A_225, %or3A_232 : vector<16xi32>
      %add3A_234 = arith.addi %add3A_225, %xor3A_233 : vector<16xi32>
      %shift_left3A_235 = arith.constant 16 : i32
      %shift_left3A_236 = vector.broadcast %shift_left3A_235 : i32 to vector<16xi32>
      %shift_left3A_237 = arith.shli %xor3A_233, %shift_left3A_236 : vector<16xi32>
      %shift_right_logical3A_238 = arith.constant 16 : i32
      %shift_right_logical3A_239 = vector.broadcast %shift_right_logical3A_238 : i32 to vector<16xi32>
      %shift_right_logical3A_240 = arith.shrui %xor3A_233, %shift_right_logical3A_239 : vector<16xi32>
      %or3A_241 = arith.ori %shift_left3A_237, %shift_right_logical3A_240 : vector<16xi32>
      %xor3A_242 = arith.xori %add3A_234, %or3A_241 : vector<16xi32>
      %add3A_243 = arith.addi %add3A_234, %xor3A_242 : vector<16xi32>
      %shift_left3A_244 = arith.constant 24 : i32
      %shift_left3A_245 = vector.broadcast %shift_left3A_244 : i32 to vector<16xi32>
      %shift_left3A_246 = arith.shli %xor3A_242, %shift_left3A_245 : vector<16xi32>
      %shift_right_logical3A_247 = arith.constant 8 : i32
      %shift_right_logical3A_248 = vector.broadcast %shift_right_logical3A_247 : i32 to vector<16xi32>
      %shift_right_logical3A_249 = arith.shrui %xor3A_242, %shift_right_logical3A_248 : vector<16xi32>
      %or3A_250 = arith.ori %shift_left3A_246, %shift_right_logical3A_249 : vector<16xi32>
      %xor3A_251 = arith.xori %add3A_243, %or3A_250 : vector<16xi32>
      %add3A_252 = arith.constant -1244255485 : i32
      %add3A_253 = vector.broadcast %add3A_252 : i32 to vector<16xi32>
      %add3A_254 = arith.addi %add3A_243, %add3A_253 : vector<16xi32>
      %add3A_255 = arith.constant 64467759 : i32
      %add3A_256 = vector.broadcast %add3A_255 : i32 to vector<16xi32>
      %add3A_257 = arith.addi %xor3A_251, %add3A_256 : vector<16xi32>
      %add3A_258 = arith.addi %add3A_254, %add3A_257 : vector<16xi32>
      %shift_left3A_259 = arith.constant 13 : i32
      %shift_left3A_260 = vector.broadcast %shift_left3A_259 : i32 to vector<16xi32>
      %shift_left3A_261 = arith.shli %add3A_257, %shift_left3A_260 : vector<16xi32>
      %shift_right_logical3A_262 = arith.constant 19 : i32
      %shift_right_logical3A_263 = vector.broadcast %shift_right_logical3A_262 : i32 to vector<16xi32>
      %shift_right_logical3A_264 = arith.shrui %add3A_257, %shift_right_logical3A_263 : vector<16xi32>
      %or3A_265 = arith.ori %shift_left3A_261, %shift_right_logical3A_264 : vector<16xi32>
      %xor3A_266 = arith.xori %add3A_258, %or3A_265 : vector<16xi32>
      %add3A_267 = arith.addi %add3A_258, %xor3A_266 : vector<16xi32>
      %shift_left3A_268 = arith.constant 15 : i32
      %shift_left3A_269 = vector.broadcast %shift_left3A_268 : i32 to vector<16xi32>
      %shift_left3A_270 = arith.shli %xor3A_266, %shift_left3A_269 : vector<16xi32>
      %shift_right_logical3A_271 = arith.constant 17 : i32
      %shift_right_logical3A_272 = vector.broadcast %shift_right_logical3A_271 : i32 to vector<16xi32>
      %shift_right_logical3A_273 = arith.shrui %xor3A_266, %shift_right_logical3A_272 : vector<16xi32>
      %or3A_274 = arith.ori %shift_left3A_270, %shift_right_logical3A_273 : vector<16xi32>
      %xor3A_275 = arith.xori %add3A_267, %or3A_274 : vector<16xi32>
      %add3A_276 = arith.addi %add3A_267, %xor3A_275 : vector<16xi32>
      %shift_left3A_277 = arith.constant 26 : i32
      %shift_left3A_278 = vector.broadcast %shift_left3A_277 : i32 to vector<16xi32>
      %shift_left3A_279 = arith.shli %xor3A_275, %shift_left3A_278 : vector<16xi32>
      %shift_right_logical3A_280 = arith.constant 6 : i32
      %shift_right_logical3A_281 = vector.broadcast %shift_right_logical3A_280 : i32 to vector<16xi32>
      %shift_right_logical3A_282 = arith.shrui %xor3A_275, %shift_right_logical3A_281 : vector<16xi32>
      %or3A_283 = arith.ori %shift_left3A_279, %shift_right_logical3A_282 : vector<16xi32>
      %xor3A_284 = arith.xori %add3A_276, %or3A_283 : vector<16xi32>
      %add3A_285 = arith.addi %add3A_276, %xor3A_284 : vector<16xi32>
      %shift_left3A_286 = arith.constant 6 : i32
      %shift_left3A_287 = vector.broadcast %shift_left3A_286 : i32 to vector<16xi32>
      %shift_left3A_288 = arith.shli %xor3A_284, %shift_left3A_287 : vector<16xi32>
      %shift_right_logical3A_289 = arith.constant 26 : i32
      %shift_right_logical3A_290 = vector.broadcast %shift_right_logical3A_289 : i32 to vector<16xi32>
      %shift_right_logical3A_291 = arith.shrui %xor3A_284, %shift_right_logical3A_290 : vector<16xi32>
      %or3A_292 = arith.ori %shift_left3A_288, %shift_right_logical3A_291 : vector<16xi32>
      %xor3A_293 = arith.xori %add3A_285, %or3A_292 : vector<16xi32>
      %add3A_294 = arith.constant 64467757 : i32
      %add3A_295 = vector.broadcast %add3A_294 : i32 to vector<16xi32>
      %add3A_296 = arith.addi %add3A_285, %add3A_295 : vector<16xi32>
      %add3A_297 = arith.constant -1378843657 : i32
      %add3A_298 = vector.broadcast %add3A_297 : i32 to vector<16xi32>
      %add3A_299 = arith.addi %xor3A_293, %add3A_298 : vector<16xi32>
      %add3A_300 = arith.addi %add3A_296, %add3A_299 : vector<16xi32>
      %shift_left3A_301 = arith.constant 17 : i32
      %shift_left3A_302 = vector.broadcast %shift_left3A_301 : i32 to vector<16xi32>
      %shift_left3A_303 = arith.shli %add3A_299, %shift_left3A_302 : vector<16xi32>
      %shift_right_logical3A_304 = arith.constant 15 : i32
      %shift_right_logical3A_305 = vector.broadcast %shift_right_logical3A_304 : i32 to vector<16xi32>
      %shift_right_logical3A_306 = arith.shrui %add3A_299, %shift_right_logical3A_305 : vector<16xi32>
      %or3A_307 = arith.ori %shift_left3A_303, %shift_right_logical3A_306 : vector<16xi32>
      %xor3A_308 = arith.xori %add3A_300, %or3A_307 : vector<16xi32>
      %add3A_309 = arith.addi %add3A_300, %xor3A_308 : vector<16xi32>
      %shift_left3A_310 = arith.constant 29 : i32
      %shift_left3A_311 = vector.broadcast %shift_left3A_310 : i32 to vector<16xi32>
      %shift_left3A_312 = arith.shli %xor3A_308, %shift_left3A_311 : vector<16xi32>
      %shift_right_logical3A_313 = arith.constant 3 : i32
      %shift_right_logical3A_314 = vector.broadcast %shift_right_logical3A_313 : i32 to vector<16xi32>
      %shift_right_logical3A_315 = arith.shrui %xor3A_308, %shift_right_logical3A_314 : vector<16xi32>
      %or3A_316 = arith.ori %shift_left3A_312, %shift_right_logical3A_315 : vector<16xi32>
      %xor3A_317 = arith.xori %add3A_309, %or3A_316 : vector<16xi32>
      %add3A_318 = arith.addi %add3A_309, %xor3A_317 : vector<16xi32>
      %shift_left3A_319 = arith.constant 16 : i32
      %shift_left3A_320 = vector.broadcast %shift_left3A_319 : i32 to vector<16xi32>
      %shift_left3A_321 = arith.shli %xor3A_317, %shift_left3A_320 : vector<16xi32>
      %shift_right_logical3A_322 = arith.constant 16 : i32
      %shift_right_logical3A_323 = vector.broadcast %shift_right_logical3A_322 : i32 to vector<16xi32>
      %shift_right_logical3A_324 = arith.shrui %xor3A_317, %shift_right_logical3A_323 : vector<16xi32>
      %or3A_325 = arith.ori %shift_left3A_321, %shift_right_logical3A_324 : vector<16xi32>
      %xor3A_326 = arith.xori %add3A_318, %or3A_325 : vector<16xi32>
      %add3A_327 = arith.addi %add3A_318, %xor3A_326 : vector<16xi32>
      %shift_left3A_328 = arith.constant 24 : i32
      %shift_left3A_329 = vector.broadcast %shift_left3A_328 : i32 to vector<16xi32>
      %shift_left3A_330 = arith.shli %xor3A_326, %shift_left3A_329 : vector<16xi32>
      %shift_right_logical3A_331 = arith.constant 8 : i32
      %shift_right_logical3A_332 = vector.broadcast %shift_right_logical3A_331 : i32 to vector<16xi32>
      %shift_right_logical3A_333 = arith.shrui %xor3A_326, %shift_right_logical3A_332 : vector<16xi32>
      %or3A_334 = arith.ori %shift_left3A_330, %shift_right_logical3A_333 : vector<16xi32>
      %xor3A_335 = arith.xori %add3A_327, %or3A_334 : vector<16xi32>
      %add3A_336 = arith.constant -1378843660 : i32
      %add3A_337 = vector.broadcast %add3A_336 : i32 to vector<16xi32>
      %add3A_338 = arith.addi %add3A_327, %add3A_337 : vector<16xi32>
      %add3A_339 = arith.constant -1244255481 : i32
      %add3A_340 = vector.broadcast %add3A_339 : i32 to vector<16xi32>
      %add3A_341 = arith.addi %xor3A_335, %add3A_340 : vector<16xi32>
      %add3A_342 = arith.addi %add3A_338, %add3A_341 : vector<16xi32>
      %shift_left3A_343 = arith.constant 13 : i32
      %shift_left3A_344 = vector.broadcast %shift_left3A_343 : i32 to vector<16xi32>
      %shift_left3A_345 = arith.shli %add3A_341, %shift_left3A_344 : vector<16xi32>
      %shift_right_logical3A_346 = arith.constant 19 : i32
      %shift_right_logical3A_347 = vector.broadcast %shift_right_logical3A_346 : i32 to vector<16xi32>
      %shift_right_logical3A_348 = arith.shrui %add3A_341, %shift_right_logical3A_347 : vector<16xi32>
      %or3A_349 = arith.ori %shift_left3A_345, %shift_right_logical3A_348 : vector<16xi32>
      %xor3A_350 = arith.xori %add3A_342, %or3A_349 : vector<16xi32>
      %add3A_351 = arith.addi %add3A_342, %xor3A_350 : vector<16xi32>
      %shift_left3A_352 = arith.constant 15 : i32
      %shift_left3A_353 = vector.broadcast %shift_left3A_352 : i32 to vector<16xi32>
      %shift_left3A_354 = arith.shli %xor3A_350, %shift_left3A_353 : vector<16xi32>
      %shift_right_logical3A_355 = arith.constant 17 : i32
      %shift_right_logical3A_356 = vector.broadcast %shift_right_logical3A_355 : i32 to vector<16xi32>
      %shift_right_logical3A_357 = arith.shrui %xor3A_350, %shift_right_logical3A_356 : vector<16xi32>
      %or3A_358 = arith.ori %shift_left3A_354, %shift_right_logical3A_357 : vector<16xi32>
      %xor3A_359 = arith.xori %add3A_351, %or3A_358 : vector<16xi32>
      %add3A_360 = arith.addi %add3A_351, %xor3A_359 : vector<16xi32>
      %shift_left3A_361 = arith.constant 26 : i32
      %shift_left3A_362 = vector.broadcast %shift_left3A_361 : i32 to vector<16xi32>
      %shift_left3A_363 = arith.shli %xor3A_359, %shift_left3A_362 : vector<16xi32>
      %shift_right_logical3A_364 = arith.constant 6 : i32
      %shift_right_logical3A_365 = vector.broadcast %shift_right_logical3A_364 : i32 to vector<16xi32>
      %shift_right_logical3A_366 = arith.shrui %xor3A_359, %shift_right_logical3A_365 : vector<16xi32>
      %or3A_367 = arith.ori %shift_left3A_363, %shift_right_logical3A_366 : vector<16xi32>
      %xor3A_368 = arith.xori %add3A_360, %or3A_367 : vector<16xi32>
      %add3A_369 = arith.addi %add3A_360, %xor3A_368 : vector<16xi32>
      %shift_left3A_370 = arith.constant 6 : i32
      %shift_left3A_371 = vector.broadcast %shift_left3A_370 : i32 to vector<16xi32>
      %shift_left3A_372 = arith.shli %xor3A_368, %shift_left3A_371 : vector<16xi32>
      %shift_right_logical3A_373 = arith.constant 26 : i32
      %shift_right_logical3A_374 = vector.broadcast %shift_right_logical3A_373 : i32 to vector<16xi32>
      %shift_right_logical3A_375 = arith.shrui %xor3A_368, %shift_right_logical3A_374 : vector<16xi32>
      %or3A_376 = arith.ori %shift_left3A_372, %shift_right_logical3A_375 : vector<16xi32>
      %xor3A_377 = arith.xori %add3A_369, %or3A_376 : vector<16xi32>
      %add3A_378 = arith.constant -1244255485 : i32
      %add3A_379 = vector.broadcast %add3A_378 : i32 to vector<16xi32>
      %add3A_380 = arith.addi %add3A_369, %add3A_379 : vector<16xi32>
      %add3A_381 = arith.constant 64467762 : i32
      %add3A_382 = vector.broadcast %add3A_381 : i32 to vector<16xi32>
      %add3A_383 = arith.addi %xor3A_377, %add3A_382 : vector<16xi32>
      %xor3A_384 = arith.xori %add3A_380, %add3A_383 : vector<16xi32>
      %mul3A_385 = arith.constant 128 : i32
      %mul3A_386 = arith.muli %select_n3A_148, %mul3A_385 : i32
      %mul3A_387 = arith.constant 16 : i32
      %mul3A_388 = arith.muli %select_n3A_164, %mul3A_387 : i32
      %add3A_389 = arith.addi %mul3A_386, %mul3A_388 : i32
      %swap3A = arith.constant 0 : i32
      %swap3A_390 = arith.index_cast %swap3A : i32 to index
      %swap3A_391 = arith.index_cast %add3A_389 : i32 to index
      %swap3A_392 = tpu.vector_load %arg3[%swap3A_390, %swap3A_391] {strides = array<i32>} : memref<8x1024xi32, #tpu.memory_space<vmem>>, vector<1x16xi32>,
      %swap3A_393 = vector.shape_cast %swap3A_392 : vector<1x16xi32> to vector<16xi32>
      %swap3A_394 = vector.shape_cast %xor3A_384 : vector<16xi32> to vector<1x16xi32>
      tpu.vector_store %arg3[%swap3A_390, %swap3A_391], %swap3A_394 {strides = array<i32>} : memref<8x1024xi32, #tpu.memory_space<vmem>>, vector<1x16xi32>,
    }
    %scan3A_42 = arith.constant 64 : i32
    %mul3A_43 = arith.constant 8 : i32
    %mul3A_44 = arith.muli %select_n3A, %mul3A_43 : i32
    %add3A_45 = arith.constant 1 : i32
    %add3A_46 = arith.addi %mul3A_44, %add3A_45 : i32
    %scan3A_47 = arith.constant 0 : i32
    %scan3A_48 = arith.constant -1378843660 : i32
    %scan3A_49 = arith.constant 0 : i32
    %scan3A_50 = arith.constant 64 : i32
    %scan3A_51 = arith.addi %scan3A_49, %scan3A_50 : i32
    %scan3A_52 = arith.constant 1 : i32
    scf.for %scan3A_124 = %scan3A_49 to %scan3A_51 step %scan3A_52  : i32 {
      %jit3A_125 = arith.constant 8 : i32
      %div3A_126 = arith.divsi %scan3A_124, %jit3A_125 : i32
      %sign3A_127 = arith.constant 0 : i32
      %sign3A_128 = arith.cmpi sgt, %scan3A_124, %sign3A_127 : i32
      %sign3A_129 = arith.extui %sign3A_128 : i1 to i32
      %sign3A_130 = arith.constant 0 : i32
      %sign3A_131 = arith.cmpi slt, %scan3A_124, %sign3A_130 : i32
      %sign3A_132 = arith.extui %sign3A_131 : i1 to i32
      %sign3A_133 = arith.subi %sign3A_129, %sign3A_132 : i32
      %sign3A_134 = arith.constant 0 : i32
      %sign3A_135 = arith.cmpi sgt, %jit3A_125, %sign3A_134 : i32
      %sign3A_136 = arith.extui %sign3A_135 : i1 to i32
      %sign3A_137 = arith.constant 0 : i32
      %sign3A_138 = arith.cmpi slt, %jit3A_125, %sign3A_137 : i32
      %sign3A_139 = arith.extui %sign3A_138 : i1 to i32
      %sign3A_140 = arith.subi %sign3A_136, %sign3A_139 : i32
      %ne3A_141 = arith.cmpi ne, %sign3A_133, %sign3A_140 : i32
      %rem3A_142 = arith.remsi %scan3A_124, %jit3A_125 : i32
      %ne3A_143 = arith.constant 0 : i32
      %ne3A_144 = arith.cmpi ne, %rem3A_142, %ne3A_143 : i32
      %and3A_145 = arith.andi %ne3A_141, %ne3A_144 : i1
      %sub3A_146 = arith.constant 1 : i32
      %sub3A_147 = arith.subi %div3A_126, %sub3A_146 : i32
      %select_n3A_148 = arith.select %and3A_145, %sub3A_147, %div3A_126 : i32
      %jit3A_149 = arith.constant 8 : i32
      %eq3A_150 = arith.constant 0 : i32
      %eq3A_151 = arith.cmpi eq, %jit3A_149, %eq3A_150 : i32
      %jit3A_152 = arith.constant 1 : i32
      %select_n3A_153 = arith.select %eq3A_151, %jit3A_152, %jit3A_149 : i32
      %rem3A_154 = arith.remsi %scan3A_124, %select_n3A_153 : i32
      %ne3A_155 = arith.constant 0 : i32
      %ne3A_156 = arith.cmpi ne, %rem3A_154, %ne3A_155 : i32
      %lt3A_157 = arith.constant 0 : i32
      %lt3A_158 = arith.cmpi slt, %rem3A_154, %lt3A_157 : i32
      %lt3A_159 = arith.constant 0 : i32
      %lt3A_160 = arith.cmpi slt, %select_n3A_153, %lt3A_159 : i32
      %ne3A_161 = arith.xori %lt3A_158, %lt3A_160 : i1
      %and3A_162 = arith.andi %ne3A_161, %ne3A_156 : i1
      %add3A_163 = arith.addi %rem3A_154, %select_n3A_153 : i32
      %select_n3A_164 = arith.select %and3A_162, %add3A_163, %rem3A_154 : i32
      %add3A_165 = arith.addi %mul3A_32, %select_n3A_148 : i32
      %mul3A_166 = arith.constant 128 : i32
      %mul3A_167 = arith.muli %add3A_165, %mul3A_166 : i32
      %mul3A_168 = arith.constant 16 : i32
      %mul3A_169 = arith.muli %select_n3A_164, %mul3A_168 : i32
      %add3A_170 = arith.addi %mul3A_167, %mul3A_169 : i32
      %mul3A_171 = arith.constant 8192 : i32
      %mul3A_172 = arith.muli %add3A_46, %mul3A_171 : i32
      %add3A_173 = arith.addi %mul3A_172, %add3A_170 : i32
      %add3A_174 = arith.addi %add3A_173, %scan3A_48 : i32
      %add3A_175 = vector.broadcast %add3A_174 : i32 to vector<16xi32>
      %add3A_176 = arith.addi %add3A_175, %iota3A : vector<16xi32>
      %broadcast_in_dim3A = arith.constant 64467757 : i32
      %broadcast_in_dim3A_177 = vector.broadcast %broadcast_in_dim3A : i32 to vector<16xi32>
      %add3A_178 = arith.addi %broadcast_in_dim3A_177, %add3A_176 : vector<16xi32>
      %shift_left3A = arith.constant 13 : i32
      %shift_left3A_179 = vector.broadcast %shift_left3A : i32 to vector<16xi32>
      %shift_left3A_180 = arith.shli %add3A_176, %shift_left3A_179 : vector<16xi32>
      %shift_right_logical3A = arith.constant 19 : i32
      %shift_right_logical3A_181 = vector.broadcast %shift_right_logical3A : i32 to vector<16xi32>
      %shift_right_logical3A_182 = arith.shrui %add3A_176, %shift_right_logical3A_181 : vector<16xi32>
      %or3A = arith.ori %shift_left3A_180, %shift_right_logical3A_182 : vector<16xi32>
      %xor3A = arith.xori %add3A_178, %or3A : vector<16xi32>
      %add3A_183 = arith.addi %add3A_178, %xor3A : vector<16xi32>
      %shift_left3A_184 = arith.constant 15 : i32
      %shift_left3A_185 = vector.broadcast %shift_left3A_184 : i32 to vector<16xi32>
      %shift_left3A_186 = arith.shli %xor3A, %shift_left3A_185 : vector<16xi32>
      %shift_right_logical3A_187 = arith.constant 17 : i32
      %shift_right_logical3A_188 = vector.broadcast %shift_right_logical3A_187 : i32 to vector<16xi32>
      %shift_right_logical3A_189 = arith.shrui %xor3A, %shift_right_logical3A_188 : vector<16xi32>
      %or3A_190 = arith.ori %shift_left3A_186, %shift_right_logical3A_189 : vector<16xi32>
      %xor3A_191 = arith.xori %add3A_183, %or3A_190 : vector<16xi32>
      %add3A_192 = arith.addi %add3A_183, %xor3A_191 : vector<16xi32>
      %shift_left3A_193 = arith.constant 26 : i32
      %shift_left3A_194 = vector.broadcast %shift_left3A_193 : i32 to vector<16xi32>
      %shift_left3A_195 = arith.shli %xor3A_191, %shift_left3A_194 : vector<16xi32>
      %shift_right_logical3A_196 = arith.constant 6 : i32
      %shift_right_logical3A_197 = vector.broadcast %shift_right_logical3A_196 : i32 to vector<16xi32>
      %shift_right_logical3A_198 = arith.shrui %xor3A_191, %shift_right_logical3A_197 : vector<16xi32>
      %or3A_199 = arith.ori %shift_left3A_195, %shift_right_logical3A_198 : vector<16xi32>
      %xor3A_200 = arith.xori %add3A_192, %or3A_199 : vector<16xi32>
      %add3A_201 = arith.addi %add3A_192, %xor3A_200 : vector<16xi32>
      %shift_left3A_202 = arith.constant 6 : i32
      %shift_left3A_203 = vector.broadcast %shift_left3A_202 : i32 to vector<16xi32>
      %shift_left3A_204 = arith.shli %xor3A_200, %shift_left3A_203 : vector<16xi32>
      %shift_right_logical3A_205 = arith.constant 26 : i32
      %shift_right_logical3A_206 = vector.broadcast %shift_right_logical3A_205 : i32 to vector<16xi32>
      %shift_right_logical3A_207 = arith.shrui %xor3A_200, %shift_right_logical3A_206 : vector<16xi32>
      %or3A_208 = arith.ori %shift_left3A_204, %shift_right_logical3A_207 : vector<16xi32>
      %xor3A_209 = arith.xori %add3A_201, %or3A_208 : vector<16xi32>
      %add3A_210 = arith.constant -1378843660 : i32
      %add3A_211 = vector.broadcast %add3A_210 : i32 to vector<16xi32>
      %add3A_212 = arith.addi %add3A_201, %add3A_211 : vector<16xi32>
      %add3A_213 = arith.constant -1244255484 : i32
      %add3A_214 = vector.broadcast %add3A_213 : i32 to vector<16xi32>
      %add3A_215 = arith.addi %xor3A_209, %add3A_214 : vector<16xi32>
      %add3A_216 = arith.addi %add3A_212, %add3A_215 : vector<16xi32>
      %shift_left3A_217 = arith.constant 17 : i32
      %shift_left3A_218 = vector.broadcast %shift_left3A_217 : i32 to vector<16xi32>
      %shift_left3A_219 = arith.shli %add3A_215, %shift_left3A_218 : vector<16xi32>
      %shift_right_logical3A_220 = arith.constant 15 : i32
      %shift_right_logical3A_221 = vector.broadcast %shift_right_logical3A_220 : i32 to vector<16xi32>
      %shift_right_logical3A_222 = arith.shrui %add3A_215, %shift_right_logical3A_221 : vector<16xi32>
      %or3A_223 = arith.ori %shift_left3A_219, %shift_right_logical3A_222 : vector<16xi32>
      %xor3A_224 = arith.xori %add3A_216, %or3A_223 : vector<16xi32>
      %add3A_225 = arith.addi %add3A_216, %xor3A_224 : vector<16xi32>
      %shift_left3A_226 = arith.constant 29 : i32
      %shift_left3A_227 = vector.broadcast %shift_left3A_226 : i32 to vector<16xi32>
      %shift_left3A_228 = arith.shli %xor3A_224, %shift_left3A_227 : vector<16xi32>
      %shift_right_logical3A_229 = arith.constant 3 : i32
      %shift_right_logical3A_230 = vector.broadcast %shift_right_logical3A_229 : i32 to vector<16xi32>
      %shift_right_logical3A_231 = arith.shrui %xor3A_224, %shift_right_logical3A_230 : vector<16xi32>
      %or3A_232 = arith.ori %shift_left3A_228, %shift_right_logical3A_231 : vector<16xi32>
      %xor3A_233 = arith.xori %add3A_225, %or3A_232 : vector<16xi32>
      %add3A_234 = arith.addi %add3A_225, %xor3A_233 : vector<16xi32>
      %shift_left3A_235 = arith.constant 16 : i32
      %shift_left3A_236 = vector.broadcast %shift_left3A_235 : i32 to vector<16xi32>
      %shift_left3A_237 = arith.shli %xor3A_233, %shift_left3A_236 : vector<16xi32>
      %shift_right_logical3A_238 = arith.constant 16 : i32
      %shift_right_logical3A_239 = vector.broadcast %shift_right_logical3A_238 : i32 to vector<16xi32>
      %shift_right_logical3A_240 = arith.shrui %xor3A_233, %shift_right_logical3A_239 : vector<16xi32>
      %or3A_241 = arith.ori %shift_left3A_237, %shift_right_logical3A_240 : vector<16xi32>
      %xor3A_242 = arith.xori %add3A_234, %or3A_241 : vector<16xi32>
      %add3A_243 = arith.addi %add3A_234, %xor3A_242 : vector<16xi32>
      %shift_left3A_244 = arith.constant 24 : i32
      %shift_left3A_245 = vector.broadcast %shift_left3A_244 : i32 to vector<16xi32>
      %shift_left3A_246 = arith.shli %xor3A_242, %shift_left3A_245 : vector<16xi32>
      %shift_right_logical3A_247 = arith.constant 8 : i32
      %shift_right_logical3A_248 = vector.broadcast %shift_right_logical3A_247 : i32 to vector<16xi32>
      %shift_right_logical3A_249 = arith.shrui %xor3A_242, %shift_right_logical3A_248 : vector<16xi32>
      %or3A_250 = arith.ori %shift_left3A_246, %shift_right_logical3A_249 : vector<16xi32>
      %xor3A_251 = arith.xori %add3A_243, %or3A_250 : vector<16xi32>
      %add3A_252 = arith.constant -1244255485 : i32
      %add3A_253 = vector.broadcast %add3A_252 : i32 to vector<16xi32>
      %add3A_254 = arith.addi %add3A_243, %add3A_253 : vector<16xi32>
      %add3A_255 = arith.constant 64467759 : i32
      %add3A_256 = vector.broadcast %add3A_255 : i32 to vector<16xi32>
      %add3A_257 = arith.addi %xor3A_251, %add3A_256 : vector<16xi32>
      %add3A_258 = arith.addi %add3A_254, %add3A_257 : vector<16xi32>
      %shift_left3A_259 = arith.constant 13 : i32
      %shift_left3A_260 = vector.broadcast %shift_left3A_259 : i32 to vector<16xi32>
      %shift_left3A_261 = arith.shli %add3A_257, %shift_left3A_260 : vector<16xi32>
      %shift_right_logical3A_262 = arith.constant 19 : i32
      %shift_right_logical3A_263 = vector.broadcast %shift_right_logical3A_262 : i32 to vector<16xi32>
      %shift_right_logical3A_264 = arith.shrui %add3A_257, %shift_right_logical3A_263 : vector<16xi32>
      %or3A_265 = arith.ori %shift_left3A_261, %shift_right_logical3A_264 : vector<16xi32>
      %xor3A_266 = arith.xori %add3A_258, %or3A_265 : vector<16xi32>
      %add3A_267 = arith.addi %add3A_258, %xor3A_266 : vector<16xi32>
      %shift_left3A_268 = arith.constant 15 : i32
      %shift_left3A_269 = vector.broadcast %shift_left3A_268 : i32 to vector<16xi32>
      %shift_left3A_270 = arith.shli %xor3A_266, %shift_left3A_269 : vector<16xi32>
      %shift_right_logical3A_271 = arith.constant 17 : i32
      %shift_right_logical3A_272 = vector.broadcast %shift_right_logical3A_271 : i32 to vector<16xi32>
      %shift_right_logical3A_273 = arith.shrui %xor3A_266, %shift_right_logical3A_272 : vector<16xi32>
      %or3A_274 = arith.ori %shift_left3A_270, %shift_right_logical3A_273 : vector<16xi32>
      %xor3A_275 = arith.xori %add3A_267, %or3A_274 : vector<16xi32>
      %add3A_276 = arith.addi %add3A_267, %xor3A_275 : vector<16xi32>
      %shift_left3A_277 = arith.constant 26 : i32
      %shift_left3A_278 = vector.broadcast %shift_left3A_277 : i32 to vector<16xi32>
      %shift_left3A_279 = arith.shli %xor3A_275, %shift_left3A_278 : vector<16xi32>
      %shift_right_logical3A_280 = arith.constant 6 : i32
      %shift_right_logical3A_281 = vector.broadcast %shift_right_logical3A_280 : i32 to vector<16xi32>
      %shift_right_logical3A_282 = arith.shrui %xor3A_275, %shift_right_logical3A_281 : vector<16xi32>
      %or3A_283 = arith.ori %shift_left3A_279, %shift_right_logical3A_282 : vector<16xi32>
      %xor3A_284 = arith.xori %add3A_276, %or3A_283 : vector<16xi32>
      %add3A_285 = arith.addi %add3A_276, %xor3A_284 : vector<16xi32>
      %shift_left3A_286 = arith.constant 6 : i32
      %shift_left3A_287 = vector.broadcast %shift_left3A_286 : i32 to vector<16xi32>
      %shift_left3A_288 = arith.shli %xor3A_284, %shift_left3A_287 : vector<16xi32>
      %shift_right_logical3A_289 = arith.constant 26 : i32
      %shift_right_logical3A_290 = vector.broadcast %shift_right_logical3A_289 : i32 to vector<16xi32>
      %shift_right_logical3A_291 = arith.shrui %xor3A_284, %shift_right_logical3A_290 : vector<16xi32>
      %or3A_292 = arith.ori %shift_left3A_288, %shift_right_logical3A_291 : vector<16xi32>
      %xor3A_293 = arith.xori %add3A_285, %or3A_292 : vector<16xi32>
      %add3A_294 = arith.constant 64467757 : i32
      %add3A_295 = vector.broadcast %add3A_294 : i32 to vector<16xi32>
      %add3A_296 = arith.addi %add3A_285, %add3A_295 : vector<16xi32>
      %add3A_297 = arith.constant -1378843657 : i32
      %add3A_298 = vector.broadcast %add3A_297 : i32 to vector<16xi32>
      %add3A_299 = arith.addi %xor3A_293, %add3A_298 : vector<16xi32>
      %add3A_300 = arith.addi %add3A_296, %add3A_299 : vector<16xi32>
      %shift_left3A_301 = arith.constant 17 : i32
      %shift_left3A_302 = vector.broadcast %shift_left3A_301 : i32 to vector<16xi32>
      %shift_left3A_303 = arith.shli %add3A_299, %shift_left3A_302 : vector<16xi32>
      %shift_right_logical3A_304 = arith.constant 15 : i32
      %shift_right_logical3A_305 = vector.broadcast %shift_right_logical3A_304 : i32 to vector<16xi32>
      %shift_right_logical3A_306 = arith.shrui %add3A_299, %shift_right_logical3A_305 : vector<16xi32>
      %or3A_307 = arith.ori %shift_left3A_303, %shift_right_logical3A_306 : vector<16xi32>
      %xor3A_308 = arith.xori %add3A_300, %or3A_307 : vector<16xi32>
      %add3A_309 = arith.addi %add3A_300, %xor3A_308 : vector<16xi32>
      %shift_left3A_310 = arith.constant 29 : i32
      %shift_left3A_311 = vector.broadcast %shift_left3A_310 : i32 to vector<16xi32>
      %shift_left3A_312 = arith.shli %xor3A_308, %shift_left3A_311 : vector<16xi32>
      %shift_right_logical3A_313 = arith.constant 3 : i32
      %shift_right_logical3A_314 = vector.broadcast %shift_right_logical3A_313 : i32 to vector<16xi32>
      %shift_right_logical3A_315 = arith.shrui %xor3A_308, %shift_right_logical3A_314 : vector<16xi32>
      %or3A_316 = arith.ori %shift_left3A_312, %shift_right_logical3A_315 : vector<16xi32>
      %xor3A_317 = arith.xori %add3A_309, %or3A_316 : vector<16xi32>
      %add3A_318 = arith.addi %add3A_309, %xor3A_317 : vector<16xi32>
      %shift_left3A_319 = arith.constant 16 : i32
      %shift_left3A_320 = vector.broadcast %shift_left3A_319 : i32 to vector<16xi32>
      %shift_left3A_321 = arith.shli %xor3A_317, %shift_left3A_320 : vector<16xi32>
      %shift_right_logical3A_322 = arith.constant 16 : i32
      %shift_right_logical3A_323 = vector.broadcast %shift_right_logical3A_322 : i32 to vector<16xi32>
      %shift_right_logical3A_324 = arith.shrui %xor3A_317, %shift_right_logical3A_323 : vector<16xi32>
      %or3A_325 = arith.ori %shift_left3A_321, %shift_right_logical3A_324 : vector<16xi32>
      %xor3A_326 = arith.xori %add3A_318, %or3A_325 : vector<16xi32>
      %add3A_327 = arith.addi %add3A_318, %xor3A_326 : vector<16xi32>
      %shift_left3A_328 = arith.constant 24 : i32
      %shift_left3A_329 = vector.broadcast %shift_left3A_328 : i32 to vector<16xi32>
      %shift_left3A_330 = arith.shli %xor3A_326, %shift_left3A_329 : vector<16xi32>
      %shift_right_logical3A_331 = arith.constant 8 : i32
      %shift_right_logical3A_332 = vector.broadcast %shift_right_logical3A_331 : i32 to vector<16xi32>
      %shift_right_logical3A_333 = arith.shrui %xor3A_326, %shift_right_logical3A_332 : vector<16xi32>
      %or3A_334 = arith.ori %shift_left3A_330, %shift_right_logical3A_333 : vector<16xi32>
      %xor3A_335 = arith.xori %add3A_327, %or3A_334 : vector<16xi32>
      %add3A_336 = arith.constant -1378843660 : i32
      %add3A_337 = vector.broadcast %add3A_336 : i32 to vector<16xi32>
      %add3A_338 = arith.addi %add3A_327, %add3A_337 : vector<16xi32>
      %add3A_339 = arith.constant -1244255481 : i32
      %add3A_340 = vector.broadcast %add3A_339 : i32 to vector<16xi32>
      %add3A_341 = arith.addi %xor3A_335, %add3A_340 : vector<16xi32>
      %add3A_342 = arith.addi %add3A_338, %add3A_341 : vector<16xi32>
      %shift_left3A_343 = arith.constant 13 : i32
      %shift_left3A_344 = vector.broadcast %shift_left3A_343 : i32 to vector<16xi32>
      %shift_left3A_345 = arith.shli %add3A_341, %shift_left3A_344 : vector<16xi32>
      %shift_right_logical3A_346 = arith.constant 19 : i32
      %shift_right_logical3A_347 = vector.broadcast %shift_right_logical3A_346 : i32 to vector<16xi32>
      %shift_right_logical3A_348 = arith.shrui %add3A_341, %shift_right_logical3A_347 : vector<16xi32>
      %or3A_349 = arith.ori %shift_left3A_345, %shift_right_logical3A_348 : vector<16xi32>
      %xor3A_350 = arith.xori %add3A_342, %or3A_349 : vector<16xi32>
      %add3A_351 = arith.addi %add3A_342, %xor3A_350 : vector<16xi32>
      %shift_left3A_352 = arith.constant 15 : i32
      %shift_left3A_353 = vector.broadcast %shift_left3A_352 : i32 to vector<16xi32>
      %shift_left3A_354 = arith.shli %xor3A_350, %shift_left3A_353 : vector<16xi32>
      %shift_right_logical3A_355 = arith.constant 17 : i32
      %shift_right_logical3A_356 = vector.broadcast %shift_right_logical3A_355 : i32 to vector<16xi32>
      %shift_right_logical3A_357 = arith.shrui %xor3A_350, %shift_right_logical3A_356 : vector<16xi32>
      %or3A_358 = arith.ori %shift_left3A_354, %shift_right_logical3A_357 : vector<16xi32>
      %xor3A_359 = arith.xori %add3A_351, %or3A_358 : vector<16xi32>
      %add3A_360 = arith.addi %add3A_351, %xor3A_359 : vector<16xi32>
      %shift_left3A_361 = arith.constant 26 : i32
      %shift_left3A_362 = vector.broadcast %shift_left3A_361 : i32 to vector<16xi32>
      %shift_left3A_363 = arith.shli %xor3A_359, %shift_left3A_362 : vector<16xi32>
      %shift_right_logical3A_364 = arith.constant 6 : i32
      %shift_right_logical3A_365 = vector.broadcast %shift_right_logical3A_364 : i32 to vector<16xi32>
      %shift_right_logical3A_366 = arith.shrui %xor3A_359, %shift_right_logical3A_365 : vector<16xi32>
      %or3A_367 = arith.ori %shift_left3A_363, %shift_right_logical3A_366 : vector<16xi32>
      %xor3A_368 = arith.xori %add3A_360, %or3A_367 : vector<16xi32>
      %add3A_369 = arith.addi %add3A_360, %xor3A_368 : vector<16xi32>
      %shift_left3A_370 = arith.constant 6 : i32
      %shift_left3A_371 = vector.broadcast %shift_left3A_370 : i32 to vector<16xi32>
      %shift_left3A_372 = arith.shli %xor3A_368, %shift_left3A_371 : vector<16xi32>
      %shift_right_logical3A_373 = arith.constant 26 : i32
      %shift_right_logical3A_374 = vector.broadcast %shift_right_logical3A_373 : i32 to vector<16xi32>
      %shift_right_logical3A_375 = arith.shrui %xor3A_368, %shift_right_logical3A_374 : vector<16xi32>
      %or3A_376 = arith.ori %shift_left3A_372, %shift_right_logical3A_375 : vector<16xi32>
      %xor3A_377 = arith.xori %add3A_369, %or3A_376 : vector<16xi32>
      %add3A_378 = arith.constant -1244255485 : i32
      %add3A_379 = vector.broadcast %add3A_378 : i32 to vector<16xi32>
      %add3A_380 = arith.addi %add3A_369, %add3A_379 : vector<16xi32>
      %add3A_381 = arith.constant 64467762 : i32
      %add3A_382 = vector.broadcast %add3A_381 : i32 to vector<16xi32>
      %add3A_383 = arith.addi %xor3A_377, %add3A_382 : vector<16xi32>
      %xor3A_384 = arith.xori %add3A_380, %add3A_383 : vector<16xi32>
      %mul3A_385 = arith.constant 128 : i32
      %mul3A_386 = arith.muli %select_n3A_148, %mul3A_385 : i32
      %mul3A_387 = arith.constant 16 : i32
      %mul3A_388 = arith.muli %select_n3A_164, %mul3A_387 : i32
      %add3A_389 = arith.addi %mul3A_386, %mul3A_388 : i32
      %swap3A = arith.constant 1 : i32
      %swap3A_390 = arith.index_cast %swap3A : i32 to index
      %swap3A_391 = arith.index_cast %add3A_389 : i32 to index
      %swap3A_392 = tpu.vector_load %arg3[%swap3A_390, %swap3A_391] {strides = array<i32>} : memref<8x1024xi32, #tpu.memory_space<vmem>>, vector<1x16xi32>,
      %swap3A_393 = vector.shape_cast %swap3A_392 : vector<1x16xi32> to vector<16xi32>
      %swap3A_394 = vector.shape_cast %xor3A_384 : vector<16xi32> to vector<1x16xi32>
      tpu.vector_store %arg3[%swap3A_390, %swap3A_391], %swap3A_394 {strides = array<i32>} : memref<8x1024xi32, #tpu.memory_space<vmem>>, vector<1x16xi32>,
    }
    %scan3A_53 = arith.constant 64 : i32
    %mul3A_54 = arith.constant 8 : i32
    %mul3A_55 = arith.muli %select_n3A, %mul3A_54 : i32
    %add3A_56 = arith.constant 2 : i32
    %add3A_57 = arith.addi %mul3A_55, %add3A_56 : i32
    %scan3A_58 = arith.constant 0 : i32
    %scan3A_59 = arith.constant -1378843660 : i32
    %scan3A_60 = arith.constant 0 : i32
    %scan3A_61 = arith.constant 64 : i32
    %scan3A_62 = arith.addi %scan3A_60, %scan3A_61 : i32
    %scan3A_63 = arith.constant 1 : i32
    scf.for %scan3A_124 = %scan3A_60 to %scan3A_62 step %scan3A_63  : i32 {
      %jit3A_125 = arith.constant 8 : i32
      %div3A_126 = arith.divsi %scan3A_124, %jit3A_125 : i32
      %sign3A_127 = arith.constant 0 : i32
      %sign3A_128 = arith.cmpi sgt, %scan3A_124, %sign3A_127 : i32
      %sign3A_129 = arith.extui %sign3A_128 : i1 to i32
      %sign3A_130 = arith.constant 0 : i32
      %sign3A_131 = arith.cmpi slt, %scan3A_124, %sign3A_130 : i32
      %sign3A_132 = arith.extui %sign3A_131 : i1 to i32
      %sign3A_133 = arith.subi %sign3A_129, %sign3A_132 : i32
      %sign3A_134 = arith.constant 0 : i32
      %sign3A_135 = arith.cmpi sgt, %jit3A_125, %sign3A_134 : i32
      %sign3A_136 = arith.extui %sign3A_135 : i1 to i32
      %sign3A_137 = arith.constant 0 : i32
      %sign3A_138 = arith.cmpi slt, %jit3A_125, %sign3A_137 : i32
      %sign3A_139 = arith.extui %sign3A_138 : i1 to i32
      %sign3A_140 = arith.subi %sign3A_136, %sign3A_139 : i32
      %ne3A_141 = arith.cmpi ne, %sign3A_133, %sign3A_140 : i32
      %rem3A_142 = arith.remsi %scan3A_124, %jit3A_125 : i32
      %ne3A_143 = arith.constant 0 : i32
      %ne3A_144 = arith.cmpi ne, %rem3A_142, %ne3A_143 : i32
      %and3A_145 = arith.andi %ne3A_141, %ne3A_144 : i1
      %sub3A_146 = arith.constant 1 : i32
      %sub3A_147 = arith.subi %div3A_126, %sub3A_146 : i32
      %select_n3A_148 = arith.select %and3A_145, %sub3A_147, %div3A_126 : i32
      %jit3A_149 = arith.constant 8 : i32
      %eq3A_150 = arith.constant 0 : i32
      %eq3A_151 = arith.cmpi eq, %jit3A_149, %eq3A_150 : i32
      %jit3A_152 = arith.constant 1 : i32
      %select_n3A_153 = arith.select %eq3A_151, %jit3A_152, %jit3A_149 : i32
      %rem3A_154 = arith.remsi %scan3A_124, %select_n3A_153 : i32
      %ne3A_155 = arith.constant 0 : i32
      %ne3A_156 = arith.cmpi ne, %rem3A_154, %ne3A_155 : i32
      %lt3A_157 = arith.constant 0 : i32
      %lt3A_158 = arith.cmpi slt, %rem3A_154, %lt3A_157 : i32
      %lt3A_159 = arith.constant 0 : i32
      %lt3A_160 = arith.cmpi slt, %select_n3A_153, %lt3A_159 : i32
      %ne3A_161 = arith.xori %lt3A_158, %lt3A_160 : i1
      %and3A_162 = arith.andi %ne3A_161, %ne3A_156 : i1
      %add3A_163 = arith.addi %rem3A_154, %select_n3A_153 : i32
      %select_n3A_164 = arith.select %and3A_162, %add3A_163, %rem3A_154 : i32
      %add3A_165 = arith.addi %mul3A_32, %select_n3A_148 : i32
      %mul3A_166 = arith.constant 128 : i32
      %mul3A_167 = arith.muli %add3A_165, %mul3A_166 : i32
      %mul3A_168 = arith.constant 16 : i32
      %mul3A_169 = arith.muli %select_n3A_164, %mul3A_168 : i32
      %add3A_170 = arith.addi %mul3A_167, %mul3A_169 : i32
      %mul3A_171 = arith.constant 8192 : i32
      %mul3A_172 = arith.muli %add3A_57, %mul3A_171 : i32
      %add3A_173 = arith.addi %mul3A_172, %add3A_170 : i32
      %add3A_174 = arith.addi %add3A_173, %scan3A_59 : i32
      %add3A_175 = vector.broadcast %add3A_174 : i32 to vector<16xi32>
      %add3A_176 = arith.addi %add3A_175, %iota3A : vector<16xi32>
      %broadcast_in_dim3A = arith.constant 64467757 : i32
      %broadcast_in_dim3A_177 = vector.broadcast %broadcast_in_dim3A : i32 to vector<16xi32>
      %add3A_178 = arith.addi %broadcast_in_dim3A_177, %add3A_176 : vector<16xi32>
      %shift_left3A = arith.constant 13 : i32
      %shift_left3A_179 = vector.broadcast %shift_left3A : i32 to vector<16xi32>
      %shift_left3A_180 = arith.shli %add3A_176, %shift_left3A_179 : vector<16xi32>
      %shift_right_logical3A = arith.constant 19 : i32
      %shift_right_logical3A_181 = vector.broadcast %shift_right_logical3A : i32 to vector<16xi32>
      %shift_right_logical3A_182 = arith.shrui %add3A_176, %shift_right_logical3A_181 : vector<16xi32>
      %or3A = arith.ori %shift_left3A_180, %shift_right_logical3A_182 : vector<16xi32>
      %xor3A = arith.xori %add3A_178, %or3A : vector<16xi32>
      %add3A_183 = arith.addi %add3A_178, %xor3A : vector<16xi32>
      %shift_left3A_184 = arith.constant 15 : i32
      %shift_left3A_185 = vector.broadcast %shift_left3A_184 : i32 to vector<16xi32>
      %shift_left3A_186 = arith.shli %xor3A, %shift_left3A_185 : vector<16xi32>
      %shift_right_logical3A_187 = arith.constant 17 : i32
      %shift_right_logical3A_188 = vector.broadcast %shift_right_logical3A_187 : i32 to vector<16xi32>
      %shift_right_logical3A_189 = arith.shrui %xor3A, %shift_right_logical3A_188 : vector<16xi32>
      %or3A_190 = arith.ori %shift_left3A_186, %shift_right_logical3A_189 : vector<16xi32>
      %xor3A_191 = arith.xori %add3A_183, %or3A_190 : vector<16xi32>
      %add3A_192 = arith.addi %add3A_183, %xor3A_191 : vector<16xi32>
      %shift_left3A_193 = arith.constant 26 : i32
      %shift_left3A_194 = vector.broadcast %shift_left3A_193 : i32 to vector<16xi32>
      %shift_left3A_195 = arith.shli %xor3A_191, %shift_left3A_194 : vector<16xi32>
      %shift_right_logical3A_196 = arith.constant 6 : i32
      %shift_right_logical3A_197 = vector.broadcast %shift_right_logical3A_196 : i32 to vector<16xi32>
      %shift_right_logical3A_198 = arith.shrui %xor3A_191, %shift_right_logical3A_197 : vector<16xi32>
      %or3A_199 = arith.ori %shift_left3A_195, %shift_right_logical3A_198 : vector<16xi32>
      %xor3A_200 = arith.xori %add3A_192, %or3A_199 : vector<16xi32>
      %add3A_201 = arith.addi %add3A_192, %xor3A_200 : vector<16xi32>
      %shift_left3A_202 = arith.constant 6 : i32
      %shift_left3A_203 = vector.broadcast %shift_left3A_202 : i32 to vector<16xi32>
      %shift_left3A_204 = arith.shli %xor3A_200, %shift_left3A_203 : vector<16xi32>
      %shift_right_logical3A_205 = arith.constant 26 : i32
      %shift_right_logical3A_206 = vector.broadcast %shift_right_logical3A_205 : i32 to vector<16xi32>
      %shift_right_logical3A_207 = arith.shrui %xor3A_200, %shift_right_logical3A_206 : vector<16xi32>
      %or3A_208 = arith.ori %shift_left3A_204, %shift_right_logical3A_207 : vector<16xi32>
      %xor3A_209 = arith.xori %add3A_201, %or3A_208 : vector<16xi32>
      %add3A_210 = arith.constant -1378843660 : i32
      %add3A_211 = vector.broadcast %add3A_210 : i32 to vector<16xi32>
      %add3A_212 = arith.addi %add3A_201, %add3A_211 : vector<16xi32>
      %add3A_213 = arith.constant -1244255484 : i32
      %add3A_214 = vector.broadcast %add3A_213 : i32 to vector<16xi32>
      %add3A_215 = arith.addi %xor3A_209, %add3A_214 : vector<16xi32>
      %add3A_216 = arith.addi %add3A_212, %add3A_215 : vector<16xi32>
      %shift_left3A_217 = arith.constant 17 : i32
      %shift_left3A_218 = vector.broadcast %shift_left3A_217 : i32 to vector<16xi32>
      %shift_left3A_219 = arith.shli %add3A_215, %shift_left3A_218 : vector<16xi32>
      %shift_right_logical3A_220 = arith.constant 15 : i32
      %shift_right_logical3A_221 = vector.broadcast %shift_right_logical3A_220 : i32 to vector<16xi32>
      %shift_right_logical3A_222 = arith.shrui %add3A_215, %shift_right_logical3A_221 : vector<16xi32>
      %or3A_223 = arith.ori %shift_left3A_219, %shift_right_logical3A_222 : vector<16xi32>
      %xor3A_224 = arith.xori %add3A_216, %or3A_223 : vector<16xi32>
      %add3A_225 = arith.addi %add3A_216, %xor3A_224 : vector<16xi32>
      %shift_left3A_226 = arith.constant 29 : i32
      %shift_left3A_227 = vector.broadcast %shift_left3A_226 : i32 to vector<16xi32>
      %shift_left3A_228 = arith.shli %xor3A_224, %shift_left3A_227 : vector<16xi32>
      %shift_right_logical3A_229 = arith.constant 3 : i32
      %shift_right_logical3A_230 = vector.broadcast %shift_right_logical3A_229 : i32 to vector<16xi32>
      %shift_right_logical3A_231 = arith.shrui %xor3A_224, %shift_right_logical3A_230 : vector<16xi32>
      %or3A_232 = arith.ori %shift_left3A_228, %shift_right_logical3A_231 : vector<16xi32>
      %xor3A_233 = arith.xori %add3A_225, %or3A_232 : vector<16xi32>
      %add3A_234 = arith.addi %add3A_225, %xor3A_233 : vector<16xi32>
      %shift_left3A_235 = arith.constant 16 : i32
      %shift_left3A_236 = vector.broadcast %shift_left3A_235 : i32 to vector<16xi32>
      %shift_left3A_237 = arith.shli %xor3A_233, %shift_left3A_236 : vector<16xi32>
      %shift_right_logical3A_238 = arith.constant 16 : i32
      %shift_right_logical3A_239 = vector.broadcast %shift_right_logical3A_238 : i32 to vector<16xi32>
      %shift_right_logical3A_240 = arith.shrui %xor3A_233, %shift_right_logical3A_239 : vector<16xi32>
      %or3A_241 = arith.ori %shift_left3A_237, %shift_right_logical3A_240 : vector<16xi32>
      %xor3A_242 = arith.xori %add3A_234, %or3A_241 : vector<16xi32>
      %add3A_243 = arith.addi %add3A_234, %xor3A_242 : vector<16xi32>
      %shift_left3A_244 = arith.constant 24 : i32
      %shift_left3A_245 = vector.broadcast %shift_left3A_244 : i32 to vector<16xi32>
      %shift_left3A_246 = arith.shli %xor3A_242, %shift_left3A_245 : vector<16xi32>
      %shift_right_logical3A_247 = arith.constant 8 : i32
      %shift_right_logical3A_248 = vector.broadcast %shift_right_logical3A_247 : i32 to vector<16xi32>
      %shift_right_logical3A_249 = arith.shrui %xor3A_242, %shift_right_logical3A_248 : vector<16xi32>
      %or3A_250 = arith.ori %shift_left3A_246, %shift_right_logical3A_249 : vector<16xi32>
      %xor3A_251 = arith.xori %add3A_243, %or3A_250 : vector<16xi32>
      %add3A_252 = arith.constant -1244255485 : i32
      %add3A_253 = vector.broadcast %add3A_252 : i32 to vector<16xi32>
      %add3A_254 = arith.addi %add3A_243, %add3A_253 : vector<16xi32>
      %add3A_255 = arith.constant 64467759 : i32
      %add3A_256 = vector.broadcast %add3A_255 : i32 to vector<16xi32>
      %add3A_257 = arith.addi %xor3A_251, %add3A_256 : vector<16xi32>
      %add3A_258 = arith.addi %add3A_254, %add3A_257 : vector<16xi32>
      %shift_left3A_259 = arith.constant 13 : i32
      %shift_left3A_260 = vector.broadcast %shift_left3A_259 : i32 to vector<16xi32>
      %shift_left3A_261 = arith.shli %add3A_257, %shift_left3A_260 : vector<16xi32>
      %shift_right_logical3A_262 = arith.constant 19 : i32
      %shift_right_logical3A_263 = vector.broadcast %shift_right_logical3A_262 : i32 to vector<16xi32>
      %shift_right_logical3A_264 = arith.shrui %add3A_257, %shift_right_logical3A_263 : vector<16xi32>
      %or3A_265 = arith.ori %shift_left3A_261, %shift_right_logical3A_264 : vector<16xi32>
      %xor3A_266 = arith.xori %add3A_258, %or3A_265 : vector<16xi32>
      %add3A_267 = arith.addi %add3A_258, %xor3A_266 : vector<16xi32>
      %shift_left3A_268 = arith.constant 15 : i32
      %shift_left3A_269 = vector.broadcast %shift_left3A_268 : i32 to vector<16xi32>
      %shift_left3A_270 = arith.shli %xor3A_266, %shift_left3A_269 : vector<16xi32>
      %shift_right_logical3A_271 = arith.constant 17 : i32
      %shift_right_logical3A_272 = vector.broadcast %shift_right_logical3A_271 : i32 to vector<16xi32>
      %shift_right_logical3A_273 = arith.shrui %xor3A_266, %shift_right_logical3A_272 : vector<16xi32>
      %or3A_274 = arith.ori %shift_left3A_270, %shift_right_logical3A_273 : vector<16xi32>
      %xor3A_275 = arith.xori %add3A_267, %or3A_274 : vector<16xi32>
      %add3A_276 = arith.addi %add3A_267, %xor3A_275 : vector<16xi32>
      %shift_left3A_277 = arith.constant 26 : i32
      %shift_left3A_278 = vector.broadcast %shift_left3A_277 : i32 to vector<16xi32>
      %shift_left3A_279 = arith.shli %xor3A_275, %shift_left3A_278 : vector<16xi32>
      %shift_right_logical3A_280 = arith.constant 6 : i32
      %shift_right_logical3A_281 = vector.broadcast %shift_right_logical3A_280 : i32 to vector<16xi32>
      %shift_right_logical3A_282 = arith.shrui %xor3A_275, %shift_right_logical3A_281 : vector<16xi32>
      %or3A_283 = arith.ori %shift_left3A_279, %shift_right_logical3A_282 : vector<16xi32>
      %xor3A_284 = arith.xori %add3A_276, %or3A_283 : vector<16xi32>
      %add3A_285 = arith.addi %add3A_276, %xor3A_284 : vector<16xi32>
      %shift_left3A_286 = arith.constant 6 : i32
      %shift_left3A_287 = vector.broadcast %shift_left3A_286 : i32 to vector<16xi32>
      %shift_left3A_288 = arith.shli %xor3A_284, %shift_left3A_287 : vector<16xi32>
      %shift_right_logical3A_289 = arith.constant 26 : i32
      %shift_right_logical3A_290 = vector.broadcast %shift_right_logical3A_289 : i32 to vector<16xi32>
      %shift_right_logical3A_291 = arith.shrui %xor3A_284, %shift_right_logical3A_290 : vector<16xi32>
      %or3A_292 = arith.ori %shift_left3A_288, %shift_right_logical3A_291 : vector<16xi32>
      %xor3A_293 = arith.xori %add3A_285, %or3A_292 : vector<16xi32>
      %add3A_294 = arith.constant 64467757 : i32
      %add3A_295 = vector.broadcast %add3A_294 : i32 to vector<16xi32>
      %add3A_296 = arith.addi %add3A_285, %add3A_295 : vector<16xi32>
      %add3A_297 = arith.constant -1378843657 : i32
      %add3A_298 = vector.broadcast %add3A_297 : i32 to vector<16xi32>
      %add3A_299 = arith.addi %xor3A_293, %add3A_298 : vector<16xi32>
      %add3A_300 = arith.addi %add3A_296, %add3A_299 : vector<16xi32>
      %shift_left3A_301 = arith.constant 17 : i32
      %shift_left3A_302 = vector.broadcast %shift_left3A_301 : i32 to vector<16xi32>
      %shift_left3A_303 = arith.shli %add3A_299, %shift_left3A_302 : vector<16xi32>
      %shift_right_logical3A_304 = arith.constant 15 : i32
      %shift_right_logical3A_305 = vector.broadcast %shift_right_logical3A_304 : i32 to vector<16xi32>
      %shift_right_logical3A_306 = arith.shrui %add3A_299, %shift_right_logical3A_305 : vector<16xi32>
      %or3A_307 = arith.ori %shift_left3A_303, %shift_right_logical3A_306 : vector<16xi32>
      %xor3A_308 = arith.xori %add3A_300, %or3A_307 : vector<16xi32>
      %add3A_309 = arith.addi %add3A_300, %xor3A_308 : vector<16xi32>
      %shift_left3A_310 = arith.constant 29 : i32
      %shift_left3A_311 = vector.broadcast %shift_left3A_310 : i32 to vector<16xi32>
      %shift_left3A_312 = arith.shli %xor3A_308, %shift_left3A_311 : vector<16xi32>
      %shift_right_logical3A_313 = arith.constant 3 : i32
      %shift_right_logical3A_314 = vector.broadcast %shift_right_logical3A_313 : i32 to vector<16xi32>
      %shift_right_logical3A_315 = arith.shrui %xor3A_308, %shift_right_logical3A_314 : vector<16xi32>
      %or3A_316 = arith.ori %shift_left3A_312, %shift_right_logical3A_315 : vector<16xi32>
      %xor3A_317 = arith.xori %add3A_309, %or3A_316 : vector<16xi32>
      %add3A_318 = arith.addi %add3A_309, %xor3A_317 : vector<16xi32>
      %shift_left3A_319 = arith.constant 16 : i32
      %shift_left3A_320 = vector.broadcast %shift_left3A_319 : i32 to vector<16xi32>
      %shift_left3A_321 = arith.shli %xor3A_317, %shift_left3A_320 : vector<16xi32>
      %shift_right_logical3A_322 = arith.constant 16 : i32
      %shift_right_logical3A_323 = vector.broadcast %shift_right_logical3A_322 : i32 to vector<16xi32>
      %shift_right_logical3A_324 = arith.shrui %xor3A_317, %shift_right_logical3A_323 : vector<16xi32>
      %or3A_325 = arith.ori %shift_left3A_321, %shift_right_logical3A_324 : vector<16xi32>
      %xor3A_326 = arith.xori %add3A_318, %or3A_325 : vector<16xi32>
      %add3A_327 = arith.addi %add3A_318, %xor3A_326 : vector<16xi32>
      %shift_left3A_328 = arith.constant 24 : i32
      %shift_left3A_329 = vector.broadcast %shift_left3A_328 : i32 to vector<16xi32>
      %shift_left3A_330 = arith.shli %xor3A_326, %shift_left3A_329 : vector<16xi32>
      %shift_right_logical3A_331 = arith.constant 8 : i32
      %shift_right_logical3A_332 = vector.broadcast %shift_right_logical3A_331 : i32 to vector<16xi32>
      %shift_right_logical3A_333 = arith.shrui %xor3A_326, %shift_right_logical3A_332 : vector<16xi32>
      %or3A_334 = arith.ori %shift_left3A_330, %shift_right_logical3A_333 : vector<16xi32>
      %xor3A_335 = arith.xori %add3A_327, %or3A_334 : vector<16xi32>
      %add3A_336 = arith.constant -1378843660 : i32
      %add3A_337 = vector.broadcast %add3A_336 : i32 to vector<16xi32>
      %add3A_338 = arith.addi %add3A_327, %add3A_337 : vector<16xi32>
      %add3A_339 = arith.constant -1244255481 : i32
      %add3A_340 = vector.broadcast %add3A_339 : i32 to vector<16xi32>
      %add3A_341 = arith.addi %xor3A_335, %add3A_340 : vector<16xi32>
      %add3A_342 = arith.addi %add3A_338, %add3A_341 : vector<16xi32>
      %shift_left3A_343 = arith.constant 13 : i32
      %shift_left3A_344 = vector.broadcast %shift_left3A_343 : i32 to vector<16xi32>
      %shift_left3A_345 = arith.shli %add3A_341, %shift_left3A_344 : vector<16xi32>
      %shift_right_logical3A_346 = arith.constant 19 : i32
      %shift_right_logical3A_347 = vector.broadcast %shift_right_logical3A_346 : i32 to vector<16xi32>
      %shift_right_logical3A_348 = arith.shrui %add3A_341, %shift_right_logical3A_347 : vector<16xi32>
      %or3A_349 = arith.ori %shift_left3A_345, %shift_right_logical3A_348 : vector<16xi32>
      %xor3A_350 = arith.xori %add3A_342, %or3A_349 : vector<16xi32>
      %add3A_351 = arith.addi %add3A_342, %xor3A_350 : vector<16xi32>
      %shift_left3A_352 = arith.constant 15 : i32
      %shift_left3A_353 = vector.broadcast %shift_left3A_352 : i32 to vector<16xi32>
      %shift_left3A_354 = arith.shli %xor3A_350, %shift_left3A_353 : vector<16xi32>
      %shift_right_logical3A_355 = arith.constant 17 : i32
      %shift_right_logical3A_356 = vector.broadcast %shift_right_logical3A_355 : i32 to vector<16xi32>
      %shift_right_logical3A_357 = arith.shrui %xor3A_350, %shift_right_logical3A_356 : vector<16xi32>
      %or3A_358 = arith.ori %shift_left3A_354, %shift_right_logical3A_357 : vector<16xi32>
      %xor3A_359 = arith.xori %add3A_351, %or3A_358 : vector<16xi32>
      %add3A_360 = arith.addi %add3A_351, %xor3A_359 : vector<16xi32>
      %shift_left3A_361 = arith.constant 26 : i32
      %shift_left3A_362 = vector.broadcast %shift_left3A_361 : i32 to vector<16xi32>
      %shift_left3A_363 = arith.shli %xor3A_359, %shift_left3A_362 : vector<16xi32>
      %shift_right_logical3A_364 = arith.constant 6 : i32
      %shift_right_logical3A_365 = vector.broadcast %shift_right_logical3A_364 : i32 to vector<16xi32>
      %shift_right_logical3A_366 = arith.shrui %xor3A_359, %shift_right_logical3A_365 : vector<16xi32>
      %or3A_367 = arith.ori %shift_left3A_363, %shift_right_logical3A_366 : vector<16xi32>
      %xor3A_368 = arith.xori %add3A_360, %or3A_367 : vector<16xi32>
      %add3A_369 = arith.addi %add3A_360, %xor3A_368 : vector<16xi32>
      %shift_left3A_370 = arith.constant 6 : i32
      %shift_left3A_371 = vector.broadcast %shift_left3A_370 : i32 to vector<16xi32>
      %shift_left3A_372 = arith.shli %xor3A_368, %shift_left3A_371 : vector<16xi32>
      %shift_right_logical3A_373 = arith.constant 26 : i32
      %shift_right_logical3A_374 = vector.broadcast %shift_right_logical3A_373 : i32 to vector<16xi32>
      %shift_right_logical3A_375 = arith.shrui %xor3A_368, %shift_right_logical3A_374 : vector<16xi32>
      %or3A_376 = arith.ori %shift_left3A_372, %shift_right_logical3A_375 : vector<16xi32>
      %xor3A_377 = arith.xori %add3A_369, %or3A_376 : vector<16xi32>
      %add3A_378 = arith.constant -1244255485 : i32
      %add3A_379 = vector.broadcast %add3A_378 : i32 to vector<16xi32>
      %add3A_380 = arith.addi %add3A_369, %add3A_379 : vector<16xi32>
      %add3A_381 = arith.constant 64467762 : i32
      %add3A_382 = vector.broadcast %add3A_381 : i32 to vector<16xi32>
      %add3A_383 = arith.addi %xor3A_377, %add3A_382 : vector<16xi32>
      %xor3A_384 = arith.xori %add3A_380, %add3A_383 : vector<16xi32>
      %mul3A_385 = arith.constant 128 : i32
      %mul3A_386 = arith.muli %select_n3A_148, %mul3A_385 : i32
      %mul3A_387 = arith.constant 16 : i32
      %mul3A_388 = arith.muli %select_n3A_164, %mul3A_387 : i32
      %add3A_389 = arith.addi %mul3A_386, %mul3A_388 : i32
      %swap3A = arith.constant 2 : i32
      %swap3A_390 = arith.index_cast %swap3A : i32 to index
      %swap3A_391 = arith.index_cast %add3A_389 : i32 to index
      %swap3A_392 = tpu.vector_load %arg3[%swap3A_390, %swap3A_391] {strides = array<i32>} : memref<8x1024xi32, #tpu.memory_space<vmem>>, vector<1x16xi32>,
      %swap3A_393 = vector.shape_cast %swap3A_392 : vector<1x16xi32> to vector<16xi32>
      %swap3A_394 = vector.shape_cast %xor3A_384 : vector<16xi32> to vector<1x16xi32>
      tpu.vector_store %arg3[%swap3A_390, %swap3A_391], %swap3A_394 {strides = array<i32>} : memref<8x1024xi32, #tpu.memory_space<vmem>>, vector<1x16xi32>,
    }
    %scan3A_64 = arith.constant 64 : i32
    %mul3A_65 = arith.constant 8 : i32
    %mul3A_66 = arith.muli %select_n3A, %mul3A_65 : i32
    %add3A_67 = arith.constant 3 : i32
    %add3A_68 = arith.addi %mul3A_66, %add3A_67 : i32
    %scan3A_69 = arith.constant 0 : i32
    %scan3A_70 = arith.constant -1378843660 : i32
    %scan3A_71 = arith.constant 0 : i32
    %scan3A_72 = arith.constant 64 : i32
    %scan3A_73 = arith.addi %scan3A_71, %scan3A_72 : i32
    %scan3A_74 = arith.constant 1 : i32
    scf.for %scan3A_124 = %scan3A_71 to %scan3A_73 step %scan3A_74  : i32 {
      %jit3A_125 = arith.constant 8 : i32
      %div3A_126 = arith.divsi %scan3A_124, %jit3A_125 : i32
      %sign3A_127 = arith.constant 0 : i32
      %sign3A_128 = arith.cmpi sgt, %scan3A_124, %sign3A_127 : i32
      %sign3A_129 = arith.extui %sign3A_128 : i1 to i32
      %sign3A_130 = arith.constant 0 : i32
      %sign3A_131 = arith.cmpi slt, %scan3A_124, %sign3A_130 : i32
      %sign3A_132 = arith.extui %sign3A_131 : i1 to i32
      %sign3A_133 = arith.subi %sign3A_129, %sign3A_132 : i32
      %sign3A_134 = arith.constant 0 : i32
      %sign3A_135 = arith.cmpi sgt, %jit3A_125, %sign3A_134 : i32
      %sign3A_136 = arith.extui %sign3A_135 : i1 to i32
      %sign3A_137 = arith.constant 0 : i32
      %sign3A_138 = arith.cmpi slt, %jit3A_125, %sign3A_137 : i32
      %sign3A_139 = arith.extui %sign3A_138 : i1 to i32
      %sign3A_140 = arith.subi %sign3A_136, %sign3A_139 : i32
      %ne3A_141 = arith.cmpi ne, %sign3A_133, %sign3A_140 : i32
      %rem3A_142 = arith.remsi %scan3A_124, %jit3A_125 : i32
      %ne3A_143 = arith.constant 0 : i32
      %ne3A_144 = arith.cmpi ne, %rem3A_142, %ne3A_143 : i32
      %and3A_145 = arith.andi %ne3A_141, %ne3A_144 : i1
      %sub3A_146 = arith.constant 1 : i32
      %sub3A_147 = arith.subi %div3A_126, %sub3A_146 : i32
      %select_n3A_148 = arith.select %and3A_145, %sub3A_147, %div3A_126 : i32
      %jit3A_149 = arith.constant 8 : i32
      %eq3A_150 = arith.constant 0 : i32
      %eq3A_151 = arith.cmpi eq, %jit3A_149, %eq3A_150 : i32
      %jit3A_152 = arith.constant 1 : i32
      %select_n3A_153 = arith.select %eq3A_151, %jit3A_152, %jit3A_149 : i32
      %rem3A_154 = arith.remsi %scan3A_124, %select_n3A_153 : i32
      %ne3A_155 = arith.constant 0 : i32
      %ne3A_156 = arith.cmpi ne, %rem3A_154, %ne3A_155 : i32
      %lt3A_157 = arith.constant 0 : i32
      %lt3A_158 = arith.cmpi slt, %rem3A_154, %lt3A_157 : i32
      %lt3A_159 = arith.constant 0 : i32
      %lt3A_160 = arith.cmpi slt, %select_n3A_153, %lt3A_159 : i32
      %ne3A_161 = arith.xori %lt3A_158, %lt3A_160 : i1
      %and3A_162 = arith.andi %ne3A_161, %ne3A_156 : i1
      %add3A_163 = arith.addi %rem3A_154, %select_n3A_153 : i32
      %select_n3A_164 = arith.select %and3A_162, %add3A_163, %rem3A_154 : i32
      %add3A_165 = arith.addi %mul3A_32, %select_n3A_148 : i32
      %mul3A_166 = arith.constant 128 : i32
      %mul3A_167 = arith.muli %add3A_165, %mul3A_166 : i32
      %mul3A_168 = arith.constant 16 : i32
      %mul3A_169 = arith.muli %select_n3A_164, %mul3A_168 : i32
      %add3A_170 = arith.addi %mul3A_167, %mul3A_169 : i32
      %mul3A_171 = arith.constant 8192 : i32
      %mul3A_172 = arith.muli %add3A_68, %mul3A_171 : i32
      %add3A_173 = arith.addi %mul3A_172, %add3A_170 : i32
      %add3A_174 = arith.addi %add3A_173, %scan3A_70 : i32
      %add3A_175 = vector.broadcast %add3A_174 : i32 to vector<16xi32>
      %add3A_176 = arith.addi %add3A_175, %iota3A : vector<16xi32>
      %broadcast_in_dim3A = arith.constant 64467757 : i32
      %broadcast_in_dim3A_177 = vector.broadcast %broadcast_in_dim3A : i32 to vector<16xi32>
      %add3A_178 = arith.addi %broadcast_in_dim3A_177, %add3A_176 : vector<16xi32>
      %shift_left3A = arith.constant 13 : i32
      %shift_left3A_179 = vector.broadcast %shift_left3A : i32 to vector<16xi32>
      %shift_left3A_180 = arith.shli %add3A_176, %shift_left3A_179 : vector<16xi32>
      %shift_right_logical3A = arith.constant 19 : i32
      %shift_right_logical3A_181 = vector.broadcast %shift_right_logical3A : i32 to vector<16xi32>
      %shift_right_logical3A_182 = arith.shrui %add3A_176, %shift_right_logical3A_181 : vector<16xi32>
      %or3A = arith.ori %shift_left3A_180, %shift_right_logical3A_182 : vector<16xi32>
      %xor3A = arith.xori %add3A_178, %or3A : vector<16xi32>
      %add3A_183 = arith.addi %add3A_178, %xor3A : vector<16xi32>
      %shift_left3A_184 = arith.constant 15 : i32
      %shift_left3A_185 = vector.broadcast %shift_left3A_184 : i32 to vector<16xi32>
      %shift_left3A_186 = arith.shli %xor3A, %shift_left3A_185 : vector<16xi32>
      %shift_right_logical3A_187 = arith.constant 17 : i32
      %shift_right_logical3A_188 = vector.broadcast %shift_right_logical3A_187 : i32 to vector<16xi32>
      %shift_right_logical3A_189 = arith.shrui %xor3A, %shift_right_logical3A_188 : vector<16xi32>
      %or3A_190 = arith.ori %shift_left3A_186, %shift_right_logical3A_189 : vector<16xi32>
      %xor3A_191 = arith.xori %add3A_183, %or3A_190 : vector<16xi32>
      %add3A_192 = arith.addi %add3A_183, %xor3A_191 : vector<16xi32>
      %shift_left3A_193 = arith.constant 26 : i32
      %shift_left3A_194 = vector.broadcast %shift_left3A_193 : i32 to vector<16xi32>
      %shift_left3A_195 = arith.shli %xor3A_191, %shift_left3A_194 : vector<16xi32>
      %shift_right_logical3A_196 = arith.constant 6 : i32
      %shift_right_logical3A_197 = vector.broadcast %shift_right_logical3A_196 : i32 to vector<16xi32>
      %shift_right_logical3A_198 = arith.shrui %xor3A_191, %shift_right_logical3A_197 : vector<16xi32>
      %or3A_199 = arith.ori %shift_left3A_195, %shift_right_logical3A_198 : vector<16xi32>
      %xor3A_200 = arith.xori %add3A_192, %or3A_199 : vector<16xi32>
      %add3A_201 = arith.addi %add3A_192, %xor3A_200 : vector<16xi32>
      %shift_left3A_202 = arith.constant 6 : i32
      %shift_left3A_203 = vector.broadcast %shift_left3A_202 : i32 to vector<16xi32>
      %shift_left3A_204 = arith.shli %xor3A_200, %shift_left3A_203 : vector<16xi32>
      %shift_right_logical3A_205 = arith.constant 26 : i32
      %shift_right_logical3A_206 = vector.broadcast %shift_right_logical3A_205 : i32 to vector<16xi32>
      %shift_right_logical3A_207 = arith.shrui %xor3A_200, %shift_right_logical3A_206 : vector<16xi32>
      %or3A_208 = arith.ori %shift_left3A_204, %shift_right_logical3A_207 : vector<16xi32>
      %xor3A_209 = arith.xori %add3A_201, %or3A_208 : vector<16xi32>
      %add3A_210 = arith.constant -1378843660 : i32
      %add3A_211 = vector.broadcast %add3A_210 : i32 to vector<16xi32>
      %add3A_212 = arith.addi %add3A_201, %add3A_211 : vector<16xi32>
      %add3A_213 = arith.constant -1244255484 : i32
      %add3A_214 = vector.broadcast %add3A_213 : i32 to vector<16xi32>
      %add3A_215 = arith.addi %xor3A_209, %add3A_214 : vector<16xi32>
      %add3A_216 = arith.addi %add3A_212, %add3A_215 : vector<16xi32>
      %shift_left3A_217 = arith.constant 17 : i32
      %shift_left3A_218 = vector.broadcast %shift_left3A_217 : i32 to vector<16xi32>
      %shift_left3A_219 = arith.shli %add3A_215, %shift_left3A_218 : vector<16xi32>
      %shift_right_logical3A_220 = arith.constant 15 : i32
      %shift_right_logical3A_221 = vector.broadcast %shift_right_logical3A_220 : i32 to vector<16xi32>
      %shift_right_logical3A_222 = arith.shrui %add3A_215, %shift_right_logical3A_221 : vector<16xi32>
      %or3A_223 = arith.ori %shift_left3A_219, %shift_right_logical3A_222 : vector<16xi32>
      %xor3A_224 = arith.xori %add3A_216, %or3A_223 : vector<16xi32>
      %add3A_225 = arith.addi %add3A_216, %xor3A_224 : vector<16xi32>
      %shift_left3A_226 = arith.constant 29 : i32
      %shift_left3A_227 = vector.broadcast %shift_left3A_226 : i32 to vector<16xi32>
      %shift_left3A_228 = arith.shli %xor3A_224, %shift_left3A_227 : vector<16xi32>
      %shift_right_logical3A_229 = arith.constant 3 : i32
      %shift_right_logical3A_230 = vector.broadcast %shift_right_logical3A_229 : i32 to vector<16xi32>
      %shift_right_logical3A_231 = arith.shrui %xor3A_224, %shift_right_logical3A_230 : vector<16xi32>
      %or3A_232 = arith.ori %shift_left3A_228, %shift_right_logical3A_231 : vector<16xi32>
      %xor3A_233 = arith.xori %add3A_225, %or3A_232 : vector<16xi32>
      %add3A_234 = arith.addi %add3A_225, %xor3A_233 : vector<16xi32>
      %shift_left3A_235 = arith.constant 16 : i32
      %shift_left3A_236 = vector.broadcast %shift_left3A_235 : i32 to vector<16xi32>
      %shift_left3A_237 = arith.shli %xor3A_233, %shift_left3A_236 : vector<16xi32>
      %shift_right_logical3A_238 = arith.constant 16 : i32
      %shift_right_logical3A_239 = vector.broadcast %shift_right_logical3A_238 : i32 to vector<16xi32>
      %shift_right_logical3A_240 = arith.shrui %xor3A_233, %shift_right_logical3A_239 : vector<16xi32>
      %or3A_241 = arith.ori %shift_left3A_237, %shift_right_logical3A_240 : vector<16xi32>
      %xor3A_242 = arith.xori %add3A_234, %or3A_241 : vector<16xi32>
      %add3A_243 = arith.addi %add3A_234, %xor3A_242 : vector<16xi32>
      %shift_left3A_244 = arith.constant 24 : i32
      %shift_left3A_245 = vector.broadcast %shift_left3A_244 : i32 to vector<16xi32>
      %shift_left3A_246 = arith.shli %xor3A_242, %shift_left3A_245 : vector<16xi32>
      %shift_right_logical3A_247 = arith.constant 8 : i32
      %shift_right_logical3A_248 = vector.broadcast %shift_right_logical3A_247 : i32 to vector<16xi32>
      %shift_right_logical3A_249 = arith.shrui %xor3A_242, %shift_right_logical3A_248 : vector<16xi32>
      %or3A_250 = arith.ori %shift_left3A_246, %shift_right_logical3A_249 : vector<16xi32>
      %xor3A_251 = arith.xori %add3A_243, %or3A_250 : vector<16xi32>
      %add3A_252 = arith.constant -1244255485 : i32
      %add3A_253 = vector.broadcast %add3A_252 : i32 to vector<16xi32>
      %add3A_254 = arith.addi %add3A_243, %add3A_253 : vector<16xi32>
      %add3A_255 = arith.constant 64467759 : i32
      %add3A_256 = vector.broadcast %add3A_255 : i32 to vector<16xi32>
      %add3A_257 = arith.addi %xor3A_251, %add3A_256 : vector<16xi32>
      %add3A_258 = arith.addi %add3A_254, %add3A_257 : vector<16xi32>
      %shift_left3A_259 = arith.constant 13 : i32
      %shift_left3A_260 = vector.broadcast %shift_left3A_259 : i32 to vector<16xi32>
      %shift_left3A_261 = arith.shli %add3A_257, %shift_left3A_260 : vector<16xi32>
      %shift_right_logical3A_262 = arith.constant 19 : i32
      %shift_right_logical3A_263 = vector.broadcast %shift_right_logical3A_262 : i32 to vector<16xi32>
      %shift_right_logical3A_264 = arith.shrui %add3A_257, %shift_right_logical3A_263 : vector<16xi32>
      %or3A_265 = arith.ori %shift_left3A_261, %shift_right_logical3A_264 : vector<16xi32>
      %xor3A_266 = arith.xori %add3A_258, %or3A_265 : vector<16xi32>
      %add3A_267 = arith.addi %add3A_258, %xor3A_266 : vector<16xi32>
      %shift_left3A_268 = arith.constant 15 : i32
      %shift_left3A_269 = vector.broadcast %shift_left3A_268 : i32 to vector<16xi32>
      %shift_left3A_270 = arith.shli %xor3A_266, %shift_left3A_269 : vector<16xi32>
      %shift_right_logical3A_271 = arith.constant 17 : i32
      %shift_right_logical3A_272 = vector.broadcast %shift_right_logical3A_271 : i32 to vector<16xi32>
      %shift_right_logical3A_273 = arith.shrui %xor3A_266, %shift_right_logical3A_272 : vector<16xi32>
      %or3A_274 = arith.ori %shift_left3A_270, %shift_right_logical3A_273 : vector<16xi32>
      %xor3A_275 = arith.xori %add3A_267, %or3A_274 : vector<16xi32>
      %add3A_276 = arith.addi %add3A_267, %xor3A_275 : vector<16xi32>
      %shift_left3A_277 = arith.constant 26 : i32
      %shift_left3A_278 = vector.broadcast %shift_left3A_277 : i32 to vector<16xi32>
      %shift_left3A_279 = arith.shli %xor3A_275, %shift_left3A_278 : vector<16xi32>
      %shift_right_logical3A_280 = arith.constant 6 : i32
      %shift_right_logical3A_281 = vector.broadcast %shift_right_logical3A_280 : i32 to vector<16xi32>
      %shift_right_logical3A_282 = arith.shrui %xor3A_275, %shift_right_logical3A_281 : vector<16xi32>
      %or3A_283 = arith.ori %shift_left3A_279, %shift_right_logical3A_282 : vector<16xi32>
      %xor3A_284 = arith.xori %add3A_276, %or3A_283 : vector<16xi32>
      %add3A_285 = arith.addi %add3A_276, %xor3A_284 : vector<16xi32>
      %shift_left3A_286 = arith.constant 6 : i32
      %shift_left3A_287 = vector.broadcast %shift_left3A_286 : i32 to vector<16xi32>
      %shift_left3A_288 = arith.shli %xor3A_284, %shift_left3A_287 : vector<16xi32>
      %shift_right_logical3A_289 = arith.constant 26 : i32
      %shift_right_logical3A_290 = vector.broadcast %shift_right_logical3A_289 : i32 to vector<16xi32>
      %shift_right_logical3A_291 = arith.shrui %xor3A_284, %shift_right_logical3A_290 : vector<16xi32>
      %or3A_292 = arith.ori %shift_left3A_288, %shift_right_logical3A_291 : vector<16xi32>
      %xor3A_293 = arith.xori %add3A_285, %or3A_292 : vector<16xi32>
      %add3A_294 = arith.constant 64467757 : i32
      %add3A_295 = vector.broadcast %add3A_294 : i32 to vector<16xi32>
      %add3A_296 = arith.addi %add3A_285, %add3A_295 : vector<16xi32>
      %add3A_297 = arith.constant -1378843657 : i32
      %add3A_298 = vector.broadcast %add3A_297 : i32 to vector<16xi32>
      %add3A_299 = arith.addi %xor3A_293, %add3A_298 : vector<16xi32>
      %add3A_300 = arith.addi %add3A_296, %add3A_299 : vector<16xi32>
      %shift_left3A_301 = arith.constant 17 : i32
      %shift_left3A_302 = vector.broadcast %shift_left3A_301 : i32 to vector<16xi32>
      %shift_left3A_303 = arith.shli %add3A_299, %shift_left3A_302 : vector<16xi32>
      %shift_right_logical3A_304 = arith.constant 15 : i32
      %shift_right_logical3A_305 = vector.broadcast %shift_right_logical3A_304 : i32 to vector<16xi32>
      %shift_right_logical3A_306 = arith.shrui %add3A_299, %shift_right_logical3A_305 : vector<16xi32>
      %or3A_307 = arith.ori %shift_left3A_303, %shift_right_logical3A_306 : vector<16xi32>
      %xor3A_308 = arith.xori %add3A_300, %or3A_307 : vector<16xi32>
      %add3A_309 = arith.addi %add3A_300, %xor3A_308 : vector<16xi32>
      %shift_left3A_310 = arith.constant 29 : i32
      %shift_left3A_311 = vector.broadcast %shift_left3A_310 : i32 to vector<16xi32>
      %shift_left3A_312 = arith.shli %xor3A_308, %shift_left3A_311 : vector<16xi32>
      %shift_right_logical3A_313 = arith.constant 3 : i32
      %shift_right_logical3A_314 = vector.broadcast %shift_right_logical3A_313 : i32 to vector<16xi32>
      %shift_right_logical3A_315 = arith.shrui %xor3A_308, %shift_right_logical3A_314 : vector<16xi32>
      %or3A_316 = arith.ori %shift_left3A_312, %shift_right_logical3A_315 : vector<16xi32>
      %xor3A_317 = arith.xori %add3A_309, %or3A_316 : vector<16xi32>
      %add3A_318 = arith.addi %add3A_309, %xor3A_317 : vector<16xi32>
      %shift_left3A_319 = arith.constant 16 : i32
      %shift_left3A_320 = vector.broadcast %shift_left3A_319 : i32 to vector<16xi32>
      %shift_left3A_321 = arith.shli %xor3A_317, %shift_left3A_320 : vector<16xi32>
      %shift_right_logical3A_322 = arith.constant 16 : i32
      %shift_right_logical3A_323 = vector.broadcast %shift_right_logical3A_322 : i32 to vector<16xi32>
      %shift_right_logical3A_324 = arith.shrui %xor3A_317, %shift_right_logical3A_323 : vector<16xi32>
      %or3A_325 = arith.ori %shift_left3A_321, %shift_right_logical3A_324 : vector<16xi32>
      %xor3A_326 = arith.xori %add3A_318, %or3A_325 : vector<16xi32>
      %add3A_327 = arith.addi %add3A_318, %xor3A_326 : vector<16xi32>
      %shift_left3A_328 = arith.constant 24 : i32
      %shift_left3A_329 = vector.broadcast %shift_left3A_328 : i32 to vector<16xi32>
      %shift_left3A_330 = arith.shli %xor3A_326, %shift_left3A_329 : vector<16xi32>
      %shift_right_logical3A_331 = arith.constant 8 : i32
      %shift_right_logical3A_332 = vector.broadcast %shift_right_logical3A_331 : i32 to vector<16xi32>
      %shift_right_logical3A_333 = arith.shrui %xor3A_326, %shift_right_logical3A_332 : vector<16xi32>
      %or3A_334 = arith.ori %shift_left3A_330, %shift_right_logical3A_333 : vector<16xi32>
      %xor3A_335 = arith.xori %add3A_327, %or3A_334 : vector<16xi32>
      %add3A_336 = arith.constant -1378843660 : i32
      %add3A_337 = vector.broadcast %add3A_336 : i32 to vector<16xi32>
      %add3A_338 = arith.addi %add3A_327, %add3A_337 : vector<16xi32>
      %add3A_339 = arith.constant -1244255481 : i32
      %add3A_340 = vector.broadcast %add3A_339 : i32 to vector<16xi32>
      %add3A_341 = arith.addi %xor3A_335, %add3A_340 : vector<16xi32>
      %add3A_342 = arith.addi %add3A_338, %add3A_341 : vector<16xi32>
      %shift_left3A_343 = arith.constant 13 : i32
      %shift_left3A_344 = vector.broadcast %shift_left3A_343 : i32 to vector<16xi32>
      %shift_left3A_345 = arith.shli %add3A_341, %shift_left3A_344 : vector<16xi32>
      %shift_right_logical3A_346 = arith.constant 19 : i32
      %shift_right_logical3A_347 = vector.broadcast %shift_right_logical3A_346 : i32 to vector<16xi32>
      %shift_right_logical3A_348 = arith.shrui %add3A_341, %shift_right_logical3A_347 : vector<16xi32>
      %or3A_349 = arith.ori %shift_left3A_345, %shift_right_logical3A_348 : vector<16xi32>
      %xor3A_350 = arith.xori %add3A_342, %or3A_349 : vector<16xi32>
      %add3A_351 = arith.addi %add3A_342, %xor3A_350 : vector<16xi32>
      %shift_left3A_352 = arith.constant 15 : i32
      %shift_left3A_353 = vector.broadcast %shift_left3A_352 : i32 to vector<16xi32>
      %shift_left3A_354 = arith.shli %xor3A_350, %shift_left3A_353 : vector<16xi32>
      %shift_right_logical3A_355 = arith.constant 17 : i32
      %shift_right_logical3A_356 = vector.broadcast %shift_right_logical3A_355 : i32 to vector<16xi32>
      %shift_right_logical3A_357 = arith.shrui %xor3A_350, %shift_right_logical3A_356 : vector<16xi32>
      %or3A_358 = arith.ori %shift_left3A_354, %shift_right_logical3A_357 : vector<16xi32>
      %xor3A_359 = arith.xori %add3A_351, %or3A_358 : vector<16xi32>
      %add3A_360 = arith.addi %add3A_351, %xor3A_359 : vector<16xi32>
      %shift_left3A_361 = arith.constant 26 : i32
      %shift_left3A_362 = vector.broadcast %shift_left3A_361 : i32 to vector<16xi32>
      %shift_left3A_363 = arith.shli %xor3A_359, %shift_left3A_362 : vector<16xi32>
      %shift_right_logical3A_364 = arith.constant 6 : i32
      %shift_right_logical3A_365 = vector.broadcast %shift_right_logical3A_364 : i32 to vector<16xi32>
      %shift_right_logical3A_366 = arith.shrui %xor3A_359, %shift_right_logical3A_365 : vector<16xi32>
      %or3A_367 = arith.ori %shift_left3A_363, %shift_right_logical3A_366 : vector<16xi32>
      %xor3A_368 = arith.xori %add3A_360, %or3A_367 : vector<16xi32>
      %add3A_369 = arith.addi %add3A_360, %xor3A_368 : vector<16xi32>
      %shift_left3A_370 = arith.constant 6 : i32
      %shift_left3A_371 = vector.broadcast %shift_left3A_370 : i32 to vector<16xi32>
      %shift_left3A_372 = arith.shli %xor3A_368, %shift_left3A_371 : vector<16xi32>
      %shift_right_logical3A_373 = arith.constant 26 : i32
      %shift_right_logical3A_374 = vector.broadcast %shift_right_logical3A_373 : i32 to vector<16xi32>
      %shift_right_logical3A_375 = arith.shrui %xor3A_368, %shift_right_logical3A_374 : vector<16xi32>
      %or3A_376 = arith.ori %shift_left3A_372, %shift_right_logical3A_375 : vector<16xi32>
      %xor3A_377 = arith.xori %add3A_369, %or3A_376 : vector<16xi32>
      %add3A_378 = arith.constant -1244255485 : i32
      %add3A_379 = vector.broadcast %add3A_378 : i32 to vector<16xi32>
      %add3A_380 = arith.addi %add3A_369, %add3A_379 : vector<16xi32>
      %add3A_381 = arith.constant 64467762 : i32
      %add3A_382 = vector.broadcast %add3A_381 : i32 to vector<16xi32>
      %add3A_383 = arith.addi %xor3A_377, %add3A_382 : vector<16xi32>
      %xor3A_384 = arith.xori %add3A_380, %add3A_383 : vector<16xi32>
      %mul3A_385 = arith.constant 128 : i32
      %mul3A_386 = arith.muli %select_n3A_148, %mul3A_385 : i32
      %mul3A_387 = arith.constant 16 : i32
      %mul3A_388 = arith.muli %select_n3A_164, %mul3A_387 : i32
      %add3A_389 = arith.addi %mul3A_386, %mul3A_388 : i32
      %swap3A = arith.constant 3 : i32
      %swap3A_390 = arith.index_cast %swap3A : i32 to index
      %swap3A_391 = arith.index_cast %add3A_389 : i32 to index
      %swap3A_392 = tpu.vector_load %arg3[%swap3A_390, %swap3A_391] {strides = array<i32>} : memref<8x1024xi32, #tpu.memory_space<vmem>>, vector<1x16xi32>,
      %swap3A_393 = vector.shape_cast %swap3A_392 : vector<1x16xi32> to vector<16xi32>
      %swap3A_394 = vector.shape_cast %xor3A_384 : vector<16xi32> to vector<1x16xi32>
      tpu.vector_store %arg3[%swap3A_390, %swap3A_391], %swap3A_394 {strides = array<i32>} : memref<8x1024xi32, #tpu.memory_space<vmem>>, vector<1x16xi32>,
    }
    %scan3A_75 = arith.constant 64 : i32
    %mul3A_76 = arith.constant 8 : i32
    %mul3A_77 = arith.muli %select_n3A, %mul3A_76 : i32
    %add3A_78 = arith.constant 4 : i32
    %add3A_79 = arith.addi %mul3A_77, %add3A_78 : i32
    %scan3A_80 = arith.constant 0 : i32
    %scan3A_81 = arith.constant -1378843660 : i32
    %scan3A_82 = arith.constant 0 : i32
    %scan3A_83 = arith.constant 64 : i32
    %scan3A_84 = arith.addi %scan3A_82, %scan3A_83 : i32
    %scan3A_85 = arith.constant 1 : i32
    scf.for %scan3A_124 = %scan3A_82 to %scan3A_84 step %scan3A_85  : i32 {
      %jit3A_125 = arith.constant 8 : i32
      %div3A_126 = arith.divsi %scan3A_124, %jit3A_125 : i32
      %sign3A_127 = arith.constant 0 : i32
      %sign3A_128 = arith.cmpi sgt, %scan3A_124, %sign3A_127 : i32
      %sign3A_129 = arith.extui %sign3A_128 : i1 to i32
      %sign3A_130 = arith.constant 0 : i32
      %sign3A_131 = arith.cmpi slt, %scan3A_124, %sign3A_130 : i32
      %sign3A_132 = arith.extui %sign3A_131 : i1 to i32
      %sign3A_133 = arith.subi %sign3A_129, %sign3A_132 : i32
      %sign3A_134 = arith.constant 0 : i32
      %sign3A_135 = arith.cmpi sgt, %jit3A_125, %sign3A_134 : i32
      %sign3A_136 = arith.extui %sign3A_135 : i1 to i32
      %sign3A_137 = arith.constant 0 : i32
      %sign3A_138 = arith.cmpi slt, %jit3A_125, %sign3A_137 : i32
      %sign3A_139 = arith.extui %sign3A_138 : i1 to i32
      %sign3A_140 = arith.subi %sign3A_136, %sign3A_139 : i32
      %ne3A_141 = arith.cmpi ne, %sign3A_133, %sign3A_140 : i32
      %rem3A_142 = arith.remsi %scan3A_124, %jit3A_125 : i32
      %ne3A_143 = arith.constant 0 : i32
      %ne3A_144 = arith.cmpi ne, %rem3A_142, %ne3A_143 : i32
      %and3A_145 = arith.andi %ne3A_141, %ne3A_144 : i1
      %sub3A_146 = arith.constant 1 : i32
      %sub3A_147 = arith.subi %div3A_126, %sub3A_146 : i32
      %select_n3A_148 = arith.select %and3A_145, %sub3A_147, %div3A_126 : i32
      %jit3A_149 = arith.constant 8 : i32
      %eq3A_150 = arith.constant 0 : i32
      %eq3A_151 = arith.cmpi eq, %jit3A_149, %eq3A_150 : i32
      %jit3A_152 = arith.constant 1 : i32
      %select_n3A_153 = arith.select %eq3A_151, %jit3A_152, %jit3A_149 : i32
      %rem3A_154 = arith.remsi %scan3A_124, %select_n3A_153 : i32
      %ne3A_155 = arith.constant 0 : i32
      %ne3A_156 = arith.cmpi ne, %rem3A_154, %ne3A_155 : i32
      %lt3A_157 = arith.constant 0 : i32
      %lt3A_158 = arith.cmpi slt, %rem3A_154, %lt3A_157 : i32
      %lt3A_159 = arith.constant 0 : i32
      %lt3A_160 = arith.cmpi slt, %select_n3A_153, %lt3A_159 : i32
      %ne3A_161 = arith.xori %lt3A_158, %lt3A_160 : i1
      %and3A_162 = arith.andi %ne3A_161, %ne3A_156 : i1
      %add3A_163 = arith.addi %rem3A_154, %select_n3A_153 : i32
      %select_n3A_164 = arith.select %and3A_162, %add3A_163, %rem3A_154 : i32
      %add3A_165 = arith.addi %mul3A_32, %select_n3A_148 : i32
      %mul3A_166 = arith.constant 128 : i32
      %mul3A_167 = arith.muli %add3A_165, %mul3A_166 : i32
      %mul3A_168 = arith.constant 16 : i32
      %mul3A_169 = arith.muli %select_n3A_164, %mul3A_168 : i32
      %add3A_170 = arith.addi %mul3A_167, %mul3A_169 : i32
      %mul3A_171 = arith.constant 8192 : i32
      %mul3A_172 = arith.muli %add3A_79, %mul3A_171 : i32
      %add3A_173 = arith.addi %mul3A_172, %add3A_170 : i32
      %add3A_174 = arith.addi %add3A_173, %scan3A_81 : i32
      %add3A_175 = vector.broadcast %add3A_174 : i32 to vector<16xi32>
      %add3A_176 = arith.addi %add3A_175, %iota3A : vector<16xi32>
      %broadcast_in_dim3A = arith.constant 64467757 : i32
      %broadcast_in_dim3A_177 = vector.broadcast %broadcast_in_dim3A : i32 to vector<16xi32>
      %add3A_178 = arith.addi %broadcast_in_dim3A_177, %add3A_176 : vector<16xi32>
      %shift_left3A = arith.constant 13 : i32
      %shift_left3A_179 = vector.broadcast %shift_left3A : i32 to vector<16xi32>
      %shift_left3A_180 = arith.shli %add3A_176, %shift_left3A_179 : vector<16xi32>
      %shift_right_logical3A = arith.constant 19 : i32
      %shift_right_logical3A_181 = vector.broadcast %shift_right_logical3A : i32 to vector<16xi32>
      %shift_right_logical3A_182 = arith.shrui %add3A_176, %shift_right_logical3A_181 : vector<16xi32>
      %or3A = arith.ori %shift_left3A_180, %shift_right_logical3A_182 : vector<16xi32>
      %xor3A = arith.xori %add3A_178, %or3A : vector<16xi32>
      %add3A_183 = arith.addi %add3A_178, %xor3A : vector<16xi32>
      %shift_left3A_184 = arith.constant 15 : i32
      %shift_left3A_185 = vector.broadcast %shift_left3A_184 : i32 to vector<16xi32>
      %shift_left3A_186 = arith.shli %xor3A, %shift_left3A_185 : vector<16xi32>
      %shift_right_logical3A_187 = arith.constant 17 : i32
      %shift_right_logical3A_188 = vector.broadcast %shift_right_logical3A_187 : i32 to vector<16xi32>
      %shift_right_logical3A_189 = arith.shrui %xor3A, %shift_right_logical3A_188 : vector<16xi32>
      %or3A_190 = arith.ori %shift_left3A_186, %shift_right_logical3A_189 : vector<16xi32>
      %xor3A_191 = arith.xori %add3A_183, %or3A_190 : vector<16xi32>
      %add3A_192 = arith.addi %add3A_183, %xor3A_191 : vector<16xi32>
      %shift_left3A_193 = arith.constant 26 : i32
      %shift_left3A_194 = vector.broadcast %shift_left3A_193 : i32 to vector<16xi32>
      %shift_left3A_195 = arith.shli %xor3A_191, %shift_left3A_194 : vector<16xi32>
      %shift_right_logical3A_196 = arith.constant 6 : i32
      %shift_right_logical3A_197 = vector.broadcast %shift_right_logical3A_196 : i32 to vector<16xi32>
      %shift_right_logical3A_198 = arith.shrui %xor3A_191, %shift_right_logical3A_197 : vector<16xi32>
      %or3A_199 = arith.ori %shift_left3A_195, %shift_right_logical3A_198 : vector<16xi32>
      %xor3A_200 = arith.xori %add3A_192, %or3A_199 : vector<16xi32>
      %add3A_201 = arith.addi %add3A_192, %xor3A_200 : vector<16xi32>
      %shift_left3A_202 = arith.constant 6 : i32
      %shift_left3A_203 = vector.broadcast %shift_left3A_202 : i32 to vector<16xi32>
      %shift_left3A_204 = arith.shli %xor3A_200, %shift_left3A_203 : vector<16xi32>
      %shift_right_logical3A_205 = arith.constant 26 : i32
      %shift_right_logical3A_206 = vector.broadcast %shift_right_logical3A_205 : i32 to vector<16xi32>
      %shift_right_logical3A_207 = arith.shrui %xor3A_200, %shift_right_logical3A_206 : vector<16xi32>
      %or3A_208 = arith.ori %shift_left3A_204, %shift_right_logical3A_207 : vector<16xi32>
      %xor3A_209 = arith.xori %add3A_201, %or3A_208 : vector<16xi32>
      %add3A_210 = arith.constant -1378843660 : i32
      %add3A_211 = vector.broadcast %add3A_210 : i32 to vector<16xi32>
      %add3A_212 = arith.addi %add3A_201, %add3A_211 : vector<16xi32>
      %add3A_213 = arith.constant -1244255484 : i32
      %add3A_214 = vector.broadcast %add3A_213 : i32 to vector<16xi32>
      %add3A_215 = arith.addi %xor3A_209, %add3A_214 : vector<16xi32>
      %add3A_216 = arith.addi %add3A_212, %add3A_215 : vector<16xi32>
      %shift_left3A_217 = arith.constant 17 : i32
      %shift_left3A_218 = vector.broadcast %shift_left3A_217 : i32 to vector<16xi32>
      %shift_left3A_219 = arith.shli %add3A_215, %shift_left3A_218 : vector<16xi32>
      %shift_right_logical3A_220 = arith.constant 15 : i32
      %shift_right_logical3A_221 = vector.broadcast %shift_right_logical3A_220 : i32 to vector<16xi32>
      %shift_right_logical3A_222 = arith.shrui %add3A_215, %shift_right_logical3A_221 : vector<16xi32>
      %or3A_223 = arith.ori %shift_left3A_219, %shift_right_logical3A_222 : vector<16xi32>
      %xor3A_224 = arith.xori %add3A_216, %or3A_223 : vector<16xi32>
      %add3A_225 = arith.addi %add3A_216, %xor3A_224 : vector<16xi32>
      %shift_left3A_226 = arith.constant 29 : i32
      %shift_left3A_227 = vector.broadcast %shift_left3A_226 : i32 to vector<16xi32>
      %shift_left3A_228 = arith.shli %xor3A_224, %shift_left3A_227 : vector<16xi32>
      %shift_right_logical3A_229 = arith.constant 3 : i32
      %shift_right_logical3A_230 = vector.broadcast %shift_right_logical3A_229 : i32 to vector<16xi32>
      %shift_right_logical3A_231 = arith.shrui %xor3A_224, %shift_right_logical3A_230 : vector<16xi32>
      %or3A_232 = arith.ori %shift_left3A_228, %shift_right_logical3A_231 : vector<16xi32>
      %xor3A_233 = arith.xori %add3A_225, %or3A_232 : vector<16xi32>
      %add3A_234 = arith.addi %add3A_225, %xor3A_233 : vector<16xi32>
      %shift_left3A_235 = arith.constant 16 : i32
      %shift_left3A_236 = vector.broadcast %shift_left3A_235 : i32 to vector<16xi32>
      %shift_left3A_237 = arith.shli %xor3A_233, %shift_left3A_236 : vector<16xi32>
      %shift_right_logical3A_238 = arith.constant 16 : i32
      %shift_right_logical3A_239 = vector.broadcast %shift_right_logical3A_238 : i32 to vector<16xi32>
      %shift_right_logical3A_240 = arith.shrui %xor3A_233, %shift_right_logical3A_239 : vector<16xi32>
      %or3A_241 = arith.ori %shift_left3A_237, %shift_right_logical3A_240 : vector<16xi32>
      %xor3A_242 = arith.xori %add3A_234, %or3A_241 : vector<16xi32>
      %add3A_243 = arith.addi %add3A_234, %xor3A_242 : vector<16xi32>
      %shift_left3A_244 = arith.constant 24 : i32
      %shift_left3A_245 = vector.broadcast %shift_left3A_244 : i32 to vector<16xi32>
      %shift_left3A_246 = arith.shli %xor3A_242, %shift_left3A_245 : vector<16xi32>
      %shift_right_logical3A_247 = arith.constant 8 : i32
      %shift_right_logical3A_248 = vector.broadcast %shift_right_logical3A_247 : i32 to vector<16xi32>
      %shift_right_logical3A_249 = arith.shrui %xor3A_242, %shift_right_logical3A_248 : vector<16xi32>
      %or3A_250 = arith.ori %shift_left3A_246, %shift_right_logical3A_249 : vector<16xi32>
      %xor3A_251 = arith.xori %add3A_243, %or3A_250 : vector<16xi32>
      %add3A_252 = arith.constant -1244255485 : i32
      %add3A_253 = vector.broadcast %add3A_252 : i32 to vector<16xi32>
      %add3A_254 = arith.addi %add3A_243, %add3A_253 : vector<16xi32>
      %add3A_255 = arith.constant 64467759 : i32
      %add3A_256 = vector.broadcast %add3A_255 : i32 to vector<16xi32>
      %add3A_257 = arith.addi %xor3A_251, %add3A_256 : vector<16xi32>
      %add3A_258 = arith.addi %add3A_254, %add3A_257 : vector<16xi32>
      %shift_left3A_259 = arith.constant 13 : i32
      %shift_left3A_260 = vector.broadcast %shift_left3A_259 : i32 to vector<16xi32>
      %shift_left3A_261 = arith.shli %add3A_257, %shift_left3A_260 : vector<16xi32>
      %shift_right_logical3A_262 = arith.constant 19 : i32
      %shift_right_logical3A_263 = vector.broadcast %shift_right_logical3A_262 : i32 to vector<16xi32>
      %shift_right_logical3A_264 = arith.shrui %add3A_257, %shift_right_logical3A_263 : vector<16xi32>
      %or3A_265 = arith.ori %shift_left3A_261, %shift_right_logical3A_264 : vector<16xi32>
      %xor3A_266 = arith.xori %add3A_258, %or3A_265 : vector<16xi32>
      %add3A_267 = arith.addi %add3A_258, %xor3A_266 : vector<16xi32>
      %shift_left3A_268 = arith.constant 15 : i32
      %shift_left3A_269 = vector.broadcast %shift_left3A_268 : i32 to vector<16xi32>
      %shift_left3A_270 = arith.shli %xor3A_266, %shift_left3A_269 : vector<16xi32>
      %shift_right_logical3A_271 = arith.constant 17 : i32
      %shift_right_logical3A_272 = vector.broadcast %shift_right_logical3A_271 : i32 to vector<16xi32>
      %shift_right_logical3A_273 = arith.shrui %xor3A_266, %shift_right_logical3A_272 : vector<16xi32>
      %or3A_274 = arith.ori %shift_left3A_270, %shift_right_logical3A_273 : vector<16xi32>
      %xor3A_275 = arith.xori %add3A_267, %or3A_274 : vector<16xi32>
      %add3A_276 = arith.addi %add3A_267, %xor3A_275 : vector<16xi32>
      %shift_left3A_277 = arith.constant 26 : i32
      %shift_left3A_278 = vector.broadcast %shift_left3A_277 : i32 to vector<16xi32>
      %shift_left3A_279 = arith.shli %xor3A_275, %shift_left3A_278 : vector<16xi32>
      %shift_right_logical3A_280 = arith.constant 6 : i32
      %shift_right_logical3A_281 = vector.broadcast %shift_right_logical3A_280 : i32 to vector<16xi32>
      %shift_right_logical3A_282 = arith.shrui %xor3A_275, %shift_right_logical3A_281 : vector<16xi32>
      %or3A_283 = arith.ori %shift_left3A_279, %shift_right_logical3A_282 : vector<16xi32>
      %xor3A_284 = arith.xori %add3A_276, %or3A_283 : vector<16xi32>
      %add3A_285 = arith.addi %add3A_276, %xor3A_284 : vector<16xi32>
      %shift_left3A_286 = arith.constant 6 : i32
      %shift_left3A_287 = vector.broadcast %shift_left3A_286 : i32 to vector<16xi32>
      %shift_left3A_288 = arith.shli %xor3A_284, %shift_left3A_287 : vector<16xi32>
      %shift_right_logical3A_289 = arith.constant 26 : i32
      %shift_right_logical3A_290 = vector.broadcast %shift_right_logical3A_289 : i32 to vector<16xi32>
      %shift_right_logical3A_291 = arith.shrui %xor3A_284, %shift_right_logical3A_290 : vector<16xi32>
      %or3A_292 = arith.ori %shift_left3A_288, %shift_right_logical3A_291 : vector<16xi32>
      %xor3A_293 = arith.xori %add3A_285, %or3A_292 : vector<16xi32>
      %add3A_294 = arith.constant 64467757 : i32
      %add3A_295 = vector.broadcast %add3A_294 : i32 to vector<16xi32>
      %add3A_296 = arith.addi %add3A_285, %add3A_295 : vector<16xi32>
      %add3A_297 = arith.constant -1378843657 : i32
      %add3A_298 = vector.broadcast %add3A_297 : i32 to vector<16xi32>
      %add3A_299 = arith.addi %xor3A_293, %add3A_298 : vector<16xi32>
      %add3A_300 = arith.addi %add3A_296, %add3A_299 : vector<16xi32>
      %shift_left3A_301 = arith.constant 17 : i32
      %shift_left3A_302 = vector.broadcast %shift_left3A_301 : i32 to vector<16xi32>
      %shift_left3A_303 = arith.shli %add3A_299, %shift_left3A_302 : vector<16xi32>
      %shift_right_logical3A_304 = arith.constant 15 : i32
      %shift_right_logical3A_305 = vector.broadcast %shift_right_logical3A_304 : i32 to vector<16xi32>
      %shift_right_logical3A_306 = arith.shrui %add3A_299, %shift_right_logical3A_305 : vector<16xi32>
      %or3A_307 = arith.ori %shift_left3A_303, %shift_right_logical3A_306 : vector<16xi32>
      %xor3A_308 = arith.xori %add3A_300, %or3A_307 : vector<16xi32>
      %add3A_309 = arith.addi %add3A_300, %xor3A_308 : vector<16xi32>
      %shift_left3A_310 = arith.constant 29 : i32
      %shift_left3A_311 = vector.broadcast %shift_left3A_310 : i32 to vector<16xi32>
      %shift_left3A_312 = arith.shli %xor3A_308, %shift_left3A_311 : vector<16xi32>
      %shift_right_logical3A_313 = arith.constant 3 : i32
      %shift_right_logical3A_314 = vector.broadcast %shift_right_logical3A_313 : i32 to vector<16xi32>
      %shift_right_logical3A_315 = arith.shrui %xor3A_308, %shift_right_logical3A_314 : vector<16xi32>
      %or3A_316 = arith.ori %shift_left3A_312, %shift_right_logical3A_315 : vector<16xi32>
      %xor3A_317 = arith.xori %add3A_309, %or3A_316 : vector<16xi32>
      %add3A_318 = arith.addi %add3A_309, %xor3A_317 : vector<16xi32>
      %shift_left3A_319 = arith.constant 16 : i32
      %shift_left3A_320 = vector.broadcast %shift_left3A_319 : i32 to vector<16xi32>
      %shift_left3A_321 = arith.shli %xor3A_317, %shift_left3A_320 : vector<16xi32>
      %shift_right_logical3A_322 = arith.constant 16 : i32
      %shift_right_logical3A_323 = vector.broadcast %shift_right_logical3A_322 : i32 to vector<16xi32>
      %shift_right_logical3A_324 = arith.shrui %xor3A_317, %shift_right_logical3A_323 : vector<16xi32>
      %or3A_325 = arith.ori %shift_left3A_321, %shift_right_logical3A_324 : vector<16xi32>
      %xor3A_326 = arith.xori %add3A_318, %or3A_325 : vector<16xi32>
      %add3A_327 = arith.addi %add3A_318, %xor3A_326 : vector<16xi32>
      %shift_left3A_328 = arith.constant 24 : i32
      %shift_left3A_329 = vector.broadcast %shift_left3A_328 : i32 to vector<16xi32>
      %shift_left3A_330 = arith.shli %xor3A_326, %shift_left3A_329 : vector<16xi32>
      %shift_right_logical3A_331 = arith.constant 8 : i32
      %shift_right_logical3A_332 = vector.broadcast %shift_right_logical3A_331 : i32 to vector<16xi32>
      %shift_right_logical3A_333 = arith.shrui %xor3A_326, %shift_right_logical3A_332 : vector<16xi32>
      %or3A_334 = arith.ori %shift_left3A_330, %shift_right_logical3A_333 : vector<16xi32>
      %xor3A_335 = arith.xori %add3A_327, %or3A_334 : vector<16xi32>
      %add3A_336 = arith.constant -1378843660 : i32
      %add3A_337 = vector.broadcast %add3A_336 : i32 to vector<16xi32>
      %add3A_338 = arith.addi %add3A_327, %add3A_337 : vector<16xi32>
      %add3A_339 = arith.constant -1244255481 : i32
      %add3A_340 = vector.broadcast %add3A_339 : i32 to vector<16xi32>
      %add3A_341 = arith.addi %xor3A_335, %add3A_340 : vector<16xi32>
      %add3A_342 = arith.addi %add3A_338, %add3A_341 : vector<16xi32>
      %shift_left3A_343 = arith.constant 13 : i32
      %shift_left3A_344 = vector.broadcast %shift_left3A_343 : i32 to vector<16xi32>
      %shift_left3A_345 = arith.shli %add3A_341, %shift_left3A_344 : vector<16xi32>
      %shift_right_logical3A_346 = arith.constant 19 : i32
      %shift_right_logical3A_347 = vector.broadcast %shift_right_logical3A_346 : i32 to vector<16xi32>
      %shift_right_logical3A_348 = arith.shrui %add3A_341, %shift_right_logical3A_347 : vector<16xi32>
      %or3A_349 = arith.ori %shift_left3A_345, %shift_right_logical3A_348 : vector<16xi32>
      %xor3A_350 = arith.xori %add3A_342, %or3A_349 : vector<16xi32>
      %add3A_351 = arith.addi %add3A_342, %xor3A_350 : vector<16xi32>
      %shift_left3A_352 = arith.constant 15 : i32
      %shift_left3A_353 = vector.broadcast %shift_left3A_352 : i32 to vector<16xi32>
      %shift_left3A_354 = arith.shli %xor3A_350, %shift_left3A_353 : vector<16xi32>
      %shift_right_logical3A_355 = arith.constant 17 : i32
      %shift_right_logical3A_356 = vector.broadcast %shift_right_logical3A_355 : i32 to vector<16xi32>
      %shift_right_logical3A_357 = arith.shrui %xor3A_350, %shift_right_logical3A_356 : vector<16xi32>
      %or3A_358 = arith.ori %shift_left3A_354, %shift_right_logical3A_357 : vector<16xi32>
      %xor3A_359 = arith.xori %add3A_351, %or3A_358 : vector<16xi32>
      %add3A_360 = arith.addi %add3A_351, %xor3A_359 : vector<16xi32>
      %shift_left3A_361 = arith.constant 26 : i32
      %shift_left3A_362 = vector.broadcast %shift_left3A_361 : i32 to vector<16xi32>
      %shift_left3A_363 = arith.shli %xor3A_359, %shift_left3A_362 : vector<16xi32>
      %shift_right_logical3A_364 = arith.constant 6 : i32
      %shift_right_logical3A_365 = vector.broadcast %shift_right_logical3A_364 : i32 to vector<16xi32>
      %shift_right_logical3A_366 = arith.shrui %xor3A_359, %shift_right_logical3A_365 : vector<16xi32>
      %or3A_367 = arith.ori %shift_left3A_363, %shift_right_logical3A_366 : vector<16xi32>
      %xor3A_368 = arith.xori %add3A_360, %or3A_367 : vector<16xi32>
      %add3A_369 = arith.addi %add3A_360, %xor3A_368 : vector<16xi32>
      %shift_left3A_370 = arith.constant 6 : i32
      %shift_left3A_371 = vector.broadcast %shift_left3A_370 : i32 to vector<16xi32>
      %shift_left3A_372 = arith.shli %xor3A_368, %shift_left3A_371 : vector<16xi32>
      %shift_right_logical3A_373 = arith.constant 26 : i32
      %shift_right_logical3A_374 = vector.broadcast %shift_right_logical3A_373 : i32 to vector<16xi32>
      %shift_right_logical3A_375 = arith.shrui %xor3A_368, %shift_right_logical3A_374 : vector<16xi32>
      %or3A_376 = arith.ori %shift_left3A_372, %shift_right_logical3A_375 : vector<16xi32>
      %xor3A_377 = arith.xori %add3A_369, %or3A_376 : vector<16xi32>
      %add3A_378 = arith.constant -1244255485 : i32
      %add3A_379 = vector.broadcast %add3A_378 : i32 to vector<16xi32>
      %add3A_380 = arith.addi %add3A_369, %add3A_379 : vector<16xi32>
      %add3A_381 = arith.constant 64467762 : i32
      %add3A_382 = vector.broadcast %add3A_381 : i32 to vector<16xi32>
      %add3A_383 = arith.addi %xor3A_377, %add3A_382 : vector<16xi32>
      %xor3A_384 = arith.xori %add3A_380, %add3A_383 : vector<16xi32>
      %mul3A_385 = arith.constant 128 : i32
      %mul3A_386 = arith.muli %select_n3A_148, %mul3A_385 : i32
      %mul3A_387 = arith.constant 16 : i32
      %mul3A_388 = arith.muli %select_n3A_164, %mul3A_387 : i32
      %add3A_389 = arith.addi %mul3A_386, %mul3A_388 : i32
      %swap3A = arith.constant 4 : i32
      %swap3A_390 = arith.index_cast %swap3A : i32 to index
      %swap3A_391 = arith.index_cast %add3A_389 : i32 to index
      %swap3A_392 = tpu.vector_load %arg3[%swap3A_390, %swap3A_391] {strides = array<i32>} : memref<8x1024xi32, #tpu.memory_space<vmem>>, vector<1x16xi32>,
      %swap3A_393 = vector.shape_cast %swap3A_392 : vector<1x16xi32> to vector<16xi32>
      %swap3A_394 = vector.shape_cast %xor3A_384 : vector<16xi32> to vector<1x16xi32>
      tpu.vector_store %arg3[%swap3A_390, %swap3A_391], %swap3A_394 {strides = array<i32>} : memref<8x1024xi32, #tpu.memory_space<vmem>>, vector<1x16xi32>,
    }
    %scan3A_86 = arith.constant 64 : i32
    %mul3A_87 = arith.constant 8 : i32
    %mul3A_88 = arith.muli %select_n3A, %mul3A_87 : i32
    %add3A_89 = arith.constant 5 : i32
    %add3A_90 = arith.addi %mul3A_88, %add3A_89 : i32
    %scan3A_91 = arith.constant 0 : i32
    %scan3A_92 = arith.constant -1378843660 : i32
    %scan3A_93 = arith.constant 0 : i32
    %scan3A_94 = arith.constant 64 : i32
    %scan3A_95 = arith.addi %scan3A_93, %scan3A_94 : i32
    %scan3A_96 = arith.constant 1 : i32
    scf.for %scan3A_124 = %scan3A_93 to %scan3A_95 step %scan3A_96  : i32 {
      %jit3A_125 = arith.constant 8 : i32
      %div3A_126 = arith.divsi %scan3A_124, %jit3A_125 : i32
      %sign3A_127 = arith.constant 0 : i32
      %sign3A_128 = arith.cmpi sgt, %scan3A_124, %sign3A_127 : i32
      %sign3A_129 = arith.extui %sign3A_128 : i1 to i32
      %sign3A_130 = arith.constant 0 : i32
      %sign3A_131 = arith.cmpi slt, %scan3A_124, %sign3A_130 : i32
      %sign3A_132 = arith.extui %sign3A_131 : i1 to i32
      %sign3A_133 = arith.subi %sign3A_129, %sign3A_132 : i32
      %sign3A_134 = arith.constant 0 : i32
      %sign3A_135 = arith.cmpi sgt, %jit3A_125, %sign3A_134 : i32
      %sign3A_136 = arith.extui %sign3A_135 : i1 to i32
      %sign3A_137 = arith.constant 0 : i32
      %sign3A_138 = arith.cmpi slt, %jit3A_125, %sign3A_137 : i32
      %sign3A_139 = arith.extui %sign3A_138 : i1 to i32
      %sign3A_140 = arith.subi %sign3A_136, %sign3A_139 : i32
      %ne3A_141 = arith.cmpi ne, %sign3A_133, %sign3A_140 : i32
      %rem3A_142 = arith.remsi %scan3A_124, %jit3A_125 : i32
      %ne3A_143 = arith.constant 0 : i32
      %ne3A_144 = arith.cmpi ne, %rem3A_142, %ne3A_143 : i32
      %and3A_145 = arith.andi %ne3A_141, %ne3A_144 : i1
      %sub3A_146 = arith.constant 1 : i32
      %sub3A_147 = arith.subi %div3A_126, %sub3A_146 : i32
      %select_n3A_148 = arith.select %and3A_145, %sub3A_147, %div3A_126 : i32
      %jit3A_149 = arith.constant 8 : i32
      %eq3A_150 = arith.constant 0 : i32
      %eq3A_151 = arith.cmpi eq, %jit3A_149, %eq3A_150 : i32
      %jit3A_152 = arith.constant 1 : i32
      %select_n3A_153 = arith.select %eq3A_151, %jit3A_152, %jit3A_149 : i32
      %rem3A_154 = arith.remsi %scan3A_124, %select_n3A_153 : i32
      %ne3A_155 = arith.constant 0 : i32
      %ne3A_156 = arith.cmpi ne, %rem3A_154, %ne3A_155 : i32
      %lt3A_157 = arith.constant 0 : i32
      %lt3A_158 = arith.cmpi slt, %rem3A_154, %lt3A_157 : i32
      %lt3A_159 = arith.constant 0 : i32
      %lt3A_160 = arith.cmpi slt, %select_n3A_153, %lt3A_159 : i32
      %ne3A_161 = arith.xori %lt3A_158, %lt3A_160 : i1
      %and3A_162 = arith.andi %ne3A_161, %ne3A_156 : i1
      %add3A_163 = arith.addi %rem3A_154, %select_n3A_153 : i32
      %select_n3A_164 = arith.select %and3A_162, %add3A_163, %rem3A_154 : i32
      %add3A_165 = arith.addi %mul3A_32, %select_n3A_148 : i32
      %mul3A_166 = arith.constant 128 : i32
      %mul3A_167 = arith.muli %add3A_165, %mul3A_166 : i32
      %mul3A_168 = arith.constant 16 : i32
      %mul3A_169 = arith.muli %select_n3A_164, %mul3A_168 : i32
      %add3A_170 = arith.addi %mul3A_167, %mul3A_169 : i32
      %mul3A_171 = arith.constant 8192 : i32
      %mul3A_172 = arith.muli %add3A_90, %mul3A_171 : i32
      %add3A_173 = arith.addi %mul3A_172, %add3A_170 : i32
      %add3A_174 = arith.addi %add3A_173, %scan3A_92 : i32
      %add3A_175 = vector.broadcast %add3A_174 : i32 to vector<16xi32>
      %add3A_176 = arith.addi %add3A_175, %iota3A : vector<16xi32>
      %broadcast_in_dim3A = arith.constant 64467757 : i32
      %broadcast_in_dim3A_177 = vector.broadcast %broadcast_in_dim3A : i32 to vector<16xi32>
      %add3A_178 = arith.addi %broadcast_in_dim3A_177, %add3A_176 : vector<16xi32>
      %shift_left3A = arith.constant 13 : i32
      %shift_left3A_179 = vector.broadcast %shift_left3A : i32 to vector<16xi32>
      %shift_left3A_180 = arith.shli %add3A_176, %shift_left3A_179 : vector<16xi32>
      %shift_right_logical3A = arith.constant 19 : i32
      %shift_right_logical3A_181 = vector.broadcast %shift_right_logical3A : i32 to vector<16xi32>
      %shift_right_logical3A_182 = arith.shrui %add3A_176, %shift_right_logical3A_181 : vector<16xi32>
      %or3A = arith.ori %shift_left3A_180, %shift_right_logical3A_182 : vector<16xi32>
      %xor3A = arith.xori %add3A_178, %or3A : vector<16xi32>
      %add3A_183 = arith.addi %add3A_178, %xor3A : vector<16xi32>
      %shift_left3A_184 = arith.constant 15 : i32
      %shift_left3A_185 = vector.broadcast %shift_left3A_184 : i32 to vector<16xi32>
      %shift_left3A_186 = arith.shli %xor3A, %shift_left3A_185 : vector<16xi32>
      %shift_right_logical3A_187 = arith.constant 17 : i32
      %shift_right_logical3A_188 = vector.broadcast %shift_right_logical3A_187 : i32 to vector<16xi32>
      %shift_right_logical3A_189 = arith.shrui %xor3A, %shift_right_logical3A_188 : vector<16xi32>
      %or3A_190 = arith.ori %shift_left3A_186, %shift_right_logical3A_189 : vector<16xi32>
      %xor3A_191 = arith.xori %add3A_183, %or3A_190 : vector<16xi32>
      %add3A_192 = arith.addi %add3A_183, %xor3A_191 : vector<16xi32>
      %shift_left3A_193 = arith.constant 26 : i32
      %shift_left3A_194 = vector.broadcast %shift_left3A_193 : i32 to vector<16xi32>
      %shift_left3A_195 = arith.shli %xor3A_191, %shift_left3A_194 : vector<16xi32>
      %shift_right_logical3A_196 = arith.constant 6 : i32
      %shift_right_logical3A_197 = vector.broadcast %shift_right_logical3A_196 : i32 to vector<16xi32>
      %shift_right_logical3A_198 = arith.shrui %xor3A_191, %shift_right_logical3A_197 : vector<16xi32>
      %or3A_199 = arith.ori %shift_left3A_195, %shift_right_logical3A_198 : vector<16xi32>
      %xor3A_200 = arith.xori %add3A_192, %or3A_199 : vector<16xi32>
      %add3A_201 = arith.addi %add3A_192, %xor3A_200 : vector<16xi32>
      %shift_left3A_202 = arith.constant 6 : i32
      %shift_left3A_203 = vector.broadcast %shift_left3A_202 : i32 to vector<16xi32>
      %shift_left3A_204 = arith.shli %xor3A_200, %shift_left3A_203 : vector<16xi32>
      %shift_right_logical3A_205 = arith.constant 26 : i32
      %shift_right_logical3A_206 = vector.broadcast %shift_right_logical3A_205 : i32 to vector<16xi32>
      %shift_right_logical3A_207 = arith.shrui %xor3A_200, %shift_right_logical3A_206 : vector<16xi32>
      %or3A_208 = arith.ori %shift_left3A_204, %shift_right_logical3A_207 : vector<16xi32>
      %xor3A_209 = arith.xori %add3A_201, %or3A_208 : vector<16xi32>
      %add3A_210 = arith.constant -1378843660 : i32
      %add3A_211 = vector.broadcast %add3A_210 : i32 to vector<16xi32>
      %add3A_212 = arith.addi %add3A_201, %add3A_211 : vector<16xi32>
      %add3A_213 = arith.constant -1244255484 : i32
      %add3A_214 = vector.broadcast %add3A_213 : i32 to vector<16xi32>
      %add3A_215 = arith.addi %xor3A_209, %add3A_214 : vector<16xi32>
      %add3A_216 = arith.addi %add3A_212, %add3A_215 : vector<16xi32>
      %shift_left3A_217 = arith.constant 17 : i32
      %shift_left3A_218 = vector.broadcast %shift_left3A_217 : i32 to vector<16xi32>
      %shift_left3A_219 = arith.shli %add3A_215, %shift_left3A_218 : vector<16xi32>
      %shift_right_logical3A_220 = arith.constant 15 : i32
      %shift_right_logical3A_221 = vector.broadcast %shift_right_logical3A_220 : i32 to vector<16xi32>
      %shift_right_logical3A_222 = arith.shrui %add3A_215, %shift_right_logical3A_221 : vector<16xi32>
      %or3A_223 = arith.ori %shift_left3A_219, %shift_right_logical3A_222 : vector<16xi32>
      %xor3A_224 = arith.xori %add3A_216, %or3A_223 : vector<16xi32>
      %add3A_225 = arith.addi %add3A_216, %xor3A_224 : vector<16xi32>
      %shift_left3A_226 = arith.constant 29 : i32
      %shift_left3A_227 = vector.broadcast %shift_left3A_226 : i32 to vector<16xi32>
      %shift_left3A_228 = arith.shli %xor3A_224, %shift_left3A_227 : vector<16xi32>
      %shift_right_logical3A_229 = arith.constant 3 : i32
      %shift_right_logical3A_230 = vector.broadcast %shift_right_logical3A_229 : i32 to vector<16xi32>
      %shift_right_logical3A_231 = arith.shrui %xor3A_224, %shift_right_logical3A_230 : vector<16xi32>
      %or3A_232 = arith.ori %shift_left3A_228, %shift_right_logical3A_231 : vector<16xi32>
      %xor3A_233 = arith.xori %add3A_225, %or3A_232 : vector<16xi32>
      %add3A_234 = arith.addi %add3A_225, %xor3A_233 : vector<16xi32>
      %shift_left3A_235 = arith.constant 16 : i32
      %shift_left3A_236 = vector.broadcast %shift_left3A_235 : i32 to vector<16xi32>
      %shift_left3A_237 = arith.shli %xor3A_233, %shift_left3A_236 : vector<16xi32>
      %shift_right_logical3A_238 = arith.constant 16 : i32
      %shift_right_logical3A_239 = vector.broadcast %shift_right_logical3A_238 : i32 to vector<16xi32>
      %shift_right_logical3A_240 = arith.shrui %xor3A_233, %shift_right_logical3A_239 : vector<16xi32>
      %or3A_241 = arith.ori %shift_left3A_237, %shift_right_logical3A_240 : vector<16xi32>
      %xor3A_242 = arith.xori %add3A_234, %or3A_241 : vector<16xi32>
      %add3A_243 = arith.addi %add3A_234, %xor3A_242 : vector<16xi32>
      %shift_left3A_244 = arith.constant 24 : i32
      %shift_left3A_245 = vector.broadcast %shift_left3A_244 : i32 to vector<16xi32>
      %shift_left3A_246 = arith.shli %xor3A_242, %shift_left3A_245 : vector<16xi32>
      %shift_right_logical3A_247 = arith.constant 8 : i32
      %shift_right_logical3A_248 = vector.broadcast %shift_right_logical3A_247 : i32 to vector<16xi32>
      %shift_right_logical3A_249 = arith.shrui %xor3A_242, %shift_right_logical3A_248 : vector<16xi32>
      %or3A_250 = arith.ori %shift_left3A_246, %shift_right_logical3A_249 : vector<16xi32>
      %xor3A_251 = arith.xori %add3A_243, %or3A_250 : vector<16xi32>
      %add3A_252 = arith.constant -1244255485 : i32
      %add3A_253 = vector.broadcast %add3A_252 : i32 to vector<16xi32>
      %add3A_254 = arith.addi %add3A_243, %add3A_253 : vector<16xi32>
      %add3A_255 = arith.constant 64467759 : i32
      %add3A_256 = vector.broadcast %add3A_255 : i32 to vector<16xi32>
      %add3A_257 = arith.addi %xor3A_251, %add3A_256 : vector<16xi32>
      %add3A_258 = arith.addi %add3A_254, %add3A_257 : vector<16xi32>
      %shift_left3A_259 = arith.constant 13 : i32
      %shift_left3A_260 = vector.broadcast %shift_left3A_259 : i32 to vector<16xi32>
      %shift_left3A_261 = arith.shli %add3A_257, %shift_left3A_260 : vector<16xi32>
      %shift_right_logical3A_262 = arith.constant 19 : i32
      %shift_right_logical3A_263 = vector.broadcast %shift_right_logical3A_262 : i32 to vector<16xi32>
      %shift_right_logical3A_264 = arith.shrui %add3A_257, %shift_right_logical3A_263 : vector<16xi32>
      %or3A_265 = arith.ori %shift_left3A_261, %shift_right_logical3A_264 : vector<16xi32>
      %xor3A_266 = arith.xori %add3A_258, %or3A_265 : vector<16xi32>
      %add3A_267 = arith.addi %add3A_258, %xor3A_266 : vector<16xi32>
      %shift_left3A_268 = arith.constant 15 : i32
      %shift_left3A_269 = vector.broadcast %shift_left3A_268 : i32 to vector<16xi32>
      %shift_left3A_270 = arith.shli %xor3A_266, %shift_left3A_269 : vector<16xi32>
      %shift_right_logical3A_271 = arith.constant 17 : i32
      %shift_right_logical3A_272 = vector.broadcast %shift_right_logical3A_271 : i32 to vector<16xi32>
      %shift_right_logical3A_273 = arith.shrui %xor3A_266, %shift_right_logical3A_272 : vector<16xi32>
      %or3A_274 = arith.ori %shift_left3A_270, %shift_right_logical3A_273 : vector<16xi32>
      %xor3A_275 = arith.xori %add3A_267, %or3A_274 : vector<16xi32>
      %add3A_276 = arith.addi %add3A_267, %xor3A_275 : vector<16xi32>
      %shift_left3A_277 = arith.constant 26 : i32
      %shift_left3A_278 = vector.broadcast %shift_left3A_277 : i32 to vector<16xi32>
      %shift_left3A_279 = arith.shli %xor3A_275, %shift_left3A_278 : vector<16xi32>
      %shift_right_logical3A_280 = arith.constant 6 : i32
      %shift_right_logical3A_281 = vector.broadcast %shift_right_logical3A_280 : i32 to vector<16xi32>
      %shift_right_logical3A_282 = arith.shrui %xor3A_275, %shift_right_logical3A_281 : vector<16xi32>
      %or3A_283 = arith.ori %shift_left3A_279, %shift_right_logical3A_282 : vector<16xi32>
      %xor3A_284 = arith.xori %add3A_276, %or3A_283 : vector<16xi32>
      %add3A_285 = arith.addi %add3A_276, %xor3A_284 : vector<16xi32>
      %shift_left3A_286 = arith.constant 6 : i32
      %shift_left3A_287 = vector.broadcast %shift_left3A_286 : i32 to vector<16xi32>
      %shift_left3A_288 = arith.shli %xor3A_284, %shift_left3A_287 : vector<16xi32>
      %shift_right_logical3A_289 = arith.constant 26 : i32
      %shift_right_logical3A_290 = vector.broadcast %shift_right_logical3A_289 : i32 to vector<16xi32>
      %shift_right_logical3A_291 = arith.shrui %xor3A_284, %shift_right_logical3A_290 : vector<16xi32>
      %or3A_292 = arith.ori %shift_left3A_288, %shift_right_logical3A_291 : vector<16xi32>
      %xor3A_293 = arith.xori %add3A_285, %or3A_292 : vector<16xi32>
      %add3A_294 = arith.constant 64467757 : i32
      %add3A_295 = vector.broadcast %add3A_294 : i32 to vector<16xi32>
      %add3A_296 = arith.addi %add3A_285, %add3A_295 : vector<16xi32>
      %add3A_297 = arith.constant -1378843657 : i32
      %add3A_298 = vector.broadcast %add3A_297 : i32 to vector<16xi32>
      %add3A_299 = arith.addi %xor3A_293, %add3A_298 : vector<16xi32>
      %add3A_300 = arith.addi %add3A_296, %add3A_299 : vector<16xi32>
      %shift_left3A_301 = arith.constant 17 : i32
      %shift_left3A_302 = vector.broadcast %shift_left3A_301 : i32 to vector<16xi32>
      %shift_left3A_303 = arith.shli %add3A_299, %shift_left3A_302 : vector<16xi32>
      %shift_right_logical3A_304 = arith.constant 15 : i32
      %shift_right_logical3A_305 = vector.broadcast %shift_right_logical3A_304 : i32 to vector<16xi32>
      %shift_right_logical3A_306 = arith.shrui %add3A_299, %shift_right_logical3A_305 : vector<16xi32>
      %or3A_307 = arith.ori %shift_left3A_303, %shift_right_logical3A_306 : vector<16xi32>
      %xor3A_308 = arith.xori %add3A_300, %or3A_307 : vector<16xi32>
      %add3A_309 = arith.addi %add3A_300, %xor3A_308 : vector<16xi32>
      %shift_left3A_310 = arith.constant 29 : i32
      %shift_left3A_311 = vector.broadcast %shift_left3A_310 : i32 to vector<16xi32>
      %shift_left3A_312 = arith.shli %xor3A_308, %shift_left3A_311 : vector<16xi32>
      %shift_right_logical3A_313 = arith.constant 3 : i32
      %shift_right_logical3A_314 = vector.broadcast %shift_right_logical3A_313 : i32 to vector<16xi32>
      %shift_right_logical3A_315 = arith.shrui %xor3A_308, %shift_right_logical3A_314 : vector<16xi32>
      %or3A_316 = arith.ori %shift_left3A_312, %shift_right_logical3A_315 : vector<16xi32>
      %xor3A_317 = arith.xori %add3A_309, %or3A_316 : vector<16xi32>
      %add3A_318 = arith.addi %add3A_309, %xor3A_317 : vector<16xi32>
      %shift_left3A_319 = arith.constant 16 : i32
      %shift_left3A_320 = vector.broadcast %shift_left3A_319 : i32 to vector<16xi32>
      %shift_left3A_321 = arith.shli %xor3A_317, %shift_left3A_320 : vector<16xi32>
      %shift_right_logical3A_322 = arith.constant 16 : i32
      %shift_right_logical3A_323 = vector.broadcast %shift_right_logical3A_322 : i32 to vector<16xi32>
      %shift_right_logical3A_324 = arith.shrui %xor3A_317, %shift_right_logical3A_323 : vector<16xi32>
      %or3A_325 = arith.ori %shift_left3A_321, %shift_right_logical3A_324 : vector<16xi32>
      %xor3A_326 = arith.xori %add3A_318, %or3A_325 : vector<16xi32>
      %add3A_327 = arith.addi %add3A_318, %xor3A_326 : vector<16xi32>
      %shift_left3A_328 = arith.constant 24 : i32
      %shift_left3A_329 = vector.broadcast %shift_left3A_328 : i32 to vector<16xi32>
      %shift_left3A_330 = arith.shli %xor3A_326, %shift_left3A_329 : vector<16xi32>
      %shift_right_logical3A_331 = arith.constant 8 : i32
      %shift_right_logical3A_332 = vector.broadcast %shift_right_logical3A_331 : i32 to vector<16xi32>
      %shift_right_logical3A_333 = arith.shrui %xor3A_326, %shift_right_logical3A_332 : vector<16xi32>
      %or3A_334 = arith.ori %shift_left3A_330, %shift_right_logical3A_333 : vector<16xi32>
      %xor3A_335 = arith.xori %add3A_327, %or3A_334 : vector<16xi32>
      %add3A_336 = arith.constant -1378843660 : i32
      %add3A_337 = vector.broadcast %add3A_336 : i32 to vector<16xi32>
      %add3A_338 = arith.addi %add3A_327, %add3A_337 : vector<16xi32>
      %add3A_339 = arith.constant -1244255481 : i32
      %add3A_340 = vector.broadcast %add3A_339 : i32 to vector<16xi32>
      %add3A_341 = arith.addi %xor3A_335, %add3A_340 : vector<16xi32>
      %add3A_342 = arith.addi %add3A_338, %add3A_341 : vector<16xi32>
      %shift_left3A_343 = arith.constant 13 : i32
      %shift_left3A_344 = vector.broadcast %shift_left3A_343 : i32 to vector<16xi32>
      %shift_left3A_345 = arith.shli %add3A_341, %shift_left3A_344 : vector<16xi32>
      %shift_right_logical3A_346 = arith.constant 19 : i32
      %shift_right_logical3A_347 = vector.broadcast %shift_right_logical3A_346 : i32 to vector<16xi32>
      %shift_right_logical3A_348 = arith.shrui %add3A_341, %shift_right_logical3A_347 : vector<16xi32>
      %or3A_349 = arith.ori %shift_left3A_345, %shift_right_logical3A_348 : vector<16xi32>
      %xor3A_350 = arith.xori %add3A_342, %or3A_349 : vector<16xi32>
      %add3A_351 = arith.addi %add3A_342, %xor3A_350 : vector<16xi32>
      %shift_left3A_352 = arith.constant 15 : i32
      %shift_left3A_353 = vector.broadcast %shift_left3A_352 : i32 to vector<16xi32>
      %shift_left3A_354 = arith.shli %xor3A_350, %shift_left3A_353 : vector<16xi32>
      %shift_right_logical3A_355 = arith.constant 17 : i32
      %shift_right_logical3A_356 = vector.broadcast %shift_right_logical3A_355 : i32 to vector<16xi32>
      %shift_right_logical3A_357 = arith.shrui %xor3A_350, %shift_right_logical3A_356 : vector<16xi32>
      %or3A_358 = arith.ori %shift_left3A_354, %shift_right_logical3A_357 : vector<16xi32>
      %xor3A_359 = arith.xori %add3A_351, %or3A_358 : vector<16xi32>
      %add3A_360 = arith.addi %add3A_351, %xor3A_359 : vector<16xi32>
      %shift_left3A_361 = arith.constant 26 : i32
      %shift_left3A_362 = vector.broadcast %shift_left3A_361 : i32 to vector<16xi32>
      %shift_left3A_363 = arith.shli %xor3A_359, %shift_left3A_362 : vector<16xi32>
      %shift_right_logical3A_364 = arith.constant 6 : i32
      %shift_right_logical3A_365 = vector.broadcast %shift_right_logical3A_364 : i32 to vector<16xi32>
      %shift_right_logical3A_366 = arith.shrui %xor3A_359, %shift_right_logical3A_365 : vector<16xi32>
      %or3A_367 = arith.ori %shift_left3A_363, %shift_right_logical3A_366 : vector<16xi32>
      %xor3A_368 = arith.xori %add3A_360, %or3A_367 : vector<16xi32>
      %add3A_369 = arith.addi %add3A_360, %xor3A_368 : vector<16xi32>
      %shift_left3A_370 = arith.constant 6 : i32
      %shift_left3A_371 = vector.broadcast %shift_left3A_370 : i32 to vector<16xi32>
      %shift_left3A_372 = arith.shli %xor3A_368, %shift_left3A_371 : vector<16xi32>
      %shift_right_logical3A_373 = arith.constant 26 : i32
      %shift_right_logical3A_374 = vector.broadcast %shift_right_logical3A_373 : i32 to vector<16xi32>
      %shift_right_logical3A_375 = arith.shrui %xor3A_368, %shift_right_logical3A_374 : vector<16xi32>
      %or3A_376 = arith.ori %shift_left3A_372, %shift_right_logical3A_375 : vector<16xi32>
      %xor3A_377 = arith.xori %add3A_369, %or3A_376 : vector<16xi32>
      %add3A_378 = arith.constant -1244255485 : i32
      %add3A_379 = vector.broadcast %add3A_378 : i32 to vector<16xi32>
      %add3A_380 = arith.addi %add3A_369, %add3A_379 : vector<16xi32>
      %add3A_381 = arith.constant 64467762 : i32
      %add3A_382 = vector.broadcast %add3A_381 : i32 to vector<16xi32>
      %add3A_383 = arith.addi %xor3A_377, %add3A_382 : vector<16xi32>
      %xor3A_384 = arith.xori %add3A_380, %add3A_383 : vector<16xi32>
      %mul3A_385 = arith.constant 128 : i32
      %mul3A_386 = arith.muli %select_n3A_148, %mul3A_385 : i32
      %mul3A_387 = arith.constant 16 : i32
      %mul3A_388 = arith.muli %select_n3A_164, %mul3A_387 : i32
      %add3A_389 = arith.addi %mul3A_386, %mul3A_388 : i32
      %swap3A = arith.constant 5 : i32
      %swap3A_390 = arith.index_cast %swap3A : i32 to index
      %swap3A_391 = arith.index_cast %add3A_389 : i32 to index
      %swap3A_392 = tpu.vector_load %arg3[%swap3A_390, %swap3A_391] {strides = array<i32>} : memref<8x1024xi32, #tpu.memory_space<vmem>>, vector<1x16xi32>,
      %swap3A_393 = vector.shape_cast %swap3A_392 : vector<1x16xi32> to vector<16xi32>
      %swap3A_394 = vector.shape_cast %xor3A_384 : vector<16xi32> to vector<1x16xi32>
      tpu.vector_store %arg3[%swap3A_390, %swap3A_391], %swap3A_394 {strides = array<i32>} : memref<8x1024xi32, #tpu.memory_space<vmem>>, vector<1x16xi32>,
    }
    %scan3A_97 = arith.constant 64 : i32
    %mul3A_98 = arith.constant 8 : i32
    %mul3A_99 = arith.muli %select_n3A, %mul3A_98 : i32
    %add3A_100 = arith.constant 6 : i32
    %add3A_101 = arith.addi %mul3A_99, %add3A_100 : i32
    %scan3A_102 = arith.constant 0 : i32
    %scan3A_103 = arith.constant -1378843660 : i32
    %scan3A_104 = arith.constant 0 : i32
    %scan3A_105 = arith.constant 64 : i32
    %scan3A_106 = arith.addi %scan3A_104, %scan3A_105 : i32
    %scan3A_107 = arith.constant 1 : i32
    scf.for %scan3A_124 = %scan3A_104 to %scan3A_106 step %scan3A_107  : i32 {
      %jit3A_125 = arith.constant 8 : i32
      %div3A_126 = arith.divsi %scan3A_124, %jit3A_125 : i32
      %sign3A_127 = arith.constant 0 : i32
      %sign3A_128 = arith.cmpi sgt, %scan3A_124, %sign3A_127 : i32
      %sign3A_129 = arith.extui %sign3A_128 : i1 to i32
      %sign3A_130 = arith.constant 0 : i32
      %sign3A_131 = arith.cmpi slt, %scan3A_124, %sign3A_130 : i32
      %sign3A_132 = arith.extui %sign3A_131 : i1 to i32
      %sign3A_133 = arith.subi %sign3A_129, %sign3A_132 : i32
      %sign3A_134 = arith.constant 0 : i32
      %sign3A_135 = arith.cmpi sgt, %jit3A_125, %sign3A_134 : i32
      %sign3A_136 = arith.extui %sign3A_135 : i1 to i32
      %sign3A_137 = arith.constant 0 : i32
      %sign3A_138 = arith.cmpi slt, %jit3A_125, %sign3A_137 : i32
      %sign3A_139 = arith.extui %sign3A_138 : i1 to i32
      %sign3A_140 = arith.subi %sign3A_136, %sign3A_139 : i32
      %ne3A_141 = arith.cmpi ne, %sign3A_133, %sign3A_140 : i32
      %rem3A_142 = arith.remsi %scan3A_124, %jit3A_125 : i32
      %ne3A_143 = arith.constant 0 : i32
      %ne3A_144 = arith.cmpi ne, %rem3A_142, %ne3A_143 : i32
      %and3A_145 = arith.andi %ne3A_141, %ne3A_144 : i1
      %sub3A_146 = arith.constant 1 : i32
      %sub3A_147 = arith.subi %div3A_126, %sub3A_146 : i32
      %select_n3A_148 = arith.select %and3A_145, %sub3A_147, %div3A_126 : i32
      %jit3A_149 = arith.constant 8 : i32
      %eq3A_150 = arith.constant 0 : i32
      %eq3A_151 = arith.cmpi eq, %jit3A_149, %eq3A_150 : i32
      %jit3A_152 = arith.constant 1 : i32
      %select_n3A_153 = arith.select %eq3A_151, %jit3A_152, %jit3A_149 : i32
      %rem3A_154 = arith.remsi %scan3A_124, %select_n3A_153 : i32
      %ne3A_155 = arith.constant 0 : i32
      %ne3A_156 = arith.cmpi ne, %rem3A_154, %ne3A_155 : i32
      %lt3A_157 = arith.constant 0 : i32
      %lt3A_158 = arith.cmpi slt, %rem3A_154, %lt3A_157 : i32
      %lt3A_159 = arith.constant 0 : i32
      %lt3A_160 = arith.cmpi slt, %select_n3A_153, %lt3A_159 : i32
      %ne3A_161 = arith.xori %lt3A_158, %lt3A_160 : i1
      %and3A_162 = arith.andi %ne3A_161, %ne3A_156 : i1
      %add3A_163 = arith.addi %rem3A_154, %select_n3A_153 : i32
      %select_n3A_164 = arith.select %and3A_162, %add3A_163, %rem3A_154 : i32
      %add3A_165 = arith.addi %mul3A_32, %select_n3A_148 : i32
      %mul3A_166 = arith.constant 128 : i32
      %mul3A_167 = arith.muli %add3A_165, %mul3A_166 : i32
      %mul3A_168 = arith.constant 16 : i32
      %mul3A_169 = arith.muli %select_n3A_164, %mul3A_168 : i32
      %add3A_170 = arith.addi %mul3A_167, %mul3A_169 : i32
      %mul3A_171 = arith.constant 8192 : i32
      %mul3A_172 = arith.muli %add3A_101, %mul3A_171 : i32
      %add3A_173 = arith.addi %mul3A_172, %add3A_170 : i32
      %add3A_174 = arith.addi %add3A_173, %scan3A_103 : i32
      %add3A_175 = vector.broadcast %add3A_174 : i32 to vector<16xi32>
      %add3A_176 = arith.addi %add3A_175, %iota3A : vector<16xi32>
      %broadcast_in_dim3A = arith.constant 64467757 : i32
      %broadcast_in_dim3A_177 = vector.broadcast %broadcast_in_dim3A : i32 to vector<16xi32>
      %add3A_178 = arith.addi %broadcast_in_dim3A_177, %add3A_176 : vector<16xi32>
      %shift_left3A = arith.constant 13 : i32
      %shift_left3A_179 = vector.broadcast %shift_left3A : i32 to vector<16xi32>
      %shift_left3A_180 = arith.shli %add3A_176, %shift_left3A_179 : vector<16xi32>
      %shift_right_logical3A = arith.constant 19 : i32
      %shift_right_logical3A_181 = vector.broadcast %shift_right_logical3A : i32 to vector<16xi32>
      %shift_right_logical3A_182 = arith.shrui %add3A_176, %shift_right_logical3A_181 : vector<16xi32>
      %or3A = arith.ori %shift_left3A_180, %shift_right_logical3A_182 : vector<16xi32>
      %xor3A = arith.xori %add3A_178, %or3A : vector<16xi32>
      %add3A_183 = arith.addi %add3A_178, %xor3A : vector<16xi32>
      %shift_left3A_184 = arith.constant 15 : i32
      %shift_left3A_185 = vector.broadcast %shift_left3A_184 : i32 to vector<16xi32>
      %shift_left3A_186 = arith.shli %xor3A, %shift_left3A_185 : vector<16xi32>
      %shift_right_logical3A_187 = arith.constant 17 : i32
      %shift_right_logical3A_188 = vector.broadcast %shift_right_logical3A_187 : i32 to vector<16xi32>
      %shift_right_logical3A_189 = arith.shrui %xor3A, %shift_right_logical3A_188 : vector<16xi32>
      %or3A_190 = arith.ori %shift_left3A_186, %shift_right_logical3A_189 : vector<16xi32>
      %xor3A_191 = arith.xori %add3A_183, %or3A_190 : vector<16xi32>
      %add3A_192 = arith.addi %add3A_183, %xor3A_191 : vector<16xi32>
      %shift_left3A_193 = arith.constant 26 : i32
      %shift_left3A_194 = vector.broadcast %shift_left3A_193 : i32 to vector<16xi32>
      %shift_left3A_195 = arith.shli %xor3A_191, %shift_left3A_194 : vector<16xi32>
      %shift_right_logical3A_196 = arith.constant 6 : i32
      %shift_right_logical3A_197 = vector.broadcast %shift_right_logical3A_196 : i32 to vector<16xi32>
      %shift_right_logical3A_198 = arith.shrui %xor3A_191, %shift_right_logical3A_197 : vector<16xi32>
      %or3A_199 = arith.ori %shift_left3A_195, %shift_right_logical3A_198 : vector<16xi32>
      %xor3A_200 = arith.xori %add3A_192, %or3A_199 : vector<16xi32>
      %add3A_201 = arith.addi %add3A_192, %xor3A_200 : vector<16xi32>
      %shift_left3A_202 = arith.constant 6 : i32
      %shift_left3A_203 = vector.broadcast %shift_left3A_202 : i32 to vector<16xi32>
      %shift_left3A_204 = arith.shli %xor3A_200, %shift_left3A_203 : vector<16xi32>
      %shift_right_logical3A_205 = arith.constant 26 : i32
      %shift_right_logical3A_206 = vector.broadcast %shift_right_logical3A_205 : i32 to vector<16xi32>
      %shift_right_logical3A_207 = arith.shrui %xor3A_200, %shift_right_logical3A_206 : vector<16xi32>
      %or3A_208 = arith.ori %shift_left3A_204, %shift_right_logical3A_207 : vector<16xi32>
      %xor3A_209 = arith.xori %add3A_201, %or3A_208 : vector<16xi32>
      %add3A_210 = arith.constant -1378843660 : i32
      %add3A_211 = vector.broadcast %add3A_210 : i32 to vector<16xi32>
      %add3A_212 = arith.addi %add3A_201, %add3A_211 : vector<16xi32>
      %add3A_213 = arith.constant -1244255484 : i32
      %add3A_214 = vector.broadcast %add3A_213 : i32 to vector<16xi32>
      %add3A_215 = arith.addi %xor3A_209, %add3A_214 : vector<16xi32>
      %add3A_216 = arith.addi %add3A_212, %add3A_215 : vector<16xi32>
      %shift_left3A_217 = arith.constant 17 : i32
      %shift_left3A_218 = vector.broadcast %shift_left3A_217 : i32 to vector<16xi32>
      %shift_left3A_219 = arith.shli %add3A_215, %shift_left3A_218 : vector<16xi32>
      %shift_right_logical3A_220 = arith.constant 15 : i32
      %shift_right_logical3A_221 = vector.broadcast %shift_right_logical3A_220 : i32 to vector<16xi32>
      %shift_right_logical3A_222 = arith.shrui %add3A_215, %shift_right_logical3A_221 : vector<16xi32>
      %or3A_223 = arith.ori %shift_left3A_219, %shift_right_logical3A_222 : vector<16xi32>
      %xor3A_224 = arith.xori %add3A_216, %or3A_223 : vector<16xi32>
      %add3A_225 = arith.addi %add3A_216, %xor3A_224 : vector<16xi32>
      %shift_left3A_226 = arith.constant 29 : i32
      %shift_left3A_227 = vector.broadcast %shift_left3A_226 : i32 to vector<16xi32>
      %shift_left3A_228 = arith.shli %xor3A_224, %shift_left3A_227 : vector<16xi32>
      %shift_right_logical3A_229 = arith.constant 3 : i32
      %shift_right_logical3A_230 = vector.broadcast %shift_right_logical3A_229 : i32 to vector<16xi32>
      %shift_right_logical3A_231 = arith.shrui %xor3A_224, %shift_right_logical3A_230 : vector<16xi32>
      %or3A_232 = arith.ori %shift_left3A_228, %shift_right_logical3A_231 : vector<16xi32>
      %xor3A_233 = arith.xori %add3A_225, %or3A_232 : vector<16xi32>
      %add3A_234 = arith.addi %add3A_225, %xor3A_233 : vector<16xi32>
      %shift_left3A_235 = arith.constant 16 : i32
      %shift_left3A_236 = vector.broadcast %shift_left3A_235 : i32 to vector<16xi32>
      %shift_left3A_237 = arith.shli %xor3A_233, %shift_left3A_236 : vector<16xi32>
      %shift_right_logical3A_238 = arith.constant 16 : i32
      %shift_right_logical3A_239 = vector.broadcast %shift_right_logical3A_238 : i32 to vector<16xi32>
      %shift_right_logical3A_240 = arith.shrui %xor3A_233, %shift_right_logical3A_239 : vector<16xi32>
      %or3A_241 = arith.ori %shift_left3A_237, %shift_right_logical3A_240 : vector<16xi32>
      %xor3A_242 = arith.xori %add3A_234, %or3A_241 : vector<16xi32>
      %add3A_243 = arith.addi %add3A_234, %xor3A_242 : vector<16xi32>
      %shift_left3A_244 = arith.constant 24 : i32
      %shift_left3A_245 = vector.broadcast %shift_left3A_244 : i32 to vector<16xi32>
      %shift_left3A_246 = arith.shli %xor3A_242, %shift_left3A_245 : vector<16xi32>
      %shift_right_logical3A_247 = arith.constant 8 : i32
      %shift_right_logical3A_248 = vector.broadcast %shift_right_logical3A_247 : i32 to vector<16xi32>
      %shift_right_logical3A_249 = arith.shrui %xor3A_242, %shift_right_logical3A_248 : vector<16xi32>
      %or3A_250 = arith.ori %shift_left3A_246, %shift_right_logical3A_249 : vector<16xi32>
      %xor3A_251 = arith.xori %add3A_243, %or3A_250 : vector<16xi32>
      %add3A_252 = arith.constant -1244255485 : i32
      %add3A_253 = vector.broadcast %add3A_252 : i32 to vector<16xi32>
      %add3A_254 = arith.addi %add3A_243, %add3A_253 : vector<16xi32>
      %add3A_255 = arith.constant 64467759 : i32
      %add3A_256 = vector.broadcast %add3A_255 : i32 to vector<16xi32>
      %add3A_257 = arith.addi %xor3A_251, %add3A_256 : vector<16xi32>
      %add3A_258 = arith.addi %add3A_254, %add3A_257 : vector<16xi32>
      %shift_left3A_259 = arith.constant 13 : i32
      %shift_left3A_260 = vector.broadcast %shift_left3A_259 : i32 to vector<16xi32>
      %shift_left3A_261 = arith.shli %add3A_257, %shift_left3A_260 : vector<16xi32>
      %shift_right_logical3A_262 = arith.constant 19 : i32
      %shift_right_logical3A_263 = vector.broadcast %shift_right_logical3A_262 : i32 to vector<16xi32>
      %shift_right_logical3A_264 = arith.shrui %add3A_257, %shift_right_logical3A_263 : vector<16xi32>
      %or3A_265 = arith.ori %shift_left3A_261, %shift_right_logical3A_264 : vector<16xi32>
      %xor3A_266 = arith.xori %add3A_258, %or3A_265 : vector<16xi32>
      %add3A_267 = arith.addi %add3A_258, %xor3A_266 : vector<16xi32>
      %shift_left3A_268 = arith.constant 15 : i32
      %shift_left3A_269 = vector.broadcast %shift_left3A_268 : i32 to vector<16xi32>
      %shift_left3A_270 = arith.shli %xor3A_266, %shift_left3A_269 : vector<16xi32>
      %shift_right_logical3A_271 = arith.constant 17 : i32
      %shift_right_logical3A_272 = vector.broadcast %shift_right_logical3A_271 : i32 to vector<16xi32>
      %shift_right_logical3A_273 = arith.shrui %xor3A_266, %shift_right_logical3A_272 : vector<16xi32>
      %or3A_274 = arith.ori %shift_left3A_270, %shift_right_logical3A_273 : vector<16xi32>
      %xor3A_275 = arith.xori %add3A_267, %or3A_274 : vector<16xi32>
      %add3A_276 = arith.addi %add3A_267, %xor3A_275 : vector<16xi32>
      %shift_left3A_277 = arith.constant 26 : i32
      %shift_left3A_278 = vector.broadcast %shift_left3A_277 : i32 to vector<16xi32>
      %shift_left3A_279 = arith.shli %xor3A_275, %shift_left3A_278 : vector<16xi32>
      %shift_right_logical3A_280 = arith.constant 6 : i32
      %shift_right_logical3A_281 = vector.broadcast %shift_right_logical3A_280 : i32 to vector<16xi32>
      %shift_right_logical3A_282 = arith.shrui %xor3A_275, %shift_right_logical3A_281 : vector<16xi32>
      %or3A_283 = arith.ori %shift_left3A_279, %shift_right_logical3A_282 : vector<16xi32>
      %xor3A_284 = arith.xori %add3A_276, %or3A_283 : vector<16xi32>
      %add3A_285 = arith.addi %add3A_276, %xor3A_284 : vector<16xi32>
      %shift_left3A_286 = arith.constant 6 : i32
      %shift_left3A_287 = vector.broadcast %shift_left3A_286 : i32 to vector<16xi32>
      %shift_left3A_288 = arith.shli %xor3A_284, %shift_left3A_287 : vector<16xi32>
      %shift_right_logical3A_289 = arith.constant 26 : i32
      %shift_right_logical3A_290 = vector.broadcast %shift_right_logical3A_289 : i32 to vector<16xi32>
      %shift_right_logical3A_291 = arith.shrui %xor3A_284, %shift_right_logical3A_290 : vector<16xi32>
      %or3A_292 = arith.ori %shift_left3A_288, %shift_right_logical3A_291 : vector<16xi32>
      %xor3A_293 = arith.xori %add3A_285, %or3A_292 : vector<16xi32>
      %add3A_294 = arith.constant 64467757 : i32
      %add3A_295 = vector.broadcast %add3A_294 : i32 to vector<16xi32>
      %add3A_296 = arith.addi %add3A_285, %add3A_295 : vector<16xi32>
      %add3A_297 = arith.constant -1378843657 : i32
      %add3A_298 = vector.broadcast %add3A_297 : i32 to vector<16xi32>
      %add3A_299 = arith.addi %xor3A_293, %add3A_298 : vector<16xi32>
      %add3A_300 = arith.addi %add3A_296, %add3A_299 : vector<16xi32>
      %shift_left3A_301 = arith.constant 17 : i32
      %shift_left3A_302 = vector.broadcast %shift_left3A_301 : i32 to vector<16xi32>
      %shift_left3A_303 = arith.shli %add3A_299, %shift_left3A_302 : vector<16xi32>
      %shift_right_logical3A_304 = arith.constant 15 : i32
      %shift_right_logical3A_305 = vector.broadcast %shift_right_logical3A_304 : i32 to vector<16xi32>
      %shift_right_logical3A_306 = arith.shrui %add3A_299, %shift_right_logical3A_305 : vector<16xi32>
      %or3A_307 = arith.ori %shift_left3A_303, %shift_right_logical3A_306 : vector<16xi32>
      %xor3A_308 = arith.xori %add3A_300, %or3A_307 : vector<16xi32>
      %add3A_309 = arith.addi %add3A_300, %xor3A_308 : vector<16xi32>
      %shift_left3A_310 = arith.constant 29 : i32
      %shift_left3A_311 = vector.broadcast %shift_left3A_310 : i32 to vector<16xi32>
      %shift_left3A_312 = arith.shli %xor3A_308, %shift_left3A_311 : vector<16xi32>
      %shift_right_logical3A_313 = arith.constant 3 : i32
      %shift_right_logical3A_314 = vector.broadcast %shift_right_logical3A_313 : i32 to vector<16xi32>
      %shift_right_logical3A_315 = arith.shrui %xor3A_308, %shift_right_logical3A_314 : vector<16xi32>
      %or3A_316 = arith.ori %shift_left3A_312, %shift_right_logical3A_315 : vector<16xi32>
      %xor3A_317 = arith.xori %add3A_309, %or3A_316 : vector<16xi32>
      %add3A_318 = arith.addi %add3A_309, %xor3A_317 : vector<16xi32>
      %shift_left3A_319 = arith.constant 16 : i32
      %shift_left3A_320 = vector.broadcast %shift_left3A_319 : i32 to vector<16xi32>
      %shift_left3A_321 = arith.shli %xor3A_317, %shift_left3A_320 : vector<16xi32>
      %shift_right_logical3A_322 = arith.constant 16 : i32
      %shift_right_logical3A_323 = vector.broadcast %shift_right_logical3A_322 : i32 to vector<16xi32>
      %shift_right_logical3A_324 = arith.shrui %xor3A_317, %shift_right_logical3A_323 : vector<16xi32>
      %or3A_325 = arith.ori %shift_left3A_321, %shift_right_logical3A_324 : vector<16xi32>
      %xor3A_326 = arith.xori %add3A_318, %or3A_325 : vector<16xi32>
      %add3A_327 = arith.addi %add3A_318, %xor3A_326 : vector<16xi32>
      %shift_left3A_328 = arith.constant 24 : i32
      %shift_left3A_329 = vector.broadcast %shift_left3A_328 : i32 to vector<16xi32>
      %shift_left3A_330 = arith.shli %xor3A_326, %shift_left3A_329 : vector<16xi32>
      %shift_right_logical3A_331 = arith.constant 8 : i32
      %shift_right_logical3A_332 = vector.broadcast %shift_right_logical3A_331 : i32 to vector<16xi32>
      %shift_right_logical3A_333 = arith.shrui %xor3A_326, %shift_right_logical3A_332 : vector<16xi32>
      %or3A_334 = arith.ori %shift_left3A_330, %shift_right_logical3A_333 : vector<16xi32>
      %xor3A_335 = arith.xori %add3A_327, %or3A_334 : vector<16xi32>
      %add3A_336 = arith.constant -1378843660 : i32
      %add3A_337 = vector.broadcast %add3A_336 : i32 to vector<16xi32>
      %add3A_338 = arith.addi %add3A_327, %add3A_337 : vector<16xi32>
      %add3A_339 = arith.constant -1244255481 : i32
      %add3A_340 = vector.broadcast %add3A_339 : i32 to vector<16xi32>
      %add3A_341 = arith.addi %xor3A_335, %add3A_340 : vector<16xi32>
      %add3A_342 = arith.addi %add3A_338, %add3A_341 : vector<16xi32>
      %shift_left3A_343 = arith.constant 13 : i32
      %shift_left3A_344 = vector.broadcast %shift_left3A_343 : i32 to vector<16xi32>
      %shift_left3A_345 = arith.shli %add3A_341, %shift_left3A_344 : vector<16xi32>
      %shift_right_logical3A_346 = arith.constant 19 : i32
      %shift_right_logical3A_347 = vector.broadcast %shift_right_logical3A_346 : i32 to vector<16xi32>
      %shift_right_logical3A_348 = arith.shrui %add3A_341, %shift_right_logical3A_347 : vector<16xi32>
      %or3A_349 = arith.ori %shift_left3A_345, %shift_right_logical3A_348 : vector<16xi32>
      %xor3A_350 = arith.xori %add3A_342, %or3A_349 : vector<16xi32>
      %add3A_351 = arith.addi %add3A_342, %xor3A_350 : vector<16xi32>
      %shift_left3A_352 = arith.constant 15 : i32
      %shift_left3A_353 = vector.broadcast %shift_left3A_352 : i32 to vector<16xi32>
      %shift_left3A_354 = arith.shli %xor3A_350, %shift_left3A_353 : vector<16xi32>
      %shift_right_logical3A_355 = arith.constant 17 : i32
      %shift_right_logical3A_356 = vector.broadcast %shift_right_logical3A_355 : i32 to vector<16xi32>
      %shift_right_logical3A_357 = arith.shrui %xor3A_350, %shift_right_logical3A_356 : vector<16xi32>
      %or3A_358 = arith.ori %shift_left3A_354, %shift_right_logical3A_357 : vector<16xi32>
      %xor3A_359 = arith.xori %add3A_351, %or3A_358 : vector<16xi32>
      %add3A_360 = arith.addi %add3A_351, %xor3A_359 : vector<16xi32>
      %shift_left3A_361 = arith.constant 26 : i32
      %shift_left3A_362 = vector.broadcast %shift_left3A_361 : i32 to vector<16xi32>
      %shift_left3A_363 = arith.shli %xor3A_359, %shift_left3A_362 : vector<16xi32>
      %shift_right_logical3A_364 = arith.constant 6 : i32
      %shift_right_logical3A_365 = vector.broadcast %shift_right_logical3A_364 : i32 to vector<16xi32>
      %shift_right_logical3A_366 = arith.shrui %xor3A_359, %shift_right_logical3A_365 : vector<16xi32>
      %or3A_367 = arith.ori %shift_left3A_363, %shift_right_logical3A_366 : vector<16xi32>
      %xor3A_368 = arith.xori %add3A_360, %or3A_367 : vector<16xi32>
      %add3A_369 = arith.addi %add3A_360, %xor3A_368 : vector<16xi32>
      %shift_left3A_370 = arith.constant 6 : i32
      %shift_left3A_371 = vector.broadcast %shift_left3A_370 : i32 to vector<16xi32>
      %shift_left3A_372 = arith.shli %xor3A_368, %shift_left3A_371 : vector<16xi32>
      %shift_right_logical3A_373 = arith.constant 26 : i32
      %shift_right_logical3A_374 = vector.broadcast %shift_right_logical3A_373 : i32 to vector<16xi32>
      %shift_right_logical3A_375 = arith.shrui %xor3A_368, %shift_right_logical3A_374 : vector<16xi32>
      %or3A_376 = arith.ori %shift_left3A_372, %shift_right_logical3A_375 : vector<16xi32>
      %xor3A_377 = arith.xori %add3A_369, %or3A_376 : vector<16xi32>
      %add3A_378 = arith.constant -1244255485 : i32
      %add3A_379 = vector.broadcast %add3A_378 : i32 to vector<16xi32>
      %add3A_380 = arith.addi %add3A_369, %add3A_379 : vector<16xi32>
      %add3A_381 = arith.constant 64467762 : i32
      %add3A_382 = vector.broadcast %add3A_381 : i32 to vector<16xi32>
      %add3A_383 = arith.addi %xor3A_377, %add3A_382 : vector<16xi32>
      %xor3A_384 = arith.xori %add3A_380, %add3A_383 : vector<16xi32>
      %mul3A_385 = arith.constant 128 : i32
      %mul3A_386 = arith.muli %select_n3A_148, %mul3A_385 : i32
      %mul3A_387 = arith.constant 16 : i32
      %mul3A_388 = arith.muli %select_n3A_164, %mul3A_387 : i32
      %add3A_389 = arith.addi %mul3A_386, %mul3A_388 : i32
      %swap3A = arith.constant 6 : i32
      %swap3A_390 = arith.index_cast %swap3A : i32 to index
      %swap3A_391 = arith.index_cast %add3A_389 : i32 to index
      %swap3A_392 = tpu.vector_load %arg3[%swap3A_390, %swap3A_391] {strides = array<i32>} : memref<8x1024xi32, #tpu.memory_space<vmem>>, vector<1x16xi32>,
      %swap3A_393 = vector.shape_cast %swap3A_392 : vector<1x16xi32> to vector<16xi32>
      %swap3A_394 = vector.shape_cast %xor3A_384 : vector<16xi32> to vector<1x16xi32>
      tpu.vector_store %arg3[%swap3A_390, %swap3A_391], %swap3A_394 {strides = array<i32>} : memref<8x1024xi32, #tpu.memory_space<vmem>>, vector<1x16xi32>,
    }
    %scan3A_108 = arith.constant 64 : i32
    %mul3A_109 = arith.constant 8 : i32
    %mul3A_110 = arith.muli %select_n3A, %mul3A_109 : i32
    %add3A_111 = arith.constant 7 : i32
    %add3A_112 = arith.addi %mul3A_110, %add3A_111 : i32
    %scan3A_113 = arith.constant 0 : i32
    %scan3A_114 = arith.constant -1378843660 : i32
    %scan3A_115 = arith.constant 0 : i32
    %scan3A_116 = arith.constant 64 : i32
    %scan3A_117 = arith.addi %scan3A_115, %scan3A_116 : i32
    %scan3A_118 = arith.constant 1 : i32
    scf.for %scan3A_124 = %scan3A_115 to %scan3A_117 step %scan3A_118  : i32 {
      %jit3A_125 = arith.constant 8 : i32
      %div3A_126 = arith.divsi %scan3A_124, %jit3A_125 : i32
      %sign3A_127 = arith.constant 0 : i32
      %sign3A_128 = arith.cmpi sgt, %scan3A_124, %sign3A_127 : i32
      %sign3A_129 = arith.extui %sign3A_128 : i1 to i32
      %sign3A_130 = arith.constant 0 : i32
      %sign3A_131 = arith.cmpi slt, %scan3A_124, %sign3A_130 : i32
      %sign3A_132 = arith.extui %sign3A_131 : i1 to i32
      %sign3A_133 = arith.subi %sign3A_129, %sign3A_132 : i32
      %sign3A_134 = arith.constant 0 : i32
      %sign3A_135 = arith.cmpi sgt, %jit3A_125, %sign3A_134 : i32
      %sign3A_136 = arith.extui %sign3A_135 : i1 to i32
      %sign3A_137 = arith.constant 0 : i32
      %sign3A_138 = arith.cmpi slt, %jit3A_125, %sign3A_137 : i32
      %sign3A_139 = arith.extui %sign3A_138 : i1 to i32
      %sign3A_140 = arith.subi %sign3A_136, %sign3A_139 : i32
      %ne3A_141 = arith.cmpi ne, %sign3A_133, %sign3A_140 : i32
      %rem3A_142 = arith.remsi %scan3A_124, %jit3A_125 : i32
      %ne3A_143 = arith.constant 0 : i32
      %ne3A_144 = arith.cmpi ne, %rem3A_142, %ne3A_143 : i32
      %and3A_145 = arith.andi %ne3A_141, %ne3A_144 : i1
      %sub3A_146 = arith.constant 1 : i32
      %sub3A_147 = arith.subi %div3A_126, %sub3A_146 : i32
      %select_n3A_148 = arith.select %and3A_145, %sub3A_147, %div3A_126 : i32
      %jit3A_149 = arith.constant 8 : i32
      %eq3A_150 = arith.constant 0 : i32
      %eq3A_151 = arith.cmpi eq, %jit3A_149, %eq3A_150 : i32
      %jit3A_152 = arith.constant 1 : i32
      %select_n3A_153 = arith.select %eq3A_151, %jit3A_152, %jit3A_149 : i32
      %rem3A_154 = arith.remsi %scan3A_124, %select_n3A_153 : i32
      %ne3A_155 = arith.constant 0 : i32
      %ne3A_156 = arith.cmpi ne, %rem3A_154, %ne3A_155 : i32
      %lt3A_157 = arith.constant 0 : i32
      %lt3A_158 = arith.cmpi slt, %rem3A_154, %lt3A_157 : i32
      %lt3A_159 = arith.constant 0 : i32
      %lt3A_160 = arith.cmpi slt, %select_n3A_153, %lt3A_159 : i32
      %ne3A_161 = arith.xori %lt3A_158, %lt3A_160 : i1
      %and3A_162 = arith.andi %ne3A_161, %ne3A_156 : i1
      %add3A_163 = arith.addi %rem3A_154, %select_n3A_153 : i32
      %select_n3A_164 = arith.select %and3A_162, %add3A_163, %rem3A_154 : i32
      %add3A_165 = arith.addi %mul3A_32, %select_n3A_148 : i32
      %mul3A_166 = arith.constant 128 : i32
      %mul3A_167 = arith.muli %add3A_165, %mul3A_166 : i32
      %mul3A_168 = arith.constant 16 : i32
      %mul3A_169 = arith.muli %select_n3A_164, %mul3A_168 : i32
      %add3A_170 = arith.addi %mul3A_167, %mul3A_169 : i32
      %mul3A_171 = arith.constant 8192 : i32
      %mul3A_172 = arith.muli %add3A_112, %mul3A_171 : i32
      %add3A_173 = arith.addi %mul3A_172, %add3A_170 : i32
      %add3A_174 = arith.addi %add3A_173, %scan3A_114 : i32
      %add3A_175 = vector.broadcast %add3A_174 : i32 to vector<16xi32>
      %add3A_176 = arith.addi %add3A_175, %iota3A : vector<16xi32>
      %broadcast_in_dim3A = arith.constant 64467757 : i32
      %broadcast_in_dim3A_177 = vector.broadcast %broadcast_in_dim3A : i32 to vector<16xi32>
      %add3A_178 = arith.addi %broadcast_in_dim3A_177, %add3A_176 : vector<16xi32>
      %shift_left3A = arith.constant 13 : i32
      %shift_left3A_179 = vector.broadcast %shift_left3A : i32 to vector<16xi32>
      %shift_left3A_180 = arith.shli %add3A_176, %shift_left3A_179 : vector<16xi32>
      %shift_right_logical3A = arith.constant 19 : i32
      %shift_right_logical3A_181 = vector.broadcast %shift_right_logical3A : i32 to vector<16xi32>
      %shift_right_logical3A_182 = arith.shrui %add3A_176, %shift_right_logical3A_181 : vector<16xi32>
      %or3A = arith.ori %shift_left3A_180, %shift_right_logical3A_182 : vector<16xi32>
      %xor3A = arith.xori %add3A_178, %or3A : vector<16xi32>
      %add3A_183 = arith.addi %add3A_178, %xor3A : vector<16xi32>
      %shift_left3A_184 = arith.constant 15 : i32
      %shift_left3A_185 = vector.broadcast %shift_left3A_184 : i32 to vector<16xi32>
      %shift_left3A_186 = arith.shli %xor3A, %shift_left3A_185 : vector<16xi32>
      %shift_right_logical3A_187 = arith.constant 17 : i32
      %shift_right_logical3A_188 = vector.broadcast %shift_right_logical3A_187 : i32 to vector<16xi32>
      %shift_right_logical3A_189 = arith.shrui %xor3A, %shift_right_logical3A_188 : vector<16xi32>
      %or3A_190 = arith.ori %shift_left3A_186, %shift_right_logical3A_189 : vector<16xi32>
      %xor3A_191 = arith.xori %add3A_183, %or3A_190 : vector<16xi32>
      %add3A_192 = arith.addi %add3A_183, %xor3A_191 : vector<16xi32>
      %shift_left3A_193 = arith.constant 26 : i32
      %shift_left3A_194 = vector.broadcast %shift_left3A_193 : i32 to vector<16xi32>
      %shift_left3A_195 = arith.shli %xor3A_191, %shift_left3A_194 : vector<16xi32>
      %shift_right_logical3A_196 = arith.constant 6 : i32
      %shift_right_logical3A_197 = vector.broadcast %shift_right_logical3A_196 : i32 to vector<16xi32>
      %shift_right_logical3A_198 = arith.shrui %xor3A_191, %shift_right_logical3A_197 : vector<16xi32>
      %or3A_199 = arith.ori %shift_left3A_195, %shift_right_logical3A_198 : vector<16xi32>
      %xor3A_200 = arith.xori %add3A_192, %or3A_199 : vector<16xi32>
      %add3A_201 = arith.addi %add3A_192, %xor3A_200 : vector<16xi32>
      %shift_left3A_202 = arith.constant 6 : i32
      %shift_left3A_203 = vector.broadcast %shift_left3A_202 : i32 to vector<16xi32>
      %shift_left3A_204 = arith.shli %xor3A_200, %shift_left3A_203 : vector<16xi32>
      %shift_right_logical3A_205 = arith.constant 26 : i32
      %shift_right_logical3A_206 = vector.broadcast %shift_right_logical3A_205 : i32 to vector<16xi32>
      %shift_right_logical3A_207 = arith.shrui %xor3A_200, %shift_right_logical3A_206 : vector<16xi32>
      %or3A_208 = arith.ori %shift_left3A_204, %shift_right_logical3A_207 : vector<16xi32>
      %xor3A_209 = arith.xori %add3A_201, %or3A_208 : vector<16xi32>
      %add3A_210 = arith.constant -1378843660 : i32
      %add3A_211 = vector.broadcast %add3A_210 : i32 to vector<16xi32>
      %add3A_212 = arith.addi %add3A_201, %add3A_211 : vector<16xi32>
      %add3A_213 = arith.constant -1244255484 : i32
      %add3A_214 = vector.broadcast %add3A_213 : i32 to vector<16xi32>
      %add3A_215 = arith.addi %xor3A_209, %add3A_214 : vector<16xi32>
      %add3A_216 = arith.addi %add3A_212, %add3A_215 : vector<16xi32>
      %shift_left3A_217 = arith.constant 17 : i32
      %shift_left3A_218 = vector.broadcast %shift_left3A_217 : i32 to vector<16xi32>
      %shift_left3A_219 = arith.shli %add3A_215, %shift_left3A_218 : vector<16xi32>
      %shift_right_logical3A_220 = arith.constant 15 : i32
      %shift_right_logical3A_221 = vector.broadcast %shift_right_logical3A_220 : i32 to vector<16xi32>
      %shift_right_logical3A_222 = arith.shrui %add3A_215, %shift_right_logical3A_221 : vector<16xi32>
      %or3A_223 = arith.ori %shift_left3A_219, %shift_right_logical3A_222 : vector<16xi32>
      %xor3A_224 = arith.xori %add3A_216, %or3A_223 : vector<16xi32>
      %add3A_225 = arith.addi %add3A_216, %xor3A_224 : vector<16xi32>
      %shift_left3A_226 = arith.constant 29 : i32
      %shift_left3A_227 = vector.broadcast %shift_left3A_226 : i32 to vector<16xi32>
      %shift_left3A_228 = arith.shli %xor3A_224, %shift_left3A_227 : vector<16xi32>
      %shift_right_logical3A_229 = arith.constant 3 : i32
      %shift_right_logical3A_230 = vector.broadcast %shift_right_logical3A_229 : i32 to vector<16xi32>
      %shift_right_logical3A_231 = arith.shrui %xor3A_224, %shift_right_logical3A_230 : vector<16xi32>
      %or3A_232 = arith.ori %shift_left3A_228, %shift_right_logical3A_231 : vector<16xi32>
      %xor3A_233 = arith.xori %add3A_225, %or3A_232 : vector<16xi32>
      %add3A_234 = arith.addi %add3A_225, %xor3A_233 : vector<16xi32>
      %shift_left3A_235 = arith.constant 16 : i32
      %shift_left3A_236 = vector.broadcast %shift_left3A_235 : i32 to vector<16xi32>
      %shift_left3A_237 = arith.shli %xor3A_233, %shift_left3A_236 : vector<16xi32>
      %shift_right_logical3A_238 = arith.constant 16 : i32
      %shift_right_logical3A_239 = vector.broadcast %shift_right_logical3A_238 : i32 to vector<16xi32>
      %shift_right_logical3A_240 = arith.shrui %xor3A_233, %shift_right_logical3A_239 : vector<16xi32>
      %or3A_241 = arith.ori %shift_left3A_237, %shift_right_logical3A_240 : vector<16xi32>
      %xor3A_242 = arith.xori %add3A_234, %or3A_241 : vector<16xi32>
      %add3A_243 = arith.addi %add3A_234, %xor3A_242 : vector<16xi32>
      %shift_left3A_244 = arith.constant 24 : i32
      %shift_left3A_245 = vector.broadcast %shift_left3A_244 : i32 to vector<16xi32>
      %shift_left3A_246 = arith.shli %xor3A_242, %shift_left3A_245 : vector<16xi32>
      %shift_right_logical3A_247 = arith.constant 8 : i32
      %shift_right_logical3A_248 = vector.broadcast %shift_right_logical3A_247 : i32 to vector<16xi32>
      %shift_right_logical3A_249 = arith.shrui %xor3A_242, %shift_right_logical3A_248 : vector<16xi32>
      %or3A_250 = arith.ori %shift_left3A_246, %shift_right_logical3A_249 : vector<16xi32>
      %xor3A_251 = arith.xori %add3A_243, %or3A_250 : vector<16xi32>
      %add3A_252 = arith.constant -1244255485 : i32
      %add3A_253 = vector.broadcast %add3A_252 : i32 to vector<16xi32>
      %add3A_254 = arith.addi %add3A_243, %add3A_253 : vector<16xi32>
      %add3A_255 = arith.constant 64467759 : i32
      %add3A_256 = vector.broadcast %add3A_255 : i32 to vector<16xi32>
      %add3A_257 = arith.addi %xor3A_251, %add3A_256 : vector<16xi32>
      %add3A_258 = arith.addi %add3A_254, %add3A_257 : vector<16xi32>
      %shift_left3A_259 = arith.constant 13 : i32
      %shift_left3A_260 = vector.broadcast %shift_left3A_259 : i32 to vector<16xi32>
      %shift_left3A_261 = arith.shli %add3A_257, %shift_left3A_260 : vector<16xi32>
      %shift_right_logical3A_262 = arith.constant 19 : i32
      %shift_right_logical3A_263 = vector.broadcast %shift_right_logical3A_262 : i32 to vector<16xi32>
      %shift_right_logical3A_264 = arith.shrui %add3A_257, %shift_right_logical3A_263 : vector<16xi32>
      %or3A_265 = arith.ori %shift_left3A_261, %shift_right_logical3A_264 : vector<16xi32>
      %xor3A_266 = arith.xori %add3A_258, %or3A_265 : vector<16xi32>
      %add3A_267 = arith.addi %add3A_258, %xor3A_266 : vector<16xi32>
      %shift_left3A_268 = arith.constant 15 : i32
      %shift_left3A_269 = vector.broadcast %shift_left3A_268 : i32 to vector<16xi32>
      %shift_left3A_270 = arith.shli %xor3A_266, %shift_left3A_269 : vector<16xi32>
      %shift_right_logical3A_271 = arith.constant 17 : i32
      %shift_right_logical3A_272 = vector.broadcast %shift_right_logical3A_271 : i32 to vector<16xi32>
      %shift_right_logical3A_273 = arith.shrui %xor3A_266, %shift_right_logical3A_272 : vector<16xi32>
      %or3A_274 = arith.ori %shift_left3A_270, %shift_right_logical3A_273 : vector<16xi32>
      %xor3A_275 = arith.xori %add3A_267, %or3A_274 : vector<16xi32>
      %add3A_276 = arith.addi %add3A_267, %xor3A_275 : vector<16xi32>
      %shift_left3A_277 = arith.constant 26 : i32
      %shift_left3A_278 = vector.broadcast %shift_left3A_277 : i32 to vector<16xi32>
      %shift_left3A_279 = arith.shli %xor3A_275, %shift_left3A_278 : vector<16xi32>
      %shift_right_logical3A_280 = arith.constant 6 : i32
      %shift_right_logical3A_281 = vector.broadcast %shift_right_logical3A_280 : i32 to vector<16xi32>
      %shift_right_logical3A_282 = arith.shrui %xor3A_275, %shift_right_logical3A_281 : vector<16xi32>
      %or3A_283 = arith.ori %shift_left3A_279, %shift_right_logical3A_282 : vector<16xi32>
      %xor3A_284 = arith.xori %add3A_276, %or3A_283 : vector<16xi32>
      %add3A_285 = arith.addi %add3A_276, %xor3A_284 : vector<16xi32>
      %shift_left3A_286 = arith.constant 6 : i32
      %shift_left3A_287 = vector.broadcast %shift_left3A_286 : i32 to vector<16xi32>
      %shift_left3A_288 = arith.shli %xor3A_284, %shift_left3A_287 : vector<16xi32>
      %shift_right_logical3A_289 = arith.constant 26 : i32
      %shift_right_logical3A_290 = vector.broadcast %shift_right_logical3A_289 : i32 to vector<16xi32>
      %shift_right_logical3A_291 = arith.shrui %xor3A_284, %shift_right_logical3A_290 : vector<16xi32>
      %or3A_292 = arith.ori %shift_left3A_288, %shift_right_logical3A_291 : vector<16xi32>
      %xor3A_293 = arith.xori %add3A_285, %or3A_292 : vector<16xi32>
      %add3A_294 = arith.constant 64467757 : i32
      %add3A_295 = vector.broadcast %add3A_294 : i32 to vector<16xi32>
      %add3A_296 = arith.addi %add3A_285, %add3A_295 : vector<16xi32>
      %add3A_297 = arith.constant -1378843657 : i32
      %add3A_298 = vector.broadcast %add3A_297 : i32 to vector<16xi32>
      %add3A_299 = arith.addi %xor3A_293, %add3A_298 : vector<16xi32>
      %add3A_300 = arith.addi %add3A_296, %add3A_299 : vector<16xi32>
      %shift_left3A_301 = arith.constant 17 : i32
      %shift_left3A_302 = vector.broadcast %shift_left3A_301 : i32 to vector<16xi32>
      %shift_left3A_303 = arith.shli %add3A_299, %shift_left3A_302 : vector<16xi32>
      %shift_right_logical3A_304 = arith.constant 15 : i32
      %shift_right_logical3A_305 = vector.broadcast %shift_right_logical3A_304 : i32 to vector<16xi32>
      %shift_right_logical3A_306 = arith.shrui %add3A_299, %shift_right_logical3A_305 : vector<16xi32>
      %or3A_307 = arith.ori %shift_left3A_303, %shift_right_logical3A_306 : vector<16xi32>
      %xor3A_308 = arith.xori %add3A_300, %or3A_307 : vector<16xi32>
      %add3A_309 = arith.addi %add3A_300, %xor3A_308 : vector<16xi32>
      %shift_left3A_310 = arith.constant 29 : i32
      %shift_left3A_311 = vector.broadcast %shift_left3A_310 : i32 to vector<16xi32>
      %shift_left3A_312 = arith.shli %xor3A_308, %shift_left3A_311 : vector<16xi32>
      %shift_right_logical3A_313 = arith.constant 3 : i32
      %shift_right_logical3A_314 = vector.broadcast %shift_right_logical3A_313 : i32 to vector<16xi32>
      %shift_right_logical3A_315 = arith.shrui %xor3A_308, %shift_right_logical3A_314 : vector<16xi32>
      %or3A_316 = arith.ori %shift_left3A_312, %shift_right_logical3A_315 : vector<16xi32>
      %xor3A_317 = arith.xori %add3A_309, %or3A_316 : vector<16xi32>
      %add3A_318 = arith.addi %add3A_309, %xor3A_317 : vector<16xi32>
      %shift_left3A_319 = arith.constant 16 : i32
      %shift_left3A_320 = vector.broadcast %shift_left3A_319 : i32 to vector<16xi32>
      %shift_left3A_321 = arith.shli %xor3A_317, %shift_left3A_320 : vector<16xi32>
      %shift_right_logical3A_322 = arith.constant 16 : i32
      %shift_right_logical3A_323 = vector.broadcast %shift_right_logical3A_322 : i32 to vector<16xi32>
      %shift_right_logical3A_324 = arith.shrui %xor3A_317, %shift_right_logical3A_323 : vector<16xi32>
      %or3A_325 = arith.ori %shift_left3A_321, %shift_right_logical3A_324 : vector<16xi32>
      %xor3A_326 = arith.xori %add3A_318, %or3A_325 : vector<16xi32>
      %add3A_327 = arith.addi %add3A_318, %xor3A_326 : vector<16xi32>
      %shift_left3A_328 = arith.constant 24 : i32
      %shift_left3A_329 = vector.broadcast %shift_left3A_328 : i32 to vector<16xi32>
      %shift_left3A_330 = arith.shli %xor3A_326, %shift_left3A_329 : vector<16xi32>
      %shift_right_logical3A_331 = arith.constant 8 : i32
      %shift_right_logical3A_332 = vector.broadcast %shift_right_logical3A_331 : i32 to vector<16xi32>
      %shift_right_logical3A_333 = arith.shrui %xor3A_326, %shift_right_logical3A_332 : vector<16xi32>
      %or3A_334 = arith.ori %shift_left3A_330, %shift_right_logical3A_333 : vector<16xi32>
      %xor3A_335 = arith.xori %add3A_327, %or3A_334 : vector<16xi32>
      %add3A_336 = arith.constant -1378843660 : i32
      %add3A_337 = vector.broadcast %add3A_336 : i32 to vector<16xi32>
      %add3A_338 = arith.addi %add3A_327, %add3A_337 : vector<16xi32>
      %add3A_339 = arith.constant -1244255481 : i32
      %add3A_340 = vector.broadcast %add3A_339 : i32 to vector<16xi32>
      %add3A_341 = arith.addi %xor3A_335, %add3A_340 : vector<16xi32>
      %add3A_342 = arith.addi %add3A_338, %add3A_341 : vector<16xi32>
      %shift_left3A_343 = arith.constant 13 : i32
      %shift_left3A_344 = vector.broadcast %shift_left3A_343 : i32 to vector<16xi32>
      %shift_left3A_345 = arith.shli %add3A_341, %shift_left3A_344 : vector<16xi32>
      %shift_right_logical3A_346 = arith.constant 19 : i32
      %shift_right_logical3A_347 = vector.broadcast %shift_right_logical3A_346 : i32 to vector<16xi32>
      %shift_right_logical3A_348 = arith.shrui %add3A_341, %shift_right_logical3A_347 : vector<16xi32>
      %or3A_349 = arith.ori %shift_left3A_345, %shift_right_logical3A_348 : vector<16xi32>
      %xor3A_350 = arith.xori %add3A_342, %or3A_349 : vector<16xi32>
      %add3A_351 = arith.addi %add3A_342, %xor3A_350 : vector<16xi32>
      %shift_left3A_352 = arith.constant 15 : i32
      %shift_left3A_353 = vector.broadcast %shift_left3A_352 : i32 to vector<16xi32>
      %shift_left3A_354 = arith.shli %xor3A_350, %shift_left3A_353 : vector<16xi32>
      %shift_right_logical3A_355 = arith.constant 17 : i32
      %shift_right_logical3A_356 = vector.broadcast %shift_right_logical3A_355 : i32 to vector<16xi32>
      %shift_right_logical3A_357 = arith.shrui %xor3A_350, %shift_right_logical3A_356 : vector<16xi32>
      %or3A_358 = arith.ori %shift_left3A_354, %shift_right_logical3A_357 : vector<16xi32>
      %xor3A_359 = arith.xori %add3A_351, %or3A_358 : vector<16xi32>
      %add3A_360 = arith.addi %add3A_351, %xor3A_359 : vector<16xi32>
      %shift_left3A_361 = arith.constant 26 : i32
      %shift_left3A_362 = vector.broadcast %shift_left3A_361 : i32 to vector<16xi32>
      %shift_left3A_363 = arith.shli %xor3A_359, %shift_left3A_362 : vector<16xi32>
      %shift_right_logical3A_364 = arith.constant 6 : i32
      %shift_right_logical3A_365 = vector.broadcast %shift_right_logical3A_364 : i32 to vector<16xi32>
      %shift_right_logical3A_366 = arith.shrui %xor3A_359, %shift_right_logical3A_365 : vector<16xi32>
      %or3A_367 = arith.ori %shift_left3A_363, %shift_right_logical3A_366 : vector<16xi32>
      %xor3A_368 = arith.xori %add3A_360, %or3A_367 : vector<16xi32>
      %add3A_369 = arith.addi %add3A_360, %xor3A_368 : vector<16xi32>
      %shift_left3A_370 = arith.constant 6 : i32
      %shift_left3A_371 = vector.broadcast %shift_left3A_370 : i32 to vector<16xi32>
      %shift_left3A_372 = arith.shli %xor3A_368, %shift_left3A_371 : vector<16xi32>
      %shift_right_logical3A_373 = arith.constant 26 : i32
      %shift_right_logical3A_374 = vector.broadcast %shift_right_logical3A_373 : i32 to vector<16xi32>
      %shift_right_logical3A_375 = arith.shrui %xor3A_368, %shift_right_logical3A_374 : vector<16xi32>
      %or3A_376 = arith.ori %shift_left3A_372, %shift_right_logical3A_375 : vector<16xi32>
      %xor3A_377 = arith.xori %add3A_369, %or3A_376 : vector<16xi32>
      %add3A_378 = arith.constant -1244255485 : i32
      %add3A_379 = vector.broadcast %add3A_378 : i32 to vector<16xi32>
      %add3A_380 = arith.addi %add3A_369, %add3A_379 : vector<16xi32>
      %add3A_381 = arith.constant 64467762 : i32
      %add3A_382 = vector.broadcast %add3A_381 : i32 to vector<16xi32>
      %add3A_383 = arith.addi %xor3A_377, %add3A_382 : vector<16xi32>
      %xor3A_384 = arith.xori %add3A_380, %add3A_383 : vector<16xi32>
      %mul3A_385 = arith.constant 128 : i32
      %mul3A_386 = arith.muli %select_n3A_148, %mul3A_385 : i32
      %mul3A_387 = arith.constant 16 : i32
      %mul3A_388 = arith.muli %select_n3A_164, %mul3A_387 : i32
      %add3A_389 = arith.addi %mul3A_386, %mul3A_388 : i32
      %swap3A = arith.constant 7 : i32
      %swap3A_390 = arith.index_cast %swap3A : i32 to index
      %swap3A_391 = arith.index_cast %add3A_389 : i32 to index
      %swap3A_392 = tpu.vector_load %arg3[%swap3A_390, %swap3A_391] {strides = array<i32>} : memref<8x1024xi32, #tpu.memory_space<vmem>>, vector<1x16xi32>,
      %swap3A_393 = vector.shape_cast %swap3A_392 : vector<1x16xi32> to vector<16xi32>
      %swap3A_394 = vector.shape_cast %xor3A_384 : vector<16xi32> to vector<1x16xi32>
      tpu.vector_store %arg3[%swap3A_390, %swap3A_391], %swap3A_394 {strides = array<i32>} : memref<8x1024xi32, #tpu.memory_space<vmem>>, vector<1x16xi32>,
    }
    %scan3A_119 = arith.constant 64 : i32
    %mul3A_120 = arith.constant 8 : i32
    %mul3A_121 = arith.muli %select_n3A, %mul3A_120 : i32
    %mul3A_122 = arith.constant 128 : i32
    %mul3A_123 = arith.muli %mul3A_32, %mul3A_122 : i32
    "tpu.region"() ({
      %run_scoped3A = tpu.sem_alloc : memref<!tpu.dma_semaphore, #tpu.memory_space<semaphore_mem>>
      %dma_start3A = tpu.memref_slice %arg2[%mul3A_121, %mul3A_123] : memref<32x8192xi32, #tpu.memory_space<hbm>> -> memref<8x1024xi32, #tpu.memory_space<hbm>>
      %dma_start3A_124 = tpu.memref_slice %arg2[%mul3A_121, %mul3A_123] : memref<32x8192xi32, #tpu.memory_space<hbm>> -> memref<8x1024xi32, #tpu.memory_space<hbm>>
      tpu.enqueue_dma source(%arg3 : memref<8x1024xi32, #tpu.memory_space<vmem>>) target(%dma_start3A_124 : memref<8x1024xi32, #tpu.memory_space<hbm>>) target_semaphore(%run_scoped3A : memref<!tpu.dma_semaphore, #tpu.memory_space<semaphore_mem>>)
      %dma_wait3A = tpu.memref_slice %arg2[%mul3A_121, %mul3A_123] : memref<32x8192xi32, #tpu.memory_space<hbm>> -> memref<8x1024xi32, #tpu.memory_space<hbm>>
      %dma_wait3A_125 = tpu.memref_slice %arg2[%mul3A_121, %mul3A_123] : memref<32x8192xi32, #tpu.memory_space<hbm>> -> memref<8x1024xi32, #tpu.memory_space<hbm>>
      tpu.wait_dma2 semaphore(%run_scoped3A : memref<!tpu.dma_semaphore, #tpu.memory_space<semaphore_mem>>) src(%arg3 : memref<8x1024xi32, #tpu.memory_space<vmem>>) dst(%dma_wait3A_125 : memref<8x1024xi32, #tpu.memory_space<hbm>>)
      tpu.yield
    }) : () -> ()
    return
  }
}

module attributes {stable_mosaic.version = 14 : i64} {
  func.func @_body(%arg0: i32, %arg1: i32, %arg2: memref<90x8x1024xf32, #tpu.memory_space<vmem>>, %arg3: memref<30x8x1024xi32, #tpu.memory_space<vmem>>, %arg4: memref<8x1024xi32, #tpu.memory_space<vmem>>, %arg5: memref<8x1024xi32, #tpu.memory_space<vmem>>) attributes {dimension_semantics = [#tpu.dimension_semantics<arbitrary>, #tpu.dimension_semantics<arbitrary>], iteration_bounds = array<i64: 4, 8>, scalar_prefetch = 0 : i64, scratch_operands = 0 : i64, tpu.core_type = #tpu.core_type<tc>, window_params = [{transform_indices = @transform_0, window_bounds = array<i64: 90, 8, 1024>}, {pipeline_mode = #tpu.pipeline_mode<synchronous>, transform_indices = @transform_1, window_bounds = array<i64: 30, 8, 1024>}, {transform_indices = @transform_2, window_bounds = array<i64: 8, 1024>}, {transform_indices = @transform_3, window_bounds = array<i64: 8, 1024>}]} {
    %get3A = arith.constant 0 : index
    %get3A_0 = arith.constant 0 : index
    %get3A_1 = arith.constant 0 : index
    %get3A_2 = vector.load %arg2[%get3A, %get3A_0, %get3A_1] : memref<90x8x1024xf32, #tpu.memory_space<vmem>>, vector<90x8x1024xf32>
    %mul3A = arith.constant 8 : i32
    %mul3A_3 = arith.muli %arg0, %mul3A : i32
    %mul3A_4 = arith.constant 30 : i32
    %mul3A_5 = arith.muli %mul3A_3, %mul3A_4 : i32
    %mul3A_6 = arith.constant 8192 : i32
    %mul3A_7 = arith.muli %mul3A_5, %mul3A_6 : i32
    %mul3A_8 = arith.constant 1024 : i32
    %mul3A_9 = arith.muli %arg1, %mul3A_8 : i32
    %add3A = arith.addi %mul3A_7, %mul3A_9 : i32
    %get3A_10 = arith.constant 0 : index
    %get3A_11 = arith.constant 0 : index
    %get3A_12 = arith.constant 0 : index
    %get3A_13 = vector.load %arg3[%get3A_10, %get3A_11, %get3A_12] : memref<30x8x1024xi32, #tpu.memory_space<vmem>>, vector<30x8x1024xi32>
    %add3A_14 = vector.broadcast %add3A : i32 to vector<30x8x1024xi32>
    %add3A_15 = arith.addi %get3A_13, %add3A_14 : vector<30x8x1024xi32>
    %broadcast_in_dim3A = arith.constant 1832780943 : i32
    %broadcast_in_dim3A_16 = vector.broadcast %broadcast_in_dim3A : i32 to vector<30x8x1024xi32>
    %add3A_17 = arith.addi %broadcast_in_dim3A_16, %add3A_15 : vector<30x8x1024xi32>
    %shift_left3A = arith.constant 13 : i32
    %shift_left3A_18 = vector.broadcast %shift_left3A : i32 to vector<30x8x1024xi32>
    %shift_left3A_19 = arith.shli %add3A_15, %shift_left3A_18 : vector<30x8x1024xi32>
    %shift_right_logical3A = arith.constant 19 : i32
    %shift_right_logical3A_20 = vector.broadcast %shift_right_logical3A : i32 to vector<30x8x1024xi32>
    %shift_right_logical3A_21 = arith.shrui %add3A_15, %shift_right_logical3A_20 : vector<30x8x1024xi32>
    %or3A = arith.ori %shift_left3A_19, %shift_right_logical3A_21 : vector<30x8x1024xi32>
    %xor3A = arith.xori %add3A_17, %or3A : vector<30x8x1024xi32>
    %add3A_22 = arith.addi %add3A_17, %xor3A : vector<30x8x1024xi32>
    %shift_left3A_23 = arith.constant 15 : i32
    %shift_left3A_24 = vector.broadcast %shift_left3A_23 : i32 to vector<30x8x1024xi32>
    %shift_left3A_25 = arith.shli %xor3A, %shift_left3A_24 : vector<30x8x1024xi32>
    %shift_right_logical3A_26 = arith.constant 17 : i32
    %shift_right_logical3A_27 = vector.broadcast %shift_right_logical3A_26 : i32 to vector<30x8x1024xi32>
    %shift_right_logical3A_28 = arith.shrui %xor3A, %shift_right_logical3A_27 : vector<30x8x1024xi32>
    %or3A_29 = arith.ori %shift_left3A_25, %shift_right_logical3A_28 : vector<30x8x1024xi32>
    %xor3A_30 = arith.xori %add3A_22, %or3A_29 : vector<30x8x1024xi32>
    %add3A_31 = arith.addi %add3A_22, %xor3A_30 : vector<30x8x1024xi32>
    %shift_left3A_32 = arith.constant 26 : i32
    %shift_left3A_33 = vector.broadcast %shift_left3A_32 : i32 to vector<30x8x1024xi32>
    %shift_left3A_34 = arith.shli %xor3A_30, %shift_left3A_33 : vector<30x8x1024xi32>
    %shift_right_logical3A_35 = arith.constant 6 : i32
    %shift_right_logical3A_36 = vector.broadcast %shift_right_logical3A_35 : i32 to vector<30x8x1024xi32>
    %shift_right_logical3A_37 = arith.shrui %xor3A_30, %shift_right_logical3A_36 : vector<30x8x1024xi32>
    %or3A_38 = arith.ori %shift_left3A_34, %shift_right_logical3A_37 : vector<30x8x1024xi32>
    %xor3A_39 = arith.xori %add3A_31, %or3A_38 : vector<30x8x1024xi32>
    %add3A_40 = arith.addi %add3A_31, %xor3A_39 : vector<30x8x1024xi32>
    %shift_left3A_41 = arith.constant 6 : i32
    %shift_left3A_42 = vector.broadcast %shift_left3A_41 : i32 to vector<30x8x1024xi32>
    %shift_left3A_43 = arith.shli %xor3A_39, %shift_left3A_42 : vector<30x8x1024xi32>
    %shift_right_logical3A_44 = arith.constant 26 : i32
    %shift_right_logical3A_45 = vector.broadcast %shift_right_logical3A_44 : i32 to vector<30x8x1024xi32>
    %shift_right_logical3A_46 = arith.shrui %xor3A_39, %shift_right_logical3A_45 : vector<30x8x1024xi32>
    %or3A_47 = arith.ori %shift_left3A_43, %shift_right_logical3A_46 : vector<30x8x1024xi32>
    %xor3A_48 = arith.xori %add3A_40, %or3A_47 : vector<30x8x1024xi32>
    %add3A_49 = arith.constant 270669613 : i32
    %add3A_50 = vector.broadcast %add3A_49 : i32 to vector<30x8x1024xi32>
    %add3A_51 = arith.addi %add3A_40, %add3A_50 : vector<30x8x1024xi32>
    %add3A_52 = arith.constant 1724713081 : i32
    %add3A_53 = vector.broadcast %add3A_52 : i32 to vector<30x8x1024xi32>
    %add3A_54 = arith.addi %xor3A_48, %add3A_53 : vector<30x8x1024xi32>
    %add3A_55 = arith.addi %add3A_51, %add3A_54 : vector<30x8x1024xi32>
    %shift_left3A_56 = arith.constant 17 : i32
    %shift_left3A_57 = vector.broadcast %shift_left3A_56 : i32 to vector<30x8x1024xi32>
    %shift_left3A_58 = arith.shli %add3A_54, %shift_left3A_57 : vector<30x8x1024xi32>
    %shift_right_logical3A_59 = arith.constant 15 : i32
    %shift_right_logical3A_60 = vector.broadcast %shift_right_logical3A_59 : i32 to vector<30x8x1024xi32>
    %shift_right_logical3A_61 = arith.shrui %add3A_54, %shift_right_logical3A_60 : vector<30x8x1024xi32>
    %or3A_62 = arith.ori %shift_left3A_58, %shift_right_logical3A_61 : vector<30x8x1024xi32>
    %xor3A_63 = arith.xori %add3A_55, %or3A_62 : vector<30x8x1024xi32>
    %add3A_64 = arith.addi %add3A_55, %xor3A_63 : vector<30x8x1024xi32>
    %shift_left3A_65 = arith.constant 29 : i32
    %shift_left3A_66 = vector.broadcast %shift_left3A_65 : i32 to vector<30x8x1024xi32>
    %shift_left3A_67 = arith.shli %xor3A_63, %shift_left3A_66 : vector<30x8x1024xi32>
    %shift_right_logical3A_68 = arith.constant 3 : i32
    %shift_right_logical3A_69 = vector.broadcast %shift_right_logical3A_68 : i32 to vector<30x8x1024xi32>
    %shift_right_logical3A_70 = arith.shrui %xor3A_63, %shift_right_logical3A_69 : vector<30x8x1024xi32>
    %or3A_71 = arith.ori %shift_left3A_67, %shift_right_logical3A_70 : vector<30x8x1024xi32>
    %xor3A_72 = arith.xori %add3A_64, %or3A_71 : vector<30x8x1024xi32>
    %add3A_73 = arith.addi %add3A_64, %xor3A_72 : vector<30x8x1024xi32>
    %shift_left3A_74 = arith.constant 16 : i32
    %shift_left3A_75 = vector.broadcast %shift_left3A_74 : i32 to vector<30x8x1024xi32>
    %shift_left3A_76 = arith.shli %xor3A_72, %shift_left3A_75 : vector<30x8x1024xi32>
    %shift_right_logical3A_77 = arith.constant 16 : i32
    %shift_right_logical3A_78 = vector.broadcast %shift_right_logical3A_77 : i32 to vector<30x8x1024xi32>
    %shift_right_logical3A_79 = arith.shrui %xor3A_72, %shift_right_logical3A_78 : vector<30x8x1024xi32>
    %or3A_80 = arith.ori %shift_left3A_76, %shift_right_logical3A_79 : vector<30x8x1024xi32>
    %xor3A_81 = arith.xori %add3A_73, %or3A_80 : vector<30x8x1024xi32>
    %add3A_82 = arith.addi %add3A_73, %xor3A_81 : vector<30x8x1024xi32>
    %shift_left3A_83 = arith.constant 24 : i32
    %shift_left3A_84 = vector.broadcast %shift_left3A_83 : i32 to vector<30x8x1024xi32>
    %shift_left3A_85 = arith.shli %xor3A_81, %shift_left3A_84 : vector<30x8x1024xi32>
    %shift_right_logical3A_86 = arith.constant 8 : i32
    %shift_right_logical3A_87 = vector.broadcast %shift_right_logical3A_86 : i32 to vector<30x8x1024xi32>
    %shift_right_logical3A_88 = arith.shrui %xor3A_81, %shift_right_logical3A_87 : vector<30x8x1024xi32>
    %or3A_89 = arith.ori %shift_left3A_85, %shift_right_logical3A_88 : vector<30x8x1024xi32>
    %xor3A_90 = arith.xori %add3A_82, %or3A_89 : vector<30x8x1024xi32>
    %add3A_91 = arith.constant 1724713080 : i32
    %add3A_92 = vector.broadcast %add3A_91 : i32 to vector<30x8x1024xi32>
    %add3A_93 = arith.addi %add3A_82, %add3A_92 : vector<30x8x1024xi32>
    %add3A_94 = arith.constant 1832780945 : i32
    %add3A_95 = vector.broadcast %add3A_94 : i32 to vector<30x8x1024xi32>
    %add3A_96 = arith.addi %xor3A_90, %add3A_95 : vector<30x8x1024xi32>
    %add3A_97 = arith.addi %add3A_93, %add3A_96 : vector<30x8x1024xi32>
    %shift_left3A_98 = arith.constant 13 : i32
    %shift_left3A_99 = vector.broadcast %shift_left3A_98 : i32 to vector<30x8x1024xi32>
    %shift_left3A_100 = arith.shli %add3A_96, %shift_left3A_99 : vector<30x8x1024xi32>
    %shift_right_logical3A_101 = arith.constant 19 : i32
    %shift_right_logical3A_102 = vector.broadcast %shift_right_logical3A_101 : i32 to vector<30x8x1024xi32>
    %shift_right_logical3A_103 = arith.shrui %add3A_96, %shift_right_logical3A_102 : vector<30x8x1024xi32>
    %or3A_104 = arith.ori %shift_left3A_100, %shift_right_logical3A_103 : vector<30x8x1024xi32>
    %xor3A_105 = arith.xori %add3A_97, %or3A_104 : vector<30x8x1024xi32>
    %add3A_106 = arith.addi %add3A_97, %xor3A_105 : vector<30x8x1024xi32>
    %shift_left3A_107 = arith.constant 15 : i32
    %shift_left3A_108 = vector.broadcast %shift_left3A_107 : i32 to vector<30x8x1024xi32>
    %shift_left3A_109 = arith.shli %xor3A_105, %shift_left3A_108 : vector<30x8x1024xi32>
    %shift_right_logical3A_110 = arith.constant 17 : i32
    %shift_right_logical3A_111 = vector.broadcast %shift_right_logical3A_110 : i32 to vector<30x8x1024xi32>
    %shift_right_logical3A_112 = arith.shrui %xor3A_105, %shift_right_logical3A_111 : vector<30x8x1024xi32>
    %or3A_113 = arith.ori %shift_left3A_109, %shift_right_logical3A_112 : vector<30x8x1024xi32>
    %xor3A_114 = arith.xori %add3A_106, %or3A_113 : vector<30x8x1024xi32>
    %add3A_115 = arith.addi %add3A_106, %xor3A_114 : vector<30x8x1024xi32>
    %shift_left3A_116 = arith.constant 26 : i32
    %shift_left3A_117 = vector.broadcast %shift_left3A_116 : i32 to vector<30x8x1024xi32>
    %shift_left3A_118 = arith.shli %xor3A_114, %shift_left3A_117 : vector<30x8x1024xi32>
    %shift_right_logical3A_119 = arith.constant 6 : i32
    %shift_right_logical3A_120 = vector.broadcast %shift_right_logical3A_119 : i32 to vector<30x8x1024xi32>
    %shift_right_logical3A_121 = arith.shrui %xor3A_114, %shift_right_logical3A_120 : vector<30x8x1024xi32>
    %or3A_122 = arith.ori %shift_left3A_118, %shift_right_logical3A_121 : vector<30x8x1024xi32>
    %xor3A_123 = arith.xori %add3A_115, %or3A_122 : vector<30x8x1024xi32>
    %add3A_124 = arith.addi %add3A_115, %xor3A_123 : vector<30x8x1024xi32>
    %shift_left3A_125 = arith.constant 6 : i32
    %shift_left3A_126 = vector.broadcast %shift_left3A_125 : i32 to vector<30x8x1024xi32>
    %shift_left3A_127 = arith.shli %xor3A_123, %shift_left3A_126 : vector<30x8x1024xi32>
    %shift_right_logical3A_128 = arith.constant 26 : i32
    %shift_right_logical3A_129 = vector.broadcast %shift_right_logical3A_128 : i32 to vector<30x8x1024xi32>
    %shift_right_logical3A_130 = arith.shrui %xor3A_123, %shift_right_logical3A_129 : vector<30x8x1024xi32>
    %or3A_131 = arith.ori %shift_left3A_127, %shift_right_logical3A_130 : vector<30x8x1024xi32>
    %xor3A_132 = arith.xori %add3A_124, %or3A_131 : vector<30x8x1024xi32>
    %add3A_133 = arith.constant 1832780943 : i32
    %add3A_134 = vector.broadcast %add3A_133 : i32 to vector<30x8x1024xi32>
    %add3A_135 = arith.addi %add3A_124, %add3A_134 : vector<30x8x1024xi32>
    %add3A_136 = arith.constant 270669616 : i32
    %add3A_137 = vector.broadcast %add3A_136 : i32 to vector<30x8x1024xi32>
    %add3A_138 = arith.addi %xor3A_132, %add3A_137 : vector<30x8x1024xi32>
    %add3A_139 = arith.addi %add3A_135, %add3A_138 : vector<30x8x1024xi32>
    %shift_left3A_140 = arith.constant 17 : i32
    %shift_left3A_141 = vector.broadcast %shift_left3A_140 : i32 to vector<30x8x1024xi32>
    %shift_left3A_142 = arith.shli %add3A_138, %shift_left3A_141 : vector<30x8x1024xi32>
    %shift_right_logical3A_143 = arith.constant 15 : i32
    %shift_right_logical3A_144 = vector.broadcast %shift_right_logical3A_143 : i32 to vector<30x8x1024xi32>
    %shift_right_logical3A_145 = arith.shrui %add3A_138, %shift_right_logical3A_144 : vector<30x8x1024xi32>
    %or3A_146 = arith.ori %shift_left3A_142, %shift_right_logical3A_145 : vector<30x8x1024xi32>
    %xor3A_147 = arith.xori %add3A_139, %or3A_146 : vector<30x8x1024xi32>
    %add3A_148 = arith.addi %add3A_139, %xor3A_147 : vector<30x8x1024xi32>
    %shift_left3A_149 = arith.constant 29 : i32
    %shift_left3A_150 = vector.broadcast %shift_left3A_149 : i32 to vector<30x8x1024xi32>
    %shift_left3A_151 = arith.shli %xor3A_147, %shift_left3A_150 : vector<30x8x1024xi32>
    %shift_right_logical3A_152 = arith.constant 3 : i32
    %shift_right_logical3A_153 = vector.broadcast %shift_right_logical3A_152 : i32 to vector<30x8x1024xi32>
    %shift_right_logical3A_154 = arith.shrui %xor3A_147, %shift_right_logical3A_153 : vector<30x8x1024xi32>
    %or3A_155 = arith.ori %shift_left3A_151, %shift_right_logical3A_154 : vector<30x8x1024xi32>
    %xor3A_156 = arith.xori %add3A_148, %or3A_155 : vector<30x8x1024xi32>
    %add3A_157 = arith.addi %add3A_148, %xor3A_156 : vector<30x8x1024xi32>
    %shift_left3A_158 = arith.constant 16 : i32
    %shift_left3A_159 = vector.broadcast %shift_left3A_158 : i32 to vector<30x8x1024xi32>
    %shift_left3A_160 = arith.shli %xor3A_156, %shift_left3A_159 : vector<30x8x1024xi32>
    %shift_right_logical3A_161 = arith.constant 16 : i32
    %shift_right_logical3A_162 = vector.broadcast %shift_right_logical3A_161 : i32 to vector<30x8x1024xi32>
    %shift_right_logical3A_163 = arith.shrui %xor3A_156, %shift_right_logical3A_162 : vector<30x8x1024xi32>
    %or3A_164 = arith.ori %shift_left3A_160, %shift_right_logical3A_163 : vector<30x8x1024xi32>
    %xor3A_165 = arith.xori %add3A_157, %or3A_164 : vector<30x8x1024xi32>
    %add3A_166 = arith.addi %add3A_157, %xor3A_165 : vector<30x8x1024xi32>
    %shift_left3A_167 = arith.constant 24 : i32
    %shift_left3A_168 = vector.broadcast %shift_left3A_167 : i32 to vector<30x8x1024xi32>
    %shift_left3A_169 = arith.shli %xor3A_165, %shift_left3A_168 : vector<30x8x1024xi32>
    %shift_right_logical3A_170 = arith.constant 8 : i32
    %shift_right_logical3A_171 = vector.broadcast %shift_right_logical3A_170 : i32 to vector<30x8x1024xi32>
    %shift_right_logical3A_172 = arith.shrui %xor3A_165, %shift_right_logical3A_171 : vector<30x8x1024xi32>
    %or3A_173 = arith.ori %shift_left3A_169, %shift_right_logical3A_172 : vector<30x8x1024xi32>
    %xor3A_174 = arith.xori %add3A_166, %or3A_173 : vector<30x8x1024xi32>
    %add3A_175 = arith.constant 270669613 : i32
    %add3A_176 = vector.broadcast %add3A_175 : i32 to vector<30x8x1024xi32>
    %add3A_177 = arith.addi %add3A_166, %add3A_176 : vector<30x8x1024xi32>
    %add3A_178 = arith.constant 1724713084 : i32
    %add3A_179 = vector.broadcast %add3A_178 : i32 to vector<30x8x1024xi32>
    %add3A_180 = arith.addi %xor3A_174, %add3A_179 : vector<30x8x1024xi32>
    %add3A_181 = arith.addi %add3A_177, %add3A_180 : vector<30x8x1024xi32>
    %shift_left3A_182 = arith.constant 13 : i32
    %shift_left3A_183 = vector.broadcast %shift_left3A_182 : i32 to vector<30x8x1024xi32>
    %shift_left3A_184 = arith.shli %add3A_180, %shift_left3A_183 : vector<30x8x1024xi32>
    %shift_right_logical3A_185 = arith.constant 19 : i32
    %shift_right_logical3A_186 = vector.broadcast %shift_right_logical3A_185 : i32 to vector<30x8x1024xi32>
    %shift_right_logical3A_187 = arith.shrui %add3A_180, %shift_right_logical3A_186 : vector<30x8x1024xi32>
    %or3A_188 = arith.ori %shift_left3A_184, %shift_right_logical3A_187 : vector<30x8x1024xi32>
    %xor3A_189 = arith.xori %add3A_181, %or3A_188 : vector<30x8x1024xi32>
    %add3A_190 = arith.addi %add3A_181, %xor3A_189 : vector<30x8x1024xi32>
    %shift_left3A_191 = arith.constant 15 : i32
    %shift_left3A_192 = vector.broadcast %shift_left3A_191 : i32 to vector<30x8x1024xi32>
    %shift_left3A_193 = arith.shli %xor3A_189, %shift_left3A_192 : vector<30x8x1024xi32>
    %shift_right_logical3A_194 = arith.constant 17 : i32
    %shift_right_logical3A_195 = vector.broadcast %shift_right_logical3A_194 : i32 to vector<30x8x1024xi32>
    %shift_right_logical3A_196 = arith.shrui %xor3A_189, %shift_right_logical3A_195 : vector<30x8x1024xi32>
    %or3A_197 = arith.ori %shift_left3A_193, %shift_right_logical3A_196 : vector<30x8x1024xi32>
    %xor3A_198 = arith.xori %add3A_190, %or3A_197 : vector<30x8x1024xi32>
    %add3A_199 = arith.addi %add3A_190, %xor3A_198 : vector<30x8x1024xi32>
    %shift_left3A_200 = arith.constant 26 : i32
    %shift_left3A_201 = vector.broadcast %shift_left3A_200 : i32 to vector<30x8x1024xi32>
    %shift_left3A_202 = arith.shli %xor3A_198, %shift_left3A_201 : vector<30x8x1024xi32>
    %shift_right_logical3A_203 = arith.constant 6 : i32
    %shift_right_logical3A_204 = vector.broadcast %shift_right_logical3A_203 : i32 to vector<30x8x1024xi32>
    %shift_right_logical3A_205 = arith.shrui %xor3A_198, %shift_right_logical3A_204 : vector<30x8x1024xi32>
    %or3A_206 = arith.ori %shift_left3A_202, %shift_right_logical3A_205 : vector<30x8x1024xi32>
    %xor3A_207 = arith.xori %add3A_199, %or3A_206 : vector<30x8x1024xi32>
    %add3A_208 = arith.addi %add3A_199, %xor3A_207 : vector<30x8x1024xi32>
    %shift_left3A_209 = arith.constant 6 : i32
    %shift_left3A_210 = vector.broadcast %shift_left3A_209 : i32 to vector<30x8x1024xi32>
    %shift_left3A_211 = arith.shli %xor3A_207, %shift_left3A_210 : vector<30x8x1024xi32>
    %shift_right_logical3A_212 = arith.constant 26 : i32
    %shift_right_logical3A_213 = vector.broadcast %shift_right_logical3A_212 : i32 to vector<30x8x1024xi32>
    %shift_right_logical3A_214 = arith.shrui %xor3A_207, %shift_right_logical3A_213 : vector<30x8x1024xi32>
    %or3A_215 = arith.ori %shift_left3A_211, %shift_right_logical3A_214 : vector<30x8x1024xi32>
    %xor3A_216 = arith.xori %add3A_208, %or3A_215 : vector<30x8x1024xi32>
    %add3A_217 = arith.constant 1724713080 : i32
    %add3A_218 = vector.broadcast %add3A_217 : i32 to vector<30x8x1024xi32>
    %add3A_219 = arith.addi %add3A_208, %add3A_218 : vector<30x8x1024xi32>
    %add3A_220 = arith.constant 1832780948 : i32
    %add3A_221 = vector.broadcast %add3A_220 : i32 to vector<30x8x1024xi32>
    %add3A_222 = arith.addi %xor3A_216, %add3A_221 : vector<30x8x1024xi32>
    %xor3A_223 = arith.xori %add3A_219, %add3A_222 : vector<30x8x1024xi32>
    %shift_right_logical3A_224 = arith.constant 9 : i32
    %shift_right_logical3A_225 = vector.broadcast %shift_right_logical3A_224 : i32 to vector<30x8x1024xi32>
    %shift_right_logical3A_226 = arith.shrui %xor3A_223, %shift_right_logical3A_225 : vector<30x8x1024xi32>
    %or3A_227 = arith.constant 1065353216 : i32
    %or3A_228 = vector.broadcast %or3A_227 : i32 to vector<30x8x1024xi32>
    %or3A_229 = arith.ori %shift_right_logical3A_226, %or3A_228 : vector<30x8x1024xi32>
    %bitcast_convert_type3A = tpu.bitcast %or3A_229 : vector<30x8x1024xi32> -> vector<30x8x1024xf32>
    %sub3A = arith.constant 1.000000e+00 : f32
    %sub3A_230 = vector.broadcast %sub3A : f32 to vector<30x8x1024xf32>
    %sub3A_231 = arith.subf %bitcast_convert_type3A, %sub3A_230 : vector<30x8x1024xf32>
    %max3A = arith.constant 1.17549435E-38 : f32
    %max3A_232 = vector.broadcast %max3A : f32 to vector<30x8x1024xf32>
    %max3A_233 = arith.maximumf %sub3A_231, %max3A_232 : vector<30x8x1024xf32>
    %log3A = math.log %max3A_233 : vector<30x8x1024xf32>
    %neg3A = arith.constant 0.000000e+00 : f32
    %neg3A_234 = vector.broadcast %neg3A : f32 to vector<30x8x1024xf32>
    %neg3A_235 = arith.subf %neg3A_234, %log3A : vector<30x8x1024xf32>
    %log3A_236 = math.log %neg3A_235 : vector<30x8x1024xf32>
    %neg3A_237 = arith.constant 0.000000e+00 : f32
    %neg3A_238 = vector.broadcast %neg3A_237 : f32 to vector<30x8x1024xf32>
    %neg3A_239 = arith.subf %neg3A_238, %log3A_236 : vector<30x8x1024xf32>
    %slice3A = vector.extract_strided_slice %get3A_2 {offsets = [0, 0, 0], sizes = [1, 8, 1024], strides = [1, 1, 1]} : vector<90x8x1024xf32> to vector<1x8x1024xf32>
    %squeeze3A = vector.shape_cast %slice3A : vector<1x8x1024xf32> to vector<8x1024xf32>
    %slice3A_240 = vector.extract_strided_slice %neg3A_239 {offsets = [0, 0, 0], sizes = [1, 8, 1024], strides = [1, 1, 1]} : vector<30x8x1024xf32> to vector<1x8x1024xf32>
    %squeeze3A_241 = vector.shape_cast %slice3A_240 : vector<1x8x1024xf32> to vector<8x1024xf32>
    %add3A_242 = arith.addf %squeeze3A, %squeeze3A_241 : vector<8x1024xf32>
    %slice3A_243 = vector.extract_strided_slice %get3A_2 {offsets = [30, 0, 0], sizes = [1, 8, 1024], strides = [1, 1, 1]} : vector<90x8x1024xf32> to vector<1x8x1024xf32>
    %squeeze3A_244 = vector.shape_cast %slice3A_243 : vector<1x8x1024xf32> to vector<8x1024xf32>
    %slice3A_245 = vector.extract_strided_slice %get3A_2 {offsets = [60, 0, 0], sizes = [1, 8, 1024], strides = [1, 1, 1]} : vector<90x8x1024xf32> to vector<1x8x1024xf32>
    %squeeze3A_246 = vector.shape_cast %slice3A_245 : vector<1x8x1024xf32> to vector<8x1024xf32>
    %slice3A_247 = vector.extract_strided_slice %get3A_2 {offsets = [1, 0, 0], sizes = [1, 8, 1024], strides = [1, 1, 1]} : vector<90x8x1024xf32> to vector<1x8x1024xf32>
    %squeeze3A_248 = vector.shape_cast %slice3A_247 : vector<1x8x1024xf32> to vector<8x1024xf32>
    %slice3A_249 = vector.extract_strided_slice %neg3A_239 {offsets = [1, 0, 0], sizes = [1, 8, 1024], strides = [1, 1, 1]} : vector<30x8x1024xf32> to vector<1x8x1024xf32>
    %squeeze3A_250 = vector.shape_cast %slice3A_249 : vector<1x8x1024xf32> to vector<8x1024xf32>
    %add3A_251 = arith.addf %squeeze3A_248, %squeeze3A_250 : vector<8x1024xf32>
    %gt3A = arith.cmpf ogt, %add3A_251, %add3A_242 : vector<8x1024xf32>
    %select_n3A = arith.select %gt3A, %add3A_251, %add3A_242 : vector<8x1024xi1>, vector<8x1024xf32>
    %slice3A_252 = vector.extract_strided_slice %get3A_2 {offsets = [31, 0, 0], sizes = [1, 8, 1024], strides = [1, 1, 1]} : vector<90x8x1024xf32> to vector<1x8x1024xf32>
    %squeeze3A_253 = vector.shape_cast %slice3A_252 : vector<1x8x1024xf32> to vector<8x1024xf32>
    %select_n3A_254 = arith.select %gt3A, %squeeze3A_253, %squeeze3A_244 : vector<8x1024xi1>, vector<8x1024xf32>
    %slice3A_255 = vector.extract_strided_slice %get3A_2 {offsets = [61, 0, 0], sizes = [1, 8, 1024], strides = [1, 1, 1]} : vector<90x8x1024xf32> to vector<1x8x1024xf32>
    %squeeze3A_256 = vector.shape_cast %slice3A_255 : vector<1x8x1024xf32> to vector<8x1024xf32>
    %select_n3A_257 = arith.select %gt3A, %squeeze3A_256, %squeeze3A_246 : vector<8x1024xi1>, vector<8x1024xf32>
    %slice3A_258 = vector.extract_strided_slice %get3A_2 {offsets = [2, 0, 0], sizes = [1, 8, 1024], strides = [1, 1, 1]} : vector<90x8x1024xf32> to vector<1x8x1024xf32>
    %squeeze3A_259 = vector.shape_cast %slice3A_258 : vector<1x8x1024xf32> to vector<8x1024xf32>
    %slice3A_260 = vector.extract_strided_slice %neg3A_239 {offsets = [2, 0, 0], sizes = [1, 8, 1024], strides = [1, 1, 1]} : vector<30x8x1024xf32> to vector<1x8x1024xf32>
    %squeeze3A_261 = vector.shape_cast %slice3A_260 : vector<1x8x1024xf32> to vector<8x1024xf32>
    %add3A_262 = arith.addf %squeeze3A_259, %squeeze3A_261 : vector<8x1024xf32>
    %gt3A_263 = arith.cmpf ogt, %add3A_262, %select_n3A : vector<8x1024xf32>
    %select_n3A_264 = arith.select %gt3A_263, %add3A_262, %select_n3A : vector<8x1024xi1>, vector<8x1024xf32>
    %slice3A_265 = vector.extract_strided_slice %get3A_2 {offsets = [32, 0, 0], sizes = [1, 8, 1024], strides = [1, 1, 1]} : vector<90x8x1024xf32> to vector<1x8x1024xf32>
    %squeeze3A_266 = vector.shape_cast %slice3A_265 : vector<1x8x1024xf32> to vector<8x1024xf32>
    %select_n3A_267 = arith.select %gt3A_263, %squeeze3A_266, %select_n3A_254 : vector<8x1024xi1>, vector<8x1024xf32>
    %slice3A_268 = vector.extract_strided_slice %get3A_2 {offsets = [62, 0, 0], sizes = [1, 8, 1024], strides = [1, 1, 1]} : vector<90x8x1024xf32> to vector<1x8x1024xf32>
    %squeeze3A_269 = vector.shape_cast %slice3A_268 : vector<1x8x1024xf32> to vector<8x1024xf32>
    %select_n3A_270 = arith.select %gt3A_263, %squeeze3A_269, %select_n3A_257 : vector<8x1024xi1>, vector<8x1024xf32>
    %slice3A_271 = vector.extract_strided_slice %get3A_2 {offsets = [3, 0, 0], sizes = [1, 8, 1024], strides = [1, 1, 1]} : vector<90x8x1024xf32> to vector<1x8x1024xf32>
    %squeeze3A_272 = vector.shape_cast %slice3A_271 : vector<1x8x1024xf32> to vector<8x1024xf32>
    %slice3A_273 = vector.extract_strided_slice %neg3A_239 {offsets = [3, 0, 0], sizes = [1, 8, 1024], strides = [1, 1, 1]} : vector<30x8x1024xf32> to vector<1x8x1024xf32>
    %squeeze3A_274 = vector.shape_cast %slice3A_273 : vector<1x8x1024xf32> to vector<8x1024xf32>
    %add3A_275 = arith.addf %squeeze3A_272, %squeeze3A_274 : vector<8x1024xf32>
    %gt3A_276 = arith.cmpf ogt, %add3A_275, %select_n3A_264 : vector<8x1024xf32>
    %select_n3A_277 = arith.select %gt3A_276, %add3A_275, %select_n3A_264 : vector<8x1024xi1>, vector<8x1024xf32>
    %slice3A_278 = vector.extract_strided_slice %get3A_2 {offsets = [33, 0, 0], sizes = [1, 8, 1024], strides = [1, 1, 1]} : vector<90x8x1024xf32> to vector<1x8x1024xf32>
    %squeeze3A_279 = vector.shape_cast %slice3A_278 : vector<1x8x1024xf32> to vector<8x1024xf32>
    %select_n3A_280 = arith.select %gt3A_276, %squeeze3A_279, %select_n3A_267 : vector<8x1024xi1>, vector<8x1024xf32>
    %slice3A_281 = vector.extract_strided_slice %get3A_2 {offsets = [63, 0, 0], sizes = [1, 8, 1024], strides = [1, 1, 1]} : vector<90x8x1024xf32> to vector<1x8x1024xf32>
    %squeeze3A_282 = vector.shape_cast %slice3A_281 : vector<1x8x1024xf32> to vector<8x1024xf32>
    %select_n3A_283 = arith.select %gt3A_276, %squeeze3A_282, %select_n3A_270 : vector<8x1024xi1>, vector<8x1024xf32>
    %slice3A_284 = vector.extract_strided_slice %get3A_2 {offsets = [4, 0, 0], sizes = [1, 8, 1024], strides = [1, 1, 1]} : vector<90x8x1024xf32> to vector<1x8x1024xf32>
    %squeeze3A_285 = vector.shape_cast %slice3A_284 : vector<1x8x1024xf32> to vector<8x1024xf32>
    %slice3A_286 = vector.extract_strided_slice %neg3A_239 {offsets = [4, 0, 0], sizes = [1, 8, 1024], strides = [1, 1, 1]} : vector<30x8x1024xf32> to vector<1x8x1024xf32>
    %squeeze3A_287 = vector.shape_cast %slice3A_286 : vector<1x8x1024xf32> to vector<8x1024xf32>
    %add3A_288 = arith.addf %squeeze3A_285, %squeeze3A_287 : vector<8x1024xf32>
    %gt3A_289 = arith.cmpf ogt, %add3A_288, %select_n3A_277 : vector<8x1024xf32>
    %select_n3A_290 = arith.select %gt3A_289, %add3A_288, %select_n3A_277 : vector<8x1024xi1>, vector<8x1024xf32>
    %slice3A_291 = vector.extract_strided_slice %get3A_2 {offsets = [34, 0, 0], sizes = [1, 8, 1024], strides = [1, 1, 1]} : vector<90x8x1024xf32> to vector<1x8x1024xf32>
    %squeeze3A_292 = vector.shape_cast %slice3A_291 : vector<1x8x1024xf32> to vector<8x1024xf32>
    %select_n3A_293 = arith.select %gt3A_289, %squeeze3A_292, %select_n3A_280 : vector<8x1024xi1>, vector<8x1024xf32>
    %slice3A_294 = vector.extract_strided_slice %get3A_2 {offsets = [64, 0, 0], sizes = [1, 8, 1024], strides = [1, 1, 1]} : vector<90x8x1024xf32> to vector<1x8x1024xf32>
    %squeeze3A_295 = vector.shape_cast %slice3A_294 : vector<1x8x1024xf32> to vector<8x1024xf32>
    %select_n3A_296 = arith.select %gt3A_289, %squeeze3A_295, %select_n3A_283 : vector<8x1024xi1>, vector<8x1024xf32>
    %slice3A_297 = vector.extract_strided_slice %get3A_2 {offsets = [5, 0, 0], sizes = [1, 8, 1024], strides = [1, 1, 1]} : vector<90x8x1024xf32> to vector<1x8x1024xf32>
    %squeeze3A_298 = vector.shape_cast %slice3A_297 : vector<1x8x1024xf32> to vector<8x1024xf32>
    %slice3A_299 = vector.extract_strided_slice %neg3A_239 {offsets = [5, 0, 0], sizes = [1, 8, 1024], strides = [1, 1, 1]} : vector<30x8x1024xf32> to vector<1x8x1024xf32>
    %squeeze3A_300 = vector.shape_cast %slice3A_299 : vector<1x8x1024xf32> to vector<8x1024xf32>
    %add3A_301 = arith.addf %squeeze3A_298, %squeeze3A_300 : vector<8x1024xf32>
    %gt3A_302 = arith.cmpf ogt, %add3A_301, %select_n3A_290 : vector<8x1024xf32>
    %select_n3A_303 = arith.select %gt3A_302, %add3A_301, %select_n3A_290 : vector<8x1024xi1>, vector<8x1024xf32>
    %slice3A_304 = vector.extract_strided_slice %get3A_2 {offsets = [35, 0, 0], sizes = [1, 8, 1024], strides = [1, 1, 1]} : vector<90x8x1024xf32> to vector<1x8x1024xf32>
    %squeeze3A_305 = vector.shape_cast %slice3A_304 : vector<1x8x1024xf32> to vector<8x1024xf32>
    %select_n3A_306 = arith.select %gt3A_302, %squeeze3A_305, %select_n3A_293 : vector<8x1024xi1>, vector<8x1024xf32>
    %slice3A_307 = vector.extract_strided_slice %get3A_2 {offsets = [65, 0, 0], sizes = [1, 8, 1024], strides = [1, 1, 1]} : vector<90x8x1024xf32> to vector<1x8x1024xf32>
    %squeeze3A_308 = vector.shape_cast %slice3A_307 : vector<1x8x1024xf32> to vector<8x1024xf32>
    %select_n3A_309 = arith.select %gt3A_302, %squeeze3A_308, %select_n3A_296 : vector<8x1024xi1>, vector<8x1024xf32>
    %slice3A_310 = vector.extract_strided_slice %get3A_2 {offsets = [6, 0, 0], sizes = [1, 8, 1024], strides = [1, 1, 1]} : vector<90x8x1024xf32> to vector<1x8x1024xf32>
    %squeeze3A_311 = vector.shape_cast %slice3A_310 : vector<1x8x1024xf32> to vector<8x1024xf32>
    %slice3A_312 = vector.extract_strided_slice %neg3A_239 {offsets = [6, 0, 0], sizes = [1, 8, 1024], strides = [1, 1, 1]} : vector<30x8x1024xf32> to vector<1x8x1024xf32>
    %squeeze3A_313 = vector.shape_cast %slice3A_312 : vector<1x8x1024xf32> to vector<8x1024xf32>
    %add3A_314 = arith.addf %squeeze3A_311, %squeeze3A_313 : vector<8x1024xf32>
    %gt3A_315 = arith.cmpf ogt, %add3A_314, %select_n3A_303 : vector<8x1024xf32>
    %select_n3A_316 = arith.select %gt3A_315, %add3A_314, %select_n3A_303 : vector<8x1024xi1>, vector<8x1024xf32>
    %slice3A_317 = vector.extract_strided_slice %get3A_2 {offsets = [36, 0, 0], sizes = [1, 8, 1024], strides = [1, 1, 1]} : vector<90x8x1024xf32> to vector<1x8x1024xf32>
    %squeeze3A_318 = vector.shape_cast %slice3A_317 : vector<1x8x1024xf32> to vector<8x1024xf32>
    %select_n3A_319 = arith.select %gt3A_315, %squeeze3A_318, %select_n3A_306 : vector<8x1024xi1>, vector<8x1024xf32>
    %slice3A_320 = vector.extract_strided_slice %get3A_2 {offsets = [66, 0, 0], sizes = [1, 8, 1024], strides = [1, 1, 1]} : vector<90x8x1024xf32> to vector<1x8x1024xf32>
    %squeeze3A_321 = vector.shape_cast %slice3A_320 : vector<1x8x1024xf32> to vector<8x1024xf32>
    %select_n3A_322 = arith.select %gt3A_315, %squeeze3A_321, %select_n3A_309 : vector<8x1024xi1>, vector<8x1024xf32>
    %slice3A_323 = vector.extract_strided_slice %get3A_2 {offsets = [7, 0, 0], sizes = [1, 8, 1024], strides = [1, 1, 1]} : vector<90x8x1024xf32> to vector<1x8x1024xf32>
    %squeeze3A_324 = vector.shape_cast %slice3A_323 : vector<1x8x1024xf32> to vector<8x1024xf32>
    %slice3A_325 = vector.extract_strided_slice %neg3A_239 {offsets = [7, 0, 0], sizes = [1, 8, 1024], strides = [1, 1, 1]} : vector<30x8x1024xf32> to vector<1x8x1024xf32>
    %squeeze3A_326 = vector.shape_cast %slice3A_325 : vector<1x8x1024xf32> to vector<8x1024xf32>
    %add3A_327 = arith.addf %squeeze3A_324, %squeeze3A_326 : vector<8x1024xf32>
    %gt3A_328 = arith.cmpf ogt, %add3A_327, %select_n3A_316 : vector<8x1024xf32>
    %select_n3A_329 = arith.select %gt3A_328, %add3A_327, %select_n3A_316 : vector<8x1024xi1>, vector<8x1024xf32>
    %slice3A_330 = vector.extract_strided_slice %get3A_2 {offsets = [37, 0, 0], sizes = [1, 8, 1024], strides = [1, 1, 1]} : vector<90x8x1024xf32> to vector<1x8x1024xf32>
    %squeeze3A_331 = vector.shape_cast %slice3A_330 : vector<1x8x1024xf32> to vector<8x1024xf32>
    %select_n3A_332 = arith.select %gt3A_328, %squeeze3A_331, %select_n3A_319 : vector<8x1024xi1>, vector<8x1024xf32>
    %slice3A_333 = vector.extract_strided_slice %get3A_2 {offsets = [67, 0, 0], sizes = [1, 8, 1024], strides = [1, 1, 1]} : vector<90x8x1024xf32> to vector<1x8x1024xf32>
    %squeeze3A_334 = vector.shape_cast %slice3A_333 : vector<1x8x1024xf32> to vector<8x1024xf32>
    %select_n3A_335 = arith.select %gt3A_328, %squeeze3A_334, %select_n3A_322 : vector<8x1024xi1>, vector<8x1024xf32>
    %slice3A_336 = vector.extract_strided_slice %get3A_2 {offsets = [8, 0, 0], sizes = [1, 8, 1024], strides = [1, 1, 1]} : vector<90x8x1024xf32> to vector<1x8x1024xf32>
    %squeeze3A_337 = vector.shape_cast %slice3A_336 : vector<1x8x1024xf32> to vector<8x1024xf32>
    %slice3A_338 = vector.extract_strided_slice %neg3A_239 {offsets = [8, 0, 0], sizes = [1, 8, 1024], strides = [1, 1, 1]} : vector<30x8x1024xf32> to vector<1x8x1024xf32>
    %squeeze3A_339 = vector.shape_cast %slice3A_338 : vector<1x8x1024xf32> to vector<8x1024xf32>
    %add3A_340 = arith.addf %squeeze3A_337, %squeeze3A_339 : vector<8x1024xf32>
    %gt3A_341 = arith.cmpf ogt, %add3A_340, %select_n3A_329 : vector<8x1024xf32>
    %select_n3A_342 = arith.select %gt3A_341, %add3A_340, %select_n3A_329 : vector<8x1024xi1>, vector<8x1024xf32>
    %slice3A_343 = vector.extract_strided_slice %get3A_2 {offsets = [38, 0, 0], sizes = [1, 8, 1024], strides = [1, 1, 1]} : vector<90x8x1024xf32> to vector<1x8x1024xf32>
    %squeeze3A_344 = vector.shape_cast %slice3A_343 : vector<1x8x1024xf32> to vector<8x1024xf32>
    %select_n3A_345 = arith.select %gt3A_341, %squeeze3A_344, %select_n3A_332 : vector<8x1024xi1>, vector<8x1024xf32>
    %slice3A_346 = vector.extract_strided_slice %get3A_2 {offsets = [68, 0, 0], sizes = [1, 8, 1024], strides = [1, 1, 1]} : vector<90x8x1024xf32> to vector<1x8x1024xf32>
    %squeeze3A_347 = vector.shape_cast %slice3A_346 : vector<1x8x1024xf32> to vector<8x1024xf32>
    %select_n3A_348 = arith.select %gt3A_341, %squeeze3A_347, %select_n3A_335 : vector<8x1024xi1>, vector<8x1024xf32>
    %slice3A_349 = vector.extract_strided_slice %get3A_2 {offsets = [9, 0, 0], sizes = [1, 8, 1024], strides = [1, 1, 1]} : vector<90x8x1024xf32> to vector<1x8x1024xf32>
    %squeeze3A_350 = vector.shape_cast %slice3A_349 : vector<1x8x1024xf32> to vector<8x1024xf32>
    %slice3A_351 = vector.extract_strided_slice %neg3A_239 {offsets = [9, 0, 0], sizes = [1, 8, 1024], strides = [1, 1, 1]} : vector<30x8x1024xf32> to vector<1x8x1024xf32>
    %squeeze3A_352 = vector.shape_cast %slice3A_351 : vector<1x8x1024xf32> to vector<8x1024xf32>
    %add3A_353 = arith.addf %squeeze3A_350, %squeeze3A_352 : vector<8x1024xf32>
    %gt3A_354 = arith.cmpf ogt, %add3A_353, %select_n3A_342 : vector<8x1024xf32>
    %select_n3A_355 = arith.select %gt3A_354, %add3A_353, %select_n3A_342 : vector<8x1024xi1>, vector<8x1024xf32>
    %slice3A_356 = vector.extract_strided_slice %get3A_2 {offsets = [39, 0, 0], sizes = [1, 8, 1024], strides = [1, 1, 1]} : vector<90x8x1024xf32> to vector<1x8x1024xf32>
    %squeeze3A_357 = vector.shape_cast %slice3A_356 : vector<1x8x1024xf32> to vector<8x1024xf32>
    %select_n3A_358 = arith.select %gt3A_354, %squeeze3A_357, %select_n3A_345 : vector<8x1024xi1>, vector<8x1024xf32>
    %slice3A_359 = vector.extract_strided_slice %get3A_2 {offsets = [69, 0, 0], sizes = [1, 8, 1024], strides = [1, 1, 1]} : vector<90x8x1024xf32> to vector<1x8x1024xf32>
    %squeeze3A_360 = vector.shape_cast %slice3A_359 : vector<1x8x1024xf32> to vector<8x1024xf32>
    %select_n3A_361 = arith.select %gt3A_354, %squeeze3A_360, %select_n3A_348 : vector<8x1024xi1>, vector<8x1024xf32>
    %slice3A_362 = vector.extract_strided_slice %get3A_2 {offsets = [10, 0, 0], sizes = [1, 8, 1024], strides = [1, 1, 1]} : vector<90x8x1024xf32> to vector<1x8x1024xf32>
    %squeeze3A_363 = vector.shape_cast %slice3A_362 : vector<1x8x1024xf32> to vector<8x1024xf32>
    %slice3A_364 = vector.extract_strided_slice %neg3A_239 {offsets = [10, 0, 0], sizes = [1, 8, 1024], strides = [1, 1, 1]} : vector<30x8x1024xf32> to vector<1x8x1024xf32>
    %squeeze3A_365 = vector.shape_cast %slice3A_364 : vector<1x8x1024xf32> to vector<8x1024xf32>
    %add3A_366 = arith.addf %squeeze3A_363, %squeeze3A_365 : vector<8x1024xf32>
    %gt3A_367 = arith.cmpf ogt, %add3A_366, %select_n3A_355 : vector<8x1024xf32>
    %select_n3A_368 = arith.select %gt3A_367, %add3A_366, %select_n3A_355 : vector<8x1024xi1>, vector<8x1024xf32>
    %slice3A_369 = vector.extract_strided_slice %get3A_2 {offsets = [40, 0, 0], sizes = [1, 8, 1024], strides = [1, 1, 1]} : vector<90x8x1024xf32> to vector<1x8x1024xf32>
    %squeeze3A_370 = vector.shape_cast %slice3A_369 : vector<1x8x1024xf32> to vector<8x1024xf32>
    %select_n3A_371 = arith.select %gt3A_367, %squeeze3A_370, %select_n3A_358 : vector<8x1024xi1>, vector<8x1024xf32>
    %slice3A_372 = vector.extract_strided_slice %get3A_2 {offsets = [70, 0, 0], sizes = [1, 8, 1024], strides = [1, 1, 1]} : vector<90x8x1024xf32> to vector<1x8x1024xf32>
    %squeeze3A_373 = vector.shape_cast %slice3A_372 : vector<1x8x1024xf32> to vector<8x1024xf32>
    %select_n3A_374 = arith.select %gt3A_367, %squeeze3A_373, %select_n3A_361 : vector<8x1024xi1>, vector<8x1024xf32>
    %slice3A_375 = vector.extract_strided_slice %get3A_2 {offsets = [11, 0, 0], sizes = [1, 8, 1024], strides = [1, 1, 1]} : vector<90x8x1024xf32> to vector<1x8x1024xf32>
    %squeeze3A_376 = vector.shape_cast %slice3A_375 : vector<1x8x1024xf32> to vector<8x1024xf32>
    %slice3A_377 = vector.extract_strided_slice %neg3A_239 {offsets = [11, 0, 0], sizes = [1, 8, 1024], strides = [1, 1, 1]} : vector<30x8x1024xf32> to vector<1x8x1024xf32>
    %squeeze3A_378 = vector.shape_cast %slice3A_377 : vector<1x8x1024xf32> to vector<8x1024xf32>
    %add3A_379 = arith.addf %squeeze3A_376, %squeeze3A_378 : vector<8x1024xf32>
    %gt3A_380 = arith.cmpf ogt, %add3A_379, %select_n3A_368 : vector<8x1024xf32>
    %select_n3A_381 = arith.select %gt3A_380, %add3A_379, %select_n3A_368 : vector<8x1024xi1>, vector<8x1024xf32>
    %slice3A_382 = vector.extract_strided_slice %get3A_2 {offsets = [41, 0, 0], sizes = [1, 8, 1024], strides = [1, 1, 1]} : vector<90x8x1024xf32> to vector<1x8x1024xf32>
    %squeeze3A_383 = vector.shape_cast %slice3A_382 : vector<1x8x1024xf32> to vector<8x1024xf32>
    %select_n3A_384 = arith.select %gt3A_380, %squeeze3A_383, %select_n3A_371 : vector<8x1024xi1>, vector<8x1024xf32>
    %slice3A_385 = vector.extract_strided_slice %get3A_2 {offsets = [71, 0, 0], sizes = [1, 8, 1024], strides = [1, 1, 1]} : vector<90x8x1024xf32> to vector<1x8x1024xf32>
    %squeeze3A_386 = vector.shape_cast %slice3A_385 : vector<1x8x1024xf32> to vector<8x1024xf32>
    %select_n3A_387 = arith.select %gt3A_380, %squeeze3A_386, %select_n3A_374 : vector<8x1024xi1>, vector<8x1024xf32>
    %slice3A_388 = vector.extract_strided_slice %get3A_2 {offsets = [12, 0, 0], sizes = [1, 8, 1024], strides = [1, 1, 1]} : vector<90x8x1024xf32> to vector<1x8x1024xf32>
    %squeeze3A_389 = vector.shape_cast %slice3A_388 : vector<1x8x1024xf32> to vector<8x1024xf32>
    %slice3A_390 = vector.extract_strided_slice %neg3A_239 {offsets = [12, 0, 0], sizes = [1, 8, 1024], strides = [1, 1, 1]} : vector<30x8x1024xf32> to vector<1x8x1024xf32>
    %squeeze3A_391 = vector.shape_cast %slice3A_390 : vector<1x8x1024xf32> to vector<8x1024xf32>
    %add3A_392 = arith.addf %squeeze3A_389, %squeeze3A_391 : vector<8x1024xf32>
    %gt3A_393 = arith.cmpf ogt, %add3A_392, %select_n3A_381 : vector<8x1024xf32>
    %select_n3A_394 = arith.select %gt3A_393, %add3A_392, %select_n3A_381 : vector<8x1024xi1>, vector<8x1024xf32>
    %slice3A_395 = vector.extract_strided_slice %get3A_2 {offsets = [42, 0, 0], sizes = [1, 8, 1024], strides = [1, 1, 1]} : vector<90x8x1024xf32> to vector<1x8x1024xf32>
    %squeeze3A_396 = vector.shape_cast %slice3A_395 : vector<1x8x1024xf32> to vector<8x1024xf32>
    %select_n3A_397 = arith.select %gt3A_393, %squeeze3A_396, %select_n3A_384 : vector<8x1024xi1>, vector<8x1024xf32>
    %slice3A_398 = vector.extract_strided_slice %get3A_2 {offsets = [72, 0, 0], sizes = [1, 8, 1024], strides = [1, 1, 1]} : vector<90x8x1024xf32> to vector<1x8x1024xf32>
    %squeeze3A_399 = vector.shape_cast %slice3A_398 : vector<1x8x1024xf32> to vector<8x1024xf32>
    %select_n3A_400 = arith.select %gt3A_393, %squeeze3A_399, %select_n3A_387 : vector<8x1024xi1>, vector<8x1024xf32>
    %slice3A_401 = vector.extract_strided_slice %get3A_2 {offsets = [13, 0, 0], sizes = [1, 8, 1024], strides = [1, 1, 1]} : vector<90x8x1024xf32> to vector<1x8x1024xf32>
    %squeeze3A_402 = vector.shape_cast %slice3A_401 : vector<1x8x1024xf32> to vector<8x1024xf32>
    %slice3A_403 = vector.extract_strided_slice %neg3A_239 {offsets = [13, 0, 0], sizes = [1, 8, 1024], strides = [1, 1, 1]} : vector<30x8x1024xf32> to vector<1x8x1024xf32>
    %squeeze3A_404 = vector.shape_cast %slice3A_403 : vector<1x8x1024xf32> to vector<8x1024xf32>
    %add3A_405 = arith.addf %squeeze3A_402, %squeeze3A_404 : vector<8x1024xf32>
    %gt3A_406 = arith.cmpf ogt, %add3A_405, %select_n3A_394 : vector<8x1024xf32>
    %select_n3A_407 = arith.select %gt3A_406, %add3A_405, %select_n3A_394 : vector<8x1024xi1>, vector<8x1024xf32>
    %slice3A_408 = vector.extract_strided_slice %get3A_2 {offsets = [43, 0, 0], sizes = [1, 8, 1024], strides = [1, 1, 1]} : vector<90x8x1024xf32> to vector<1x8x1024xf32>
    %squeeze3A_409 = vector.shape_cast %slice3A_408 : vector<1x8x1024xf32> to vector<8x1024xf32>
    %select_n3A_410 = arith.select %gt3A_406, %squeeze3A_409, %select_n3A_397 : vector<8x1024xi1>, vector<8x1024xf32>
    %slice3A_411 = vector.extract_strided_slice %get3A_2 {offsets = [73, 0, 0], sizes = [1, 8, 1024], strides = [1, 1, 1]} : vector<90x8x1024xf32> to vector<1x8x1024xf32>
    %squeeze3A_412 = vector.shape_cast %slice3A_411 : vector<1x8x1024xf32> to vector<8x1024xf32>
    %select_n3A_413 = arith.select %gt3A_406, %squeeze3A_412, %select_n3A_400 : vector<8x1024xi1>, vector<8x1024xf32>
    %slice3A_414 = vector.extract_strided_slice %get3A_2 {offsets = [14, 0, 0], sizes = [1, 8, 1024], strides = [1, 1, 1]} : vector<90x8x1024xf32> to vector<1x8x1024xf32>
    %squeeze3A_415 = vector.shape_cast %slice3A_414 : vector<1x8x1024xf32> to vector<8x1024xf32>
    %slice3A_416 = vector.extract_strided_slice %neg3A_239 {offsets = [14, 0, 0], sizes = [1, 8, 1024], strides = [1, 1, 1]} : vector<30x8x1024xf32> to vector<1x8x1024xf32>
    %squeeze3A_417 = vector.shape_cast %slice3A_416 : vector<1x8x1024xf32> to vector<8x1024xf32>
    %add3A_418 = arith.addf %squeeze3A_415, %squeeze3A_417 : vector<8x1024xf32>
    %gt3A_419 = arith.cmpf ogt, %add3A_418, %select_n3A_407 : vector<8x1024xf32>
    %select_n3A_420 = arith.select %gt3A_419, %add3A_418, %select_n3A_407 : vector<8x1024xi1>, vector<8x1024xf32>
    %slice3A_421 = vector.extract_strided_slice %get3A_2 {offsets = [44, 0, 0], sizes = [1, 8, 1024], strides = [1, 1, 1]} : vector<90x8x1024xf32> to vector<1x8x1024xf32>
    %squeeze3A_422 = vector.shape_cast %slice3A_421 : vector<1x8x1024xf32> to vector<8x1024xf32>
    %select_n3A_423 = arith.select %gt3A_419, %squeeze3A_422, %select_n3A_410 : vector<8x1024xi1>, vector<8x1024xf32>
    %slice3A_424 = vector.extract_strided_slice %get3A_2 {offsets = [74, 0, 0], sizes = [1, 8, 1024], strides = [1, 1, 1]} : vector<90x8x1024xf32> to vector<1x8x1024xf32>
    %squeeze3A_425 = vector.shape_cast %slice3A_424 : vector<1x8x1024xf32> to vector<8x1024xf32>
    %select_n3A_426 = arith.select %gt3A_419, %squeeze3A_425, %select_n3A_413 : vector<8x1024xi1>, vector<8x1024xf32>
    %slice3A_427 = vector.extract_strided_slice %get3A_2 {offsets = [15, 0, 0], sizes = [1, 8, 1024], strides = [1, 1, 1]} : vector<90x8x1024xf32> to vector<1x8x1024xf32>
    %squeeze3A_428 = vector.shape_cast %slice3A_427 : vector<1x8x1024xf32> to vector<8x1024xf32>
    %slice3A_429 = vector.extract_strided_slice %neg3A_239 {offsets = [15, 0, 0], sizes = [1, 8, 1024], strides = [1, 1, 1]} : vector<30x8x1024xf32> to vector<1x8x1024xf32>
    %squeeze3A_430 = vector.shape_cast %slice3A_429 : vector<1x8x1024xf32> to vector<8x1024xf32>
    %add3A_431 = arith.addf %squeeze3A_428, %squeeze3A_430 : vector<8x1024xf32>
    %gt3A_432 = arith.cmpf ogt, %add3A_431, %select_n3A_420 : vector<8x1024xf32>
    %select_n3A_433 = arith.select %gt3A_432, %add3A_431, %select_n3A_420 : vector<8x1024xi1>, vector<8x1024xf32>
    %slice3A_434 = vector.extract_strided_slice %get3A_2 {offsets = [45, 0, 0], sizes = [1, 8, 1024], strides = [1, 1, 1]} : vector<90x8x1024xf32> to vector<1x8x1024xf32>
    %squeeze3A_435 = vector.shape_cast %slice3A_434 : vector<1x8x1024xf32> to vector<8x1024xf32>
    %select_n3A_436 = arith.select %gt3A_432, %squeeze3A_435, %select_n3A_423 : vector<8x1024xi1>, vector<8x1024xf32>
    %slice3A_437 = vector.extract_strided_slice %get3A_2 {offsets = [75, 0, 0], sizes = [1, 8, 1024], strides = [1, 1, 1]} : vector<90x8x1024xf32> to vector<1x8x1024xf32>
    %squeeze3A_438 = vector.shape_cast %slice3A_437 : vector<1x8x1024xf32> to vector<8x1024xf32>
    %select_n3A_439 = arith.select %gt3A_432, %squeeze3A_438, %select_n3A_426 : vector<8x1024xi1>, vector<8x1024xf32>
    %slice3A_440 = vector.extract_strided_slice %get3A_2 {offsets = [16, 0, 0], sizes = [1, 8, 1024], strides = [1, 1, 1]} : vector<90x8x1024xf32> to vector<1x8x1024xf32>
    %squeeze3A_441 = vector.shape_cast %slice3A_440 : vector<1x8x1024xf32> to vector<8x1024xf32>
    %slice3A_442 = vector.extract_strided_slice %neg3A_239 {offsets = [16, 0, 0], sizes = [1, 8, 1024], strides = [1, 1, 1]} : vector<30x8x1024xf32> to vector<1x8x1024xf32>
    %squeeze3A_443 = vector.shape_cast %slice3A_442 : vector<1x8x1024xf32> to vector<8x1024xf32>
    %add3A_444 = arith.addf %squeeze3A_441, %squeeze3A_443 : vector<8x1024xf32>
    %gt3A_445 = arith.cmpf ogt, %add3A_444, %select_n3A_433 : vector<8x1024xf32>
    %select_n3A_446 = arith.select %gt3A_445, %add3A_444, %select_n3A_433 : vector<8x1024xi1>, vector<8x1024xf32>
    %slice3A_447 = vector.extract_strided_slice %get3A_2 {offsets = [46, 0, 0], sizes = [1, 8, 1024], strides = [1, 1, 1]} : vector<90x8x1024xf32> to vector<1x8x1024xf32>
    %squeeze3A_448 = vector.shape_cast %slice3A_447 : vector<1x8x1024xf32> to vector<8x1024xf32>
    %select_n3A_449 = arith.select %gt3A_445, %squeeze3A_448, %select_n3A_436 : vector<8x1024xi1>, vector<8x1024xf32>
    %slice3A_450 = vector.extract_strided_slice %get3A_2 {offsets = [76, 0, 0], sizes = [1, 8, 1024], strides = [1, 1, 1]} : vector<90x8x1024xf32> to vector<1x8x1024xf32>
    %squeeze3A_451 = vector.shape_cast %slice3A_450 : vector<1x8x1024xf32> to vector<8x1024xf32>
    %select_n3A_452 = arith.select %gt3A_445, %squeeze3A_451, %select_n3A_439 : vector<8x1024xi1>, vector<8x1024xf32>
    %slice3A_453 = vector.extract_strided_slice %get3A_2 {offsets = [17, 0, 0], sizes = [1, 8, 1024], strides = [1, 1, 1]} : vector<90x8x1024xf32> to vector<1x8x1024xf32>
    %squeeze3A_454 = vector.shape_cast %slice3A_453 : vector<1x8x1024xf32> to vector<8x1024xf32>
    %slice3A_455 = vector.extract_strided_slice %neg3A_239 {offsets = [17, 0, 0], sizes = [1, 8, 1024], strides = [1, 1, 1]} : vector<30x8x1024xf32> to vector<1x8x1024xf32>
    %squeeze3A_456 = vector.shape_cast %slice3A_455 : vector<1x8x1024xf32> to vector<8x1024xf32>
    %add3A_457 = arith.addf %squeeze3A_454, %squeeze3A_456 : vector<8x1024xf32>
    %gt3A_458 = arith.cmpf ogt, %add3A_457, %select_n3A_446 : vector<8x1024xf32>
    %select_n3A_459 = arith.select %gt3A_458, %add3A_457, %select_n3A_446 : vector<8x1024xi1>, vector<8x1024xf32>
    %slice3A_460 = vector.extract_strided_slice %get3A_2 {offsets = [47, 0, 0], sizes = [1, 8, 1024], strides = [1, 1, 1]} : vector<90x8x1024xf32> to vector<1x8x1024xf32>
    %squeeze3A_461 = vector.shape_cast %slice3A_460 : vector<1x8x1024xf32> to vector<8x1024xf32>
    %select_n3A_462 = arith.select %gt3A_458, %squeeze3A_461, %select_n3A_449 : vector<8x1024xi1>, vector<8x1024xf32>
    %slice3A_463 = vector.extract_strided_slice %get3A_2 {offsets = [77, 0, 0], sizes = [1, 8, 1024], strides = [1, 1, 1]} : vector<90x8x1024xf32> to vector<1x8x1024xf32>
    %squeeze3A_464 = vector.shape_cast %slice3A_463 : vector<1x8x1024xf32> to vector<8x1024xf32>
    %select_n3A_465 = arith.select %gt3A_458, %squeeze3A_464, %select_n3A_452 : vector<8x1024xi1>, vector<8x1024xf32>
    %slice3A_466 = vector.extract_strided_slice %get3A_2 {offsets = [18, 0, 0], sizes = [1, 8, 1024], strides = [1, 1, 1]} : vector<90x8x1024xf32> to vector<1x8x1024xf32>
    %squeeze3A_467 = vector.shape_cast %slice3A_466 : vector<1x8x1024xf32> to vector<8x1024xf32>
    %slice3A_468 = vector.extract_strided_slice %neg3A_239 {offsets = [18, 0, 0], sizes = [1, 8, 1024], strides = [1, 1, 1]} : vector<30x8x1024xf32> to vector<1x8x1024xf32>
    %squeeze3A_469 = vector.shape_cast %slice3A_468 : vector<1x8x1024xf32> to vector<8x1024xf32>
    %add3A_470 = arith.addf %squeeze3A_467, %squeeze3A_469 : vector<8x1024xf32>
    %gt3A_471 = arith.cmpf ogt, %add3A_470, %select_n3A_459 : vector<8x1024xf32>
    %select_n3A_472 = arith.select %gt3A_471, %add3A_470, %select_n3A_459 : vector<8x1024xi1>, vector<8x1024xf32>
    %slice3A_473 = vector.extract_strided_slice %get3A_2 {offsets = [48, 0, 0], sizes = [1, 8, 1024], strides = [1, 1, 1]} : vector<90x8x1024xf32> to vector<1x8x1024xf32>
    %squeeze3A_474 = vector.shape_cast %slice3A_473 : vector<1x8x1024xf32> to vector<8x1024xf32>
    %select_n3A_475 = arith.select %gt3A_471, %squeeze3A_474, %select_n3A_462 : vector<8x1024xi1>, vector<8x1024xf32>
    %slice3A_476 = vector.extract_strided_slice %get3A_2 {offsets = [78, 0, 0], sizes = [1, 8, 1024], strides = [1, 1, 1]} : vector<90x8x1024xf32> to vector<1x8x1024xf32>
    %squeeze3A_477 = vector.shape_cast %slice3A_476 : vector<1x8x1024xf32> to vector<8x1024xf32>
    %select_n3A_478 = arith.select %gt3A_471, %squeeze3A_477, %select_n3A_465 : vector<8x1024xi1>, vector<8x1024xf32>
    %slice3A_479 = vector.extract_strided_slice %get3A_2 {offsets = [19, 0, 0], sizes = [1, 8, 1024], strides = [1, 1, 1]} : vector<90x8x1024xf32> to vector<1x8x1024xf32>
    %squeeze3A_480 = vector.shape_cast %slice3A_479 : vector<1x8x1024xf32> to vector<8x1024xf32>
    %slice3A_481 = vector.extract_strided_slice %neg3A_239 {offsets = [19, 0, 0], sizes = [1, 8, 1024], strides = [1, 1, 1]} : vector<30x8x1024xf32> to vector<1x8x1024xf32>
    %squeeze3A_482 = vector.shape_cast %slice3A_481 : vector<1x8x1024xf32> to vector<8x1024xf32>
    %add3A_483 = arith.addf %squeeze3A_480, %squeeze3A_482 : vector<8x1024xf32>
    %gt3A_484 = arith.cmpf ogt, %add3A_483, %select_n3A_472 : vector<8x1024xf32>
    %select_n3A_485 = arith.select %gt3A_484, %add3A_483, %select_n3A_472 : vector<8x1024xi1>, vector<8x1024xf32>
    %slice3A_486 = vector.extract_strided_slice %get3A_2 {offsets = [49, 0, 0], sizes = [1, 8, 1024], strides = [1, 1, 1]} : vector<90x8x1024xf32> to vector<1x8x1024xf32>
    %squeeze3A_487 = vector.shape_cast %slice3A_486 : vector<1x8x1024xf32> to vector<8x1024xf32>
    %select_n3A_488 = arith.select %gt3A_484, %squeeze3A_487, %select_n3A_475 : vector<8x1024xi1>, vector<8x1024xf32>
    %slice3A_489 = vector.extract_strided_slice %get3A_2 {offsets = [79, 0, 0], sizes = [1, 8, 1024], strides = [1, 1, 1]} : vector<90x8x1024xf32> to vector<1x8x1024xf32>
    %squeeze3A_490 = vector.shape_cast %slice3A_489 : vector<1x8x1024xf32> to vector<8x1024xf32>
    %select_n3A_491 = arith.select %gt3A_484, %squeeze3A_490, %select_n3A_478 : vector<8x1024xi1>, vector<8x1024xf32>
    %slice3A_492 = vector.extract_strided_slice %get3A_2 {offsets = [20, 0, 0], sizes = [1, 8, 1024], strides = [1, 1, 1]} : vector<90x8x1024xf32> to vector<1x8x1024xf32>
    %squeeze3A_493 = vector.shape_cast %slice3A_492 : vector<1x8x1024xf32> to vector<8x1024xf32>
    %slice3A_494 = vector.extract_strided_slice %neg3A_239 {offsets = [20, 0, 0], sizes = [1, 8, 1024], strides = [1, 1, 1]} : vector<30x8x1024xf32> to vector<1x8x1024xf32>
    %squeeze3A_495 = vector.shape_cast %slice3A_494 : vector<1x8x1024xf32> to vector<8x1024xf32>
    %add3A_496 = arith.addf %squeeze3A_493, %squeeze3A_495 : vector<8x1024xf32>
    %gt3A_497 = arith.cmpf ogt, %add3A_496, %select_n3A_485 : vector<8x1024xf32>
    %select_n3A_498 = arith.select %gt3A_497, %add3A_496, %select_n3A_485 : vector<8x1024xi1>, vector<8x1024xf32>
    %slice3A_499 = vector.extract_strided_slice %get3A_2 {offsets = [50, 0, 0], sizes = [1, 8, 1024], strides = [1, 1, 1]} : vector<90x8x1024xf32> to vector<1x8x1024xf32>
    %squeeze3A_500 = vector.shape_cast %slice3A_499 : vector<1x8x1024xf32> to vector<8x1024xf32>
    %select_n3A_501 = arith.select %gt3A_497, %squeeze3A_500, %select_n3A_488 : vector<8x1024xi1>, vector<8x1024xf32>
    %slice3A_502 = vector.extract_strided_slice %get3A_2 {offsets = [80, 0, 0], sizes = [1, 8, 1024], strides = [1, 1, 1]} : vector<90x8x1024xf32> to vector<1x8x1024xf32>
    %squeeze3A_503 = vector.shape_cast %slice3A_502 : vector<1x8x1024xf32> to vector<8x1024xf32>
    %select_n3A_504 = arith.select %gt3A_497, %squeeze3A_503, %select_n3A_491 : vector<8x1024xi1>, vector<8x1024xf32>
    %slice3A_505 = vector.extract_strided_slice %get3A_2 {offsets = [21, 0, 0], sizes = [1, 8, 1024], strides = [1, 1, 1]} : vector<90x8x1024xf32> to vector<1x8x1024xf32>
    %squeeze3A_506 = vector.shape_cast %slice3A_505 : vector<1x8x1024xf32> to vector<8x1024xf32>
    %slice3A_507 = vector.extract_strided_slice %neg3A_239 {offsets = [21, 0, 0], sizes = [1, 8, 1024], strides = [1, 1, 1]} : vector<30x8x1024xf32> to vector<1x8x1024xf32>
    %squeeze3A_508 = vector.shape_cast %slice3A_507 : vector<1x8x1024xf32> to vector<8x1024xf32>
    %add3A_509 = arith.addf %squeeze3A_506, %squeeze3A_508 : vector<8x1024xf32>
    %gt3A_510 = arith.cmpf ogt, %add3A_509, %select_n3A_498 : vector<8x1024xf32>
    %select_n3A_511 = arith.select %gt3A_510, %add3A_509, %select_n3A_498 : vector<8x1024xi1>, vector<8x1024xf32>
    %slice3A_512 = vector.extract_strided_slice %get3A_2 {offsets = [51, 0, 0], sizes = [1, 8, 1024], strides = [1, 1, 1]} : vector<90x8x1024xf32> to vector<1x8x1024xf32>
    %squeeze3A_513 = vector.shape_cast %slice3A_512 : vector<1x8x1024xf32> to vector<8x1024xf32>
    %select_n3A_514 = arith.select %gt3A_510, %squeeze3A_513, %select_n3A_501 : vector<8x1024xi1>, vector<8x1024xf32>
    %slice3A_515 = vector.extract_strided_slice %get3A_2 {offsets = [81, 0, 0], sizes = [1, 8, 1024], strides = [1, 1, 1]} : vector<90x8x1024xf32> to vector<1x8x1024xf32>
    %squeeze3A_516 = vector.shape_cast %slice3A_515 : vector<1x8x1024xf32> to vector<8x1024xf32>
    %select_n3A_517 = arith.select %gt3A_510, %squeeze3A_516, %select_n3A_504 : vector<8x1024xi1>, vector<8x1024xf32>
    %slice3A_518 = vector.extract_strided_slice %get3A_2 {offsets = [22, 0, 0], sizes = [1, 8, 1024], strides = [1, 1, 1]} : vector<90x8x1024xf32> to vector<1x8x1024xf32>
    %squeeze3A_519 = vector.shape_cast %slice3A_518 : vector<1x8x1024xf32> to vector<8x1024xf32>
    %slice3A_520 = vector.extract_strided_slice %neg3A_239 {offsets = [22, 0, 0], sizes = [1, 8, 1024], strides = [1, 1, 1]} : vector<30x8x1024xf32> to vector<1x8x1024xf32>
    %squeeze3A_521 = vector.shape_cast %slice3A_520 : vector<1x8x1024xf32> to vector<8x1024xf32>
    %add3A_522 = arith.addf %squeeze3A_519, %squeeze3A_521 : vector<8x1024xf32>
    %gt3A_523 = arith.cmpf ogt, %add3A_522, %select_n3A_511 : vector<8x1024xf32>
    %select_n3A_524 = arith.select %gt3A_523, %add3A_522, %select_n3A_511 : vector<8x1024xi1>, vector<8x1024xf32>
    %slice3A_525 = vector.extract_strided_slice %get3A_2 {offsets = [52, 0, 0], sizes = [1, 8, 1024], strides = [1, 1, 1]} : vector<90x8x1024xf32> to vector<1x8x1024xf32>
    %squeeze3A_526 = vector.shape_cast %slice3A_525 : vector<1x8x1024xf32> to vector<8x1024xf32>
    %select_n3A_527 = arith.select %gt3A_523, %squeeze3A_526, %select_n3A_514 : vector<8x1024xi1>, vector<8x1024xf32>
    %slice3A_528 = vector.extract_strided_slice %get3A_2 {offsets = [82, 0, 0], sizes = [1, 8, 1024], strides = [1, 1, 1]} : vector<90x8x1024xf32> to vector<1x8x1024xf32>
    %squeeze3A_529 = vector.shape_cast %slice3A_528 : vector<1x8x1024xf32> to vector<8x1024xf32>
    %select_n3A_530 = arith.select %gt3A_523, %squeeze3A_529, %select_n3A_517 : vector<8x1024xi1>, vector<8x1024xf32>
    %slice3A_531 = vector.extract_strided_slice %get3A_2 {offsets = [23, 0, 0], sizes = [1, 8, 1024], strides = [1, 1, 1]} : vector<90x8x1024xf32> to vector<1x8x1024xf32>
    %squeeze3A_532 = vector.shape_cast %slice3A_531 : vector<1x8x1024xf32> to vector<8x1024xf32>
    %slice3A_533 = vector.extract_strided_slice %neg3A_239 {offsets = [23, 0, 0], sizes = [1, 8, 1024], strides = [1, 1, 1]} : vector<30x8x1024xf32> to vector<1x8x1024xf32>
    %squeeze3A_534 = vector.shape_cast %slice3A_533 : vector<1x8x1024xf32> to vector<8x1024xf32>
    %add3A_535 = arith.addf %squeeze3A_532, %squeeze3A_534 : vector<8x1024xf32>
    %gt3A_536 = arith.cmpf ogt, %add3A_535, %select_n3A_524 : vector<8x1024xf32>
    %select_n3A_537 = arith.select %gt3A_536, %add3A_535, %select_n3A_524 : vector<8x1024xi1>, vector<8x1024xf32>
    %slice3A_538 = vector.extract_strided_slice %get3A_2 {offsets = [53, 0, 0], sizes = [1, 8, 1024], strides = [1, 1, 1]} : vector<90x8x1024xf32> to vector<1x8x1024xf32>
    %squeeze3A_539 = vector.shape_cast %slice3A_538 : vector<1x8x1024xf32> to vector<8x1024xf32>
    %select_n3A_540 = arith.select %gt3A_536, %squeeze3A_539, %select_n3A_527 : vector<8x1024xi1>, vector<8x1024xf32>
    %slice3A_541 = vector.extract_strided_slice %get3A_2 {offsets = [83, 0, 0], sizes = [1, 8, 1024], strides = [1, 1, 1]} : vector<90x8x1024xf32> to vector<1x8x1024xf32>
    %squeeze3A_542 = vector.shape_cast %slice3A_541 : vector<1x8x1024xf32> to vector<8x1024xf32>
    %select_n3A_543 = arith.select %gt3A_536, %squeeze3A_542, %select_n3A_530 : vector<8x1024xi1>, vector<8x1024xf32>
    %slice3A_544 = vector.extract_strided_slice %get3A_2 {offsets = [24, 0, 0], sizes = [1, 8, 1024], strides = [1, 1, 1]} : vector<90x8x1024xf32> to vector<1x8x1024xf32>
    %squeeze3A_545 = vector.shape_cast %slice3A_544 : vector<1x8x1024xf32> to vector<8x1024xf32>
    %slice3A_546 = vector.extract_strided_slice %neg3A_239 {offsets = [24, 0, 0], sizes = [1, 8, 1024], strides = [1, 1, 1]} : vector<30x8x1024xf32> to vector<1x8x1024xf32>
    %squeeze3A_547 = vector.shape_cast %slice3A_546 : vector<1x8x1024xf32> to vector<8x1024xf32>
    %add3A_548 = arith.addf %squeeze3A_545, %squeeze3A_547 : vector<8x1024xf32>
    %gt3A_549 = arith.cmpf ogt, %add3A_548, %select_n3A_537 : vector<8x1024xf32>
    %select_n3A_550 = arith.select %gt3A_549, %add3A_548, %select_n3A_537 : vector<8x1024xi1>, vector<8x1024xf32>
    %slice3A_551 = vector.extract_strided_slice %get3A_2 {offsets = [54, 0, 0], sizes = [1, 8, 1024], strides = [1, 1, 1]} : vector<90x8x1024xf32> to vector<1x8x1024xf32>
    %squeeze3A_552 = vector.shape_cast %slice3A_551 : vector<1x8x1024xf32> to vector<8x1024xf32>
    %select_n3A_553 = arith.select %gt3A_549, %squeeze3A_552, %select_n3A_540 : vector<8x1024xi1>, vector<8x1024xf32>
    %slice3A_554 = vector.extract_strided_slice %get3A_2 {offsets = [84, 0, 0], sizes = [1, 8, 1024], strides = [1, 1, 1]} : vector<90x8x1024xf32> to vector<1x8x1024xf32>
    %squeeze3A_555 = vector.shape_cast %slice3A_554 : vector<1x8x1024xf32> to vector<8x1024xf32>
    %select_n3A_556 = arith.select %gt3A_549, %squeeze3A_555, %select_n3A_543 : vector<8x1024xi1>, vector<8x1024xf32>
    %slice3A_557 = vector.extract_strided_slice %get3A_2 {offsets = [25, 0, 0], sizes = [1, 8, 1024], strides = [1, 1, 1]} : vector<90x8x1024xf32> to vector<1x8x1024xf32>
    %squeeze3A_558 = vector.shape_cast %slice3A_557 : vector<1x8x1024xf32> to vector<8x1024xf32>
    %slice3A_559 = vector.extract_strided_slice %neg3A_239 {offsets = [25, 0, 0], sizes = [1, 8, 1024], strides = [1, 1, 1]} : vector<30x8x1024xf32> to vector<1x8x1024xf32>
    %squeeze3A_560 = vector.shape_cast %slice3A_559 : vector<1x8x1024xf32> to vector<8x1024xf32>
    %add3A_561 = arith.addf %squeeze3A_558, %squeeze3A_560 : vector<8x1024xf32>
    %gt3A_562 = arith.cmpf ogt, %add3A_561, %select_n3A_550 : vector<8x1024xf32>
    %select_n3A_563 = arith.select %gt3A_562, %add3A_561, %select_n3A_550 : vector<8x1024xi1>, vector<8x1024xf32>
    %slice3A_564 = vector.extract_strided_slice %get3A_2 {offsets = [55, 0, 0], sizes = [1, 8, 1024], strides = [1, 1, 1]} : vector<90x8x1024xf32> to vector<1x8x1024xf32>
    %squeeze3A_565 = vector.shape_cast %slice3A_564 : vector<1x8x1024xf32> to vector<8x1024xf32>
    %select_n3A_566 = arith.select %gt3A_562, %squeeze3A_565, %select_n3A_553 : vector<8x1024xi1>, vector<8x1024xf32>
    %slice3A_567 = vector.extract_strided_slice %get3A_2 {offsets = [85, 0, 0], sizes = [1, 8, 1024], strides = [1, 1, 1]} : vector<90x8x1024xf32> to vector<1x8x1024xf32>
    %squeeze3A_568 = vector.shape_cast %slice3A_567 : vector<1x8x1024xf32> to vector<8x1024xf32>
    %select_n3A_569 = arith.select %gt3A_562, %squeeze3A_568, %select_n3A_556 : vector<8x1024xi1>, vector<8x1024xf32>
    %slice3A_570 = vector.extract_strided_slice %get3A_2 {offsets = [26, 0, 0], sizes = [1, 8, 1024], strides = [1, 1, 1]} : vector<90x8x1024xf32> to vector<1x8x1024xf32>
    %squeeze3A_571 = vector.shape_cast %slice3A_570 : vector<1x8x1024xf32> to vector<8x1024xf32>
    %slice3A_572 = vector.extract_strided_slice %neg3A_239 {offsets = [26, 0, 0], sizes = [1, 8, 1024], strides = [1, 1, 1]} : vector<30x8x1024xf32> to vector<1x8x1024xf32>
    %squeeze3A_573 = vector.shape_cast %slice3A_572 : vector<1x8x1024xf32> to vector<8x1024xf32>
    %add3A_574 = arith.addf %squeeze3A_571, %squeeze3A_573 : vector<8x1024xf32>
    %gt3A_575 = arith.cmpf ogt, %add3A_574, %select_n3A_563 : vector<8x1024xf32>
    %select_n3A_576 = arith.select %gt3A_575, %add3A_574, %select_n3A_563 : vector<8x1024xi1>, vector<8x1024xf32>
    %slice3A_577 = vector.extract_strided_slice %get3A_2 {offsets = [56, 0, 0], sizes = [1, 8, 1024], strides = [1, 1, 1]} : vector<90x8x1024xf32> to vector<1x8x1024xf32>
    %squeeze3A_578 = vector.shape_cast %slice3A_577 : vector<1x8x1024xf32> to vector<8x1024xf32>
    %select_n3A_579 = arith.select %gt3A_575, %squeeze3A_578, %select_n3A_566 : vector<8x1024xi1>, vector<8x1024xf32>
    %slice3A_580 = vector.extract_strided_slice %get3A_2 {offsets = [86, 0, 0], sizes = [1, 8, 1024], strides = [1, 1, 1]} : vector<90x8x1024xf32> to vector<1x8x1024xf32>
    %squeeze3A_581 = vector.shape_cast %slice3A_580 : vector<1x8x1024xf32> to vector<8x1024xf32>
    %select_n3A_582 = arith.select %gt3A_575, %squeeze3A_581, %select_n3A_569 : vector<8x1024xi1>, vector<8x1024xf32>
    %slice3A_583 = vector.extract_strided_slice %get3A_2 {offsets = [27, 0, 0], sizes = [1, 8, 1024], strides = [1, 1, 1]} : vector<90x8x1024xf32> to vector<1x8x1024xf32>
    %squeeze3A_584 = vector.shape_cast %slice3A_583 : vector<1x8x1024xf32> to vector<8x1024xf32>
    %slice3A_585 = vector.extract_strided_slice %neg3A_239 {offsets = [27, 0, 0], sizes = [1, 8, 1024], strides = [1, 1, 1]} : vector<30x8x1024xf32> to vector<1x8x1024xf32>
    %squeeze3A_586 = vector.shape_cast %slice3A_585 : vector<1x8x1024xf32> to vector<8x1024xf32>
    %add3A_587 = arith.addf %squeeze3A_584, %squeeze3A_586 : vector<8x1024xf32>
    %gt3A_588 = arith.cmpf ogt, %add3A_587, %select_n3A_576 : vector<8x1024xf32>
    %select_n3A_589 = arith.select %gt3A_588, %add3A_587, %select_n3A_576 : vector<8x1024xi1>, vector<8x1024xf32>
    %slice3A_590 = vector.extract_strided_slice %get3A_2 {offsets = [57, 0, 0], sizes = [1, 8, 1024], strides = [1, 1, 1]} : vector<90x8x1024xf32> to vector<1x8x1024xf32>
    %squeeze3A_591 = vector.shape_cast %slice3A_590 : vector<1x8x1024xf32> to vector<8x1024xf32>
    %select_n3A_592 = arith.select %gt3A_588, %squeeze3A_591, %select_n3A_579 : vector<8x1024xi1>, vector<8x1024xf32>
    %slice3A_593 = vector.extract_strided_slice %get3A_2 {offsets = [87, 0, 0], sizes = [1, 8, 1024], strides = [1, 1, 1]} : vector<90x8x1024xf32> to vector<1x8x1024xf32>
    %squeeze3A_594 = vector.shape_cast %slice3A_593 : vector<1x8x1024xf32> to vector<8x1024xf32>
    %select_n3A_595 = arith.select %gt3A_588, %squeeze3A_594, %select_n3A_582 : vector<8x1024xi1>, vector<8x1024xf32>
    %slice3A_596 = vector.extract_strided_slice %get3A_2 {offsets = [28, 0, 0], sizes = [1, 8, 1024], strides = [1, 1, 1]} : vector<90x8x1024xf32> to vector<1x8x1024xf32>
    %squeeze3A_597 = vector.shape_cast %slice3A_596 : vector<1x8x1024xf32> to vector<8x1024xf32>
    %slice3A_598 = vector.extract_strided_slice %neg3A_239 {offsets = [28, 0, 0], sizes = [1, 8, 1024], strides = [1, 1, 1]} : vector<30x8x1024xf32> to vector<1x8x1024xf32>
    %squeeze3A_599 = vector.shape_cast %slice3A_598 : vector<1x8x1024xf32> to vector<8x1024xf32>
    %add3A_600 = arith.addf %squeeze3A_597, %squeeze3A_599 : vector<8x1024xf32>
    %gt3A_601 = arith.cmpf ogt, %add3A_600, %select_n3A_589 : vector<8x1024xf32>
    %select_n3A_602 = arith.select %gt3A_601, %add3A_600, %select_n3A_589 : vector<8x1024xi1>, vector<8x1024xf32>
    %slice3A_603 = vector.extract_strided_slice %get3A_2 {offsets = [58, 0, 0], sizes = [1, 8, 1024], strides = [1, 1, 1]} : vector<90x8x1024xf32> to vector<1x8x1024xf32>
    %squeeze3A_604 = vector.shape_cast %slice3A_603 : vector<1x8x1024xf32> to vector<8x1024xf32>
    %select_n3A_605 = arith.select %gt3A_601, %squeeze3A_604, %select_n3A_592 : vector<8x1024xi1>, vector<8x1024xf32>
    %slice3A_606 = vector.extract_strided_slice %get3A_2 {offsets = [88, 0, 0], sizes = [1, 8, 1024], strides = [1, 1, 1]} : vector<90x8x1024xf32> to vector<1x8x1024xf32>
    %squeeze3A_607 = vector.shape_cast %slice3A_606 : vector<1x8x1024xf32> to vector<8x1024xf32>
    %select_n3A_608 = arith.select %gt3A_601, %squeeze3A_607, %select_n3A_595 : vector<8x1024xi1>, vector<8x1024xf32>
    %slice3A_609 = vector.extract_strided_slice %get3A_2 {offsets = [29, 0, 0], sizes = [1, 8, 1024], strides = [1, 1, 1]} : vector<90x8x1024xf32> to vector<1x8x1024xf32>
    %squeeze3A_610 = vector.shape_cast %slice3A_609 : vector<1x8x1024xf32> to vector<8x1024xf32>
    %slice3A_611 = vector.extract_strided_slice %neg3A_239 {offsets = [29, 0, 0], sizes = [1, 8, 1024], strides = [1, 1, 1]} : vector<30x8x1024xf32> to vector<1x8x1024xf32>
    %squeeze3A_612 = vector.shape_cast %slice3A_611 : vector<1x8x1024xf32> to vector<8x1024xf32>
    %add3A_613 = arith.addf %squeeze3A_610, %squeeze3A_612 : vector<8x1024xf32>
    %gt3A_614 = arith.cmpf ogt, %add3A_613, %select_n3A_602 : vector<8x1024xf32>
    %slice3A_615 = vector.extract_strided_slice %get3A_2 {offsets = [59, 0, 0], sizes = [1, 8, 1024], strides = [1, 1, 1]} : vector<90x8x1024xf32> to vector<1x8x1024xf32>
    %squeeze3A_616 = vector.shape_cast %slice3A_615 : vector<1x8x1024xf32> to vector<8x1024xf32>
    %select_n3A_617 = arith.select %gt3A_614, %squeeze3A_616, %select_n3A_605 : vector<8x1024xi1>, vector<8x1024xf32>
    %slice3A_618 = vector.extract_strided_slice %get3A_2 {offsets = [89, 0, 0], sizes = [1, 8, 1024], strides = [1, 1, 1]} : vector<90x8x1024xf32> to vector<1x8x1024xf32>
    %squeeze3A_619 = vector.shape_cast %slice3A_618 : vector<1x8x1024xf32> to vector<8x1024xf32>
    %select_n3A_620 = arith.select %gt3A_614, %squeeze3A_619, %select_n3A_608 : vector<8x1024xi1>, vector<8x1024xf32>
    %tanh3A = math.tanh %select_n3A_617 : vector<8x1024xf32>
    %logistic3A = arith.negf %select_n3A_620 : vector<8x1024xf32>
    %logistic3A_621 = math.exp %logistic3A : vector<8x1024xf32>
    %logistic3A_622 = arith.constant 1.000000e+00 : f32
    %logistic3A_623 = vector.broadcast %logistic3A_622 : f32 to vector<8x1024xf32>
    %logistic3A_624 = arith.addf %logistic3A_623, %logistic3A_621 : vector<8x1024xf32>
    %logistic3A_625 = arith.divf %logistic3A_623, %logistic3A_624 : vector<8x1024xf32>
    %mul3A_626 = arith.constant -7.000000e+00 : f32
    %mul3A_627 = vector.broadcast %mul3A_626 : f32 to vector<8x1024xf32>
    %mul3A_628 = arith.mulf %mul3A_627, %logistic3A_625 : vector<8x1024xf32>
    %get3A_629 = arith.constant 0 : index
    %get3A_630 = arith.constant 0 : index
    %get3A_631 = vector.load %arg4[%get3A_629, %get3A_630] : memref<8x1024xi32, #tpu.memory_space<vmem>>, vector<8x1024xi32>
    %shift_right_logical3A_632 = arith.constant 9 : i32
    %shift_right_logical3A_633 = vector.broadcast %shift_right_logical3A_632 : i32 to vector<8x1024xi32>
    %shift_right_logical3A_634 = arith.shrui %get3A_631, %shift_right_logical3A_633 : vector<8x1024xi32>
    %or3A_635 = arith.constant 1065353216 : i32
    %or3A_636 = vector.broadcast %or3A_635 : i32 to vector<8x1024xi32>
    %or3A_637 = arith.ori %shift_right_logical3A_634, %or3A_636 : vector<8x1024xi32>
    %bitcast_convert_type3A_638 = tpu.bitcast %or3A_637 : vector<8x1024xi32> -> vector<8x1024xf32>
    %sub3A_639 = arith.constant 1.000000e+00 : f32
    %sub3A_640 = vector.broadcast %sub3A_639 : f32 to vector<8x1024xf32>
    %sub3A_641 = arith.subf %bitcast_convert_type3A_638, %sub3A_640 : vector<8x1024xf32>
    %mul3A_642 = arith.constant 0.999979972 : f32
    %mul3A_643 = vector.broadcast %mul3A_642 : f32 to vector<8x1024xf32>
    %mul3A_644 = arith.mulf %sub3A_641, %mul3A_643 : vector<8x1024xf32>
    %add3A_645 = arith.constant 9.99999974E-6 : f32
    %add3A_646 = vector.broadcast %add3A_645 : f32 to vector<8x1024xf32>
    %add3A_647 = arith.addf %mul3A_644, %add3A_646 : vector<8x1024xf32>
    %max3A_648 = arith.constant 9.99999974E-6 : f32
    %max3A_649 = vector.broadcast %max3A_648 : f32 to vector<8x1024xf32>
    %max3A_650 = arith.maximumf %max3A_649, %add3A_647 : vector<8x1024xf32>
    %exp3A = math.exp %mul3A_628 : vector<8x1024xf32>
    %log3A_651 = math.log %max3A_650 : vector<8x1024xf32>
    %sub3A_652 = arith.constant 1.000000e+00 : f32
    %sub3A_653 = vector.broadcast %sub3A_652 : f32 to vector<8x1024xf32>
    %sub3A_654 = arith.subf %sub3A_653, %max3A_650 : vector<8x1024xf32>
    %log3A_655 = math.log %sub3A_654 : vector<8x1024xf32>
    %sub3A_656 = arith.subf %log3A_651, %log3A_655 : vector<8x1024xf32>
    %mul3A_657 = arith.mulf %exp3A, %sub3A_656 : vector<8x1024xf32>
    %add3A_658 = arith.addf %tanh3A, %mul3A_657 : vector<8x1024xf32>
    %jit3A = arith.constant -1.000000e+00 : f32
    %jit3A_659 = arith.constant 1.000000e+00 : f32
    %max3A_660 = vector.broadcast %jit3A : f32 to vector<8x1024xf32>
    %max3A_661 = arith.maximumf %max3A_660, %add3A_658 : vector<8x1024xf32>
    %min3A = vector.broadcast %jit3A_659 : f32 to vector<8x1024xf32>
    %min3A_662 = arith.minimumf %min3A, %max3A_661 : vector<8x1024xf32>
    %add3A_663 = arith.constant 1.000000e+00 : f32
    %add3A_664 = vector.broadcast %add3A_663 : f32 to vector<8x1024xf32>
    %add3A_665 = arith.addf %min3A_662, %add3A_664 : vector<8x1024xf32>
    %mul3A_666 = arith.constant 1.275000e+02 : f32
    %mul3A_667 = vector.broadcast %mul3A_666 : f32 to vector<8x1024xf32>
    %mul3A_668 = arith.mulf %add3A_665, %mul3A_667 : vector<8x1024xf32>
    %round3A = math.roundeven %mul3A_668 : vector<8x1024xf32>
    %convert_element_type3A = arith.fptosi %round3A : vector<8x1024xf32> to vector<8x1024xi32>
    %swap3A = arith.constant 0 : index
    %swap3A_669 = arith.constant 0 : index
    %swap3A_670 = vector.load %arg5[%swap3A, %swap3A_669] : memref<8x1024xi32, #tpu.memory_space<vmem>>, vector<8x1024xi32>
    tpu.vector_store %arg5[%swap3A, %swap3A_669], %convert_element_type3A {strides = array<i32>} : memref<8x1024xi32, #tpu.memory_space<vmem>>, vector<8x1024xi32>,
    return
  }
  func.func @transform_0(%arg0: i32, %arg1: i32) -> (i32, i32, i32) {
    %c0_i32 = arith.constant 0 : i32
    %c0_i32_0 = arith.constant 0 : i32
    return %c0_i32, %arg0, %arg1 : i32, i32, i32
  }
  func.func @transform_1(%arg0: i32, %arg1: i32) -> (i32, i32, i32) {
    %c0_i32 = arith.constant 0 : i32
    %c0_i32_0 = arith.constant 0 : i32
    %c0_i32_1 = arith.constant 0 : i32
    %c0_i32_2 = arith.constant 0 : i32
    return %c0_i32, %c0_i32_0, %c0_i32_1 : i32, i32, i32
  }
  func.func @transform_2(%arg0: i32, %arg1: i32) -> (i32, i32) {
    %c0_i32 = arith.constant 0 : i32
    return %arg0, %arg1 : i32, i32
  }
  func.func @transform_3(%arg0: i32, %arg1: i32) -> (i32, i32) {
    %c0_i32 = arith.constant 0 : i32
    return %arg0, %arg1 : i32, i32
  }
}

</mosaic_0001>

<sc_bundles>
// kernel: kernel.4.cloned.1.call-start
scs
__scs_entry_jumppad:
0x0: {  	(pc) =	sbr.rel $0x88, $3  }
0x1: {  	(tag) =	ssettag $0x0;
	lr =	simm.s32 $0x1  }
0x2: {  	[smem:$0x3FA0] =	sst lr;
	_ =	strace $0xD0000000  }
0x3: {  	_ = 	snop  }
0x4: {  	_ = 	snop  }
0x5: {  	_ = 	snop  }
0x6: {  	_ = 	snop  }
0x7: {  	_ = 	snop  }
__scs_overlays_trampoline_lowered:
0x8: {  	[smem:$0x3FAF] =	sst s0  }
0x9: {  	[smem:$0x3FB0] =	sst s1  }
0xa: {  	[smem:$0x3FB1] =	sst s2  }
0xb: {  	[smem:$0x3FB2] =	sst s3  }
0xc: {  	[smem:$0x3FB3] =	sst s4  }
0xd: {  	[smem:$0x3FB4] =	sst s5  }
0xe: {  	[smem:$0x3FB5] =	sst s6  }
0xf: {  	[smem:$0x3FB6] =	sst s7  }
0x10: {  	[smem:$0x3FB7] =	sst s8  }
0x11: {  	[smem:$0x3FB8] =	sst s9;
	s0 =	simm.s32 @!p0 $0x0  }
0x12: {  	s1 =	sld [smem:$0x3F9E];
	s0 =	simm.s32 @p0 $0x1  }
0x13: {  	[smem:$0x3FB9] =	sst s0;
	s0 =	simm.s32 @!p1 $0x0  }
0x14: {  	s2 =	sld [smem:$0x3F9D];
	s0 =	simm.s32 @p1 $0x1  }
0x15: {  	[smem:$0x3FBA] =	sst s0;
	s0 =	simm.s32 @!p2 $0x0  }
0x16: {  	s3 =	sld [smem:$0x3FDB];
	s0 =	simm.s32 @p2 $0x1  }
0x17: {  	s4 =	simm.s32 $0x1BF5;
	[smem:$0x3FBC] =	sst s0  }
0x18: {  	s0 =	sld [smem:$0x3F9F];
	_ =	swait.ge [sflag:s4], $0x0  }
0x19: {  	s7 =	sld [smem:$0x3FA0]  }
0x1a: {  	s8 =	sadd.s32 $0xFFFFE003, lr  }
0x1b: {  	s9 =	sadd.s32 $0xFFFFFEF7, lr;
	s5 =	simm.s32 $0xFFFFFFFF;
	p2 =	slt.u32 s8, $0xFFFFF086  }
0x1c: {  	p1 =	slt.u32 s9, $0xF7A;
	s5 =	simm.s32 @!p2 $0x0  }
0x1d: {  	s5 =	simm.s32 @p1 $0x1;
	p0 =	seq.s32 s7, s2  }
0x1e: {  	s7 =	smul.u32 @!p0 $0xF7A, s2;
	p2 =	seq.s32 @!p0 s5, $0x0  }
0x1f: {  	s9 =	smul.u32 $0xF7A, s1;
	s8 =	simm.s32 @!p0 $0x1BF5;
	p2 =	por !p2, p0  }
0x20: {  	[sflag:s8] =	ssyncset.s32 @!p0 $0xFFFFF086;
	s6 =	sadd.s32 @!p0 s3, s7;
	s7 =	simm.s32 @!p0 $0x108  }
0x21: {  	s3 =	sadd.s32 s3, s9;
	s6 =	sadd.s32 @!p0 $0x88, s6;
	s7 =	simm.s32 @p2 $0x1082  }
0x22: {  	[simem:s7], [sflag:s8] =	dma.local @!p0 [hbm:s6], $0xF7A  }
0x23: {  	s9 =	sor.u32 $0xD0000000, s2;
	s6 =	simm.s32 $0x108;
	_ =	swait.ge @!p0 [sflag:s8], $0x0  }
0x24: {  	s3 =	sadd.s32 $0x88, s3;
	s6 =	simm.s32 @!p1 $0x1082;
	[sflag:s4] =	ssyncset.s32 $0xFFFFF086  }
0x25: {  	[simem:s6], [sflag:s4] =	dma.local [hbm:s3], $0xF7A  }
0x26: {  	[smem:$0x3FA0] =	sst s1;
	(tag) =	ssettag s2;
	_ =	strace s9  }
0x27: {  	s1 =	sld [smem:$0x3FB0]  }
0x28: {  	s2 =	sld [smem:$0x3FB1]  }
0x29: {  	s4 =	sld [smem:$0x3FB3]  }
0x2a: {  	p0 =	seq.s32 s5, $0x0;
	s5 =	sld [smem:$0x3FB4]  }
0x2b: {  	s6 =	sld [smem:$0x3FB5]  }
0x2c: {  	s7 =	sld [smem:$0x3FB6]  }
0x2d: {  	s3 =	simm.s32 $0x108;
	s8 =	sld [smem:$0x3FB7]  }
0x2e: {  	s3 =	simm.s32 @!p0 $0x1082;
	s9 =	sld [smem:$0x3FB8]  }
0x2f: {  	lr =	sadd.s32 s0, s3;
	s0 =	sld [smem:$0x3FAF]  }
0x30: {  	s3 =	sld [smem:$0x3FB2]  }
0x31: {  	[smem:$0x3FBB] =	sst s10  }
0x32: {  	s10 =	sld [smem:$0x3FB9];
	_ =	sdelay $0x3  }
0x33: {  	p0 =	seq.s32 s10, $0x1;
	s10 =	sld [smem:$0x3FBB];
	_ =	sdelay $0x3  }
0x34: {  	[smem:$0x3FBB] =	sst s10  }
0x35: {  	s10 =	sld [smem:$0x3FBA];
	_ =	sdelay $0x3  }
0x36: {  	p1 =	seq.s32 s10, $0x1;
	s10 =	sld [smem:$0x3FBB];
	_ =	sdelay $0x3  }
0x37: {  	[smem:$0x3FBB] =	sst s10  }
0x38: {  	s10 =	sld [smem:$0x3FBC]  }
0x39: {  	_ = 	snop;
	(pc) =	sbr.ind lr, $3  }
0x3a: {  	_ = 	snop  }
0x3b: {  	_ = 	snop  }
0x3c: {  	p2 =	seq.s32 s10, $0x1;
	s10 =	sld [smem:$0x3FBB]  }
0x3d: {  	_ =	shalt  }
0x3e: {  	_ =	shalt  }
0x3f: {  	_ =	shalt  }
0x40: {  	_ =	shalt  }
0x41: {  	_ =	shalt  }
0x42: {  	_ =	shalt  }
0x43: {  	_ =	shalt  }
0x44: {  	_ =	shalt  }
0x45: {  	_ =	shalt  }
0x46: {  	_ =	shalt  }
0x47: {  	_ =	shalt  }
0x48: {  	_ =	shalt  }
0x49: {  	_ =	shalt  }
0x4a: {  	_ =	shalt  }
0x4b: {  	_ =	shalt  }
0x4c: {  	_ =	shalt  }
0x4d: {  	_ =	shalt  }
0x4e: {  	_ =	shalt  }
0x4f: {  	_ =	shalt  }
0x50: {  	_ =	shalt  }
0x51: {  	_ =	shalt  }
0x52: {  	_ =	shalt  }
0x53: {  	_ =	shalt  }
0x54: {  	_ =	shalt  }
0x55: {  	_ =	shalt  }
0x56: {  	_ =	shalt  }
0x57: {  	_ =	shalt  }
0x58: {  	_ =	shalt  }
0x59: {  	_ =	shalt  }
0x5a: {  	_ =	shalt  }
0x5b: {  	_ =	shalt  }
0x5c: {  	_ =	shalt  }
0x5d: {  	_ =	shalt  }
0x5e: {  	_ =	shalt  }
0x5f: {  	_ =	shalt  }
0x60: {  	_ =	shalt  }
0x61: {  	_ =	shalt  }
0x62: {  	_ =	shalt  }
0x63: {  	_ =	shalt  }
0x64: {  	_ =	shalt  }
0x65: {  	_ =	shalt  }
0x66: {  	_ =	shalt  }
0x67: {  	_ =	shalt  }
0x68: {  	_ =	shalt  }
0x69: {  	_ =	shalt  }
0x6a: {  	_ =	shalt  }
0x6b: {  	_ =	shalt  }
0x6c: {  	_ =	shalt  }
0x6d: {  	_ =	shalt  }
0x6e: {  	_ =	shalt  }
0x6f: {  	_ =	shalt  }
0x70: {  	_ =	shalt  }
0x71: {  	_ =	shalt  }
0x72: {  	_ =	shalt  }
0x73: {  	_ =	shalt  }
0x74: {  	_ =	shalt  }
0x75: {  	_ =	shalt  }
0x76: {  	_ =	shalt  }
0x77: {  	_ =	shalt  }
0x78: {  	_ =	shalt  }
0x79: {  	_ =	shalt  }
0x7a: {  	_ =	shalt  }
0x7b: {  	_ =	shalt  }
0x7c: {  	_ =	shalt  }
0x7d: {  	_ =	shalt  }
0x7e: {  	_ =	shalt  }
0x7f: {  	_ =	shalt  }
0x80: {  	_ =	shalt  }
0x81: {  	_ =	shalt  }
0x82: {  	_ =	shalt  }
0x83: {  	_ =	shalt  }
0x84: {  	_ =	shalt  }
0x85: {  	_ =	shalt  }
0x86: {  	_ =	shalt  }
0x87: {  	_ =	shalt  }
.Lfunc_end0:
.L_simem_size_0:
called_computation_lowered:
.L_overlay_start_0:
0x88: {  	s2 =	sld [smem:$0x3FD9]  }
0x89: {  	s3 =	sld [smem:$0x3FFE];
	_ =	sdelay $0x1  }
0x8a: {  	s1 =	srdreg.scid  }
0x8b: {  	s0 =	sand.u32 $0x1, s1  }
0x8c: {  	s18 =	sshll.u32 s0, $0xA;
	s2 =	sadd.s32 s3, s2  }
0x8d: {  	s2 =	sadd.s32 s2, s18  }
0x8e: {  	[smem:$0x3FC7] =	sst s2  }
0x8f: {  	_ = 	snop  }
0x90: {  	s2 =	sld [smem:$0x3FD0];
	(tm) =	ssettm $0x1  }
0x91: {  	s19 =	sld [smem:$0x3FFB];
	_ =	sdelay $0x3  }
0x92: {  	_ =	strace s19  }
0x93: {  	s3 =	sld [smem:$0x3FFC];
	_ =	sdelay $0x3  }
0x94: {  	_ =	strace s3  }
0x95: {  	s3 =	sld [smem:$0x3FFD];
	_ =	sdelay $0x3  }
0x96: {  	_ =	strace s3  }
0x97: {  	_ =	strace $0x8FFFFFFF  }
0x98: {  	s20 =	sld [smem:$0x3FDB];
	_ =	sdelay $0x1  }
0x99: {  	s4 =	simm.s32 $_scs_section_size  }
0x9a: {  	s5 =	simm.s32 $_size__tile_overlayer_lowered;
	s6 =	simm.s32 $_tile_overlayer_lowered  }
0x9b: {  	s23 =	simm.s32 $0x1BFF;
	s22 =	sshll.u32 s6, $0x1;
	s3 =	sadd.s32 s4, s20  }
0x9c: {  	s7 =	simm.s32 $0x0;
	s21 =	sshll.u32 s5, $0x1;
	s5 =	sadd.s32 s22, s3  }
0x9d: {  	[timem:s7], [sflag:s23] =	dma.local [hbm:s5], s21  }
0x9e: {  	_ =	swait.ge [sflag:s23], s21  }
0x9f: {  	s4 =	ssub.s32 $0x0, s21;
	[sflag:s23] =	ssyncset.done $0x0  }
0xa0: {  	[sflag:s23] =	ssyncadd.s32 s4;
	_ =	sdelay $0x1  }
0xa1: {  	s24 =	simm.s32 $0x1B8B  }
0xa2: {  	_ =	swait.ge [sflag:s24], $0x1  }
0xa3: {  	[sflag:s24] =	ssyncset.done $0x0  }
0xa4: {  	s25 =	simm.s32 $0x1B8E;
	[sflag:s24] =	ssyncadd.s32 $0xFFFFFFFF  }
0xa5: {  	s26 =	simm.s32 $execute0_lowered;
	[smem:$0x3FD2] =	sst s25  }
0xa6: {  	s4 =	sshll.u32 s26, $0x1;
	_ =	strace $0x80000046;
	[dreg:$0x1] =	wrdreg $0xFFFFFFFF  }
0xa7: {  	s28 =	simm.s32 $_size_execute0_lowered;
	s3 =	sadd.s32 s3, s4;
	[dreg:$0x0] =	wrdreg $0x0  }
0xa8: {  	s4 =	sshll.u32 s28, $0x1;
	[dreg:$0x2] =	wrdreg s3  }
0xa9: {  	[dreg:$0x3] =	wrdreg s4  }
0xaa: {  	[dreg:$0x4] =	wrdreg $0xC0  }
0xab: {  	_ =	task [dreg:s7], $0x5FFFF  }
0xac: {  	[dreg:$0x1] =	wrdreg $0xFFFFFFFF  }
0xad: {  	[dreg:$0x0] =	wrdreg $0x60  }
0xae: {  	[dreg:$0x2] =	wrdreg s2  }
0xaf: {  	[dreg:$0x3] =	wrdreg $0x9  }
0xb0: {  	_ =	task.clear_ibuf [dreg:s7], $0x4FFFF;
	_ =	strace $0x90000046  }
0xb1: {  	s29 =	simm.s32 $0x9;
	_ =	strace $0x80000048  }
0xb2: {  	_ =	swait.ge [sflag:s29], $0x1  }
0xb3: {  	[sflag:s29] =	ssyncadd.s32 $0xFFFFFFFF  }
0xb4: {  	_ =	strace $0x90000048  }
0xb5: {  	_ =	sfence  }
0xb6: {  	s30 =	sld [smem:$0x0];
	_ =	sdelay $0x2  }
0xb7: {  	s31 =	sshll.u32 s1, $0xD;
	s1 =	sshrl.u32 s1, $0x2  }
0xb8: {  	s3 =	sand.u32 $0x4000, s31;
	s1 =	sadd.s32 s1, s30  }
0xb9: {  	s0 =	sor.u32 s3, s0;
	s1 =	sshll.u32 s1, $0x11  }
0xba: {  	s0 =	sor.u32 s1, s0  }
0xbb: {  	s0 =	sadd.s32 $0x8F2B, s0  }
0xbc: {  	[sflag:s0] =	ssyncadd.remote.s32 $0x1  }
0xbd: {  	_ =	sfence.sel $0xFFFF  }
0xbe: {  	[dreg:$0x0] =	wrdreg $0xFFFFFFFF;
	(pc) =	sbr.abs _section_cstart, $3  }
0xbf: {  	[dreg:$0x1] =	wrdreg $0xFFFFFFFF  }
0xc0: {  	_ =	task.clear_ibuf [dreg:s7], $0x2FFFF;
	_ =	strace $0x9FFFFFFF  }
0xc1: {  	(tm) =	ssettm $0x7FFFFFFF  }
tec
execute0_lowered:
.L_overlay_start_1:
0x0: {  	(tag) =	ssettag $0x1  }
0x1: {  	s0 =	srdreg.scid  }
0x2: {  	s3 =	sand.u32 $0x1, s0  }
0x3: {  	s0 =	stileid.u32;
	s1 =	sshll.u32 s3, $0x4  }
0x4: {  	s9 =	sand.u32 $0x7, s0;
	s2 =	sor.u32 s0, s1  }
0x5: {  	s13 =	rddreg [dreg:$0x0];
	p1 =	sne.s32 s9, $0x0;
	p0 =	seq.s32 s2, $0x0  }
0x6: {  	s4 =	simm.s32 $0x1;
	s3 =	ssub.s32 $0x2, s3;
	p0 =	por !p1, !p0  }
0x7: {  	s1 =	rddreg [dreg:$0x1];
	s31 =	sshrl.u32 s3, $0x1;
	p0 =	por !p0, !p0  }
0x8: {  	s7 =	sshll.u32 s9, $0x3;
	s5 =	sshrl.u32 s2, $0x3;
	s4 =	simm.s32 @!p0 $0x0  }
0x9: {  	s11 =	sshll.u32 s9, $0xD;
	s2 =	simm.s32 $0x0;
	s4 =	ssub.s32 s5, s4  }
0xa: {  	s14 =	ssub.s32 s3, s31;
	[smem:$0x7FF] =	sst s2;
	s12 =	sshll.u32 s4, $0x10  }
0xb: {  	s14 =	smax.u32 s14, $0x1;
	_ =	strace $0x80000047;
	s3 =	sadd.s32 $0xADD083F4, s12  }
0xc: {  	s4 =	simm.s32 $0x1;
	s5 =	sadd.s32 $0xADD0A3F4, s12;
	s6 =	sadd.s32 $0xADD0C3F4, s12  }
0xd: {  	s8 =	sadd.s32 $0xADD0E3F4, s12;
	s9 =	sadd.s32 $0xADD103F4, s12;
	s15 =	sor.u32 s11, s12  }
0xe: {  	v0 =	vlaneseq.u32;
	s10 =	sadd.s32 $0xADD123F4, s12;
	s11 =	sadd.s32 $0xADD143F4, s12;
	s15 =	sshrl.u32 s15, $0x3  }
0xf: {  	v1 =	vadd.s32 $0x3D7B32D, v0;
	s12 =	sadd.s32 $0xADD163F4, s12;
	s13 =	sadd.s32 s13, s15;
	s15 =	simm.s32 $0x0  }
.LBB2_1:
0x10: {  	s16 =	sadd.s32 $0x0, s7;
	s17 =	sand.u32 $0x70, s2  }
0x11: {  	s16 =	sshll.u32 s16, $0x7;
	s18 =	sadd.s32 s17, s3  }
0x12: {  	s16 =	sadd.s32 s16, s18  }
0x13: {  	v2 =	vadd.s32 s16, v0  }
0x14: {  	v3 =	vshrl.u32 v2, $0x13;
	v2 =	vshll.u32 v2, $0xD  }
0x15: {  	v4 =	vadd.s32 s16, v1;
	v2 =	vor.u32 v3, v2  }
0x16: {  	v2 =	vxor.u32 v4, v2  }
0x17: {  	v3 =	vshrl.u32 v2, $0x11;
	v5 =	vshll.u32 v2, $0xF  }
0x18: {  	v2 =	vadd.s32 v4, v2;
	v3 =	vor.u32 v3, v5  }
0x19: {  	v3 =	vxor.u32 v3, v2  }
0x1a: {  	v4 =	vshrl.u32 v3, $0x6;
	v5 =	vshll.u32 v3, $0x1A  }
0x1b: {  	v2 =	vadd.s32 v2, v3;
	v3 =	vor.u32 v4, v5  }
0x1c: {  	v3 =	vxor.u32 v3, v2  }
0x1d: {  	v4 =	vshrl.u32 v3, $0x1A;
	v5 =	vshll.u32 v3, $0x6  }
0x1e: {  	v2 =	vadd.s32 v2, v3;
	v3 =	vor.u32 v4, v5  }
0x1f: {  	v3 =	vxor.u32 v3, v2  }
0x20: {  	v3 =	vadd.s32 $0xB5D62B04, v3  }
0x21: {  	v2 =	vadd.s32 v3, v2;
	v4 =	vshrl.u32 v3, $0xF;
	v3 =	vshll.u32 v3, $0x11  }
0x22: {  	v2 =	vadd.s32 $0xADD083F4, v2;
	v3 =	vor.u32 v4, v3  }
0x23: {  	v3 =	vxor.u32 v3, v2  }
0x24: {  	v4 =	vshrl.u32 v3, $0x3;
	v5 =	vshll.u32 v3, $0x1D  }
0x25: {  	v2 =	vadd.s32 v2, v3;
	v3 =	vor.u32 v4, v5  }
0x26: {  	v3 =	vxor.u32 v3, v2  }
0x27: {  	v4 =	vshrl.u32 v3, $0x10;
	v5 =	vshll.u32 v3, $0x10  }
0x28: {  	v2 =	vadd.s32 v2, v3;
	v3 =	vor.u32 v4, v5  }
0x29: {  	s16 =	simm.s32 $0x10;
	v3 =	vxor.u32 v3, v2  }
0x2a: {  	s31 =	sadd.s32 $0x0, s7;
	s20 =	sand.u32 $0x70, s16;
	v4 =	vshrl.u32 v3, $0x8;
	v5 =	vshll.u32 v3, $0x18  }
0x2b: {  	s18 =	sshll.u32 s31, $0x7;
	s19 =	sadd.s32 s20, s3;
	v2 =	vadd.s32 v2, v3;
	v3 =	vor.u32 v4, v5  }
0x2c: {  	s18 =	sadd.s32 s18, s19;
	v3 =	vxor.u32 v3, v2  }
0x2d: {  	v6 =	vadd.s32 s18, v0;
	v3 =	vadd.s32 $0x3D7B32F, v3  }
0x2e: {  	v2 =	vadd.s32 v3, v2;
	v5 =	vshrl.u32 v3, $0x13;
	v3 =	vshll.u32 v3, $0xD  }
0x2f: {  	v4 =	vadd.s32 s18, v1;
	v2 =	vadd.s32 $0xB5D62B03, v2;
	v3 =	vor.u32 v5, v3  }
0x30: {  	v5 =	vshrl.u32 v6, $0x13;
	v6 =	vshll.u32 v6, $0xD;
	v3 =	vxor.u32 v3, v2  }
0x31: {  	v5 =	vor.u32 v5, v6;
	v6 =	vshrl.u32 v3, $0x11;
	v7 =	vshll.u32 v3, $0xF  }
0x32: {  	v5 =	vxor.u32 v4, v5;
	v3 =	vadd.s32 v2, v3;
	v6 =	vor.u32 v6, v7  }
0x33: {  	v2 =	vadd.s32 v4, v5;
	v4 =	vshrl.u32 v5, $0x11;
	v6 =	vxor.u32 v6, v3  }
0x34: {  	v5 =	vshll.u32 v5, $0xF;
	v7 =	vshrl.u32 v6, $0x6;
	v8 =	vshll.u32 v6, $0x1A  }
0x35: {  	s21 =	simm.s32 $0x1;
	s22 =	simm.s32 $0x0;
	s18 =	simm.s32 $0x2;
	v4 =	vor.u32 v4, v5;
	v3 =	vadd.s32 v3, v6;
	v5 =	vor.u32 v7, v8  }
.LBB2_2:
0x36: {  	p0 =	sne.s32 s18, $0x3F;
	v4 =	vxor.u32 v4, v2;
	v5 =	vxor.u32 v5, v3  }
0x37: {  	v6 =	vshrl.u32 v4, $0x6;
	v7 =	vshrl.u32 v5, $0x1A;
	v8 =	vshll.u32 v5, $0x6  }
0x38: {  	v9 =	vshll.u32 v4, $0x1A;
	v3 =	vadd.s32 v3, v5;
	v5 =	vor.u32 v7, v8  }
0x39: {  	v2 =	vadd.s32 v2, v4;
	v4 =	vor.u32 v6, v9;
	v5 =	vxor.u32 v5, v3  }
0x3a: {  	v4 =	vxor.u32 v4, v2;
	v5 =	vadd.s32 $0xADD083F7, v5  }
0x3b: {  	v3 =	vadd.s32 v5, v3;
	v6 =	vshrl.u32 v5, $0xF;
	v5 =	vshll.u32 v5, $0x11  }
0x3c: {  	s19 =	sshrl.u32 s18, $0x3;
	s16 =	sadd.s32 $0x10, s16;
	v2 =	vadd.s32 v2, v4;
	v3 =	vadd.s32 $0x3D7B32D, v3;
	v5 =	vor.u32 v6, v5  }
0x3d: {  	s23 =	sadd.s32 s7, s19;
	s19 =	sand.u32 $0x70, s16;
	v6 =	vshrl.u32 v4, $0x1A;
	v4 =	vshll.u32 v4, $0x6;
	v5 =	vxor.u32 v5, v3  }
0x3e: {  	s23 =	sshll.u32 s23, $0x7;
	s24 =	sadd.s32 s19, s3;
	v4 =	vor.u32 v6, v4;
	v6 =	vshrl.u32 v5, $0x3;
	v7 =	vshll.u32 v5, $0x1D  }
0x3f: {  	s23 =	sadd.s32 s23, s24;
	v4 =	vxor.u32 v4, v2;
	v3 =	vadd.s32 v3, v5;
	v5 =	vor.u32 v6, v7  }
0x40: {  	v6 =	vadd.s32 s23, v1;
	v4 =	vadd.s32 $0xB5D62B04, v4;
	v5 =	vxor.u32 v5, v3  }
0x41: {  	v2 =	vadd.s32 v4, v2;
	v7 =	vshrl.u32 v5, $0x10;
	v8 =	vshll.u32 v5, $0x10  }
0x42: {  	v9 =	vshrl.u32 v4, $0xF;
	v3 =	vadd.s32 v3, v5;
	v5 =	vor.u32 v7, v8  }
0x43: {  	v4 =	vshll.u32 v4, $0x11;
	v2 =	vadd.s32 $0xADD083F4, v2;
	v5 =	vxor.u32 v5, v3  }
0x44: {  	v4 =	vor.u32 v9, v4;
	v7 =	vshrl.u32 v5, $0x8;
	v8 =	vshll.u32 v5, $0x18  }
0x45: {  	v4 =	vxor.u32 v4, v2;
	v3 =	vadd.s32 v3, v5;
	v5 =	vor.u32 v7, v8  }
0x46: {  	v7 =	vshrl.u32 v4, $0x3;
	v8 =	vshll.u32 v4, $0x1D;
	v5 =	vxor.u32 v5, v3  }
0x47: {  	v2 =	vadd.s32 v2, v4;
	v4 =	vor.u32 v7, v8;
	v5 =	vadd.s32 $0xB5D62B07, v5  }
0x48: {  	v3 =	vadd.s32 v5, v3;
	v7 =	vshrl.u32 v5, $0x13;
	v5 =	vshll.u32 v5, $0xD  }
0x49: {  	v4 =	vxor.u32 v4, v2;
	v3 =	vadd.s32 $0xADD083F4, v3;
	v5 =	vor.u32 v7, v5  }
0x4a: {  	v2 =	vadd.s32 v2, v4;
	v7 =	vshrl.u32 v4, $0x10;
	v5 =	vxor.u32 v5, v3  }
0x4b: {  	v4 =	vshll.u32 v4, $0x10;
	v8 =	vshrl.u32 v5, $0x11;
	v9 =	vshll.u32 v5, $0xF  }
0x4c: {  	v4 =	vor.u32 v7, v4;
	v3 =	vadd.s32 v3, v5;
	v5 =	vor.u32 v8, v9  }
0x4d: {  	v7 =	vadd.s32 s23, v0;
	v4 =	vxor.u32 v4, v2;
	v5 =	vxor.u32 v5, v3  }
0x4e: {  	v8 =	vshrl.u32 v4, $0x8;
	v9 =	vshrl.u32 v5, $0x6;
	v10 =	vshll.u32 v5, $0x1A  }
0x4f: {  	v11 =	vshll.u32 v4, $0x18;
	v3 =	vadd.s32 v3, v5;
	v5 =	vor.u32 v9, v10  }
0x50: {  	v2 =	vadd.s32 v2, v4;
	v4 =	vor.u32 v8, v11;
	v5 =	vxor.u32 v5, v3  }
0x51: {  	v4 =	vxor.u32 v4, v2;
	v8 =	vshrl.u32 v5, $0x1A;
	v9 =	vshll.u32 v5, $0x6  }
0x52: {  	s23 =	sshll.u32 s22, $0x7;
	s22 =	smov.u32 s21;
	s21 =	smov.u32 s18;
	v4 =	vadd.s32 $0x3D7B32F, v4;
	v3 =	vadd.s32 v3, v5;
	v5 =	vor.u32 v8, v9  }
0x53: {  	s23 =	sand.u32 $0x3FFFFC00, s23;
	v2 =	vadd.s32 v4, v2;
	v8 =	vshrl.u32 v4, $0x13;
	v5 =	vxor.u32 v5, v3  }
0x54: {  	v4 =	vshll.u32 v4, $0xD;
	v3 =	vadd.s32 $0xB5D62B03, v3;
	v5 =	vadd.s32 $0x3D7B332, v5  }
0x55: {  	s23 =	sor.u32 s17, s23;
	s17 =	smov.u32 s20;
	s20 =	smov.u32 s19;
	v2 =	vadd.s32 $0xB5D62B03, v2;
	v4 =	vor.u32 v8, v4;
	v3 =	vxor.u32 v3, v5  }
0x56: {  	v4 =	vxor.u32 v4, v2;
	v5 =	vshrl.u32 v7, $0x13;
	v7 =	vshll.u32 v7, $0xD;
	[tilespmem:s23+$0x0] =	vst v3  }
.Ltmp0:
0x57: {  	v3 =	vor.u32 v5, v7;
	v5 =	vshrl.u32 v4, $0x11;
	v7 =	vshll.u32 v4, $0xF;
	(pc) =	sbr.rel @p0 .LBB2_2-.Ltmp0, $4  }
0x58: {  	v8 =	vadd.s32 v2, v4;
	v3 =	vxor.u32 v6, v3;
	v4 =	vor.u32 v5, v7  }
0x59: {  	v2 =	vadd.s32 v6, v3;
	v5 =	vshrl.u32 v3, $0x11;
	v6 =	vxor.u32 v4, v8  }
0x5a: {  	v3 =	vshll.u32 v3, $0xF;
	v7 =	vshrl.u32 v6, $0x6;
	v9 =	vshll.u32 v6, $0x1A  }
0x5b: {  	s18 =	sadd.s32 $0x1, s18;
	v4 =	vor.u32 v5, v3;
	v3 =	vadd.s32 v8, v6;
	v5 =	vor.u32 v7, v9  }
0x5c: {  	v5 =	vxor.u32 v5, v3  }
0x5d: {  	v6 =	vshrl.u32 v5, $0x1A;
	v7 =	vshll.u32 v5, $0x6  }
0x5e: {  	v4 =	vxor.u32 v4, v2;
	v3 =	vadd.s32 v3, v5;
	v5 =	vor.u32 v6, v7  }
0x5f: {  	v6 =	vshrl.u32 v4, $0x6;
	v7 =	vshll.u32 v4, $0x1A;
	v5 =	vxor.u32 v5, v3  }
0x60: {  	v2 =	vadd.s32 v2, v4;
	v4 =	vor.u32 v6, v7;
	v5 =	vadd.s32 $0xADD083F7, v5  }
0x61: {  	v4 =	vxor.u32 v4, v2;
	v3 =	vadd.s32 v5, v3  }
0x62: {  	v6 =	vshrl.u32 v5, $0xF;
	v7 =	vshrl.u32 v4, $0x1A;
	v8 =	vshll.u32 v4, $0x6  }
0x63: {  	v5 =	vshll.u32 v5, $0x11;
	v2 =	vadd.s32 v2, v4;
	v4 =	vor.u32 v7, v8  }
0x64: {  	v3 =	vadd.s32 $0x3D7B32D, v3;
	v5 =	vor.u32 v6, v5;
	v4 =	vxor.u32 v4, v2  }
0x65: {  	v5 =	vxor.u32 v5, v3;
	v4 =	vadd.s32 $0xB5D62B04, v4  }
0x66: {  	v2 =	vadd.s32 v4, v2;
	v6 =	vshrl.u32 v4, $0xF;
	v4 =	vshll.u32 v4, $0x11  }
0x67: {  	v7 =	vshrl.u32 v5, $0x3;
	v2 =	vadd.s32 $0xADD083F4, v2;
	v4 =	vor.u32 v6, v4  }
0x68: {  	v3 =	vadd.s32 v3, v5;
	v6 =	vshll.u32 v5, $0x1D;
	v4 =	vxor.u32 v4, v2  }
0x69: {  	v5 =	vor.u32 v7, v6;
	v6 =	vshrl.u32 v4, $0x3;
	v7 =	vshll.u32 v4, $0x1D  }
0x6a: {  	v5 =	vxor.u32 v5, v3;
	v2 =	vadd.s32 v2, v4;
	v4 =	vor.u32 v6, v7  }
0x6b: {  	v6 =	vshrl.u32 v5, $0x10;
	v7 =	vshll.u32 v5, $0x10;
	v4 =	vxor.u32 v4, v2  }
0x6c: {  	v3 =	vadd.s32 v3, v5;
	v5 =	vshrl.u32 v4, $0x10;
	v42 =	vshll.u32 v4, $0x10  }
0x6d: {  	v6 =	vor.u32 v6, v7;
	v2 =	vadd.s32 v2, v4;
	v4 =	vor.u32 v5, v42  }
0x6e: {  	v5 =	vxor.u32 v6, v3;
	v4 =	vxor.u32 v4, v2  }
0x6f: {  	v6 =	vshrl.u32 v5, $0x8;
	v7 =	vshrl.u32 v4, $0x8;
	v43 =	vshll.u32 v4, $0x18  }
0x70: {  	v9 =	vshll.u32 v5, $0x18;
	v2 =	vadd.s32 v2, v4;
	v4 =	vor.u32 v7, v43  }
0x71: {  	v3 =	vadd.s32 v3, v5;
	v5 =	vor.u32 v6, v9;
	v4 =	vxor.u32 v4, v2  }
0x72: {  	v5 =	vxor.u32 v5, v3;
	v4 =	vadd.s32 $0x3D7B32F, v4  }
0x73: {  	v2 =	vadd.s32 v4, v2;
	v6 =	vshrl.u32 v4, $0x13;
	v4 =	vshll.u32 v4, $0xD  }
0x74: {  	v5 =	vadd.s32 $0xB5D62B07, v5;
	v2 =	vadd.s32 $0xB5D62B03, v2;
	v4 =	vor.u32 v6, v4  }
0x75: {  	v3 =	vadd.s32 v5, v3;
	v4 =	vxor.u32 v4, v2  }
0x76: {  	v6 =	vshrl.u32 v5, $0x13;
	v7 =	vshrl.u32 v4, $0x11;
	v44 =	vshll.u32 v4, $0xF  }
0x77: {  	v5 =	vshll.u32 v5, $0xD;
	v2 =	vadd.s32 v2, v4;
	v4 =	vor.u32 v7, v44  }
0x78: {  	v3 =	vadd.s32 $0xADD083F4, v3;
	v5 =	vor.u32 v6, v5;
	v4 =	vxor.u32 v4, v2  }
0x79: {  	v5 =	vxor.u32 v5, v3;
	v6 =	vshrl.u32 v4, $0x6;
	v7 =	vshll.u32 v4, $0x1A  }
0x7a: {  	v45 =	vshrl.u32 v5, $0x11;
	v2 =	vadd.s32 v2, v4;
	v4 =	vor.u32 v6, v7  }
0x7b: {  	v3 =	vadd.s32 v3, v5;
	v6 =	vshll.u32 v5, $0xF;
	v4 =	vxor.u32 v4, v2  }
0x7c: {  	v5 =	vor.u32 v45, v6;
	v6 =	vshrl.u32 v4, $0x1A;
	v7 =	vshll.u32 v4, $0x6  }
0x7d: {  	v5 =	vxor.u32 v5, v3;
	v2 =	vadd.s32 v2, v4;
	v4 =	vor.u32 v6, v7  }
0x7e: {  	s18 =	simm.s32 $0x0;
	v6 =	vshrl.u32 v5, $0x6;
	v4 =	vxor.u32 v4, v2  }
0x7f: {  	s19 =	sadd.s32 $0x0, s7;
	s16 =	sand.u32 $0x70, s18;
	v7 =	vshll.u32 v5, $0x1A;
	v3 =	vadd.s32 v3, v5;
	v4 =	vadd.s32 $0xADD083F7, v4  }
0x80: {  	s24 =	sshll.u32 s19, $0x7;
	s29 =	sadd.s32 s16, s5;
	v2 =	vadd.s32 v4, v2;
	v5 =	vshrl.u32 v4, $0xF;
	v4 =	vshll.u32 v4, $0x11  }
0x81: {  	s19 =	sadd.s32 s24, s29;
	v2 =	vadd.s32 $0x3D7B32D, v2;
	v4 =	vor.u32 v5, v4  }
0x82: {  	v49 =	vadd.s32 s19, v1;
	v6 =	vor.u32 v6, v7;
	v4 =	vxor.u32 v4, v2  }
0x83: {  	v5 =	vxor.u32 v6, v3;
	v7 =	vshrl.u32 v4, $0x3;
	v46 =	vshll.u32 v4, $0x1D  }
0x84: {  	v6 =	vshrl.u32 v5, $0x1A;
	v2 =	vadd.s32 v2, v4;
	v4 =	vor.u32 v7, v46  }
0x85: {  	v47 =	vshll.u32 v5, $0x6;
	v3 =	vadd.s32 v3, v5;
	v4 =	vxor.u32 v4, v2  }
0x86: {  	v5 =	vor.u32 v6, v47;
	v6 =	vshrl.u32 v4, $0x10;
	v7 =	vshll.u32 v4, $0x10  }
0x87: {  	v2 =	vadd.s32 v2, v4;
	v4 =	vor.u32 v6, v7;
	v6 =	vadd.s32 s19, v0  }
0x88: {  	v4 =	vxor.u32 v4, v2;
	v7 =	vshrl.u32 v6, $0x13;
	v6 =	vshll.u32 v6, $0xD  }
0x89: {  	v5 =	vxor.u32 v5, v3;
	v48 =	vshrl.u32 v4, $0x8;
	v6 =	vor.u32 v7, v6  }
0x8a: {  	v7 =	vshll.u32 v4, $0x18;
	v2 =	vadd.s32 v2, v4;
	v4 =	vxor.u32 v49, v6  }
0x8b: {  	v6 =	vor.u32 v48, v7;
	v7 =	vshrl.u32 v4, $0x11;
	v50 =	vshll.u32 v4, $0xF  }
0x8c: {  	v6 =	vxor.u32 v6, v2;
	v4 =	vadd.s32 v49, v4;
	v7 =	vor.u32 v7, v50  }
0x8d: {  	v3 =	vadd.s32 $0xB5D62B03, v3;
	v6 =	vadd.s32 $0xB5D62B07, v6;
	v7 =	vxor.u32 v7, v4  }
0x8e: {  	v2 =	vadd.s32 v6, v2;
	v51 =	vshrl.u32 v7, $0x6;
	v52 =	vshll.u32 v7, $0x1A  }
0x8f: {  	v4 =	vadd.s32 v4, v7;
	v7 =	vshrl.u32 v6, $0x13;
	v8 =	vor.u32 v51, v52  }
0x90: {  	v6 =	vshll.u32 v6, $0xD;
	v2 =	vadd.s32 $0xADD083F4, v2;
	v8 =	vxor.u32 v8, v4  }
0x91: {  	v6 =	vor.u32 v7, v6;
	v7 =	vshrl.u32 v8, $0x1A;
	v53 =	vshll.u32 v8, $0x6  }
0x92: {  	v6 =	vxor.u32 v6, v2;
	v4 =	vadd.s32 v4, v8;
	v7 =	vor.u32 v7, v53  }
0x93: {  	v5 =	vadd.s32 $0x3D7B332, v5;
	v54 =	vshrl.u32 v6, $0x11;
	v7 =	vxor.u32 v7, v4  }
0x94: {  	v55 =	vshll.u32 v6, $0xF;
	v2 =	vadd.s32 v2, v6;
	v6 =	vadd.s32 $0xB5D62B04, v7  }
0x95: {  	v4 =	vadd.s32 v6, v4;
	v7 =	vshrl.u32 v6, $0xF;
	v6 =	vshll.u32 v6, $0x11  }
0x96: {  	v8 =	vor.u32 v54, v55;
	v4 =	vadd.s32 $0xADD083F4, v4;
	v6 =	vor.u32 v7, v6  }
0x97: {  	v3 =	vxor.u32 v3, v5;
	v5 =	vxor.u32 v8, v2;
	v6 =	vxor.u32 v6, v4  }
0x98: {  	v7 =	vshrl.u32 v5, $0x6;
	v56 =	vshrl.u32 v6, $0x3;
	v57 =	vshll.u32 v6, $0x1D  }
0x99: {  	v4 =	vadd.s32 v4, v6;
	v6 =	vshll.u32 v5, $0x1A;
	v8 =	vor.u32 v56, v57  }
0x9a: {  	v2 =	vadd.s32 v2, v5;
	v5 =	vor.u32 v7, v6;
	v6 =	vxor.u32 v8, v4  }
0x9b: {  	s25 =	simm.s32 $0x10;
	v5 =	vxor.u32 v5, v2;
	v7 =	vshrl.u32 v6, $0x10;
	v8 =	vshll.u32 v6, $0x10  }
0x9c: {  	s23 =	sadd.s32 $0x0, s7;
	s19 =	sand.u32 $0x70, s25;
	v58 =	vshrl.u32 v5, $0x1A;
	v4 =	vadd.s32 v4, v6;
	v6 =	vor.u32 v7, v8  }
0x9d: {  	s26 =	sshll.u32 s23, $0x7;
	s30 =	sadd.s32 s19, s5;
	v2 =	vadd.s32 v2, v5;
	v7 =	vshll.u32 v5, $0x6;
	v5 =	vxor.u32 v6, v4  }
0x9e: {  	s23 =	sadd.s32 s26, s30;
	v6 =	vor.u32 v58, v7;
	v7 =	vshrl.u32 v5, $0x8;
	v59 =	vshll.u32 v5, $0x18  }
0x9f: {  	v60 =	vadd.s32 s23, v0;
	v4 =	vadd.s32 v4, v5;
	v5 =	vor.u32 v7, v59  }
0xa0: {  	v8 =	vshll.u32 v60, $0xD;
	v6 =	vxor.u32 v6, v2;
	v5 =	vxor.u32 v5, v4  }
0xa1: {  	v2 =	vadd.s32 $0xB5D62B03, v2;
	v6 =	vadd.s32 $0x3D7B332, v6;
	v5 =	vadd.s32 $0x3D7B32F, v5  }
0xa2: {  	v4 =	vadd.s32 v5, v4;
	v7 =	vshrl.u32 v5, $0x13;
	v5 =	vshll.u32 v5, $0xD  }
0xa3: {  	v6 =	vxor.u32 v2, v6;
	v4 =	vadd.s32 $0xB5D62B03, v4;
	v5 =	vor.u32 v7, v5  }
0xa4: {  	v2 =	vadd.s32 s23, v1;
	v7 =	vshrl.u32 v60, $0x13;
	v5 =	vxor.u32 v5, v4  }
0xa5: {  	s22 =	sshll.u32 s22, $0x7;
	v7 =	vor.u32 v7, v8;
	v61 =	vshrl.u32 v5, $0x11;
	v62 =	vshll.u32 v5, $0xF  }
0xa6: {  	s21 =	sshll.u32 s21, $0x7;
	s22 =	sand.u32 $0x3FFFFC00, s22;
	v7 =	vxor.u32 v2, v7;
	v5 =	vadd.s32 v4, v5;
	v4 =	vor.u32 v61, v62  }
0xa7: {  	s21 =	sand.u32 $0x3FFFFC00, s21;
	s17 =	sor.u32 s17, s22;
	v2 =	vadd.s32 v2, v7;
	v63 =	vshrl.u32 v7, $0x11;
	v9 =	vxor.u32 v4, v5  }
0xa8: {  	s31 =	sor.u32 s20, s21;
	s20 =	simm.s32 $0x1;
	s21 =	simm.s32 $0x2;
	[tilespmem:s17+$0x0] =	vst v3;
	v3 =	vshll.u32 v7, $0xF;
	v7 =	vshrl.u32 v9, $0x6;
	v10 =	vshll.u32 v9, $0x1A  }
0xa9: {  	s22 =	simm.s32 $0x1;
	s17 =	smov.u32 s16;
	s23 =	simm.s32 $0x0;
	[tilespmem:s31+$0x0] =	vst v6;
	v4 =	vor.u32 v63, v3;
	v3 =	vadd.s32 v5, v9;
	v5 =	vor.u32 v7, v10  }
.LBB2_4:
0xaa: {  	p0 =	sne.s32 s21, $0x3F;
	v4 =	vxor.u32 v4, v2;
	v5 =	vxor.u32 v5, v3  }
0xab: {  	v6 =	vshrl.u32 v4, $0x6;
	v7 =	vshrl.u32 v5, $0x1A;
	v8 =	vshll.u32 v5, $0x6  }
0xac: {  	v9 =	vshll.u32 v4, $0x1A;
	v3 =	vadd.s32 v3, v5;
	v5 =	vor.u32 v7, v8  }
0xad: {  	v2 =	vadd.s32 v2, v4;
	v4 =	vor.u32 v6, v9;
	v5 =	vxor.u32 v5, v3  }
0xae: {  	v4 =	vxor.u32 v4, v2;
	v5 =	vadd.s32 $0xADD083F7, v5  }
0xaf: {  	v3 =	vadd.s32 v5, v3;
	v6 =	vshrl.u32 v5, $0xF;
	v5 =	vshll.u32 v5, $0x11  }
0xb0: {  	s28 =	sshrl.u32 s21, $0x3;
	s25 =	sadd.s32 $0x10, s25;
	v2 =	vadd.s32 v2, v4;
	v3 =	vadd.s32 $0x3D7B32D, v3;
	v5 =	vor.u32 v6, v5  }
0xb1: {  	s29 =	sadd.s32 s7, s28;
	s28 =	sand.u32 $0x70, s25;
	v6 =	vshrl.u32 v4, $0x1A;
	v4 =	vshll.u32 v4, $0x6;
	v5 =	vxor.u32 v5, v3  }
0xb2: {  	s29 =	sshll.u32 s29, $0x7;
	s30 =	sadd.s32 s28, s5;
	v4 =	vor.u32 v6, v4;
	v6 =	vshrl.u32 v5, $0x3;
	v7 =	vshll.u32 v5, $0x1D  }
0xb3: {  	s29 =	sadd.s32 s29, s30;
	v4 =	vxor.u32 v4, v2;
	v3 =	vadd.s32 v3, v5;
	v5 =	vor.u32 v6, v7  }
0xb4: {  	v6 =	vadd.s32 s29, v1;
	v4 =	vadd.s32 $0xB5D62B04, v4;
	v5 =	vxor.u32 v5, v3  }
0xb5: {  	v2 =	vadd.s32 v4, v2;
	v7 =	vshrl.u32 v5, $0x10;
	v8 =	vshll.u32 v5, $0x10  }
0xb6: {  	v9 =	vshrl.u32 v4, $0xF;
	v3 =	vadd.s32 v3, v5;
	v5 =	vor.u32 v7, v8  }
0xb7: {  	v4 =	vshll.u32 v4, $0x11;
	v2 =	vadd.s32 $0xADD083F4, v2;
	v5 =	vxor.u32 v5, v3  }
0xb8: {  	v4 =	vor.u32 v9, v4;
	v7 =	vshrl.u32 v5, $0x8;
	v8 =	vshll.u32 v5, $0x18  }
0xb9: {  	v4 =	vxor.u32 v4, v2;
	v3 =	vadd.s32 v3, v5;
	v5 =	vor.u32 v7, v8  }
0xba: {  	v7 =	vshrl.u32 v4, $0x3;
	v8 =	vshll.u32 v4, $0x1D;
	v5 =	vxor.u32 v5, v3  }
0xbb: {  	v2 =	vadd.s32 v2, v4;
	v4 =	vor.u32 v7, v8;
	v5 =	vadd.s32 $0xB5D62B07, v5  }
0xbc: {  	v3 =	vadd.s32 v5, v3;
	v7 =	vshrl.u32 v5, $0x13;
	v5 =	vshll.u32 v5, $0xD  }
0xbd: {  	v4 =	vxor.u32 v4, v2;
	v3 =	vadd.s32 $0xADD083F4, v3;
	v5 =	vor.u32 v7, v5  }
0xbe: {  	v2 =	vadd.s32 v2, v4;
	v7 =	vshrl.u32 v4, $0x10;
	v5 =	vxor.u32 v5, v3  }
0xbf: {  	v4 =	vshll.u32 v4, $0x10;
	v8 =	vshrl.u32 v5, $0x11;
	v9 =	vshll.u32 v5, $0xF  }
0xc0: {  	v4 =	vor.u32 v7, v4;
	v3 =	vadd.s32 v3, v5;
	v5 =	vor.u32 v8, v9  }
0xc1: {  	v7 =	vadd.s32 s29, v0;
	v4 =	vxor.u32 v4, v2;
	v5 =	vxor.u32 v5, v3  }
0xc2: {  	v8 =	vshrl.u32 v4, $0x8;
	v9 =	vshrl.u32 v5, $0x6;
	v10 =	vshll.u32 v5, $0x1A  }
0xc3: {  	v11 =	vshll.u32 v4, $0x18;
	v3 =	vadd.s32 v3, v5;
	v5 =	vor.u32 v9, v10  }
0xc4: {  	v2 =	vadd.s32 v2, v4;
	v4 =	vor.u32 v8, v11;
	v5 =	vxor.u32 v5, v3  }
0xc5: {  	v4 =	vxor.u32 v4, v2;
	v8 =	vshrl.u32 v5, $0x1A;
	v9 =	vshll.u32 v5, $0x6  }
0xc6: {  	s29 =	sshll.u32 s23, $0x7;
	s23 =	smov.u32 s22;
	s22 =	smov.u32 s21;
	v4 =	vadd.s32 $0x3D7B32F, v4;
	v3 =	vadd.s32 v3, v5;
	v5 =	vor.u32 v8, v9  }
0xc7: {  	s29 =	sand.u32 $0x3FFFFC00, s29;
	v2 =	vadd.s32 v4, v2;
	v8 =	vshrl.u32 v4, $0x13;
	v5 =	vxor.u32 v5, v3  }
0xc8: {  	v4 =	vshll.u32 v4, $0xD;
	v3 =	vadd.s32 $0xB5D62B03, v3;
	v5 =	vadd.s32 $0x3D7B332, v5  }
0xc9: {  	s29 =	sor.u32 s17, s29;
	s17 =	smov.u32 s19;
	s19 =	smov.u32 s28;
	v2 =	vadd.s32 $0xB5D62B03, v2;
	v4 =	vor.u32 v8, v4;
	v3 =	vxor.u32 v3, v5  }
0xca: {  	v4 =	vxor.u32 v4, v2;
	v5 =	vshrl.u32 v7, $0x13;
	v7 =	vshll.u32 v7, $0xD;
	[tilespmem:s29+$0x80] =	vst v3  }
.Ltmp1:
0xcb: {  	v3 =	vor.u32 v5, v7;
	v5 =	vshrl.u32 v4, $0x11;
	v7 =	vshll.u32 v4, $0xF;
	(pc) =	sbr.rel @p0 .LBB2_4-.Ltmp1, $4  }
0xcc: {  	v8 =	vadd.s32 v2, v4;
	v3 =	vxor.u32 v6, v3;
	v4 =	vor.u32 v5, v7  }
0xcd: {  	v2 =	vadd.s32 v6, v3;
	v5 =	vshrl.u32 v3, $0x11;
	v6 =	vxor.u32 v4, v8  }
0xce: {  	v3 =	vshll.u32 v3, $0xF;
	v7 =	vshrl.u32 v6, $0x6;
	v9 =	vshll.u32 v6, $0x1A  }
0xcf: {  	s21 =	sadd.s32 $0x1, s21;
	v4 =	vor.u32 v5, v3;
	v3 =	vadd.s32 v8, v6;
	v5 =	vor.u32 v7, v9  }
0xd0: {  	v4 =	vxor.u32 v4, v2  }
0xd1: {  	v6 =	vshrl.u32 v4, $0x6;
	v7 =	vshll.u32 v4, $0x1A  }
0xd2: {  	v2 =	vadd.s32 v2, v4;
	v4 =	vor.u32 v6, v7  }
0xd3: {  	v5 =	vxor.u32 v5, v3;
	v4 =	vxor.u32 v4, v2  }
0xd4: {  	v9 =	vshll.u32 v5, $0x6;
	v7 =	vshrl.u32 v4, $0x1A;
	v8 =	vshll.u32 v4, $0x6  }
0xd5: {  	v6 =	vshrl.u32 v5, $0x1A;
	v2 =	vadd.s32 v2, v4;
	v4 =	vor.u32 v7, v8  }
0xd6: {  	v3 =	vadd.s32 v3, v5;
	v5 =	vor.u32 v6, v9;
	v4 =	vxor.u32 v4, v2  }
0xd7: {  	v5 =	vxor.u32 v5, v3;
	v4 =	vadd.s32 $0xB5D62B04, v4  }
0xd8: {  	v2 =	vadd.s32 v4, v2;
	v6 =	vshrl.u32 v4, $0xF;
	v4 =	vshll.u32 v4, $0x11  }
0xd9: {  	v5 =	vadd.s32 $0xADD083F7, v5;
	v2 =	vadd.s32 $0xADD083F4, v2;
	v4 =	vor.u32 v6, v4  }
0xda: {  	v3 =	vadd.s32 v5, v3;
	v4 =	vxor.u32 v4, v2  }
0xdb: {  	v6 =	vshrl.u32 v5, $0xF;
	v7 =	vshrl.u32 v4, $0x3;
	v22 =	vshll.u32 v4, $0x1D  }
0xdc: {  	v5 =	vshll.u32 v5, $0x11;
	v2 =	vadd.s32 v2, v4;
	v4 =	vor.u32 v7, v22  }
0xdd: {  	v3 =	vadd.s32 $0x3D7B32D, v3;
	v5 =	vor.u32 v6, v5;
	v4 =	vxor.u32 v4, v2  }
0xde: {  	v5 =	vxor.u32 v5, v3;
	v6 =	vshrl.u32 v4, $0x10;
	v7 =	vshll.u32 v4, $0x10  }
0xdf: {  	v23 =	vshrl.u32 v5, $0x3;
	v2 =	vadd.s32 v2, v4;
	v4 =	vor.u32 v6, v7  }
0xe0: {  	v3 =	vadd.s32 v3, v5;
	v6 =	vshll.u32 v5, $0x1D;
	v4 =	vxor.u32 v4, v2  }
0xe1: {  	v5 =	vor.u32 v23, v6;
	v6 =	vshrl.u32 v4, $0x8;
	v7 =	vshll.u32 v4, $0x18  }
0xe2: {  	v5 =	vxor.u32 v5, v3;
	v2 =	vadd.s32 v2, v4;
	v4 =	vor.u32 v6, v7  }
0xe3: {  	v6 =	vshrl.u32 v5, $0x10;
	v7 =	vshll.u32 v5, $0x10;
	v4 =	vxor.u32 v4, v2  }
0xe4: {  	v3 =	vadd.s32 v3, v5;
	v6 =	vor.u32 v6, v7;
	v4 =	vadd.s32 $0x3D7B32F, v4  }
0xe5: {  	v2 =	vadd.s32 v4, v2;
	v5 =	vshrl.u32 v4, $0x13;
	v4 =	vshll.u32 v4, $0xD  }
0xe6: {  	v2 =	vadd.s32 $0xB5D62B03, v2;
	v4 =	vor.u32 v5, v4;
	v5 =	vxor.u32 v6, v3  }
0xe7: {  	v4 =	vxor.u32 v4, v2;
	v6 =	vshrl.u32 v5, $0x8;
	v25 =	vshll.u32 v5, $0x18  }
0xe8: {  	s21 =	sadd.s32 s16, s6;
	v3 =	vadd.s32 v3, v5;
	v7 =	vshrl.u32 v4, $0x11;
	v24 =	vshll.u32 v4, $0xF  }
0xe9: {  	s24 =	sadd.s32 s24, s21;
	v2 =	vadd.s32 v2, v4;
	v5 =	vor.u32 v6, v25;
	v4 =	vor.u32 v7, v24  }
0xea: {  	v27 =	vadd.s32 s24, v1;
	v5 =	vxor.u32 v5, v3;
	v4 =	vxor.u32 v4, v2  }
0xeb: {  	v5 =	vadd.s32 $0xB5D62B07, v5;
	v6 =	vshrl.u32 v4, $0x6;
	v7 =	vshll.u32 v4, $0x1A  }
0xec: {  	v2 =	vadd.s32 v2, v4;
	v3 =	vadd.s32 v5, v3;
	v4 =	vor.u32 v6, v7  }
0xed: {  	s25 =	simm.s32 $0x10;
	v6 =	vshrl.u32 v5, $0x13;
	v5 =	vshll.u32 v5, $0xD;
	v4 =	vxor.u32 v4, v2  }
0xee: {  	s21 =	sand.u32 $0x70, s25;
	v3 =	vadd.s32 $0xADD083F4, v3;
	v7 =	vshrl.u32 v4, $0x1A;
	v26 =	vshll.u32 v4, $0x6  }
0xef: {  	s30 =	sadd.s32 s21, s6;
	v5 =	vor.u32 v6, v5;
	v4 =	vadd.s32 v2, v4;
	v2 =	vor.u32 v7, v26  }
0xf0: {  	v10 =	vadd.s32 s24, v0;
	s24 =	sadd.s32 s26, s30;
	v5 =	vxor.u32 v5, v3;
	v6 =	vxor.u32 v2, v4  }
0xf1: {  	v7 =	vadd.s32 s24, v0;
	v11 =	vshrl.u32 v5, $0x11;
	v6 =	vadd.s32 $0xADD083F7, v6  }
0xf2: {  	v4 =	vadd.s32 v6, v4;
	v28 =	vshrl.u32 v6, $0xF;
	v6 =	vshll.u32 v6, $0x11  }
0xf3: {  	v29 =	vshll.u32 v5, $0xF;
	v4 =	vadd.s32 $0x3D7B32D, v4;
	v6 =	vor.u32 v28, v6  }
0xf4: {  	v3 =	vadd.s32 v3, v5;
	v2 =	vadd.s32 s24, v1;
	v5 =	vxor.u32 v6, v4  }
0xf5: {  	v59 =	vshrl.u32 v7, $0x13;
	v6 =	vor.u32 v11, v29;
	v30 =	vshrl.u32 v5, $0x3  }
0xf6: {  	v31 =	vshll.u32 v5, $0x1D;
	v6 =	vxor.u32 v6, v3;
	v4 =	vadd.s32 v4, v5  }
0xf7: {  	v5 =	vor.u32 v30, v31;
	v32 =	vshrl.u32 v6, $0x6;
	v33 =	vshll.u32 v6, $0x1A  }
0xf8: {  	v3 =	vadd.s32 v3, v6;
	v5 =	vxor.u32 v5, v4;
	v8 =	vor.u32 v32, v33  }
0xf9: {  	v6 =	vshrl.u32 v5, $0x10;
	v12 =	vshll.u32 v5, $0x10;
	v4 =	vadd.s32 v4, v5  }
0xfa: {  	v5 =	vor.u32 v6, v12;
	v6 =	vshrl.u32 v10, $0x13;
	v10 =	vshll.u32 v10, $0xD  }
0xfb: {  	v8 =	vxor.u32 v8, v3;
	v5 =	vxor.u32 v5, v4;
	v6 =	vor.u32 v6, v10  }
0xfc: {  	v34 =	vshrl.u32 v5, $0x8;
	v35 =	vshll.u32 v5, $0x18;
	v6 =	vxor.u32 v27, v6  }
0xfd: {  	v4 =	vadd.s32 v4, v5;
	v36 =	vshrl.u32 v6, $0x11;
	v37 =	vshll.u32 v6, $0xF  }
0xfe: {  	v5 =	vor.u32 v34, v35;
	v6 =	vadd.s32 v27, v6;
	v38 =	vor.u32 v36, v37  }
0xff: {  	v42 =	vshrl.u32 v8, $0x1A;
	v5 =	vxor.u32 v5, v4;
	v9 =	vxor.u32 v38, v6  }
0x100: {  	v5 =	vadd.s32 $0xB5D62B07, v5;
	v39 =	vshrl.u32 v9, $0x6;
	v40 =	vshll.u32 v9, $0x1A  }
0x101: {  	v4 =	vadd.s32 v5, v4;
	v6 =	vadd.s32 v6, v9;
	v10 =	vor.u32 v39, v40  }
0x102: {  	v41 =	vshrl.u32 v5, $0x13;
	v5 =	vshll.u32 v5, $0xD;
	v43 =	vxor.u32 v10, v6  }
0x103: {  	v5 =	vor.u32 v41, v5;
	v10 =	vshrl.u32 v43, $0x1A;
	v9 =	vshll.u32 v43, $0x6  }
0x104: {  	v4 =	vadd.s32 $0xADD083F4, v4;
	v6 =	vadd.s32 v6, v43;
	v9 =	vor.u32 v10, v9  }
0x105: {  	v44 =	vshll.u32 v8, $0x6;
	v5 =	vxor.u32 v5, v4;
	v45 =	vxor.u32 v9, v6  }
0x106: {  	v3 =	vadd.s32 v3, v8;
	v47 =	vshrl.u32 v5, $0x11;
	v8 =	vadd.s32 $0xB5D62B04, v45  }
0x107: {  	v6 =	vadd.s32 v8, v6;
	v48 =	vshrl.u32 v8, $0xF;
	v8 =	vshll.u32 v8, $0x11  }
0x108: {  	v49 =	vshll.u32 v5, $0xF;
	v8 =	vor.u32 v48, v8;
	v6 =	vadd.s32 $0xADD083F4, v6  }
0x109: {  	v4 =	vadd.s32 v4, v5;
	v5 =	vor.u32 v47, v49;
	v8 =	vxor.u32 v8, v6  }
0x10a: {  	v5 =	vxor.u32 v5, v4;
	v50 =	vshrl.u32 v8, $0x3;
	v51 =	vshll.u32 v8, $0x1D  }
0x10b: {  	v52 =	vshrl.u32 v5, $0x6;
	v6 =	vadd.s32 v6, v8;
	v10 =	vor.u32 v50, v51  }
0x10c: {  	v53 =	vshll.u32 v5, $0x1A;
	v4 =	vadd.s32 v4, v5;
	v5 =	vxor.u32 v10, v6  }
0x10d: {  	v7 =	vshll.u32 v7, $0xD;
	v8 =	vor.u32 v52, v53;
	v10 =	vshrl.u32 v5, $0x10  }
0x10e: {  	v54 =	vshll.u32 v5, $0x10;
	v5 =	vadd.s32 v6, v5;
	v6 =	vxor.u32 v8, v4  }
0x10f: {  	v7 =	vor.u32 v59, v7;
	v55 =	vor.u32 v10, v54;
	v56 =	vshrl.u32 v6, $0x1A  }
0x110: {  	v4 =	vadd.s32 v4, v6;
	v6 =	vshll.u32 v6, $0x6;
	v8 =	vxor.u32 v55, v5  }
0x111: {  	v57 =	vshrl.u32 v8, $0x8;
	v5 =	vadd.s32 v5, v8;
	v8 =	vshll.u32 v8, $0x18  }
0x112: {  	v7 =	vxor.u32 v2, v7;
	v6 =	vor.u32 v56, v6;
	v8 =	vor.u32 v57, v8  }
0x113: {  	v46 =	vor.u32 v42, v44;
	v6 =	vxor.u32 v6, v4;
	v8 =	vxor.u32 v8, v5  }
0x114: {  	v4 =	vadd.s32 $0xB5D62B03, v4;
	v6 =	vadd.s32 $0x3D7B332, v6;
	v8 =	vadd.s32 $0x3D7B32F, v8  }
0x115: {  	v5 =	vadd.s32 v8, v5;
	v58 =	vshrl.u32 v8, $0x13;
	v8 =	vshll.u32 v8, $0xD  }
0x116: {  	v4 =	vxor.u32 v4, v6;
	v5 =	vadd.s32 $0xB5D62B03, v5;
	v6 =	vor.u32 v58, v8  }
0x117: {  	v2 =	vadd.s32 v2, v7;
	v9 =	vxor.u32 v46, v3;
	v6 =	vxor.u32 v6, v5  }
0x118: {  	s23 =	sshll.u32 s23, $0x7;
	v3 =	vadd.s32 $0xB5D62B03, v3;
	v60 =	vshrl.u32 v6, $0x11;
	v61 =	vshll.u32 v6, $0xF  }
0x119: {  	s22 =	sshll.u32 s22, $0x7;
	s23 =	sand.u32 $0x3FFFFC00, s23;
	v9 =	vadd.s32 $0x3D7B332, v9;
	v5 =	vadd.s32 v5, v6;
	v6 =	vor.u32 v60, v61  }
0x11a: {  	s22 =	sand.u32 $0x3FFFFC00, s22;
	s17 =	sor.u32 s17, s23;
	v62 =	vshrl.u32 v7, $0x11;
	v3 =	vxor.u32 v3, v9;
	v6 =	vxor.u32 v6, v5  }
0x11b: {  	s31 =	sor.u32 s19, s22;
	[tilespmem:s17+$0x80] =	vst v3;
	v3 =	vshll.u32 v7, $0xF;
	v7 =	vshrl.u32 v6, $0x6;
	v63 =	vshll.u32 v6, $0x1A  }
0x11c: {  	s17 =	simm.s32 $0x2;
	[tilespmem:s31+$0x80] =	vst v4;
	v4 =	vor.u32 v62, v3;
	v3 =	vadd.s32 v5, v6;
	v5 =	vor.u32 v7, v63  }
.LBB2_6:
0x11d: {  	p0 =	sne.s32 s17, $0x3F;
	v4 =	vxor.u32 v4, v2;
	v5 =	vxor.u32 v5, v3  }
0x11e: {  	v6 =	vshrl.u32 v4, $0x6;
	v7 =	vshrl.u32 v5, $0x1A;
	v8 =	vshll.u32 v5, $0x6  }
0x11f: {  	v9 =	vshll.u32 v4, $0x1A;
	v3 =	vadd.s32 v3, v5;
	v5 =	vor.u32 v7, v8  }
0x120: {  	v2 =	vadd.s32 v2, v4;
	v4 =	vor.u32 v6, v9;
	v5 =	vxor.u32 v5, v3  }
0x121: {  	v4 =	vxor.u32 v4, v2;
	v5 =	vadd.s32 $0xADD083F7, v5  }
0x122: {  	v3 =	vadd.s32 v5, v3;
	v6 =	vshrl.u32 v5, $0xF;
	v5 =	vshll.u32 v5, $0x11  }
0x123: {  	s19 =	sshrl.u32 s17, $0x3;
	s25 =	sadd.s32 $0x10, s25;
	v2 =	vadd.s32 v2, v4;
	v3 =	vadd.s32 $0x3D7B32D, v3;
	v5 =	vor.u32 v6, v5  }
0x124: {  	s22 =	sadd.s32 s7, s19;
	s19 =	sand.u32 $0x70, s25;
	v6 =	vshrl.u32 v4, $0x1A;
	v4 =	vshll.u32 v4, $0x6;
	v5 =	vxor.u32 v5, v3  }
0x125: {  	s22 =	sshll.u32 s22, $0x7;
	s23 =	sadd.s32 s19, s6;
	v4 =	vor.u32 v6, v4;
	v6 =	vshrl.u32 v5, $0x3;
	v7 =	vshll.u32 v5, $0x1D  }
0x126: {  	s22 =	sadd.s32 s22, s23;
	v4 =	vxor.u32 v4, v2;
	v3 =	vadd.s32 v3, v5;
	v5 =	vor.u32 v6, v7  }
0x127: {  	v6 =	vadd.s32 s22, v1;
	v4 =	vadd.s32 $0xB5D62B04, v4;
	v5 =	vxor.u32 v5, v3  }
0x128: {  	v2 =	vadd.s32 v4, v2;
	v7 =	vshrl.u32 v5, $0x10;
	v8 =	vshll.u32 v5, $0x10  }
0x129: {  	v9 =	vshrl.u32 v4, $0xF;
	v3 =	vadd.s32 v3, v5;
	v5 =	vor.u32 v7, v8  }
0x12a: {  	v4 =	vshll.u32 v4, $0x11;
	v2 =	vadd.s32 $0xADD083F4, v2;
	v5 =	vxor.u32 v5, v3  }
0x12b: {  	v4 =	vor.u32 v9, v4;
	v7 =	vshrl.u32 v5, $0x8;
	v8 =	vshll.u32 v5, $0x18  }
0x12c: {  	v4 =	vxor.u32 v4, v2;
	v3 =	vadd.s32 v3, v5;
	v5 =	vor.u32 v7, v8  }
0x12d: {  	v7 =	vshrl.u32 v4, $0x3;
	v8 =	vshll.u32 v4, $0x1D;
	v5 =	vxor.u32 v5, v3  }
0x12e: {  	v2 =	vadd.s32 v2, v4;
	v4 =	vor.u32 v7, v8;
	v5 =	vadd.s32 $0xB5D62B07, v5  }
0x12f: {  	v3 =	vadd.s32 v5, v3;
	v7 =	vshrl.u32 v5, $0x13;
	v5 =	vshll.u32 v5, $0xD  }
0x130: {  	v4 =	vxor.u32 v4, v2;
	v3 =	vadd.s32 $0xADD083F4, v3;
	v5 =	vor.u32 v7, v5  }
0x131: {  	v2 =	vadd.s32 v2, v4;
	v7 =	vshrl.u32 v4, $0x10;
	v5 =	vxor.u32 v5, v3  }
0x132: {  	v4 =	vshll.u32 v4, $0x10;
	v8 =	vshrl.u32 v5, $0x11;
	v9 =	vshll.u32 v5, $0xF  }
0x133: {  	v4 =	vor.u32 v7, v4;
	v3 =	vadd.s32 v3, v5;
	v5 =	vor.u32 v8, v9  }
0x134: {  	v7 =	vadd.s32 s22, v0;
	v4 =	vxor.u32 v4, v2;
	v5 =	vxor.u32 v5, v3  }
0x135: {  	v8 =	vshrl.u32 v4, $0x8;
	v9 =	vshrl.u32 v5, $0x6;
	v10 =	vshll.u32 v5, $0x1A  }
0x136: {  	v11 =	vshll.u32 v4, $0x18;
	v3 =	vadd.s32 v3, v5;
	v5 =	vor.u32 v9, v10  }
0x137: {  	v2 =	vadd.s32 v2, v4;
	v4 =	vor.u32 v8, v11;
	v5 =	vxor.u32 v5, v3  }
0x138: {  	v4 =	vxor.u32 v4, v2;
	v8 =	vshrl.u32 v5, $0x1A;
	v9 =	vshll.u32 v5, $0x6  }
0x139: {  	s22 =	sshll.u32 s18, $0x7;
	s18 =	smov.u32 s20;
	s20 =	smov.u32 s17;
	v4 =	vadd.s32 $0x3D7B32F, v4;
	v3 =	vadd.s32 v3, v5;
	v5 =	vor.u32 v8, v9  }
0x13a: {  	s22 =	sand.u32 $0x3FFFFC00, s22;
	v2 =	vadd.s32 v4, v2;
	v8 =	vshrl.u32 v4, $0x13;
	v5 =	vxor.u32 v5, v3  }
0x13b: {  	v4 =	vshll.u32 v4, $0xD;
	v3 =	vadd.s32 $0xB5D62B03, v3;
	v5 =	vadd.s32 $0x3D7B332, v5  }
0x13c: {  	s22 =	sor.u32 s16, s22;
	s16 =	smov.u32 s21;
	s21 =	smov.u32 s19;
	v2 =	vadd.s32 $0xB5D62B03, v2;
	v4 =	vor.u32 v8, v4;
	v3 =	vxor.u32 v3, v5  }
0x13d: {  	v4 =	vxor.u32 v4, v2;
	v5 =	vshrl.u32 v7, $0x13;
	v7 =	vshll.u32 v7, $0xD;
	[tilespmem:s22+$0x100] =	vst v3  }
.Ltmp2:
0x13e: {  	v3 =	vor.u32 v5, v7;
	v5 =	vshrl.u32 v4, $0x11;
	v7 =	vshll.u32 v4, $0xF;
	(pc) =	sbr.rel @p0 .LBB2_6-.Ltmp2, $4  }
0x13f: {  	v8 =	vadd.s32 v2, v4;
	v3 =	vxor.u32 v6, v3;
	v4 =	vor.u32 v5, v7  }
0x140: {  	v2 =	vadd.s32 v6, v3;
	v5 =	vshrl.u32 v3, $0x11;
	v6 =	vxor.u32 v4, v8  }
0x141: {  	v3 =	vshll.u32 v3, $0xF;
	v7 =	vshrl.u32 v6, $0x6;
	v9 =	vshll.u32 v6, $0x1A  }
0x142: {  	s17 =	sadd.s32 $0x1, s17;
	v4 =	vor.u32 v5, v3;
	v3 =	vadd.s32 v8, v6;
	v5 =	vor.u32 v7, v9  }
0x143: {  	v5 =	vxor.u32 v5, v3  }
0x144: {  	v6 =	vshrl.u32 v5, $0x1A;
	v7 =	vshll.u32 v5, $0x6  }
0x145: {  	v4 =	vxor.u32 v4, v2;
	v3 =	vadd.s32 v3, v5;
	v5 =	vor.u32 v6, v7  }
0x146: {  	v6 =	vshrl.u32 v4, $0x6;
	v7 =	vshll.u32 v4, $0x1A;
	v5 =	vxor.u32 v5, v3  }
0x147: {  	v2 =	vadd.s32 v2, v4;
	v4 =	vor.u32 v6, v7;
	v5 =	vadd.s32 $0xADD083F7, v5  }
0x148: {  	v4 =	vxor.u32 v4, v2;
	v3 =	vadd.s32 v5, v3  }
0x149: {  	v6 =	vshrl.u32 v5, $0xF;
	v7 =	vshrl.u32 v4, $0x1A;
	v8 =	vshll.u32 v4, $0x6  }
0x14a: {  	v5 =	vshll.u32 v5, $0x11;
	v2 =	vadd.s32 v2, v4;
	v4 =	vor.u32 v7, v8  }
0x14b: {  	v3 =	vadd.s32 $0x3D7B32D, v3;
	v5 =	vor.u32 v6, v5;
	v4 =	vxor.u32 v4, v2  }
0x14c: {  	v5 =	vxor.u32 v5, v3;
	v4 =	vadd.s32 $0xB5D62B04, v4  }
0x14d: {  	v2 =	vadd.s32 v4, v2;
	v6 =	vshrl.u32 v4, $0xF;
	v4 =	vshll.u32 v4, $0x11  }
0x14e: {  	v7 =	vshrl.u32 v5, $0x3;
	v2 =	vadd.s32 $0xADD083F4, v2;
	v4 =	vor.u32 v6, v4  }
0x14f: {  	v3 =	vadd.s32 v3, v5;
	v6 =	vshll.u32 v5, $0x1D;
	v4 =	vxor.u32 v4, v2  }
0x150: {  	v5 =	vor.u32 v7, v6;
	v6 =	vshrl.u32 v4, $0x3;
	v7 =	vshll.u32 v4, $0x1D  }
0x151: {  	v5 =	vxor.u32 v5, v3;
	v2 =	vadd.s32 v2, v4;
	v4 =	vor.u32 v6, v7  }
0x152: {  	v6 =	vshrl.u32 v5, $0x10;
	v7 =	vshll.u32 v5, $0x10;
	v4 =	vxor.u32 v4, v2  }
0x153: {  	v3 =	vadd.s32 v3, v5;
	v5 =	vshrl.u32 v4, $0x10;
	v42 =	vshll.u32 v4, $0x10  }
0x154: {  	v6 =	vor.u32 v6, v7;
	v2 =	vadd.s32 v2, v4;
	v4 =	vor.u32 v5, v42  }
0x155: {  	v5 =	vxor.u32 v6, v3;
	v4 =	vxor.u32 v4, v2  }
0x156: {  	v6 =	vshrl.u32 v5, $0x8;
	v7 =	vshrl.u32 v4, $0x8;
	v43 =	vshll.u32 v4, $0x18  }
0x157: {  	v9 =	vshll.u32 v5, $0x18;
	v2 =	vadd.s32 v2, v4;
	v4 =	vor.u32 v7, v43  }
0x158: {  	v3 =	vadd.s32 v3, v5;
	v5 =	vor.u32 v6, v9;
	v4 =	vxor.u32 v4, v2  }
0x159: {  	v5 =	vxor.u32 v5, v3;
	v4 =	vadd.s32 $0x3D7B32F, v4  }
0x15a: {  	v2 =	vadd.s32 v4, v2;
	v6 =	vshrl.u32 v4, $0x13;
	v4 =	vshll.u32 v4, $0xD  }
0x15b: {  	v5 =	vadd.s32 $0xB5D62B07, v5;
	v2 =	vadd.s32 $0xB5D62B03, v2;
	v4 =	vor.u32 v6, v4  }
0x15c: {  	v3 =	vadd.s32 v5, v3;
	v4 =	vxor.u32 v4, v2  }
0x15d: {  	v6 =	vshrl.u32 v5, $0x13;
	v7 =	vshrl.u32 v4, $0x11;
	v44 =	vshll.u32 v4, $0xF  }
0x15e: {  	v5 =	vshll.u32 v5, $0xD;
	v2 =	vadd.s32 v2, v4;
	v4 =	vor.u32 v7, v44  }
0x15f: {  	v3 =	vadd.s32 $0xADD083F4, v3;
	v5 =	vor.u32 v6, v5;
	v4 =	vxor.u32 v4, v2  }
0x160: {  	v5 =	vxor.u32 v5, v3;
	v6 =	vshrl.u32 v4, $0x6;
	v7 =	vshll.u32 v4, $0x1A  }
0x161: {  	v45 =	vshrl.u32 v5, $0x11;
	v2 =	vadd.s32 v2, v4;
	v4 =	vor.u32 v6, v7  }
0x162: {  	v3 =	vadd.s32 v3, v5;
	v6 =	vshll.u32 v5, $0xF;
	v4 =	vxor.u32 v4, v2  }
0x163: {  	v5 =	vor.u32 v45, v6;
	v6 =	vshrl.u32 v4, $0x1A;
	v7 =	vshll.u32 v4, $0x6  }
0x164: {  	v5 =	vxor.u32 v5, v3;
	v2 =	vadd.s32 v2, v4;
	v4 =	vor.u32 v6, v7  }
0x165: {  	s19 =	simm.s32 $0x0;
	v6 =	vshrl.u32 v5, $0x6;
	v4 =	vxor.u32 v4, v2  }
0x166: {  	s22 =	sadd.s32 $0x0, s7;
	s17 =	sand.u32 $0x70, s19;
	v7 =	vshll.u32 v5, $0x1A;
	v3 =	vadd.s32 v3, v5;
	v4 =	vadd.s32 $0xADD083F7, v4  }
0x167: {  	s24 =	sshll.u32 s22, $0x7;
	s28 =	sadd.s32 s17, s8;
	v2 =	vadd.s32 v4, v2;
	v5 =	vshrl.u32 v4, $0xF;
	v4 =	vshll.u32 v4, $0x11  }
0x168: {  	s22 =	sadd.s32 s24, s28;
	v2 =	vadd.s32 $0x3D7B32D, v2;
	v4 =	vor.u32 v5, v4  }
0x169: {  	v49 =	vadd.s32 s22, v1;
	v6 =	vor.u32 v6, v7;
	v4 =	vxor.u32 v4, v2  }
0x16a: {  	v5 =	vxor.u32 v6, v3;
	v7 =	vshrl.u32 v4, $0x3;
	v46 =	vshll.u32 v4, $0x1D  }
0x16b: {  	v6 =	vshrl.u32 v5, $0x1A;
	v2 =	vadd.s32 v2, v4;
	v4 =	vor.u32 v7, v46  }
0x16c: {  	v47 =	vshll.u32 v5, $0x6;
	v3 =	vadd.s32 v3, v5;
	v4 =	vxor.u32 v4, v2  }
0x16d: {  	v5 =	vor.u32 v6, v47;
	v6 =	vshrl.u32 v4, $0x10;
	v7 =	vshll.u32 v4, $0x10  }
0x16e: {  	v2 =	vadd.s32 v2, v4;
	v4 =	vor.u32 v6, v7;
	v6 =	vadd.s32 s22, v0  }
0x16f: {  	v4 =	vxor.u32 v4, v2;
	v7 =	vshrl.u32 v6, $0x13;
	v6 =	vshll.u32 v6, $0xD  }
0x170: {  	v5 =	vxor.u32 v5, v3;
	v48 =	vshrl.u32 v4, $0x8;
	v6 =	vor.u32 v7, v6  }
0x171: {  	v7 =	vshll.u32 v4, $0x18;
	v2 =	vadd.s32 v2, v4;
	v4 =	vxor.u32 v49, v6  }
0x172: {  	v6 =	vor.u32 v48, v7;
	v7 =	vshrl.u32 v4, $0x11;
	v50 =	vshll.u32 v4, $0xF  }
0x173: {  	v6 =	vxor.u32 v6, v2;
	v4 =	vadd.s32 v49, v4;
	v7 =	vor.u32 v7, v50  }
0x174: {  	v3 =	vadd.s32 $0xB5D62B03, v3;
	v6 =	vadd.s32 $0xB5D62B07, v6;
	v7 =	vxor.u32 v7, v4  }
0x175: {  	v2 =	vadd.s32 v6, v2;
	v51 =	vshrl.u32 v7, $0x6;
	v52 =	vshll.u32 v7, $0x1A  }
0x176: {  	v4 =	vadd.s32 v4, v7;
	v7 =	vshrl.u32 v6, $0x13;
	v8 =	vor.u32 v51, v52  }
0x177: {  	v6 =	vshll.u32 v6, $0xD;
	v2 =	vadd.s32 $0xADD083F4, v2;
	v8 =	vxor.u32 v8, v4  }
0x178: {  	v6 =	vor.u32 v7, v6;
	v7 =	vshrl.u32 v8, $0x1A;
	v53 =	vshll.u32 v8, $0x6  }
0x179: {  	v6 =	vxor.u32 v6, v2;
	v4 =	vadd.s32 v4, v8;
	v7 =	vor.u32 v7, v53  }
0x17a: {  	v5 =	vadd.s32 $0x3D7B332, v5;
	v54 =	vshrl.u32 v6, $0x11;
	v7 =	vxor.u32 v7, v4  }
0x17b: {  	v55 =	vshll.u32 v6, $0xF;
	v2 =	vadd.s32 v2, v6;
	v6 =	vadd.s32 $0xB5D62B04, v7  }
0x17c: {  	v4 =	vadd.s32 v6, v4;
	v7 =	vshrl.u32 v6, $0xF;
	v6 =	vshll.u32 v6, $0x11  }
0x17d: {  	v8 =	vor.u32 v54, v55;
	v4 =	vadd.s32 $0xADD083F4, v4;
	v6 =	vor.u32 v7, v6  }
0x17e: {  	v3 =	vxor.u32 v3, v5;
	v5 =	vxor.u32 v8, v2;
	v6 =	vxor.u32 v6, v4  }
0x17f: {  	v7 =	vshrl.u32 v5, $0x6;
	v56 =	vshrl.u32 v6, $0x3;
	v57 =	vshll.u32 v6, $0x1D  }
0x180: {  	v4 =	vadd.s32 v4, v6;
	v6 =	vshll.u32 v5, $0x1A;
	v8 =	vor.u32 v56, v57  }
0x181: {  	v2 =	vadd.s32 v2, v5;
	v5 =	vor.u32 v7, v6;
	v6 =	vxor.u32 v8, v4  }
0x182: {  	s25 =	simm.s32 $0x10;
	v5 =	vxor.u32 v5, v2;
	v7 =	vshrl.u32 v6, $0x10;
	v8 =	vshll.u32 v6, $0x10  }
0x183: {  	s23 =	sadd.s32 $0x0, s7;
	s22 =	sand.u32 $0x70, s25;
	v58 =	vshrl.u32 v5, $0x1A;
	v4 =	vadd.s32 v4, v6;
	v6 =	vor.u32 v7, v8  }
0x184: {  	s26 =	sshll.u32 s23, $0x7;
	s29 =	sadd.s32 s22, s8;
	v2 =	vadd.s32 v2, v5;
	v7 =	vshll.u32 v5, $0x6;
	v5 =	vxor.u32 v6, v4  }
0x185: {  	s23 =	sadd.s32 s26, s29;
	v6 =	vor.u32 v58, v7;
	v7 =	vshrl.u32 v5, $0x8;
	v59 =	vshll.u32 v5, $0x18  }
0x186: {  	v60 =	vadd.s32 s23, v0;
	v4 =	vadd.s32 v4, v5;
	v5 =	vor.u32 v7, v59  }
0x187: {  	v8 =	vshll.u32 v60, $0xD;
	v6 =	vxor.u32 v6, v2;
	v5 =	vxor.u32 v5, v4  }
0x188: {  	v2 =	vadd.s32 $0xB5D62B03, v2;
	v6 =	vadd.s32 $0x3D7B332, v6;
	v5 =	vadd.s32 $0x3D7B32F, v5  }
0x189: {  	v4 =	vadd.s32 v5, v4;
	v7 =	vshrl.u32 v5, $0x13;
	v5 =	vshll.u32 v5, $0xD  }
0x18a: {  	v6 =	vxor.u32 v2, v6;
	v4 =	vadd.s32 $0xB5D62B03, v4;
	v5 =	vor.u32 v7, v5  }
0x18b: {  	v2 =	vadd.s32 s23, v1;
	v7 =	vshrl.u32 v60, $0x13;
	v5 =	vxor.u32 v5, v4  }
0x18c: {  	s18 =	sshll.u32 s18, $0x7;
	v7 =	vor.u32 v7, v8;
	v61 =	vshrl.u32 v5, $0x11;
	v62 =	vshll.u32 v5, $0xF  }
0x18d: {  	s20 =	sshll.u32 s20, $0x7;
	s18 =	sand.u32 $0x3FFFFC00, s18;
	v7 =	vxor.u32 v2, v7;
	v5 =	vadd.s32 v4, v5;
	v4 =	vor.u32 v61, v62  }
0x18e: {  	s30 =	sand.u32 $0x3FFFFC00, s20;
	s16 =	sor.u32 s16, s18;
	v2 =	vadd.s32 v2, v7;
	v63 =	vshrl.u32 v7, $0x11;
	v9 =	vxor.u32 v4, v5  }
0x18f: {  	s20 =	simm.s32 $0x1;
	s31 =	sor.u32 s21, s30;
	s21 =	simm.s32 $0x2;
	[tilespmem:s16+$0x100] =	vst v3;
	v3 =	vshll.u32 v7, $0xF;
	v7 =	vshrl.u32 v9, $0x6;
	v10 =	vshll.u32 v9, $0x1A  }
0x190: {  	s18 =	simm.s32 $0x1;
	s16 =	smov.u32 s17;
	s23 =	simm.s32 $0x0;
	[tilespmem:s31+$0x100] =	vst v6;
	v4 =	vor.u32 v63, v3;
	v3 =	vadd.s32 v5, v9;
	v5 =	vor.u32 v7, v10  }
.LBB2_8:
0x191: {  	p0 =	sne.s32 s21, $0x3F;
	v4 =	vxor.u32 v4, v2;
	v5 =	vxor.u32 v5, v3  }
0x192: {  	v6 =	vshrl.u32 v4, $0x6;
	v7 =	vshrl.u32 v5, $0x1A;
	v8 =	vshll.u32 v5, $0x6  }
0x193: {  	v9 =	vshll.u32 v4, $0x1A;
	v3 =	vadd.s32 v3, v5;
	v5 =	vor.u32 v7, v8  }
0x194: {  	v2 =	vadd.s32 v2, v4;
	v4 =	vor.u32 v6, v9;
	v5 =	vxor.u32 v5, v3  }
0x195: {  	v4 =	vxor.u32 v4, v2;
	v5 =	vadd.s32 $0xADD083F7, v5  }
0x196: {  	v3 =	vadd.s32 v5, v3;
	v6 =	vshrl.u32 v5, $0xF;
	v5 =	vshll.u32 v5, $0x11  }
0x197: {  	s28 =	sshrl.u32 s21, $0x3;
	s25 =	sadd.s32 $0x10, s25;
	v2 =	vadd.s32 v2, v4;
	v3 =	vadd.s32 $0x3D7B32D, v3;
	v5 =	vor.u32 v6, v5  }
0x198: {  	s29 =	sadd.s32 s7, s28;
	s28 =	sand.u32 $0x70, s25;
	v6 =	vshrl.u32 v4, $0x1A;
	v4 =	vshll.u32 v4, $0x6;
	v5 =	vxor.u32 v5, v3  }
0x199: {  	s29 =	sshll.u32 s29, $0x7;
	s30 =	sadd.s32 s28, s8;
	v4 =	vor.u32 v6, v4;
	v6 =	vshrl.u32 v5, $0x3;
	v7 =	vshll.u32 v5, $0x1D  }
0x19a: {  	s29 =	sadd.s32 s29, s30;
	v4 =	vxor.u32 v4, v2;
	v3 =	vadd.s32 v3, v5;
	v5 =	vor.u32 v6, v7  }
0x19b: {  	v6 =	vadd.s32 s29, v1;
	v4 =	vadd.s32 $0xB5D62B04, v4;
	v5 =	vxor.u32 v5, v3  }
0x19c: {  	v2 =	vadd.s32 v4, v2;
	v7 =	vshrl.u32 v5, $0x10;
	v8 =	vshll.u32 v5, $0x10  }
0x19d: {  	v9 =	vshrl.u32 v4, $0xF;
	v3 =	vadd.s32 v3, v5;
	v5 =	vor.u32 v7, v8  }
0x19e: {  	v4 =	vshll.u32 v4, $0x11;
	v2 =	vadd.s32 $0xADD083F4, v2;
	v5 =	vxor.u32 v5, v3  }
0x19f: {  	v4 =	vor.u32 v9, v4;
	v7 =	vshrl.u32 v5, $0x8;
	v8 =	vshll.u32 v5, $0x18  }
0x1a0: {  	v4 =	vxor.u32 v4, v2;
	v3 =	vadd.s32 v3, v5;
	v5 =	vor.u32 v7, v8  }
0x1a1: {  	v7 =	vshrl.u32 v4, $0x3;
	v8 =	vshll.u32 v4, $0x1D;
	v5 =	vxor.u32 v5, v3  }
0x1a2: {  	v2 =	vadd.s32 v2, v4;
	v4 =	vor.u32 v7, v8;
	v5 =	vadd.s32 $0xB5D62B07, v5  }
0x1a3: {  	v3 =	vadd.s32 v5, v3;
	v7 =	vshrl.u32 v5, $0x13;
	v5 =	vshll.u32 v5, $0xD  }
0x1a4: {  	v4 =	vxor.u32 v4, v2;
	v3 =	vadd.s32 $0xADD083F4, v3;
	v5 =	vor.u32 v7, v5  }
0x1a5: {  	v2 =	vadd.s32 v2, v4;
	v7 =	vshrl.u32 v4, $0x10;
	v5 =	vxor.u32 v5, v3  }
0x1a6: {  	v4 =	vshll.u32 v4, $0x10;
	v8 =	vshrl.u32 v5, $0x11;
	v9 =	vshll.u32 v5, $0xF  }
0x1a7: {  	v4 =	vor.u32 v7, v4;
	v3 =	vadd.s32 v3, v5;
	v5 =	vor.u32 v8, v9  }
0x1a8: {  	v7 =	vadd.s32 s29, v0;
	v4 =	vxor.u32 v4, v2;
	v5 =	vxor.u32 v5, v3  }
0x1a9: {  	v8 =	vshrl.u32 v4, $0x8;
	v9 =	vshrl.u32 v5, $0x6;
	v10 =	vshll.u32 v5, $0x1A  }
0x1aa: {  	v11 =	vshll.u32 v4, $0x18;
	v3 =	vadd.s32 v3, v5;
	v5 =	vor.u32 v9, v10  }
0x1ab: {  	v2 =	vadd.s32 v2, v4;
	v4 =	vor.u32 v8, v11;
	v5 =	vxor.u32 v5, v3  }
0x1ac: {  	v4 =	vxor.u32 v4, v2;
	v8 =	vshrl.u32 v5, $0x1A;
	v9 =	vshll.u32 v5, $0x6  }
0x1ad: {  	s29 =	sshll.u32 s23, $0x7;
	s23 =	smov.u32 s18;
	s18 =	smov.u32 s21;
	v4 =	vadd.s32 $0x3D7B32F, v4;
	v3 =	vadd.s32 v3, v5;
	v5 =	vor.u32 v8, v9  }
0x1ae: {  	s29 =	sand.u32 $0x3FFFFC00, s29;
	v2 =	vadd.s32 v4, v2;
	v8 =	vshrl.u32 v4, $0x13;
	v5 =	vxor.u32 v5, v3  }
0x1af: {  	v4 =	vshll.u32 v4, $0xD;
	v3 =	vadd.s32 $0xB5D62B03, v3;
	v5 =	vadd.s32 $0x3D7B332, v5  }
0x1b0: {  	s29 =	sor.u32 s16, s29;
	s16 =	smov.u32 s22;
	s22 =	smov.u32 s28;
	v2 =	vadd.s32 $0xB5D62B03, v2;
	v4 =	vor.u32 v8, v4;
	v3 =	vxor.u32 v3, v5  }
0x1b1: {  	v4 =	vxor.u32 v4, v2;
	v5 =	vshrl.u32 v7, $0x13;
	v7 =	vshll.u32 v7, $0xD;
	[tilespmem:s29+$0x180] =	vst v3  }
.Ltmp3:
0x1b2: {  	v3 =	vor.u32 v5, v7;
	v5 =	vshrl.u32 v4, $0x11;
	v7 =	vshll.u32 v4, $0xF;
	(pc) =	sbr.rel @p0 .LBB2_8-.Ltmp3, $4  }
0x1b3: {  	v8 =	vadd.s32 v2, v4;
	v3 =	vxor.u32 v6, v3;
	v4 =	vor.u32 v5, v7  }
0x1b4: {  	v2 =	vadd.s32 v6, v3;
	v5 =	vshrl.u32 v3, $0x11;
	v6 =	vxor.u32 v4, v8  }
0x1b5: {  	v3 =	vshll.u32 v3, $0xF;
	v7 =	vshrl.u32 v6, $0x6;
	v9 =	vshll.u32 v6, $0x1A  }
0x1b6: {  	s21 =	sadd.s32 $0x1, s21;
	v4 =	vor.u32 v5, v3;
	v3 =	vadd.s32 v8, v6;
	v5 =	vor.u32 v7, v9  }
0x1b7: {  	v4 =	vxor.u32 v4, v2  }
0x1b8: {  	v6 =	vshrl.u32 v4, $0x6;
	v7 =	vshll.u32 v4, $0x1A  }
0x1b9: {  	v2 =	vadd.s32 v2, v4;
	v4 =	vor.u32 v6, v7  }
0x1ba: {  	v5 =	vxor.u32 v5, v3;
	v4 =	vxor.u32 v4, v2  }
0x1bb: {  	v9 =	vshll.u32 v5, $0x6;
	v7 =	vshrl.u32 v4, $0x1A;
	v8 =	vshll.u32 v4, $0x6  }
0x1bc: {  	v6 =	vshrl.u32 v5, $0x1A;
	v2 =	vadd.s32 v2, v4;
	v4 =	vor.u32 v7, v8  }
0x1bd: {  	v3 =	vadd.s32 v3, v5;
	v5 =	vor.u32 v6, v9;
	v4 =	vxor.u32 v4, v2  }
0x1be: {  	v5 =	vxor.u32 v5, v3;
	v4 =	vadd.s32 $0xB5D62B04, v4  }
0x1bf: {  	v2 =	vadd.s32 v4, v2;
	v6 =	vshrl.u32 v4, $0xF;
	v4 =	vshll.u32 v4, $0x11  }
0x1c0: {  	v5 =	vadd.s32 $0xADD083F7, v5;
	v2 =	vadd.s32 $0xADD083F4, v2;
	v4 =	vor.u32 v6, v4  }
0x1c1: {  	v3 =	vadd.s32 v5, v3;
	v4 =	vxor.u32 v4, v2  }
0x1c2: {  	v6 =	vshrl.u32 v5, $0xF;
	v7 =	vshrl.u32 v4, $0x3;
	v22 =	vshll.u32 v4, $0x1D  }
0x1c3: {  	v5 =	vshll.u32 v5, $0x11;
	v2 =	vadd.s32 v2, v4;
	v4 =	vor.u32 v7, v22  }
0x1c4: {  	v3 =	vadd.s32 $0x3D7B32D, v3;
	v5 =	vor.u32 v6, v5;
	v4 =	vxor.u32 v4, v2  }
0x1c5: {  	v5 =	vxor.u32 v5, v3;
	v6 =	vshrl.u32 v4, $0x10;
	v7 =	vshll.u32 v4, $0x10  }
0x1c6: {  	v23 =	vshrl.u32 v5, $0x3;
	v2 =	vadd.s32 v2, v4;
	v4 =	vor.u32 v6, v7  }
0x1c7: {  	v3 =	vadd.s32 v3, v5;
	v6 =	vshll.u32 v5, $0x1D;
	v4 =	vxor.u32 v4, v2  }
0x1c8: {  	v5 =	vor.u32 v23, v6;
	v6 =	vshrl.u32 v4, $0x8;
	v7 =	vshll.u32 v4, $0x18  }
0x1c9: {  	v5 =	vxor.u32 v5, v3;
	v2 =	vadd.s32 v2, v4;
	v4 =	vor.u32 v6, v7  }
0x1ca: {  	v6 =	vshrl.u32 v5, $0x10;
	v7 =	vshll.u32 v5, $0x10;
	v4 =	vxor.u32 v4, v2  }
0x1cb: {  	v3 =	vadd.s32 v3, v5;
	v6 =	vor.u32 v6, v7;
	v4 =	vadd.s32 $0x3D7B32F, v4  }
0x1cc: {  	v2 =	vadd.s32 v4, v2;
	v5 =	vshrl.u32 v4, $0x13;
	v4 =	vshll.u32 v4, $0xD  }
0x1cd: {  	v2 =	vadd.s32 $0xB5D62B03, v2;
	v4 =	vor.u32 v5, v4;
	v5 =	vxor.u32 v6, v3  }
0x1ce: {  	v4 =	vxor.u32 v4, v2;
	v6 =	vshrl.u32 v5, $0x8;
	v25 =	vshll.u32 v5, $0x18  }
0x1cf: {  	s21 =	sadd.s32 s17, s9;
	v3 =	vadd.s32 v3, v5;
	v7 =	vshrl.u32 v4, $0x11;
	v24 =	vshll.u32 v4, $0xF  }
0x1d0: {  	s24 =	sadd.s32 s24, s21;
	v2 =	vadd.s32 v2, v4;
	v5 =	vor.u32 v6, v25;
	v4 =	vor.u32 v7, v24  }
0x1d1: {  	v27 =	vadd.s32 s24, v1;
	v5 =	vxor.u32 v5, v3;
	v4 =	vxor.u32 v4, v2  }
0x1d2: {  	v5 =	vadd.s32 $0xB5D62B07, v5;
	v6 =	vshrl.u32 v4, $0x6;
	v7 =	vshll.u32 v4, $0x1A  }
0x1d3: {  	v2 =	vadd.s32 v2, v4;
	v3 =	vadd.s32 v5, v3;
	v4 =	vor.u32 v6, v7  }
0x1d4: {  	s25 =	simm.s32 $0x10;
	v6 =	vshrl.u32 v5, $0x13;
	v5 =	vshll.u32 v5, $0xD;
	v4 =	vxor.u32 v4, v2  }
0x1d5: {  	s21 =	sand.u32 $0x70, s25;
	v3 =	vadd.s32 $0xADD083F4, v3;
	v7 =	vshrl.u32 v4, $0x1A;
	v26 =	vshll.u32 v4, $0x6  }
0x1d6: {  	s30 =	sadd.s32 s21, s9;
	v5 =	vor.u32 v6, v5;
	v4 =	vadd.s32 v2, v4;
	v2 =	vor.u32 v7, v26  }
0x1d7: {  	v10 =	vadd.s32 s24, v0;
	s24 =	sadd.s32 s26, s30;
	v5 =	vxor.u32 v5, v3;
	v6 =	vxor.u32 v2, v4  }
0x1d8: {  	v7 =	vadd.s32 s24, v0;
	v11 =	vshrl.u32 v5, $0x11;
	v6 =	vadd.s32 $0xADD083F7, v6  }
0x1d9: {  	v4 =	vadd.s32 v6, v4;
	v28 =	vshrl.u32 v6, $0xF;
	v6 =	vshll.u32 v6, $0x11  }
0x1da: {  	v29 =	vshll.u32 v5, $0xF;
	v4 =	vadd.s32 $0x3D7B32D, v4;
	v6 =	vor.u32 v28, v6  }
0x1db: {  	v3 =	vadd.s32 v3, v5;
	v2 =	vadd.s32 s24, v1;
	v5 =	vxor.u32 v6, v4  }
0x1dc: {  	v59 =	vshrl.u32 v7, $0x13;
	v6 =	vor.u32 v11, v29;
	v30 =	vshrl.u32 v5, $0x3  }
0x1dd: {  	v31 =	vshll.u32 v5, $0x1D;
	v6 =	vxor.u32 v6, v3;
	v4 =	vadd.s32 v4, v5  }
0x1de: {  	v5 =	vor.u32 v30, v31;
	v32 =	vshrl.u32 v6, $0x6;
	v33 =	vshll.u32 v6, $0x1A  }
0x1df: {  	v3 =	vadd.s32 v3, v6;
	v5 =	vxor.u32 v5, v4;
	v8 =	vor.u32 v32, v33  }
0x1e0: {  	v6 =	vshrl.u32 v5, $0x10;
	v12 =	vshll.u32 v5, $0x10;
	v4 =	vadd.s32 v4, v5  }
0x1e1: {  	v5 =	vor.u32 v6, v12;
	v6 =	vshrl.u32 v10, $0x13;
	v10 =	vshll.u32 v10, $0xD  }
0x1e2: {  	v8 =	vxor.u32 v8, v3;
	v5 =	vxor.u32 v5, v4;
	v6 =	vor.u32 v6, v10  }
0x1e3: {  	v34 =	vshrl.u32 v5, $0x8;
	v35 =	vshll.u32 v5, $0x18;
	v6 =	vxor.u32 v27, v6  }
0x1e4: {  	v4 =	vadd.s32 v4, v5;
	v36 =	vshrl.u32 v6, $0x11;
	v37 =	vshll.u32 v6, $0xF  }
0x1e5: {  	v5 =	vor.u32 v34, v35;
	v6 =	vadd.s32 v27, v6;
	v38 =	vor.u32 v36, v37  }
0x1e6: {  	v42 =	vshrl.u32 v8, $0x1A;
	v5 =	vxor.u32 v5, v4;
	v9 =	vxor.u32 v38, v6  }
0x1e7: {  	v5 =	vadd.s32 $0xB5D62B07, v5;
	v39 =	vshrl.u32 v9, $0x6;
	v40 =	vshll.u32 v9, $0x1A  }
0x1e8: {  	v4 =	vadd.s32 v5, v4;
	v6 =	vadd.s32 v6, v9;
	v10 =	vor.u32 v39, v40  }
0x1e9: {  	v41 =	vshrl.u32 v5, $0x13;
	v5 =	vshll.u32 v5, $0xD;
	v43 =	vxor.u32 v10, v6  }
0x1ea: {  	v5 =	vor.u32 v41, v5;
	v10 =	vshrl.u32 v43, $0x1A;
	v9 =	vshll.u32 v43, $0x6  }
0x1eb: {  	v4 =	vadd.s32 $0xADD083F4, v4;
	v6 =	vadd.s32 v6, v43;
	v9 =	vor.u32 v10, v9  }
0x1ec: {  	v44 =	vshll.u32 v8, $0x6;
	v5 =	vxor.u32 v5, v4;
	v45 =	vxor.u32 v9, v6  }
0x1ed: {  	v3 =	vadd.s32 v3, v8;
	v47 =	vshrl.u32 v5, $0x11;
	v8 =	vadd.s32 $0xB5D62B04, v45  }
0x1ee: {  	v6 =	vadd.s32 v8, v6;
	v48 =	vshrl.u32 v8, $0xF;
	v8 =	vshll.u32 v8, $0x11  }
0x1ef: {  	v49 =	vshll.u32 v5, $0xF;
	v8 =	vor.u32 v48, v8;
	v6 =	vadd.s32 $0xADD083F4, v6  }
0x1f0: {  	v4 =	vadd.s32 v4, v5;
	v5 =	vor.u32 v47, v49;
	v8 =	vxor.u32 v8, v6  }
0x1f1: {  	v5 =	vxor.u32 v5, v4;
	v50 =	vshrl.u32 v8, $0x3;
	v51 =	vshll.u32 v8, $0x1D  }
0x1f2: {  	v52 =	vshrl.u32 v5, $0x6;
	v6 =	vadd.s32 v6, v8;
	v10 =	vor.u32 v50, v51  }
0x1f3: {  	v53 =	vshll.u32 v5, $0x1A;
	v4 =	vadd.s32 v4, v5;
	v5 =	vxor.u32 v10, v6  }
0x1f4: {  	v7 =	vshll.u32 v7, $0xD;
	v8 =	vor.u32 v52, v53;
	v10 =	vshrl.u32 v5, $0x10  }
0x1f5: {  	v54 =	vshll.u32 v5, $0x10;
	v5 =	vadd.s32 v6, v5;
	v6 =	vxor.u32 v8, v4  }
0x1f6: {  	v7 =	vor.u32 v59, v7;
	v55 =	vor.u32 v10, v54;
	v56 =	vshrl.u32 v6, $0x1A  }
0x1f7: {  	v4 =	vadd.s32 v4, v6;
	v6 =	vshll.u32 v6, $0x6;
	v8 =	vxor.u32 v55, v5  }
0x1f8: {  	v57 =	vshrl.u32 v8, $0x8;
	v5 =	vadd.s32 v5, v8;
	v8 =	vshll.u32 v8, $0x18  }
0x1f9: {  	v7 =	vxor.u32 v2, v7;
	v6 =	vor.u32 v56, v6;
	v8 =	vor.u32 v57, v8  }
0x1fa: {  	v46 =	vor.u32 v42, v44;
	v6 =	vxor.u32 v6, v4;
	v8 =	vxor.u32 v8, v5  }
0x1fb: {  	v4 =	vadd.s32 $0xB5D62B03, v4;
	v6 =	vadd.s32 $0x3D7B332, v6;
	v8 =	vadd.s32 $0x3D7B32F, v8  }
0x1fc: {  	v5 =	vadd.s32 v8, v5;
	v58 =	vshrl.u32 v8, $0x13;
	v8 =	vshll.u32 v8, $0xD  }
0x1fd: {  	v4 =	vxor.u32 v4, v6;
	v5 =	vadd.s32 $0xB5D62B03, v5;
	v6 =	vor.u32 v58, v8  }
0x1fe: {  	v2 =	vadd.s32 v2, v7;
	v9 =	vxor.u32 v46, v3;
	v6 =	vxor.u32 v6, v5  }
0x1ff: {  	s23 =	sshll.u32 s23, $0x7;
	v3 =	vadd.s32 $0xB5D62B03, v3;
	v60 =	vshrl.u32 v6, $0x11;
	v61 =	vshll.u32 v6, $0xF  }
0x200: {  	s18 =	sshll.u32 s18, $0x7;
	s23 =	sand.u32 $0x3FFFFC00, s23;
	v9 =	vadd.s32 $0x3D7B332, v9;
	v5 =	vadd.s32 v5, v6;
	v6 =	vor.u32 v60, v61  }
0x201: {  	s18 =	sand.u32 $0x3FFFFC00, s18;
	s16 =	sor.u32 s16, s23;
	v62 =	vshrl.u32 v7, $0x11;
	v3 =	vxor.u32 v3, v9;
	v6 =	vxor.u32 v6, v5  }
0x202: {  	s31 =	sor.u32 s22, s18;
	[tilespmem:s16+$0x180] =	vst v3;
	v3 =	vshll.u32 v7, $0xF;
	v7 =	vshrl.u32 v6, $0x6;
	v63 =	vshll.u32 v6, $0x1A  }
0x203: {  	s16 =	simm.s32 $0x2;
	[tilespmem:s31+$0x180] =	vst v4;
	v4 =	vor.u32 v62, v3;
	v3 =	vadd.s32 v5, v6;
	v5 =	vor.u32 v7, v63  }
.LBB2_10:
0x204: {  	p0 =	sne.s32 s16, $0x3F;
	v4 =	vxor.u32 v4, v2;
	v5 =	vxor.u32 v5, v3  }
0x205: {  	v6 =	vshrl.u32 v4, $0x6;
	v7 =	vshrl.u32 v5, $0x1A;
	v8 =	vshll.u32 v5, $0x6  }
0x206: {  	v9 =	vshll.u32 v4, $0x1A;
	v3 =	vadd.s32 v3, v5;
	v5 =	vor.u32 v7, v8  }
0x207: {  	v2 =	vadd.s32 v2, v4;
	v4 =	vor.u32 v6, v9;
	v5 =	vxor.u32 v5, v3  }
0x208: {  	v4 =	vxor.u32 v4, v2;
	v5 =	vadd.s32 $0xADD083F7, v5  }
0x209: {  	v3 =	vadd.s32 v5, v3;
	v6 =	vshrl.u32 v5, $0xF;
	v5 =	vshll.u32 v5, $0x11  }
0x20a: {  	s18 =	sshrl.u32 s16, $0x3;
	s25 =	sadd.s32 $0x10, s25;
	v2 =	vadd.s32 v2, v4;
	v3 =	vadd.s32 $0x3D7B32D, v3;
	v5 =	vor.u32 v6, v5  }
0x20b: {  	s22 =	sadd.s32 s7, s18;
	s18 =	sand.u32 $0x70, s25;
	v6 =	vshrl.u32 v4, $0x1A;
	v4 =	vshll.u32 v4, $0x6;
	v5 =	vxor.u32 v5, v3  }
0x20c: {  	s22 =	sshll.u32 s22, $0x7;
	s23 =	sadd.s32 s18, s9;
	v4 =	vor.u32 v6, v4;
	v6 =	vshrl.u32 v5, $0x3;
	v7 =	vshll.u32 v5, $0x1D  }
0x20d: {  	s22 =	sadd.s32 s22, s23;
	v4 =	vxor.u32 v4, v2;
	v3 =	vadd.s32 v3, v5;
	v5 =	vor.u32 v6, v7  }
0x20e: {  	v6 =	vadd.s32 s22, v1;
	v4 =	vadd.s32 $0xB5D62B04, v4;
	v5 =	vxor.u32 v5, v3  }
0x20f: {  	v2 =	vadd.s32 v4, v2;
	v7 =	vshrl.u32 v5, $0x10;
	v8 =	vshll.u32 v5, $0x10  }
0x210: {  	v9 =	vshrl.u32 v4, $0xF;
	v3 =	vadd.s32 v3, v5;
	v5 =	vor.u32 v7, v8  }
0x211: {  	v4 =	vshll.u32 v4, $0x11;
	v2 =	vadd.s32 $0xADD083F4, v2;
	v5 =	vxor.u32 v5, v3  }
0x212: {  	v4 =	vor.u32 v9, v4;
	v7 =	vshrl.u32 v5, $0x8;
	v8 =	vshll.u32 v5, $0x18  }
0x213: {  	v4 =	vxor.u32 v4, v2;
	v3 =	vadd.s32 v3, v5;
	v5 =	vor.u32 v7, v8  }
0x214: {  	v7 =	vshrl.u32 v4, $0x3;
	v8 =	vshll.u32 v4, $0x1D;
	v5 =	vxor.u32 v5, v3  }
0x215: {  	v2 =	vadd.s32 v2, v4;
	v4 =	vor.u32 v7, v8;
	v5 =	vadd.s32 $0xB5D62B07, v5  }
0x216: {  	v3 =	vadd.s32 v5, v3;
	v7 =	vshrl.u32 v5, $0x13;
	v5 =	vshll.u32 v5, $0xD  }
0x217: {  	v4 =	vxor.u32 v4, v2;
	v3 =	vadd.s32 $0xADD083F4, v3;
	v5 =	vor.u32 v7, v5  }
0x218: {  	v2 =	vadd.s32 v2, v4;
	v7 =	vshrl.u32 v4, $0x10;
	v5 =	vxor.u32 v5, v3  }
0x219: {  	v4 =	vshll.u32 v4, $0x10;
	v8 =	vshrl.u32 v5, $0x11;
	v9 =	vshll.u32 v5, $0xF  }
0x21a: {  	v4 =	vor.u32 v7, v4;
	v3 =	vadd.s32 v3, v5;
	v5 =	vor.u32 v8, v9  }
0x21b: {  	v7 =	vadd.s32 s22, v0;
	v4 =	vxor.u32 v4, v2;
	v5 =	vxor.u32 v5, v3  }
0x21c: {  	v8 =	vshrl.u32 v4, $0x8;
	v9 =	vshrl.u32 v5, $0x6;
	v10 =	vshll.u32 v5, $0x1A  }
0x21d: {  	v11 =	vshll.u32 v4, $0x18;
	v3 =	vadd.s32 v3, v5;
	v5 =	vor.u32 v9, v10  }
0x21e: {  	v2 =	vadd.s32 v2, v4;
	v4 =	vor.u32 v8, v11;
	v5 =	vxor.u32 v5, v3  }
0x21f: {  	v4 =	vxor.u32 v4, v2;
	v8 =	vshrl.u32 v5, $0x1A;
	v9 =	vshll.u32 v5, $0x6  }
0x220: {  	s22 =	sshll.u32 s19, $0x7;
	s19 =	smov.u32 s20;
	s20 =	smov.u32 s16;
	v4 =	vadd.s32 $0x3D7B32F, v4;
	v3 =	vadd.s32 v3, v5;
	v5 =	vor.u32 v8, v9  }
0x221: {  	s22 =	sand.u32 $0x3FFFFC00, s22;
	v2 =	vadd.s32 v4, v2;
	v8 =	vshrl.u32 v4, $0x13;
	v5 =	vxor.u32 v5, v3  }
0x222: {  	v4 =	vshll.u32 v4, $0xD;
	v3 =	vadd.s32 $0xB5D62B03, v3;
	v5 =	vadd.s32 $0x3D7B332, v5  }
0x223: {  	s22 =	sor.u32 s17, s22;
	s17 =	smov.u32 s21;
	s21 =	smov.u32 s18;
	v2 =	vadd.s32 $0xB5D62B03, v2;
	v4 =	vor.u32 v8, v4;
	v3 =	vxor.u32 v3, v5  }
0x224: {  	v4 =	vxor.u32 v4, v2;
	v5 =	vshrl.u32 v7, $0x13;
	v7 =	vshll.u32 v7, $0xD;
	[tilespmem:s22+$0x200] =	vst v3  }
.Ltmp4:
0x225: {  	v3 =	vor.u32 v5, v7;
	v5 =	vshrl.u32 v4, $0x11;
	v7 =	vshll.u32 v4, $0xF;
	(pc) =	sbr.rel @p0 .LBB2_10-.Ltmp4, $4  }
0x226: {  	v8 =	vadd.s32 v2, v4;
	v3 =	vxor.u32 v6, v3;
	v4 =	vor.u32 v5, v7  }
0x227: {  	v2 =	vadd.s32 v6, v3;
	v5 =	vshrl.u32 v3, $0x11;
	v6 =	vxor.u32 v4, v8  }
0x228: {  	v3 =	vshll.u32 v3, $0xF;
	v7 =	vshrl.u32 v6, $0x6;
	v9 =	vshll.u32 v6, $0x1A  }
0x229: {  	s16 =	sadd.s32 $0x1, s16;
	v4 =	vor.u32 v5, v3;
	v3 =	vadd.s32 v8, v6;
	v5 =	vor.u32 v7, v9  }
0x22a: {  	v5 =	vxor.u32 v5, v3  }
0x22b: {  	v6 =	vshrl.u32 v5, $0x1A;
	v7 =	vshll.u32 v5, $0x6  }
0x22c: {  	v4 =	vxor.u32 v4, v2;
	v3 =	vadd.s32 v3, v5;
	v5 =	vor.u32 v6, v7  }
0x22d: {  	v6 =	vshrl.u32 v4, $0x6;
	v7 =	vshll.u32 v4, $0x1A;
	v5 =	vxor.u32 v5, v3  }
0x22e: {  	v2 =	vadd.s32 v2, v4;
	v4 =	vor.u32 v6, v7;
	v5 =	vadd.s32 $0xADD083F7, v5  }
0x22f: {  	v4 =	vxor.u32 v4, v2;
	v3 =	vadd.s32 v5, v3  }
0x230: {  	v6 =	vshrl.u32 v5, $0xF;
	v7 =	vshrl.u32 v4, $0x1A;
	v8 =	vshll.u32 v4, $0x6  }
0x231: {  	v5 =	vshll.u32 v5, $0x11;
	v2 =	vadd.s32 v2, v4;
	v4 =	vor.u32 v7, v8  }
0x232: {  	v3 =	vadd.s32 $0x3D7B32D, v3;
	v5 =	vor.u32 v6, v5;
	v4 =	vxor.u32 v4, v2  }
0x233: {  	v5 =	vxor.u32 v5, v3;
	v4 =	vadd.s32 $0xB5D62B04, v4  }
0x234: {  	v2 =	vadd.s32 v4, v2;
	v6 =	vshrl.u32 v4, $0xF;
	v4 =	vshll.u32 v4, $0x11  }
0x235: {  	v7 =	vshrl.u32 v5, $0x3;
	v2 =	vadd.s32 $0xADD083F4, v2;
	v4 =	vor.u32 v6, v4  }
0x236: {  	v3 =	vadd.s32 v3, v5;
	v6 =	vshll.u32 v5, $0x1D;
	v4 =	vxor.u32 v4, v2  }
0x237: {  	v5 =	vor.u32 v7, v6;
	v6 =	vshrl.u32 v4, $0x3;
	v7 =	vshll.u32 v4, $0x1D  }
0x238: {  	v5 =	vxor.u32 v5, v3;
	v2 =	vadd.s32 v2, v4;
	v4 =	vor.u32 v6, v7  }
0x239: {  	v6 =	vshrl.u32 v5, $0x10;
	v7 =	vshll.u32 v5, $0x10;
	v4 =	vxor.u32 v4, v2  }
0x23a: {  	v3 =	vadd.s32 v3, v5;
	v5 =	vshrl.u32 v4, $0x10;
	v42 =	vshll.u32 v4, $0x10  }
0x23b: {  	v6 =	vor.u32 v6, v7;
	v2 =	vadd.s32 v2, v4;
	v4 =	vor.u32 v5, v42  }
0x23c: {  	v5 =	vxor.u32 v6, v3;
	v4 =	vxor.u32 v4, v2  }
0x23d: {  	v6 =	vshrl.u32 v5, $0x8;
	v7 =	vshrl.u32 v4, $0x8;
	v43 =	vshll.u32 v4, $0x18  }
0x23e: {  	v9 =	vshll.u32 v5, $0x18;
	v2 =	vadd.s32 v2, v4;
	v4 =	vor.u32 v7, v43  }
0x23f: {  	v3 =	vadd.s32 v3, v5;
	v5 =	vor.u32 v6, v9;
	v4 =	vxor.u32 v4, v2  }
0x240: {  	v5 =	vxor.u32 v5, v3;
	v4 =	vadd.s32 $0x3D7B32F, v4  }
0x241: {  	v2 =	vadd.s32 v4, v2;
	v6 =	vshrl.u32 v4, $0x13;
	v4 =	vshll.u32 v4, $0xD  }
0x242: {  	v5 =	vadd.s32 $0xB5D62B07, v5;
	v2 =	vadd.s32 $0xB5D62B03, v2;
	v4 =	vor.u32 v6, v4  }
0x243: {  	v3 =	vadd.s32 v5, v3;
	v4 =	vxor.u32 v4, v2  }
0x244: {  	v6 =	vshrl.u32 v5, $0x13;
	v7 =	vshrl.u32 v4, $0x11;
	v44 =	vshll.u32 v4, $0xF  }
0x245: {  	v5 =	vshll.u32 v5, $0xD;
	v2 =	vadd.s32 v2, v4;
	v4 =	vor.u32 v7, v44  }
0x246: {  	v3 =	vadd.s32 $0xADD083F4, v3;
	v5 =	vor.u32 v6, v5;
	v4 =	vxor.u32 v4, v2  }
0x247: {  	v5 =	vxor.u32 v5, v3;
	v6 =	vshrl.u32 v4, $0x6;
	v7 =	vshll.u32 v4, $0x1A  }
0x248: {  	v45 =	vshrl.u32 v5, $0x11;
	v2 =	vadd.s32 v2, v4;
	v4 =	vor.u32 v6, v7  }
0x249: {  	v3 =	vadd.s32 v3, v5;
	v6 =	vshll.u32 v5, $0xF;
	v4 =	vxor.u32 v4, v2  }
0x24a: {  	v5 =	vor.u32 v45, v6;
	v6 =	vshrl.u32 v4, $0x1A;
	v7 =	vshll.u32 v4, $0x6  }
0x24b: {  	v5 =	vxor.u32 v5, v3;
	v2 =	vadd.s32 v2, v4;
	v4 =	vor.u32 v6, v7  }
0x24c: {  	s18 =	simm.s32 $0x0;
	v6 =	vshrl.u32 v5, $0x6;
	v4 =	vxor.u32 v4, v2  }
0x24d: {  	s22 =	sadd.s32 $0x0, s7;
	s16 =	sand.u32 $0x70, s18;
	v7 =	vshll.u32 v5, $0x1A;
	v3 =	vadd.s32 v3, v5;
	v4 =	vadd.s32 $0xADD083F7, v4  }
0x24e: {  	s24 =	sshll.u32 s22, $0x7;
	s29 =	sadd.s32 s16, s10;
	v2 =	vadd.s32 v4, v2;
	v5 =	vshrl.u32 v4, $0xF;
	v4 =	vshll.u32 v4, $0x11  }
0x24f: {  	s22 =	sadd.s32 s24, s29;
	v2 =	vadd.s32 $0x3D7B32D, v2;
	v4 =	vor.u32 v5, v4  }
0x250: {  	v49 =	vadd.s32 s22, v1;
	v6 =	vor.u32 v6, v7;
	v4 =	vxor.u32 v4, v2  }
0x251: {  	v5 =	vxor.u32 v6, v3;
	v7 =	vshrl.u32 v4, $0x3;
	v46 =	vshll.u32 v4, $0x1D  }
0x252: {  	v6 =	vshrl.u32 v5, $0x1A;
	v2 =	vadd.s32 v2, v4;
	v4 =	vor.u32 v7, v46  }
0x253: {  	v47 =	vshll.u32 v5, $0x6;
	v3 =	vadd.s32 v3, v5;
	v4 =	vxor.u32 v4, v2  }
0x254: {  	v5 =	vor.u32 v6, v47;
	v6 =	vshrl.u32 v4, $0x10;
	v7 =	vshll.u32 v4, $0x10  }
0x255: {  	v2 =	vadd.s32 v2, v4;
	v4 =	vor.u32 v6, v7;
	v6 =	vadd.s32 s22, v0  }
0x256: {  	v4 =	vxor.u32 v4, v2;
	v7 =	vshrl.u32 v6, $0x13;
	v6 =	vshll.u32 v6, $0xD  }
0x257: {  	v5 =	vxor.u32 v5, v3;
	v48 =	vshrl.u32 v4, $0x8;
	v6 =	vor.u32 v7, v6  }
0x258: {  	v7 =	vshll.u32 v4, $0x18;
	v2 =	vadd.s32 v2, v4;
	v4 =	vxor.u32 v49, v6  }
0x259: {  	v6 =	vor.u32 v48, v7;
	v7 =	vshrl.u32 v4, $0x11;
	v50 =	vshll.u32 v4, $0xF  }
0x25a: {  	v6 =	vxor.u32 v6, v2;
	v4 =	vadd.s32 v49, v4;
	v7 =	vor.u32 v7, v50  }
0x25b: {  	v3 =	vadd.s32 $0xB5D62B03, v3;
	v6 =	vadd.s32 $0xB5D62B07, v6;
	v7 =	vxor.u32 v7, v4  }
0x25c: {  	v2 =	vadd.s32 v6, v2;
	v51 =	vshrl.u32 v7, $0x6;
	v52 =	vshll.u32 v7, $0x1A  }
0x25d: {  	v4 =	vadd.s32 v4, v7;
	v7 =	vshrl.u32 v6, $0x13;
	v8 =	vor.u32 v51, v52  }
0x25e: {  	v6 =	vshll.u32 v6, $0xD;
	v2 =	vadd.s32 $0xADD083F4, v2;
	v8 =	vxor.u32 v8, v4  }
0x25f: {  	v6 =	vor.u32 v7, v6;
	v7 =	vshrl.u32 v8, $0x1A;
	v53 =	vshll.u32 v8, $0x6  }
0x260: {  	v6 =	vxor.u32 v6, v2;
	v4 =	vadd.s32 v4, v8;
	v7 =	vor.u32 v7, v53  }
0x261: {  	v5 =	vadd.s32 $0x3D7B332, v5;
	v54 =	vshrl.u32 v6, $0x11;
	v7 =	vxor.u32 v7, v4  }
0x262: {  	v55 =	vshll.u32 v6, $0xF;
	v2 =	vadd.s32 v2, v6;
	v6 =	vadd.s32 $0xB5D62B04, v7  }
0x263: {  	v4 =	vadd.s32 v6, v4;
	v7 =	vshrl.u32 v6, $0xF;
	v6 =	vshll.u32 v6, $0x11  }
0x264: {  	v8 =	vor.u32 v54, v55;
	v4 =	vadd.s32 $0xADD083F4, v4;
	v6 =	vor.u32 v7, v6  }
0x265: {  	v3 =	vxor.u32 v3, v5;
	v5 =	vxor.u32 v8, v2;
	v6 =	vxor.u32 v6, v4  }
0x266: {  	v7 =	vshrl.u32 v5, $0x6;
	v56 =	vshrl.u32 v6, $0x3;
	v57 =	vshll.u32 v6, $0x1D  }
0x267: {  	v4 =	vadd.s32 v4, v6;
	v6 =	vshll.u32 v5, $0x1A;
	v8 =	vor.u32 v56, v57  }
0x268: {  	v2 =	vadd.s32 v2, v5;
	v5 =	vor.u32 v7, v6;
	v6 =	vxor.u32 v8, v4  }
0x269: {  	s25 =	simm.s32 $0x10;
	v5 =	vxor.u32 v5, v2;
	v7 =	vshrl.u32 v6, $0x10;
	v8 =	vshll.u32 v6, $0x10  }
0x26a: {  	s23 =	sadd.s32 $0x0, s7;
	s22 =	sand.u32 $0x70, s25;
	v58 =	vshrl.u32 v5, $0x1A;
	v4 =	vadd.s32 v4, v6;
	v6 =	vor.u32 v7, v8  }
0x26b: {  	s26 =	sshll.u32 s23, $0x7;
	s30 =	sadd.s32 s22, s10;
	v2 =	vadd.s32 v2, v5;
	v7 =	vshll.u32 v5, $0x6;
	v5 =	vxor.u32 v6, v4  }
0x26c: {  	s23 =	sadd.s32 s26, s30;
	v6 =	vor.u32 v58, v7;
	v7 =	vshrl.u32 v5, $0x8;
	v59 =	vshll.u32 v5, $0x18  }
0x26d: {  	v60 =	vadd.s32 s23, v0;
	v4 =	vadd.s32 v4, v5;
	v5 =	vor.u32 v7, v59  }
0x26e: {  	v8 =	vshll.u32 v60, $0xD;
	v6 =	vxor.u32 v6, v2;
	v5 =	vxor.u32 v5, v4  }
0x26f: {  	v2 =	vadd.s32 $0xB5D62B03, v2;
	v6 =	vadd.s32 $0x3D7B332, v6;
	v5 =	vadd.s32 $0x3D7B32F, v5  }
0x270: {  	v4 =	vadd.s32 v5, v4;
	v7 =	vshrl.u32 v5, $0x13;
	v5 =	vshll.u32 v5, $0xD  }
0x271: {  	v6 =	vxor.u32 v2, v6;
	v4 =	vadd.s32 $0xB5D62B03, v4;
	v5 =	vor.u32 v7, v5  }
0x272: {  	v2 =	vadd.s32 s23, v1;
	v7 =	vshrl.u32 v60, $0x13;
	v5 =	vxor.u32 v5, v4  }
0x273: {  	s19 =	sshll.u32 s19, $0x7;
	v7 =	vor.u32 v7, v8;
	v61 =	vshrl.u32 v5, $0x11;
	v62 =	vshll.u32 v5, $0xF  }
0x274: {  	s20 =	sshll.u32 s20, $0x7;
	s19 =	sand.u32 $0x3FFFFC00, s19;
	v7 =	vxor.u32 v2, v7;
	v5 =	vadd.s32 v4, v5;
	v4 =	vor.u32 v61, v62  }
0x275: {  	s31 =	sand.u32 $0x3FFFFC00, s20;
	s17 =	sor.u32 s17, s19;
	v2 =	vadd.s32 v2, v7;
	v63 =	vshrl.u32 v7, $0x11;
	v9 =	vxor.u32 v4, v5  }
0x276: {  	s19 =	sor.u32 s21, s31;
	s21 =	simm.s32 $0x1;
	s20 =	smov.u32 s16;
	[tilespmem:s17+$0x200] =	vst v3;
	v3 =	vshll.u32 v7, $0xF;
	v7 =	vshrl.u32 v9, $0x6;
	v10 =	vshll.u32 v9, $0x1A  }
0x277: {  	s17 =	simm.s32 $0x1;
	s23 =	simm.s32 $0x0;
	[tilespmem:s19+$0x200] =	vst v6;
	s19 =	simm.s32 $0x2;
	v4 =	vor.u32 v63, v3;
	v3 =	vadd.s32 v5, v9;
	v5 =	vor.u32 v7, v10  }
.LBB2_12:
0x278: {  	p0 =	sne.s32 s19, $0x3F;
	v4 =	vxor.u32 v4, v2;
	v5 =	vxor.u32 v5, v3  }
0x279: {  	v6 =	vshrl.u32 v4, $0x6;
	v7 =	vshrl.u32 v5, $0x1A;
	v8 =	vshll.u32 v5, $0x6  }
0x27a: {  	v9 =	vshll.u32 v4, $0x1A;
	v3 =	vadd.s32 v3, v5;
	v5 =	vor.u32 v7, v8  }
0x27b: {  	v2 =	vadd.s32 v2, v4;
	v4 =	vor.u32 v6, v9;
	v5 =	vxor.u32 v5, v3  }
0x27c: {  	v4 =	vxor.u32 v4, v2;
	v5 =	vadd.s32 $0xADD083F7, v5  }
0x27d: {  	v3 =	vadd.s32 v5, v3;
	v6 =	vshrl.u32 v5, $0xF;
	v5 =	vshll.u32 v5, $0x11  }
0x27e: {  	s28 =	sshrl.u32 s19, $0x3;
	s25 =	sadd.s32 $0x10, s25;
	v2 =	vadd.s32 v2, v4;
	v3 =	vadd.s32 $0x3D7B32D, v3;
	v5 =	vor.u32 v6, v5  }
0x27f: {  	s29 =	sadd.s32 s7, s28;
	s28 =	sand.u32 $0x70, s25;
	v6 =	vshrl.u32 v4, $0x1A;
	v4 =	vshll.u32 v4, $0x6;
	v5 =	vxor.u32 v5, v3  }
0x280: {  	s29 =	sshll.u32 s29, $0x7;
	s30 =	sadd.s32 s28, s10;
	v4 =	vor.u32 v6, v4;
	v6 =	vshrl.u32 v5, $0x3;
	v7 =	vshll.u32 v5, $0x1D  }
0x281: {  	s29 =	sadd.s32 s29, s30;
	v4 =	vxor.u32 v4, v2;
	v3 =	vadd.s32 v3, v5;
	v5 =	vor.u32 v6, v7  }
0x282: {  	v6 =	vadd.s32 s29, v1;
	v4 =	vadd.s32 $0xB5D62B04, v4;
	v5 =	vxor.u32 v5, v3  }
0x283: {  	v2 =	vadd.s32 v4, v2;
	v7 =	vshrl.u32 v5, $0x10;
	v8 =	vshll.u32 v5, $0x10  }
0x284: {  	v9 =	vshrl.u32 v4, $0xF;
	v3 =	vadd.s32 v3, v5;
	v5 =	vor.u32 v7, v8  }
0x285: {  	v4 =	vshll.u32 v4, $0x11;
	v2 =	vadd.s32 $0xADD083F4, v2;
	v5 =	vxor.u32 v5, v3  }
0x286: {  	v4 =	vor.u32 v9, v4;
	v7 =	vshrl.u32 v5, $0x8;
	v8 =	vshll.u32 v5, $0x18  }
0x287: {  	v4 =	vxor.u32 v4, v2;
	v3 =	vadd.s32 v3, v5;
	v5 =	vor.u32 v7, v8  }
0x288: {  	v7 =	vshrl.u32 v4, $0x3;
	v8 =	vshll.u32 v4, $0x1D;
	v5 =	vxor.u32 v5, v3  }
0x289: {  	v2 =	vadd.s32 v2, v4;
	v4 =	vor.u32 v7, v8;
	v5 =	vadd.s32 $0xB5D62B07, v5  }
0x28a: {  	v3 =	vadd.s32 v5, v3;
	v7 =	vshrl.u32 v5, $0x13;
	v5 =	vshll.u32 v5, $0xD  }
0x28b: {  	v4 =	vxor.u32 v4, v2;
	v3 =	vadd.s32 $0xADD083F4, v3;
	v5 =	vor.u32 v7, v5  }
0x28c: {  	v2 =	vadd.s32 v2, v4;
	v7 =	vshrl.u32 v4, $0x10;
	v5 =	vxor.u32 v5, v3  }
0x28d: {  	v4 =	vshll.u32 v4, $0x10;
	v8 =	vshrl.u32 v5, $0x11;
	v9 =	vshll.u32 v5, $0xF  }
0x28e: {  	v4 =	vor.u32 v7, v4;
	v3 =	vadd.s32 v3, v5;
	v5 =	vor.u32 v8, v9  }
0x28f: {  	v7 =	vadd.s32 s29, v0;
	v4 =	vxor.u32 v4, v2;
	v5 =	vxor.u32 v5, v3  }
0x290: {  	v8 =	vshrl.u32 v4, $0x8;
	v9 =	vshrl.u32 v5, $0x6;
	v10 =	vshll.u32 v5, $0x1A  }
0x291: {  	v11 =	vshll.u32 v4, $0x18;
	v3 =	vadd.s32 v3, v5;
	v5 =	vor.u32 v9, v10  }
0x292: {  	v2 =	vadd.s32 v2, v4;
	v4 =	vor.u32 v8, v11;
	v5 =	vxor.u32 v5, v3  }
0x293: {  	v4 =	vxor.u32 v4, v2;
	v8 =	vshrl.u32 v5, $0x1A;
	v9 =	vshll.u32 v5, $0x6  }
0x294: {  	s29 =	sshll.u32 s23, $0x7;
	s23 =	smov.u32 s21;
	s21 =	smov.u32 s19;
	v4 =	vadd.s32 $0x3D7B32F, v4;
	v3 =	vadd.s32 v3, v5;
	v5 =	vor.u32 v8, v9  }
0x295: {  	s29 =	sand.u32 $0x3FFFFC00, s29;
	v2 =	vadd.s32 v4, v2;
	v8 =	vshrl.u32 v4, $0x13;
	v5 =	vxor.u32 v5, v3  }
0x296: {  	v4 =	vshll.u32 v4, $0xD;
	v3 =	vadd.s32 $0xB5D62B03, v3;
	v5 =	vadd.s32 $0x3D7B332, v5  }
0x297: {  	s29 =	sor.u32 s20, s29;
	s20 =	smov.u32 s22;
	s22 =	smov.u32 s28;
	v2 =	vadd.s32 $0xB5D62B03, v2;
	v4 =	vor.u32 v8, v4;
	v3 =	vxor.u32 v3, v5  }
0x298: {  	v4 =	vxor.u32 v4, v2;
	v5 =	vshrl.u32 v7, $0x13;
	v7 =	vshll.u32 v7, $0xD;
	[tilespmem:s29+$0x280] =	vst v3  }
.Ltmp5:
0x299: {  	v3 =	vor.u32 v5, v7;
	v5 =	vshrl.u32 v4, $0x11;
	v7 =	vshll.u32 v4, $0xF;
	(pc) =	sbr.rel @p0 .LBB2_12-.Ltmp5, $4  }
0x29a: {  	v8 =	vadd.s32 v2, v4;
	v3 =	vxor.u32 v6, v3;
	v4 =	vor.u32 v5, v7  }
0x29b: {  	v2 =	vadd.s32 v6, v3;
	v5 =	vshrl.u32 v3, $0x11;
	v6 =	vxor.u32 v4, v8  }
0x29c: {  	v3 =	vshll.u32 v3, $0xF;
	v7 =	vshrl.u32 v6, $0x6;
	v9 =	vshll.u32 v6, $0x1A  }
0x29d: {  	s19 =	sadd.s32 $0x1, s19;
	v4 =	vor.u32 v5, v3;
	v3 =	vadd.s32 v8, v6;
	v5 =	vor.u32 v7, v9  }
0x29e: {  	v4 =	vxor.u32 v4, v2  }
0x29f: {  	v6 =	vshrl.u32 v4, $0x6;
	v7 =	vshll.u32 v4, $0x1A  }
0x2a0: {  	v2 =	vadd.s32 v2, v4;
	v4 =	vor.u32 v6, v7  }
0x2a1: {  	v5 =	vxor.u32 v5, v3;
	v4 =	vxor.u32 v4, v2  }
0x2a2: {  	v9 =	vshll.u32 v5, $0x6;
	v7 =	vshrl.u32 v4, $0x1A;
	v8 =	vshll.u32 v4, $0x6  }
0x2a3: {  	v6 =	vshrl.u32 v5, $0x1A;
	v2 =	vadd.s32 v2, v4;
	v4 =	vor.u32 v7, v8  }
0x2a4: {  	v3 =	vadd.s32 v3, v5;
	v5 =	vor.u32 v6, v9;
	v4 =	vxor.u32 v4, v2  }
0x2a5: {  	v5 =	vxor.u32 v5, v3;
	v4 =	vadd.s32 $0xB5D62B04, v4  }
0x2a6: {  	v2 =	vadd.s32 v4, v2;
	v6 =	vshrl.u32 v4, $0xF;
	v4 =	vshll.u32 v4, $0x11  }
0x2a7: {  	v5 =	vadd.s32 $0xADD083F7, v5;
	v2 =	vadd.s32 $0xADD083F4, v2;
	v4 =	vor.u32 v6, v4  }
0x2a8: {  	v3 =	vadd.s32 v5, v3;
	v4 =	vxor.u32 v4, v2  }
0x2a9: {  	v6 =	vshrl.u32 v5, $0xF;
	v7 =	vshrl.u32 v4, $0x3;
	v22 =	vshll.u32 v4, $0x1D  }
0x2aa: {  	v5 =	vshll.u32 v5, $0x11;
	v2 =	vadd.s32 v2, v4;
	v4 =	vor.u32 v7, v22  }
0x2ab: {  	v3 =	vadd.s32 $0x3D7B32D, v3;
	v5 =	vor.u32 v6, v5;
	v4 =	vxor.u32 v4, v2  }
0x2ac: {  	v5 =	vxor.u32 v5, v3;
	v6 =	vshrl.u32 v4, $0x10;
	v7 =	vshll.u32 v4, $0x10  }
0x2ad: {  	v23 =	vshrl.u32 v5, $0x3;
	v2 =	vadd.s32 v2, v4;
	v4 =	vor.u32 v6, v7  }
0x2ae: {  	v3 =	vadd.s32 v3, v5;
	v6 =	vshll.u32 v5, $0x1D;
	v4 =	vxor.u32 v4, v2  }
0x2af: {  	v5 =	vor.u32 v23, v6;
	v6 =	vshrl.u32 v4, $0x8;
	v7 =	vshll.u32 v4, $0x18  }
0x2b0: {  	v5 =	vxor.u32 v5, v3;
	v2 =	vadd.s32 v2, v4;
	v4 =	vor.u32 v6, v7  }
0x2b1: {  	v6 =	vshrl.u32 v5, $0x10;
	v7 =	vshll.u32 v5, $0x10;
	v4 =	vxor.u32 v4, v2  }
0x2b2: {  	v3 =	vadd.s32 v3, v5;
	v6 =	vor.u32 v6, v7;
	v4 =	vadd.s32 $0x3D7B32F, v4  }
0x2b3: {  	v2 =	vadd.s32 v4, v2;
	v5 =	vshrl.u32 v4, $0x13;
	v4 =	vshll.u32 v4, $0xD  }
0x2b4: {  	v2 =	vadd.s32 $0xB5D62B03, v2;
	v4 =	vor.u32 v5, v4;
	v5 =	vxor.u32 v6, v3  }
0x2b5: {  	v4 =	vxor.u32 v4, v2;
	v6 =	vshrl.u32 v5, $0x8;
	v25 =	vshll.u32 v5, $0x18  }
0x2b6: {  	s19 =	sadd.s32 s16, s11;
	v3 =	vadd.s32 v3, v5;
	v7 =	vshrl.u32 v4, $0x11;
	v24 =	vshll.u32 v4, $0xF  }
0x2b7: {  	s24 =	sadd.s32 s24, s19;
	v2 =	vadd.s32 v2, v4;
	v5 =	vor.u32 v6, v25;
	v4 =	vor.u32 v7, v24  }
0x2b8: {  	v27 =	vadd.s32 s24, v1;
	v5 =	vxor.u32 v5, v3;
	v4 =	vxor.u32 v4, v2  }
0x2b9: {  	v5 =	vadd.s32 $0xB5D62B07, v5;
	v6 =	vshrl.u32 v4, $0x6;
	v7 =	vshll.u32 v4, $0x1A  }
0x2ba: {  	v2 =	vadd.s32 v2, v4;
	v3 =	vadd.s32 v5, v3;
	v4 =	vor.u32 v6, v7  }
0x2bb: {  	s25 =	simm.s32 $0x10;
	v6 =	vshrl.u32 v5, $0x13;
	v5 =	vshll.u32 v5, $0xD;
	v4 =	vxor.u32 v4, v2  }
0x2bc: {  	s19 =	sand.u32 $0x70, s25;
	v3 =	vadd.s32 $0xADD083F4, v3;
	v7 =	vshrl.u32 v4, $0x1A;
	v26 =	vshll.u32 v4, $0x6  }
0x2bd: {  	s30 =	sadd.s32 s19, s11;
	v5 =	vor.u32 v6, v5;
	v4 =	vadd.s32 v2, v4;
	v2 =	vor.u32 v7, v26  }
0x2be: {  	v10 =	vadd.s32 s24, v0;
	s24 =	sadd.s32 s26, s30;
	v5 =	vxor.u32 v5, v3;
	v6 =	vxor.u32 v2, v4  }
0x2bf: {  	v7 =	vadd.s32 s24, v0;
	v11 =	vshrl.u32 v5, $0x11;
	v6 =	vadd.s32 $0xADD083F7, v6  }
0x2c0: {  	v4 =	vadd.s32 v6, v4;
	v28 =	vshrl.u32 v6, $0xF;
	v6 =	vshll.u32 v6, $0x11  }
0x2c1: {  	v29 =	vshll.u32 v5, $0xF;
	v4 =	vadd.s32 $0x3D7B32D, v4;
	v6 =	vor.u32 v28, v6  }
0x2c2: {  	v3 =	vadd.s32 v3, v5;
	v2 =	vadd.s32 s24, v1;
	v5 =	vxor.u32 v6, v4  }
0x2c3: {  	v59 =	vshrl.u32 v7, $0x13;
	v6 =	vor.u32 v11, v29;
	v30 =	vshrl.u32 v5, $0x3  }
0x2c4: {  	v31 =	vshll.u32 v5, $0x1D;
	v6 =	vxor.u32 v6, v3;
	v4 =	vadd.s32 v4, v5  }
0x2c5: {  	v5 =	vor.u32 v30, v31;
	v32 =	vshrl.u32 v6, $0x6;
	v33 =	vshll.u32 v6, $0x1A  }
0x2c6: {  	v3 =	vadd.s32 v3, v6;
	v5 =	vxor.u32 v5, v4;
	v8 =	vor.u32 v32, v33  }
0x2c7: {  	v6 =	vshrl.u32 v5, $0x10;
	v12 =	vshll.u32 v5, $0x10;
	v4 =	vadd.s32 v4, v5  }
0x2c8: {  	v5 =	vor.u32 v6, v12;
	v6 =	vshrl.u32 v10, $0x13;
	v10 =	vshll.u32 v10, $0xD  }
0x2c9: {  	v8 =	vxor.u32 v8, v3;
	v5 =	vxor.u32 v5, v4;
	v6 =	vor.u32 v6, v10  }
0x2ca: {  	v34 =	vshrl.u32 v5, $0x8;
	v35 =	vshll.u32 v5, $0x18;
	v6 =	vxor.u32 v27, v6  }
0x2cb: {  	v4 =	vadd.s32 v4, v5;
	v36 =	vshrl.u32 v6, $0x11;
	v37 =	vshll.u32 v6, $0xF  }
0x2cc: {  	v5 =	vor.u32 v34, v35;
	v6 =	vadd.s32 v27, v6;
	v38 =	vor.u32 v36, v37  }
0x2cd: {  	v42 =	vshrl.u32 v8, $0x1A;
	v5 =	vxor.u32 v5, v4;
	v9 =	vxor.u32 v38, v6  }
0x2ce: {  	v5 =	vadd.s32 $0xB5D62B07, v5;
	v39 =	vshrl.u32 v9, $0x6;
	v40 =	vshll.u32 v9, $0x1A  }
0x2cf: {  	v4 =	vadd.s32 v5, v4;
	v6 =	vadd.s32 v6, v9;
	v10 =	vor.u32 v39, v40  }
0x2d0: {  	v41 =	vshrl.u32 v5, $0x13;
	v5 =	vshll.u32 v5, $0xD;
	v43 =	vxor.u32 v10, v6  }
0x2d1: {  	v5 =	vor.u32 v41, v5;
	v10 =	vshrl.u32 v43, $0x1A;
	v9 =	vshll.u32 v43, $0x6  }
0x2d2: {  	v4 =	vadd.s32 $0xADD083F4, v4;
	v6 =	vadd.s32 v6, v43;
	v9 =	vor.u32 v10, v9  }
0x2d3: {  	v44 =	vshll.u32 v8, $0x6;
	v5 =	vxor.u32 v5, v4;
	v45 =	vxor.u32 v9, v6  }
0x2d4: {  	v3 =	vadd.s32 v3, v8;
	v47 =	vshrl.u32 v5, $0x11;
	v8 =	vadd.s32 $0xB5D62B04, v45  }
0x2d5: {  	v6 =	vadd.s32 v8, v6;
	v48 =	vshrl.u32 v8, $0xF;
	v8 =	vshll.u32 v8, $0x11  }
0x2d6: {  	v49 =	vshll.u32 v5, $0xF;
	v8 =	vor.u32 v48, v8;
	v6 =	vadd.s32 $0xADD083F4, v6  }
0x2d7: {  	v4 =	vadd.s32 v4, v5;
	v5 =	vor.u32 v47, v49;
	v8 =	vxor.u32 v8, v6  }
0x2d8: {  	v5 =	vxor.u32 v5, v4;
	v50 =	vshrl.u32 v8, $0x3;
	v51 =	vshll.u32 v8, $0x1D  }
0x2d9: {  	v52 =	vshrl.u32 v5, $0x6;
	v6 =	vadd.s32 v6, v8;
	v10 =	vor.u32 v50, v51  }
0x2da: {  	v53 =	vshll.u32 v5, $0x1A;
	v4 =	vadd.s32 v4, v5;
	v5 =	vxor.u32 v10, v6  }
0x2db: {  	v7 =	vshll.u32 v7, $0xD;
	v8 =	vor.u32 v52, v53;
	v10 =	vshrl.u32 v5, $0x10  }
0x2dc: {  	v54 =	vshll.u32 v5, $0x10;
	v5 =	vadd.s32 v6, v5;
	v6 =	vxor.u32 v8, v4  }
0x2dd: {  	v7 =	vor.u32 v59, v7;
	v55 =	vor.u32 v10, v54;
	v56 =	vshrl.u32 v6, $0x1A  }
0x2de: {  	v4 =	vadd.s32 v4, v6;
	v6 =	vshll.u32 v6, $0x6;
	v8 =	vxor.u32 v55, v5  }
0x2df: {  	v57 =	vshrl.u32 v8, $0x8;
	v5 =	vadd.s32 v5, v8;
	v8 =	vshll.u32 v8, $0x18  }
0x2e0: {  	v7 =	vxor.u32 v2, v7;
	v6 =	vor.u32 v56, v6;
	v8 =	vor.u32 v57, v8  }
0x2e1: {  	v46 =	vor.u32 v42, v44;
	v6 =	vxor.u32 v6, v4;
	v8 =	vxor.u32 v8, v5  }
0x2e2: {  	v4 =	vadd.s32 $0xB5D62B03, v4;
	v6 =	vadd.s32 $0x3D7B332, v6;
	v8 =	vadd.s32 $0x3D7B32F, v8  }
0x2e3: {  	v5 =	vadd.s32 v8, v5;
	v58 =	vshrl.u32 v8, $0x13;
	v8 =	vshll.u32 v8, $0xD  }
0x2e4: {  	v4 =	vxor.u32 v4, v6;
	v5 =	vadd.s32 $0xB5D62B03, v5;
	v6 =	vor.u32 v58, v8  }
0x2e5: {  	v2 =	vadd.s32 v2, v7;
	v9 =	vxor.u32 v46, v3;
	v6 =	vxor.u32 v6, v5  }
0x2e6: {  	s23 =	sshll.u32 s23, $0x7;
	v3 =	vadd.s32 $0xB5D62B03, v3;
	v60 =	vshrl.u32 v6, $0x11;
	v61 =	vshll.u32 v6, $0xF  }
0x2e7: {  	s21 =	sshll.u32 s21, $0x7;
	s23 =	sand.u32 $0x3FFFFC00, s23;
	v9 =	vadd.s32 $0x3D7B332, v9;
	v5 =	vadd.s32 v5, v6;
	v6 =	vor.u32 v60, v61  }
0x2e8: {  	s21 =	sand.u32 $0x3FFFFC00, s21;
	s20 =	sor.u32 s20, s23;
	v62 =	vshrl.u32 v7, $0x11;
	v3 =	vxor.u32 v3, v9;
	v6 =	vxor.u32 v6, v5  }
0x2e9: {  	s31 =	sor.u32 s22, s21;
	[tilespmem:s20+$0x280] =	vst v3;
	v3 =	vshll.u32 v7, $0xF;
	v7 =	vshrl.u32 v6, $0x6;
	v63 =	vshll.u32 v6, $0x1A  }
0x2ea: {  	s20 =	simm.s32 $0x2;
	[tilespmem:s31+$0x280] =	vst v4;
	v4 =	vor.u32 v62, v3;
	v3 =	vadd.s32 v5, v6;
	v5 =	vor.u32 v7, v63  }
.LBB2_14:
0x2eb: {  	p0 =	sne.s32 s20, $0x3F;
	v4 =	vxor.u32 v4, v2;
	v5 =	vxor.u32 v5, v3  }
0x2ec: {  	v6 =	vshrl.u32 v4, $0x6;
	v7 =	vshrl.u32 v5, $0x1A;
	v8 =	vshll.u32 v5, $0x6  }
0x2ed: {  	v9 =	vshll.u32 v4, $0x1A;
	v3 =	vadd.s32 v3, v5;
	v5 =	vor.u32 v7, v8  }
0x2ee: {  	v2 =	vadd.s32 v2, v4;
	v4 =	vor.u32 v6, v9;
	v5 =	vxor.u32 v5, v3  }
0x2ef: {  	v4 =	vxor.u32 v4, v2;
	v5 =	vadd.s32 $0xADD083F7, v5  }
0x2f0: {  	v3 =	vadd.s32 v5, v3;
	v6 =	vshrl.u32 v5, $0xF;
	v5 =	vshll.u32 v5, $0x11  }
0x2f1: {  	s21 =	sshrl.u32 s20, $0x3;
	s25 =	sadd.s32 $0x10, s25;
	v2 =	vadd.s32 v2, v4;
	v3 =	vadd.s32 $0x3D7B32D, v3;
	v5 =	vor.u32 v6, v5  }
0x2f2: {  	s22 =	sadd.s32 s7, s21;
	s21 =	sand.u32 $0x70, s25;
	v6 =	vshrl.u32 v4, $0x1A;
	v4 =	vshll.u32 v4, $0x6;
	v5 =	vxor.u32 v5, v3  }
0x2f3: {  	s22 =	sshll.u32 s22, $0x7;
	s23 =	sadd.s32 s21, s11;
	v4 =	vor.u32 v6, v4;
	v6 =	vshrl.u32 v5, $0x3;
	v7 =	vshll.u32 v5, $0x1D  }
0x2f4: {  	s22 =	sadd.s32 s22, s23;
	v4 =	vxor.u32 v4, v2;
	v3 =	vadd.s32 v3, v5;
	v5 =	vor.u32 v6, v7  }
0x2f5: {  	v6 =	vadd.s32 s22, v1;
	v4 =	vadd.s32 $0xB5D62B04, v4;
	v5 =	vxor.u32 v5, v3  }
0x2f6: {  	v2 =	vadd.s32 v4, v2;
	v7 =	vshrl.u32 v5, $0x10;
	v8 =	vshll.u32 v5, $0x10  }
0x2f7: {  	v9 =	vshrl.u32 v4, $0xF;
	v3 =	vadd.s32 v3, v5;
	v5 =	vor.u32 v7, v8  }
0x2f8: {  	v4 =	vshll.u32 v4, $0x11;
	v2 =	vadd.s32 $0xADD083F4, v2;
	v5 =	vxor.u32 v5, v3  }
0x2f9: {  	v4 =	vor.u32 v9, v4;
	v7 =	vshrl.u32 v5, $0x8;
	v8 =	vshll.u32 v5, $0x18  }
0x2fa: {  	v4 =	vxor.u32 v4, v2;
	v3 =	vadd.s32 v3, v5;
	v5 =	vor.u32 v7, v8  }
0x2fb: {  	v7 =	vshrl.u32 v4, $0x3;
	v8 =	vshll.u32 v4, $0x1D;
	v5 =	vxor.u32 v5, v3  }
0x2fc: {  	v2 =	vadd.s32 v2, v4;
	v4 =	vor.u32 v7, v8;
	v5 =	vadd.s32 $0xB5D62B07, v5  }
0x2fd: {  	v3 =	vadd.s32 v5, v3;
	v7 =	vshrl.u32 v5, $0x13;
	v5 =	vshll.u32 v5, $0xD  }
0x2fe: {  	v4 =	vxor.u32 v4, v2;
	v3 =	vadd.s32 $0xADD083F4, v3;
	v5 =	vor.u32 v7, v5  }
0x2ff: {  	v2 =	vadd.s32 v2, v4;
	v7 =	vshrl.u32 v4, $0x10;
	v5 =	vxor.u32 v5, v3  }
0x300: {  	v4 =	vshll.u32 v4, $0x10;
	v8 =	vshrl.u32 v5, $0x11;
	v9 =	vshll.u32 v5, $0xF  }
0x301: {  	v4 =	vor.u32 v7, v4;
	v3 =	vadd.s32 v3, v5;
	v5 =	vor.u32 v8, v9  }
0x302: {  	v7 =	vadd.s32 s22, v0;
	v4 =	vxor.u32 v4, v2;
	v5 =	vxor.u32 v5, v3  }
0x303: {  	v8 =	vshrl.u32 v4, $0x8;
	v9 =	vshrl.u32 v5, $0x6;
	v10 =	vshll.u32 v5, $0x1A  }
0x304: {  	v11 =	vshll.u32 v4, $0x18;
	v3 =	vadd.s32 v3, v5;
	v5 =	vor.u32 v9, v10  }
0x305: {  	v2 =	vadd.s32 v2, v4;
	v4 =	vor.u32 v8, v11;
	v5 =	vxor.u32 v5, v3  }
0x306: {  	v4 =	vxor.u32 v4, v2;
	v8 =	vshrl.u32 v5, $0x1A;
	v9 =	vshll.u32 v5, $0x6  }
0x307: {  	s22 =	sshll.u32 s18, $0x7;
	s18 =	smov.u32 s17;
	s17 =	smov.u32 s20;
	v4 =	vadd.s32 $0x3D7B32F, v4;
	v3 =	vadd.s32 v3, v5;
	v5 =	vor.u32 v8, v9  }
0x308: {  	s22 =	sand.u32 $0x3FFFFC00, s22;
	v2 =	vadd.s32 v4, v2;
	v8 =	vshrl.u32 v4, $0x13;
	v5 =	vxor.u32 v5, v3  }
0x309: {  	v4 =	vshll.u32 v4, $0xD;
	v3 =	vadd.s32 $0xB5D62B03, v3;
	v5 =	vadd.s32 $0x3D7B332, v5  }
0x30a: {  	s22 =	sor.u32 s16, s22;
	s16 =	smov.u32 s19;
	s19 =	smov.u32 s21;
	v2 =	vadd.s32 $0xB5D62B03, v2;
	v4 =	vor.u32 v8, v4;
	v3 =	vxor.u32 v3, v5  }
0x30b: {  	v4 =	vxor.u32 v4, v2;
	v5 =	vshrl.u32 v7, $0x13;
	v7 =	vshll.u32 v7, $0xD;
	[tilespmem:s22+$0x300] =	vst v3  }
.Ltmp6:
0x30c: {  	v3 =	vor.u32 v5, v7;
	v5 =	vshrl.u32 v4, $0x11;
	v7 =	vshll.u32 v4, $0xF;
	(pc) =	sbr.rel @p0 .LBB2_14-.Ltmp6, $4  }
0x30d: {  	v8 =	vadd.s32 v2, v4;
	v3 =	vxor.u32 v6, v3;
	v4 =	vor.u32 v5, v7  }
0x30e: {  	v2 =	vadd.s32 v6, v3;
	v5 =	vshrl.u32 v3, $0x11;
	v6 =	vxor.u32 v4, v8  }
0x30f: {  	v3 =	vshll.u32 v3, $0xF;
	v7 =	vshrl.u32 v6, $0x6;
	v9 =	vshll.u32 v6, $0x1A  }
0x310: {  	s20 =	sadd.s32 $0x1, s20;
	v4 =	vor.u32 v5, v3;
	v3 =	vadd.s32 v8, v6;
	v5 =	vor.u32 v7, v9  }
0x311: {  	v4 =	vxor.u32 v4, v2  }
0x312: {  	v6 =	vshrl.u32 v4, $0x6;
	v7 =	vshll.u32 v4, $0x1A  }
0x313: {  	v2 =	vadd.s32 v2, v4;
	v4 =	vor.u32 v6, v7  }
0x314: {  	v5 =	vxor.u32 v5, v3;
	v4 =	vxor.u32 v4, v2  }
0x315: {  	v9 =	vshll.u32 v5, $0x6;
	v7 =	vshrl.u32 v4, $0x1A;
	v8 =	vshll.u32 v4, $0x6  }
0x316: {  	v6 =	vshrl.u32 v5, $0x1A;
	v2 =	vadd.s32 v2, v4;
	v4 =	vor.u32 v7, v8  }
0x317: {  	v3 =	vadd.s32 v3, v5;
	v5 =	vor.u32 v6, v9;
	v4 =	vxor.u32 v4, v2  }
0x318: {  	v5 =	vxor.u32 v5, v3;
	v4 =	vadd.s32 $0xB5D62B04, v4  }
0x319: {  	v2 =	vadd.s32 v4, v2;
	v6 =	vshrl.u32 v4, $0xF;
	v4 =	vshll.u32 v4, $0x11  }
0x31a: {  	v5 =	vadd.s32 $0xADD083F7, v5;
	v2 =	vadd.s32 $0xADD083F4, v2;
	v4 =	vor.u32 v6, v4  }
0x31b: {  	v3 =	vadd.s32 v5, v3;
	v4 =	vxor.u32 v4, v2  }
0x31c: {  	v6 =	vshrl.u32 v5, $0xF;
	v7 =	vshrl.u32 v4, $0x3;
	v24 =	vshll.u32 v4, $0x1D  }
0x31d: {  	v5 =	vshll.u32 v5, $0x11;
	v2 =	vadd.s32 v2, v4;
	v4 =	vor.u32 v7, v24  }
0x31e: {  	v3 =	vadd.s32 $0x3D7B32D, v3;
	v5 =	vor.u32 v6, v5;
	v4 =	vxor.u32 v4, v2  }
0x31f: {  	v5 =	vxor.u32 v5, v3;
	v6 =	vshrl.u32 v4, $0x10;
	v7 =	vshll.u32 v4, $0x10  }
0x320: {  	v25 =	vshrl.u32 v5, $0x3;
	v2 =	vadd.s32 v2, v4;
	v4 =	vor.u32 v6, v7  }
0x321: {  	v3 =	vadd.s32 v3, v5;
	v6 =	vshll.u32 v5, $0x1D;
	v4 =	vxor.u32 v4, v2  }
0x322: {  	v5 =	vor.u32 v25, v6;
	v6 =	vshrl.u32 v4, $0x8;
	v7 =	vshll.u32 v4, $0x18  }
0x323: {  	v5 =	vxor.u32 v5, v3;
	v2 =	vadd.s32 v2, v4;
	v4 =	vor.u32 v6, v7  }
0x324: {  	v6 =	vshrl.u32 v5, $0x10;
	v7 =	vshll.u32 v5, $0x10;
	v4 =	vxor.u32 v4, v2  }
0x325: {  	v3 =	vadd.s32 v3, v5;
	v6 =	vor.u32 v6, v7;
	v4 =	vadd.s32 $0x3D7B32F, v4  }
0x326: {  	v2 =	vadd.s32 v4, v2;
	v5 =	vshrl.u32 v4, $0x13;
	v4 =	vshll.u32 v4, $0xD  }
0x327: {  	s21 =	simm.s32 $0x0;
	v2 =	vadd.s32 $0xB5D62B03, v2;
	v4 =	vor.u32 v5, v4;
	v5 =	vxor.u32 v6, v3  }
0x328: {  	s22 =	sadd.s32 $0x0, s7;
	s20 =	sand.u32 $0x70, s21;
	v4 =	vxor.u32 v4, v2;
	v6 =	vshrl.u32 v5, $0x8;
	v27 =	vshll.u32 v5, $0x18  }
0x329: {  	s22 =	sshll.u32 s22, $0x7;
	s24 =	sadd.s32 s20, s12;
	v3 =	vadd.s32 v3, v5;
	v7 =	vshrl.u32 v4, $0x11;
	v26 =	vshll.u32 v4, $0xF  }
0x32a: {  	s24 =	sadd.s32 s22, s24;
	v2 =	vadd.s32 v2, v4;
	v5 =	vor.u32 v6, v27;
	v4 =	vor.u32 v7, v26  }
0x32b: {  	v29 =	vadd.s32 s24, v1;
	v5 =	vxor.u32 v5, v3;
	v4 =	vxor.u32 v4, v2  }
0x32c: {  	v5 =	vadd.s32 $0xB5D62B07, v5;
	v6 =	vshrl.u32 v4, $0x6;
	v7 =	vshll.u32 v4, $0x1A  }
0x32d: {  	v2 =	vadd.s32 v2, v4;
	v3 =	vadd.s32 v5, v3;
	v4 =	vor.u32 v6, v7  }
0x32e: {  	s23 =	simm.s32 $0x10;
	v6 =	vshrl.u32 v5, $0x13;
	v5 =	vshll.u32 v5, $0xD;
	v4 =	vxor.u32 v4, v2  }
0x32f: {  	s25 =	sadd.s32 $0x0, s7;
	s22 =	sand.u32 $0x70, s23;
	v3 =	vadd.s32 $0xADD083F4, v3;
	v7 =	vshrl.u32 v4, $0x1A;
	v28 =	vshll.u32 v4, $0x6  }
0x330: {  	s29 =	sshll.u32 s25, $0x7;
	s30 =	sadd.s32 s22, s12;
	v5 =	vor.u32 v6, v5;
	v4 =	vadd.s32 v2, v4;
	v2 =	vor.u32 v7, v28  }
0x331: {  	v10 =	vadd.s32 s24, v0;
	s24 =	sadd.s32 s29, s30;
	v5 =	vxor.u32 v5, v3;
	v6 =	vxor.u32 v2, v4  }
0x332: {  	v7 =	vadd.s32 s24, v0;
	v11 =	vshrl.u32 v5, $0x11;
	v6 =	vadd.s32 $0xADD083F7, v6  }
0x333: {  	v4 =	vadd.s32 v6, v4;
	v30 =	vshrl.u32 v6, $0xF;
	v6 =	vshll.u32 v6, $0x11  }
0x334: {  	v31 =	vshll.u32 v5, $0xF;
	v4 =	vadd.s32 $0x3D7B32D, v4;
	v6 =	vor.u32 v30, v6  }
0x335: {  	v3 =	vadd.s32 v3, v5;
	v2 =	vadd.s32 s24, v1;
	v5 =	vxor.u32 v6, v4  }
0x336: {  	v6 =	vor.u32 v11, v31;
	v32 =	vshrl.u32 v5, $0x3;
	v33 =	vshll.u32 v5, $0x1D  }
0x337: {  	v6 =	vxor.u32 v6, v3;
	v4 =	vadd.s32 v4, v5;
	v5 =	vor.u32 v32, v33  }
0x338: {  	v34 =	vshrl.u32 v6, $0x6;
	v35 =	vshll.u32 v6, $0x1A;
	v5 =	vxor.u32 v5, v4  }
0x339: {  	v3 =	vadd.s32 v3, v6;
	v8 =	vor.u32 v34, v35;
	v6 =	vshrl.u32 v5, $0x10  }
0x33a: {  	v12 =	vshll.u32 v5, $0x10;
	v4 =	vadd.s32 v4, v5;
	v8 =	vxor.u32 v8, v3  }
0x33b: {  	v5 =	vor.u32 v6, v12;
	v6 =	vshrl.u32 v10, $0x13;
	v10 =	vshll.u32 v10, $0xD  }
0x33c: {  	v44 =	vshrl.u32 v8, $0x1A;
	v5 =	vxor.u32 v5, v4;
	v6 =	vor.u32 v6, v10  }
0x33d: {  	v36 =	vshrl.u32 v5, $0x8;
	v37 =	vshll.u32 v5, $0x18;
	v6 =	vxor.u32 v29, v6  }
0x33e: {  	v4 =	vadd.s32 v4, v5;
	v38 =	vshrl.u32 v6, $0x11;
	v39 =	vshll.u32 v6, $0xF  }
0x33f: {  	v5 =	vor.u32 v36, v37;
	v6 =	vadd.s32 v29, v6;
	v40 =	vor.u32 v38, v39  }
0x340: {  	v46 =	vshll.u32 v8, $0x6;
	v5 =	vxor.u32 v5, v4;
	v9 =	vxor.u32 v40, v6  }
0x341: {  	v5 =	vadd.s32 $0xB5D62B07, v5;
	v41 =	vshrl.u32 v9, $0x6;
	v42 =	vshll.u32 v9, $0x1A  }
0x342: {  	v4 =	vadd.s32 v5, v4;
	v6 =	vadd.s32 v6, v9;
	v10 =	vor.u32 v41, v42  }
0x343: {  	v43 =	vshrl.u32 v5, $0x13;
	v5 =	vshll.u32 v5, $0xD;
	v45 =	vxor.u32 v10, v6  }
0x344: {  	v5 =	vor.u32 v43, v5;
	v10 =	vshrl.u32 v45, $0x1A;
	v9 =	vshll.u32 v45, $0x6  }
0x345: {  	v4 =	vadd.s32 $0xADD083F4, v4;
	v6 =	vadd.s32 v6, v45;
	v9 =	vor.u32 v10, v9  }
0x346: {  	v3 =	vadd.s32 v3, v8;
	v5 =	vxor.u32 v5, v4;
	v47 =	vxor.u32 v9, v6  }
0x347: {  	v48 =	vor.u32 v44, v46;
	v49 =	vshrl.u32 v5, $0x11;
	v8 =	vadd.s32 $0xB5D62B04, v47  }
0x348: {  	v6 =	vadd.s32 v8, v6;
	v50 =	vshrl.u32 v8, $0xF;
	v8 =	vshll.u32 v8, $0x11  }
0x349: {  	v51 =	vshll.u32 v5, $0xF;
	v8 =	vor.u32 v50, v8;
	v6 =	vadd.s32 $0xADD083F4, v6  }
0x34a: {  	v4 =	vadd.s32 v4, v5;
	v5 =	vor.u32 v49, v51;
	v8 =	vxor.u32 v8, v6  }
0x34b: {  	v5 =	vxor.u32 v5, v4;
	v52 =	vshrl.u32 v8, $0x3;
	v53 =	vshll.u32 v8, $0x1D  }
0x34c: {  	v54 =	vshrl.u32 v5, $0x6;
	v6 =	vadd.s32 v6, v8;
	v10 =	vor.u32 v52, v53  }
0x34d: {  	v55 =	vshll.u32 v5, $0x1A;
	v4 =	vadd.s32 v4, v5;
	v5 =	vxor.u32 v10, v6  }
0x34e: {  	v9 =	vxor.u32 v48, v3;
	v8 =	vor.u32 v54, v55;
	v10 =	vshrl.u32 v5, $0x10  }
0x34f: {  	v56 =	vshll.u32 v5, $0x10;
	v5 =	vadd.s32 v6, v5;
	v6 =	vxor.u32 v8, v4  }
0x350: {  	v3 =	vadd.s32 $0xB5D62B03, v3;
	v57 =	vor.u32 v10, v56;
	v58 =	vshrl.u32 v6, $0x1A  }
0x351: {  	v4 =	vadd.s32 v4, v6;
	v6 =	vshll.u32 v6, $0x6;
	v8 =	vxor.u32 v57, v5  }
0x352: {  	v59 =	vshrl.u32 v8, $0x8;
	v5 =	vadd.s32 v5, v8;
	v8 =	vshll.u32 v8, $0x18  }
0x353: {  	v9 =	vadd.s32 $0x3D7B332, v9;
	v6 =	vor.u32 v58, v6;
	v8 =	vor.u32 v59, v8  }
0x354: {  	v9 =	vxor.u32 v3, v9;
	v3 =	vxor.u32 v6, v4;
	v6 =	vxor.u32 v8, v5  }
0x355: {  	v4 =	vadd.s32 $0xB5D62B03, v4;
	v3 =	vadd.s32 $0x3D7B332, v3;
	v6 =	vadd.s32 $0x3D7B32F, v6  }
0x356: {  	v5 =	vadd.s32 v6, v5;
	v60 =	vshrl.u32 v6, $0x13;
	v6 =	vshll.u32 v6, $0xD  }
0x357: {  	v4 =	vxor.u32 v4, v3;
	v3 =	vadd.s32 $0xB5D62B03, v5;
	v5 =	vor.u32 v60, v6  }
0x358: {  	v6 =	vshrl.u32 v7, $0x13;
	v7 =	vshll.u32 v7, $0xD;
	v5 =	vxor.u32 v5, v3  }
0x359: {  	s18 =	sshll.u32 s18, $0x7;
	v6 =	vor.u32 v6, v7;
	v7 =	vshrl.u32 v5, $0x11;
	v61 =	vshll.u32 v5, $0xF  }
0x35a: {  	s17 =	sshll.u32 s17, $0x7;
	s18 =	sand.u32 $0x3FFFFC00, s18;
	v6 =	vxor.u32 v2, v6;
	v62 =	vadd.s32 v3, v5;
	v5 =	vor.u32 v7, v61  }
0x35b: {  	s17 =	sand.u32 $0x3FFFFC00, s17;
	s16 =	sor.u32 s16, s18;
	v3 =	vadd.s32 v2, v6;
	v2 =	vshrl.u32 v6, $0x11;
	v7 =	vxor.u32 v5, v62  }
0x35c: {  	s31 =	sor.u32 s19, s17;
	[tilespmem:s16+$0x300] =	vst v9;
	v5 =	vshll.u32 v6, $0xF;
	v6 =	vshrl.u32 v7, $0x6;
	v63 =	vshll.u32 v7, $0x1A  }
0x35d: {  	s17 =	simm.s32 $0x2;
	s16 =	simm.s32 $0x1;
	[tilespmem:s31+$0x300] =	vst v4;
	v5 =	vor.u32 v2, v5;
	v2 =	vadd.s32 v62, v7;
	v4 =	vor.u32 v6, v63  }
.LBB2_16:
0x35e: {  	p0 =	sne.s32 s17, $0x3F;
	v5 =	vxor.u32 v5, v3;
	v4 =	vxor.u32 v4, v2  }
0x35f: {  	v6 =	vshrl.u32 v5, $0x6;
	v7 =	vshrl.u32 v4, $0x1A;
	v8 =	vshll.u32 v4, $0x6  }
0x360: {  	v9 =	vshll.u32 v5, $0x1A;
	v2 =	vadd.s32 v2, v4;
	v4 =	vor.u32 v7, v8  }
0x361: {  	v3 =	vadd.s32 v3, v5;
	v5 =	vor.u32 v6, v9;
	v4 =	vxor.u32 v4, v2  }
0x362: {  	v5 =	vxor.u32 v5, v3;
	v4 =	vadd.s32 $0xADD083F7, v4  }
0x363: {  	v2 =	vadd.s32 v4, v2;
	v6 =	vshrl.u32 v4, $0xF;
	v4 =	vshll.u32 v4, $0x11  }
0x364: {  	s18 =	sshrl.u32 s17, $0x3;
	s23 =	sadd.s32 $0x10, s23;
	v3 =	vadd.s32 v3, v5;
	v2 =	vadd.s32 $0x3D7B32D, v2;
	v4 =	vor.u32 v6, v4  }
0x365: {  	s19 =	sadd.s32 s7, s18;
	s18 =	sand.u32 $0x70, s23;
	v6 =	vshrl.u32 v5, $0x1A;
	v5 =	vshll.u32 v5, $0x6;
	v4 =	vxor.u32 v4, v2  }
0x366: {  	s19 =	sshll.u32 s19, $0x7;
	s24 =	sadd.s32 s18, s12;
	v5 =	vor.u32 v6, v5;
	v6 =	vshrl.u32 v4, $0x3;
	v7 =	vshll.u32 v4, $0x1D  }
0x367: {  	s19 =	sadd.s32 s19, s24;
	v5 =	vxor.u32 v5, v3;
	v2 =	vadd.s32 v2, v4;
	v4 =	vor.u32 v6, v7  }
0x368: {  	v6 =	vadd.s32 s19, v1;
	v5 =	vadd.s32 $0xB5D62B04, v5;
	v4 =	vxor.u32 v4, v2  }
0x369: {  	v3 =	vadd.s32 v5, v3;
	v7 =	vshrl.u32 v4, $0x10;
	v8 =	vshll.u32 v4, $0x10  }
0x36a: {  	v9 =	vshrl.u32 v5, $0xF;
	v2 =	vadd.s32 v2, v4;
	v4 =	vor.u32 v7, v8  }
0x36b: {  	v5 =	vshll.u32 v5, $0x11;
	v3 =	vadd.s32 $0xADD083F4, v3;
	v4 =	vxor.u32 v4, v2  }
0x36c: {  	v5 =	vor.u32 v9, v5;
	v7 =	vshrl.u32 v4, $0x8;
	v8 =	vshll.u32 v4, $0x18  }
0x36d: {  	v5 =	vxor.u32 v5, v3;
	v2 =	vadd.s32 v2, v4;
	v4 =	vor.u32 v7, v8  }
0x36e: {  	v7 =	vshrl.u32 v5, $0x3;
	v8 =	vshll.u32 v5, $0x1D;
	v4 =	vxor.u32 v4, v2  }
0x36f: {  	v3 =	vadd.s32 v3, v5;
	v5 =	vor.u32 v7, v8;
	v4 =	vadd.s32 $0xB5D62B07, v4  }
0x370: {  	v2 =	vadd.s32 v4, v2;
	v7 =	vshrl.u32 v4, $0x13;
	v4 =	vshll.u32 v4, $0xD  }
0x371: {  	v5 =	vxor.u32 v5, v3;
	v2 =	vadd.s32 $0xADD083F4, v2;
	v4 =	vor.u32 v7, v4  }
0x372: {  	v3 =	vadd.s32 v3, v5;
	v7 =	vshrl.u32 v5, $0x10;
	v4 =	vxor.u32 v4, v2  }
0x373: {  	v5 =	vshll.u32 v5, $0x10;
	v8 =	vshrl.u32 v4, $0x11;
	v9 =	vshll.u32 v4, $0xF  }
0x374: {  	v5 =	vor.u32 v7, v5;
	v2 =	vadd.s32 v2, v4;
	v4 =	vor.u32 v8, v9  }
0x375: {  	v7 =	vadd.s32 s19, v0;
	v5 =	vxor.u32 v5, v3;
	v4 =	vxor.u32 v4, v2  }
0x376: {  	v8 =	vshrl.u32 v5, $0x8;
	v9 =	vshrl.u32 v4, $0x6;
	v10 =	vshll.u32 v4, $0x1A  }
0x377: {  	v11 =	vshll.u32 v5, $0x18;
	v2 =	vadd.s32 v2, v4;
	v4 =	vor.u32 v9, v10  }
0x378: {  	v3 =	vadd.s32 v3, v5;
	v5 =	vor.u32 v8, v11;
	v4 =	vxor.u32 v4, v2  }
0x379: {  	v5 =	vxor.u32 v5, v3;
	v8 =	vshrl.u32 v4, $0x1A;
	v9 =	vshll.u32 v4, $0x6  }
0x37a: {  	s19 =	sshll.u32 s21, $0x7;
	s21 =	smov.u32 s16;
	s16 =	smov.u32 s17;
	v5 =	vadd.s32 $0x3D7B32F, v5;
	v2 =	vadd.s32 v2, v4;
	v4 =	vor.u32 v8, v9  }
0x37b: {  	s19 =	sand.u32 $0x3FFFFC00, s19;
	v3 =	vadd.s32 v5, v3;
	v8 =	vshrl.u32 v5, $0x13;
	v4 =	vxor.u32 v4, v2  }
0x37c: {  	v5 =	vshll.u32 v5, $0xD;
	v2 =	vadd.s32 $0xB5D62B03, v2;
	v4 =	vadd.s32 $0x3D7B332, v4  }
0x37d: {  	s19 =	sor.u32 s20, s19;
	s20 =	smov.u32 s22;
	s22 =	smov.u32 s18;
	v3 =	vadd.s32 $0xB5D62B03, v3;
	v5 =	vor.u32 v8, v5;
	v2 =	vxor.u32 v2, v4  }
0x37e: {  	v5 =	vxor.u32 v5, v3;
	v4 =	vshrl.u32 v7, $0x13;
	v7 =	vshll.u32 v7, $0xD;
	[tilespmem:s19+$0x380] =	vst v2  }
.Ltmp7:
0x37f: {  	v2 =	vor.u32 v4, v7;
	v4 =	vshrl.u32 v5, $0x11;
	v7 =	vshll.u32 v5, $0xF;
	(pc) =	sbr.rel @p0 .LBB2_16-.Ltmp7, $4  }
0x380: {  	v8 =	vadd.s32 v3, v5;
	v2 =	vxor.u32 v6, v2;
	v4 =	vor.u32 v4, v7  }
0x381: {  	v3 =	vadd.s32 v6, v2;
	v5 =	vshrl.u32 v2, $0x11;
	v4 =	vxor.u32 v4, v8  }
0x382: {  	v2 =	vshll.u32 v2, $0xF;
	v6 =	vshrl.u32 v4, $0x6;
	v7 =	vshll.u32 v4, $0x1A  }
0x383: {  	s17 =	sadd.s32 $0x1, s17;
	v5 =	vor.u32 v5, v2;
	v2 =	vadd.s32 v8, v4;
	v4 =	vor.u32 v6, v7  }
0x384: {  	v5 =	vxor.u32 v5, v3  }
0x385: {  	v6 =	vshrl.u32 v5, $0x6;
	v7 =	vshll.u32 v5, $0x1A  }
0x386: {  	v3 =	vadd.s32 v3, v5;
	v54 =	vor.u32 v6, v7  }
0x387: {  	v5 =	vxor.u32 v54, v3  }
0x388: {  	v55 =	vshrl.u32 v5, $0x1A;
	v56 =	vshll.u32 v5, $0x6  }
0x389: {  	v3 =	vadd.s32 v3, v5;
	v57 =	vor.u32 v55, v56  }
0x38a: {  	v5 =	vxor.u32 v57, v3  }
0x38b: {  	v5 =	vadd.s32 $0xB5D62B04, v5  }
0x38c: {  	v3 =	vadd.s32 v5, v3;
	v58 =	vshrl.u32 v5, $0xF;
	v5 =	vshll.u32 v5, $0x11  }
0x38d: {  	v3 =	vadd.s32 $0xADD083F4, v3;
	v5 =	vor.u32 v58, v5  }
0x38e: {  	v5 =	vxor.u32 v5, v3  }
0x38f: {  	v59 =	vshrl.u32 v5, $0x3;
	v60 =	vshll.u32 v5, $0x1D  }
0x390: {  	v3 =	vadd.s32 v3, v5;
	v61 =	vor.u32 v59, v60  }
0x391: {  	v5 =	vxor.u32 v61, v3  }
0x392: {  	v4 =	vxor.u32 v4, v2;
	v62 =	vshrl.u32 v5, $0x10;
	v63 =	vshll.u32 v5, $0x10  }
0x393: {  	v8 =	vshrl.u32 v4, $0x1A;
	v3 =	vadd.s32 v3, v5;
	v10 =	vor.u32 v62, v63  }
0x394: {  	v11 =	vshll.u32 v4, $0x6;
	v2 =	vadd.s32 v2, v4;
	v12 =	vxor.u32 v10, v3  }
0x395: {  	v13 =	vor.u32 v8, v11;
	v14 =	vshrl.u32 v12, $0x8;
	v15 =	vshll.u32 v12, $0x18  }
0x396: {  	v5 =	vxor.u32 v13, v2;
	v3 =	vadd.s32 v3, v12;
	v16 =	vor.u32 v14, v15  }
0x397: {  	v5 =	vadd.s32 $0xADD083F7, v5;
	v4 =	vxor.u32 v16, v3  }
0x398: {  	v2 =	vadd.s32 v5, v2;
	v4 =	vadd.s32 $0x3D7B32F, v4  }
0x399: {  	v3 =	vadd.s32 v4, v3;
	v17 =	vshrl.u32 v4, $0x13;
	v4 =	vshll.u32 v4, $0xD  }
0x39a: {  	v18 =	vshrl.u32 v5, $0xF;
	v3 =	vadd.s32 $0xB5D62B03, v3;
	v4 =	vor.u32 v17, v4  }
0x39b: {  	v5 =	vshll.u32 v5, $0x11;
	v2 =	vadd.s32 $0x3D7B32D, v2;
	v4 =	vxor.u32 v4, v3  }
0x39c: {  	v5 =	vor.u32 v18, v5;
	v19 =	vshrl.u32 v4, $0x11;
	v20 =	vshll.u32 v4, $0xF  }
0x39d: {  	v5 =	vxor.u32 v5, v2;
	v3 =	vadd.s32 v3, v4;
	v21 =	vor.u32 v19, v20  }
0x39e: {  	v22 =	vshrl.u32 v5, $0x3;
	v23 =	vshll.u32 v5, $0x1D;
	v4 =	vxor.u32 v21, v3  }
0x39f: {  	v2 =	vadd.s32 v2, v5;
	v24 =	vshrl.u32 v4, $0x6;
	v25 =	vshll.u32 v4, $0x1A  }
0x3a0: {  	v6 =	vor.u32 v22, v23;
	v3 =	vadd.s32 v3, v4;
	v26 =	vor.u32 v24, v25  }
0x3a1: {  	v27 =	vxor.u32 v6, v2;
	v4 =	vxor.u32 v26, v3  }
0x3a2: {  	v6 =	vshrl.u32 v27, $0x10;
	v28 =	vshrl.u32 v4, $0x1A;
	v29 =	vshll.u32 v4, $0x6  }
0x3a3: {  	v9 =	vshll.u32 v27, $0x10;
	v3 =	vadd.s32 v3, v4;
	v30 =	vor.u32 v28, v29  }
0x3a4: {  	v2 =	vadd.s32 v2, v27;
	v31 =	vor.u32 v6, v9;
	v4 =	vxor.u32 v30, v3  }
0x3a5: {  	v5 =	vxor.u32 v31, v2;
	v4 =	vadd.s32 $0xADD083F7, v4  }
0x3a6: {  	v3 =	vadd.s32 v4, v3;
	v32 =	vshrl.u32 v4, $0xF;
	v4 =	vshll.u32 v4, $0x11  }
0x3a7: {  	v33 =	vshrl.u32 v5, $0x8;
	v3 =	vadd.s32 $0x3D7B32D, v3;
	v4 =	vor.u32 v32, v4  }
0x3a8: {  	v34 =	vshll.u32 v5, $0x18;
	v2 =	vadd.s32 v2, v5;
	v4 =	vxor.u32 v4, v3  }
0x3a9: {  	v35 =	vor.u32 v33, v34;
	v36 =	vshrl.u32 v4, $0x3;
	v37 =	vshll.u32 v4, $0x1D  }
0x3aa: {  	v5 =	vxor.u32 v35, v2;
	v3 =	vadd.s32 v3, v4;
	v38 =	vor.u32 v36, v37  }
0x3ab: {  	v5 =	vadd.s32 $0xB5D62B07, v5;
	v4 =	vxor.u32 v38, v3  }
0x3ac: {  	v2 =	vadd.s32 v5, v2;
	v39 =	vshrl.u32 v4, $0x10;
	v40 =	vshll.u32 v4, $0x10  }
0x3ad: {  	v41 =	vshrl.u32 v5, $0x13;
	v3 =	vadd.s32 v3, v4;
	v42 =	vor.u32 v39, v40  }
0x3ae: {  	v5 =	vshll.u32 v5, $0xD;
	v2 =	vadd.s32 $0xADD083F4, v2;
	v4 =	vxor.u32 v42, v3  }
0x3af: {  	v5 =	vor.u32 v41, v5;
	v43 =	vshrl.u32 v4, $0x8;
	v44 =	vshll.u32 v4, $0x18  }
0x3b0: {  	v5 =	vxor.u32 v5, v2;
	v3 =	vadd.s32 v3, v4;
	v45 =	vor.u32 v43, v44  }
0x3b1: {  	v46 =	vshrl.u32 v5, $0x11;
	v4 =	vxor.u32 v45, v3  }
0x3b2: {  	v47 =	vshll.u32 v5, $0xF;
	v2 =	vadd.s32 v2, v5;
	v4 =	vadd.s32 $0xB5D62B07, v4  }
0x3b3: {  	v3 =	vadd.s32 v4, v3;
	v48 =	vshrl.u32 v4, $0x13;
	v4 =	vshll.u32 v4, $0xD  }
0x3b4: {  	v6 =	vor.u32 v46, v47;
	v3 =	vadd.s32 $0xADD083F4, v3;
	v4 =	vor.u32 v48, v4  }
0x3b5: {  	v49 =	vxor.u32 v6, v2;
	v4 =	vxor.u32 v4, v3  }
0x3b6: {  	v6 =	vshrl.u32 v49, $0x6;
	v50 =	vshrl.u32 v4, $0x11;
	v51 =	vshll.u32 v4, $0xF  }
0x3b7: {  	v52 =	vshll.u32 v49, $0x1A;
	v3 =	vadd.s32 v3, v4;
	v53 =	vor.u32 v50, v51  }
0x3b8: {  	v2 =	vadd.s32 v2, v49;
	v54 =	vor.u32 v6, v52;
	v4 =	vxor.u32 v53, v3  }
0x3b9: {  	v5 =	vxor.u32 v54, v2;
	v55 =	vshrl.u32 v4, $0x6;
	v56 =	vshll.u32 v4, $0x1A  }
0x3ba: {  	v57 =	vshrl.u32 v5, $0x1A;
	v3 =	vadd.s32 v3, v4;
	v58 =	vor.u32 v55, v56  }
0x3bb: {  	v59 =	vshll.u32 v5, $0x6;
	v2 =	vadd.s32 v2, v5;
	v4 =	vxor.u32 v58, v3  }
0x3bc: {  	v60 =	vor.u32 v57, v59;
	v61 =	vshrl.u32 v4, $0x1A;
	v62 =	vshll.u32 v4, $0x6  }
0x3bd: {  	s17 =	sshll.u32 s21, $0x7;
	v5 =	vxor.u32 v60, v2;
	v3 =	vadd.s32 v3, v4;
	v63 =	vor.u32 v61, v62  }
0x3be: {  	s16 =	sshll.u32 s16, $0x7;
	s17 =	sand.u32 $0x3FFFFC00, s17;
	v2 =	vadd.s32 $0xB5D62B03, v2;
	v5 =	vadd.s32 $0x3D7B332, v5;
	v4 =	vxor.u32 v63, v3  }
0x3bf: {  	s15 =	sadd.s32 $0x1, s15;
	s16 =	sand.u32 $0x3FFFFC00, s16;
	s17 =	sor.u32 s20, s17;
	v2 =	vxor.u32 v2, v5;
	v3 =	vadd.s32 $0xB5D62B03, v3;
	v4 =	vadd.s32 $0x3D7B332, v4  }
0x3c0: {  	p0 =	sne.s32 s15, s14;
	s16 =	sor.u32 s22, s16;
	[tilespmem:s17+$0x380] =	vst v2;
	v2 =	vxor.u32 v3, v4  }
.Ltmp8:
0x3c1: {  	[tilespmem:s16+$0x380] =	vst v2;
	(pc) =	sbr.rel @p0 .LBB2_1-.Ltmp8, $4  }
0x3c2: {  	[hbm4b:s13+s2] =	stream.linear.scatter [tilespmem:s2], [sflag:$0x1], $0x2000, $0x38;
	[tilespmem:$0x2000] =	vst v63  }
0x3c3: {  	_ =	swait.ge [sflag:s4], $0x2000  }
0x3c4: {  	[sflag:s4] =	ssyncset.done $0x0  }
0x3c5: {  	[sflag:s4] =	ssyncadd.s32 $0xFFFFE000  }
0x3c6: {  	_ =	sfence.sel $0x180000  }
0x3c7: {  	[bflag:$0x0] =	sbarrier.arrive $0xFFFF  }
0x3c8: {  	p0 =	sne.s32 s0, $0x0;
	_ =	strace $0x90000047  }
0x3c9: {  	s0 =	sadd.s32 @!p0 $0x100000, s1;
	[bflag:$0x2] =	sbarrier.arrive $0xFFFF  }
0x3ca: {  	[sflag:s0] =	ssyncadd.tile.s32 @!p0 $0x1;
	_ =	shalt  }
.Lfunc_end2:
_tile_overlayer_lowered:
.L_overlay_start_2:
0x3cb: {  	(tag) =	ssettag $0x2  }
0x3cc: {  	s0 =	rddreg [dreg:$0x0];
	s2 =	stileid.u32  }
0x3cd: {  	s1 =	rddreg [dreg:$0x1];
	p0 =	sne.s32 s2, $0x0  }
0x3ce: {  	s3 =	rddreg [dreg:$0x2];
	[bflag:$0x3] =	sbarrier.arrive $0xFFFF;
	s2 =	simm.s32 @!p0 $0x1C01  }
0x3cf: {  	[timem:s3], [sflag:s2] =	dma.local @!p0 [hbm:s0], s1  }
0x3d0: {  	s0 =	simm.s32 @!p0 $0x1  }
0x3d1: {  	_ =	swait.ge @!p0 [sflag:s0], s1  }
0x3d2: {  	s1 =	ssub.s32 @!p0 $0x0, s1;
	[sflag:s0] =	ssyncset.done @!p0 $0x0  }
0x3d3: {  	[sflag:s0] =	ssyncadd.s32 @!p0 s1  }
0x3d4: {  	[bflag:$0x3] =	sbarrier.arrive $0xFFFF  }
0x3d5: {  	_ =	shalt  }

</sc_bundles>
